<compile_context>
chip_gen: v7x
topology: tpu7x:2x2x1
jax: 0.10.2.dev20260603
libtpu: 0.0.44.dev20260713+nightly
codegen_flags: <defaults>
</compile_context>

<pallas_src>
import functools

import jax
import jax.numpy as jnp
from jax import lax
from jax.experimental import pallas as pl
from jax.experimental.pallas import tpu as pltpu
from jax.experimental.pallas import tpu_sc as plsc

N = 8192
K = 32
NB = 2
LANES = 16
SEG = 256
NSEG = N // SEG
NCHUNK = N // LANES
NCV = NCHUNK // LANES
NWORK = 32
QPW = NB * N // NWORK
QB = 4


def _round_bf16(v):
    bits = plsc.bitcast(v, jnp.int32)
    lsb = lax.shift_right_logical(bits, 16) & 1
    rounded = (bits + (32767 + lsb)) & jnp.int32(-65536)
    return plsc.bitcast(rounded, jnp.float32)


def _merge_chunk(dc, iv, carry):
    b0k, b0v, b1k, b1v, _ = carry
    kc, vc = plsc.sort_key_val(dc, iv)
    rk = lax.rev(kc, (0,))
    rv = lax.rev(vc, (0,))
    sel = b1k <= rk
    l1k = jnp.minimum(b1k, rk)
    l1v = jnp.where(sel, b1v, rv)
    l1ks, l1vs = plsc.sort_key_val(l1k, l1v)
    rk2 = lax.rev(l1ks, (0,))
    rv2 = lax.rev(l1vs, (0,))
    sel2 = b0k <= rk2
    nb0k = jnp.minimum(b0k, rk2)
    nb0v = jnp.where(sel2, b0v, rv2)
    nb1k = jnp.maximum(b0k, rk2)
    nb1v = jnp.where(sel2, rv2, b0v)
    b0k, b0v = plsc.sort_key_val(nb0k, nb0v)
    b1k, b1v = plsc.sort_key_val(nb1k, nb1v)
    t = jnp.max(b1k)
    return (b0k, b0v, b1k, b1v, t)


def _knn_sc_body(pos_hbm, out_hbm, xv, yv, zv, ksqv, distb, cminb,
                 cmk, cmi, qcb, ck, ci, outv):
    c = lax.axis_index("c")
    s = lax.axis_index("s")
    wid = s * 2 + c
    b = wid % 2
    qstart = (wid // 2) * QPW

    pbase = b * (3 * N)
    pltpu.sync_copy(pos_hbm.at[pl.ds(pbase, N)], xv)
    pltpu.sync_copy(pos_hbm.at[pl.ds(pbase + N, N)], yv)
    pltpu.sync_copy(pos_hbm.at[pl.ds(pbase + 2 * N, N)], zv)

    def stage(cc, _):
        off = cc * LANES
        xx = xv[pl.ds(off, LANES)]
        yy = yv[pl.ds(off, LANES)]
        zz = zv[pl.ds(off, LANES)]
        ksqv[pl.ds(off, LANES)] = (xx * xx + yy * yy) + zz * zz
        xv[pl.ds(off, LANES)] = _round_bf16(xx)
        yv[pl.ds(off, LANES)] = _round_bf16(yy)
        zv[pl.ds(off, LANES)] = _round_bf16(zz)
        return 0

    lax.fori_loop(0, NCHUNK, stage, 0)

    iota = lax.iota(jnp.int32, LANES)
    true_v = iota == iota
    inf_v = jnp.full((LANES,), jnp.inf, jnp.float32)
    sent_v = jnp.full((LANES,), N, jnp.int32)
    gdims = lax.GatherDimensionNumbers(
        offset_dims=(), collapsed_slice_dims=(0,), start_index_map=(0,))

    def popcnt(m):
        return plsc.all_reduce_population_count(m)[0]

    def per_qgroup(qg, _):
        qs = []
        for qq in range(QB):
            qi = qg * QB + qq
            lane = lax.bitwise_and(qi, 15)
            qalign = qstart + qi - lane
            lanev = jnp.broadcast_to(lane, (LANES,))

            def splat(ref, qalign=qalign, lanev=lanev):
                vec = ref[pl.ds(qalign, LANES)]
                return lax.gather(vec, lanev[:, None], gdims, (1,),
                                  mode=lax.GatherScatterMode.PROMISE_IN_BOUNDS)

            neg2 = jnp.float32(-2.0)
            qs.append((splat(xv) * neg2, splat(yv) * neg2,
                       splat(zv) * neg2, splat(ksqv)))

        def seg_step(g, _):
            base = g * SEG
            sx = xv.at[pl.ds(base, SEG)]
            sy = yv.at[pl.ds(base, SEG)]
            sz = zv.at[pl.ds(base, SEG)]
            sk = ksqv.at[pl.ds(base, SEG)]
            sd = [distb.at[pl.ds(qq * N + base, SEG)] for qq in range(QB)]
            ms = [None] * QB
            for j in range(LANES):
                off = j * LANES
                xx = sx[pl.ds(off, LANES)]
                yy = sy[pl.ds(off, LANES)]
                zz = sz[pl.ds(off, LANES)]
                ksq = sk[pl.ds(off, LANES)]
                for qq in range(QB):
                    qx, qy, qz, qsq = qs[qq]
                    dotn2 = (qx * xx + qy * yy) + qz * zz
                    dd = (qsq + dotn2) + ksq
                    sd[qq][pl.ds(off, LANES)] = dd
                    ms[qq] = dd if j == 0 else jnp.minimum(ms[qq], dd)
            for qq in range(QB):
                cminb[pl.ds(qq * NCHUNK + g * LANES, LANES)] = ms[qq]
            return 0

        lax.fori_loop(0, NSEG, seg_step, 0)

        for qq in range(QB):
            qi = qg * QB + qq
            cbase = qq * NCHUNK

            def mm_step(v, carry, cbase=cbase):
                m1, m2 = carry
                cv = cminb[pl.ds(cbase + v * LANES, LANES)]
                nm1 = jnp.minimum(m1, cv)
                nm2 = jnp.minimum(m2, jnp.maximum(m1, cv))
                return (nm1, nm2)

            _, m2 = lax.fori_loop(0, NCV, mm_step, (inf_v, inf_v))
            t_cand = jnp.max(m2)

            def col_step(v, ptr, cbase=cbase, t_cand=t_cand):
                cv = cminb[pl.ds(cbase + v * LANES, LANES)]
                msk = cv <= t_cand
                plsc.store_compressed(cmk.at[pl.ds(ptr, LANES)], cv, mask=msk)
                plsc.store_compressed(cmi.at[pl.ds(ptr, LANES)],
                                      v * LANES + iota, mask=msk)
                return ptr + popcnt(msk)

            ptr2 = lax.fori_loop(0, NCV, col_step, jnp.int32(0))
            plsc.store_compressed(cmk.at[pl.ds(ptr2, LANES)], inf_v, mask=true_v)

            def cand_merge(v, carry, kb=cmk, vb=cmi):
                kc = kb[pl.ds(v * LANES, LANES)]
                vc = vb[pl.ds(v * LANES, LANES)]
                return lax.cond(jnp.min(kc) < carry[4],
                                lambda cr: _merge_chunk(kc, vc, cr),
                                lambda cr: cr, carry)

            init = (inf_v, sent_v, inf_v, sent_v, jnp.float32(jnp.inf))
            nv2 = lax.shift_right_logical(ptr2 + 15, 4)
            t_ub = lax.fori_loop(0, nv2, cand_merge, init)[4]

            def qual_step(v, ptr, t_ub=t_ub):
                kc = cmk[pl.ds(v * LANES, LANES)]
                vc = cmi[pl.ds(v * LANES, LANES)]
                msk = kc <= t_ub
                plsc.store_compressed(qcb.at[pl.ds(ptr, LANES)], vc, mask=msk)
                return ptr + popcnt(msk)

            nq = lax.fori_loop(0, nv2, qual_step, jnp.int32(0))

            def chunk_step(i, ptr, qq=qq, t_ub=t_ub):
                vbase = lax.shift_left(lax.shift_right_logical(i, 4), 4)
                qv = qcb[pl.ds(vbase, LANES)]
                lv = jnp.broadcast_to(lax.bitwise_and(i, 15), (LANES,))
                cid = lax.gather(qv, lv[:, None], gdims, (1,),
                                 mode=lax.GatherScatterMode.PROMISE_IN_BOUNDS)
                idxv = (lax.shift_left(lax.shift_right_logical(cid, 4), 8)
                        + lax.bitwise_and(cid, 15)) + LANES * iota
                dc = plsc.load_gather(distb, [qq * N + idxv])
                msk = dc <= t_ub
                plsc.store_compressed(ck.at[pl.ds(ptr, LANES)], dc, mask=msk)
                plsc.store_compressed(ci.at[pl.ds(ptr, LANES)], idxv, mask=msk)
                return ptr + popcnt(msk)

            ptr3 = lax.fori_loop(0, nq, chunk_step, jnp.int32(0))
            plsc.store_compressed(ck.at[pl.ds(ptr3, LANES)], inf_v, mask=true_v)

            def cand_merge3(v, carry, kb=ck, vb=ci):
                kc = kb[pl.ds(v * LANES, LANES)]
                vc = vb[pl.ds(v * LANES, LANES)]
                return lax.cond(jnp.min(kc) < carry[4],
                                lambda cr: _merge_chunk(kc, vc, cr),
                                lambda cr: cr, carry)

            nv3 = lax.shift_right_logical(ptr3 + 15, 4)
            b0k, b0v, b1k, b1v, t = lax.fori_loop(0, nv3, cand_merge3, init)

            outv[pl.ds(qi * K, LANES)] = b0v
            outv[pl.ds(qi * K + LANES, LANES)] = b1v
        return 0

    lax.fori_loop(0, QPW // QB, per_qgroup, 0)
    pltpu.sync_copy(outv, out_hbm.at[pl.ds((b * N + qstart) * K, QPW * K)])


@jax.jit
def kernel(pos):
    knn = pl.kernel(
        _knn_sc_body,
        out_type=jax.ShapeDtypeStruct((NB * N * K,), jnp.int32),
        mesh=plsc.VectorSubcoreMesh(core_axis_name="c", subcore_axis_name="s"),
        compiler_params=pltpu.CompilerParams(needs_layout_passes=False),
        scratch_types=[
            pltpu.VMEM((N,), jnp.float32),
            pltpu.VMEM((N,), jnp.float32),
            pltpu.VMEM((N,), jnp.float32),
            pltpu.VMEM((N,), jnp.float32),
            pltpu.VMEM((QB * N,), jnp.float32),
            pltpu.VMEM((QB * NCHUNK,), jnp.float32),
            pltpu.VMEM((NCHUNK + LANES,), jnp.float32),
            pltpu.VMEM((NCHUNK + LANES,), jnp.int32),
            pltpu.VMEM((NCHUNK + LANES,), jnp.int32),
            pltpu.VMEM((N + LANES,), jnp.float32),
            pltpu.VMEM((N + LANES,), jnp.int32),
            pltpu.VMEM((QPW * K,), jnp.int32),
        ],
    )
    ids = knn(pos.reshape(-1))
    return (pos, ids.reshape(NB, N, K).astype(jnp.int64))

# --- scband reference (transcript-rebuilt; emitter-appended) ---
"""Pipeline reference for scband-conv-base-21345987461193 (READ-ONLY COPY).

The authoritative reference and input builder live on the scoring server;
editing this copy changes nothing except your own understanding.
"""

import jax, jax.numpy as jnp
import numpy as np

NEIGHBORHOOD_SIZE = 32


def knn(points, support_points, k):
    # points: (B, D, N) keys, support_points: (B, D, S) queries
    # returns int indices (B, S, k): the k nearest points for each support point
    p = jnp.transpose(points, (0, 2, 1))            # (B, N, D)
    s = jnp.transpose(support_points, (0, 2, 1))    # (B, S, D)
    # squared euclidean distance matrix (B, S, N)
    d = (jnp.sum(s * s, axis=-1, keepdims=True)
         - 2.0 * jnp.einsum('bsd,bnd->bsn', s, p)
         + jnp.sum(p * p, axis=-1)[:, None, :])
    _, idx = jax.lax.top_k(-d, k)                   # nearest = smallest distance
    return idx.astype(jnp.int64)


def setup_inputs(seed: int = 0) -> dict:
    key = jax.random.key(seed)
    pos = jax.random.normal(key, (2, 3, 8192), dtype=jnp.float32)
    return {"pos": pos}


def reference(pos):
    # ConvBase.forward_without_features with ratio == 1 and no precomputed
    # support points: support points are the input points themselves, and
    # indices are the k-NN of pos within pos.
    ids = knn(pos, pos, NEIGHBORHOOD_SIZE)
    # original returns (None, [pos], [ids]); we return the tensors
    return (pos, ids)

if __name__ == "__main__":
    import jax
    _d = setup_inputs()
    print(jax.jit(kernel)(*tuple(_d.values())))

</pallas_src>

<mosaic_0001>
#map = affine_map<(d0, d1) -> (0)>
module attributes {stable_mosaic.version = 14 : i64} {
  func.func @_knn_sc_body(%arg0: i32, %arg1: i32, %arg2: memref<49152xf32, #tpu.memory_space<hbm>>, %arg3: memref<524288xi32, #tpu.memory_space<hbm>>, %arg4: memref<8192xf32, #tpu.memory_space<vmem>>, %arg5: memref<8192xf32, #tpu.memory_space<vmem>>, %arg6: memref<8192xf32, #tpu.memory_space<vmem>>, %arg7: memref<8192xf32, #tpu.memory_space<vmem>>, %arg8: memref<32768xf32, #tpu.memory_space<vmem>>, %arg9: memref<2048xf32, #tpu.memory_space<vmem>>, %arg10: memref<528xf32, #tpu.memory_space<vmem>>, %arg11: memref<528xi32, #tpu.memory_space<vmem>>, %arg12: memref<528xi32, #tpu.memory_space<vmem>>, %arg13: memref<8208xf32, #tpu.memory_space<vmem>>, %arg14: memref<8208xi32, #tpu.memory_space<vmem>>, %arg15: memref<16384xi32, #tpu.memory_space<vmem>>) attributes {dimension_semantics = [#tpu.dimension_semantics<core_parallel>, #tpu.dimension_semantics<subcore_parallel>], iteration_bounds = array<i64: 2, 16>, scalar_prefetch = 0 : i64, scratch_operands = 12 : i64, tpu.core_type = #tpu.core_type<sc_vector_subcore>, window_params = [{transform_indices = #map}, {transform_indices = #map}]} {
    %mul3A = arith.constant 2 : i32
    %mul3A_0 = arith.muli %arg1, %mul3A : i32
    %add3A = arith.addi %mul3A_0, %arg0 : i32
    %jit3A = arith.constant 2 : i32
    %eq3A = arith.constant 0 : i32
    %eq3A_1 = arith.cmpi eq, %jit3A, %eq3A : i32
    %jit3A_2 = arith.constant 1 : i32
    %select_n3A = arith.select %eq3A_1, %jit3A_2, %jit3A : i32
    %rem3A = arith.remsi %add3A, %select_n3A : i32
    %ne3A = arith.constant 0 : i32
    %ne3A_3 = arith.cmpi ne, %rem3A, %ne3A : i32
    %lt3A = arith.constant 0 : i32
    %lt3A_4 = arith.cmpi slt, %rem3A, %lt3A : i32
    %lt3A_5 = arith.constant 0 : i32
    %lt3A_6 = arith.cmpi slt, %select_n3A, %lt3A_5 : i32
    %ne3A_7 = arith.xori %lt3A_4, %lt3A_6 : i1
    %and3A = arith.andi %ne3A_7, %ne3A_3 : i1
    %add3A_8 = arith.addi %rem3A, %select_n3A : i32
    %select_n3A_9 = arith.select %and3A, %add3A_8, %rem3A : i32
    %jit3A_10 = arith.constant 2 : i32
    %div3A = arith.divsi %add3A, %jit3A_10 : i32
    %sign3A = arith.constant 0 : i32
    %sign3A_11 = arith.cmpi sgt, %add3A, %sign3A : i32
    %sign3A_12 = arith.extui %sign3A_11 : i1 to i32
    %sign3A_13 = arith.constant 0 : i32
    %sign3A_14 = arith.cmpi slt, %add3A, %sign3A_13 : i32
    %sign3A_15 = arith.extui %sign3A_14 : i1 to i32
    %sign3A_16 = arith.subi %sign3A_12, %sign3A_15 : i32
    %sign3A_17 = arith.constant 0 : i32
    %sign3A_18 = arith.cmpi sgt, %jit3A_10, %sign3A_17 : i32
    %sign3A_19 = arith.extui %sign3A_18 : i1 to i32
    %sign3A_20 = arith.constant 0 : i32
    %sign3A_21 = arith.cmpi slt, %jit3A_10, %sign3A_20 : i32
    %sign3A_22 = arith.extui %sign3A_21 : i1 to i32
    %sign3A_23 = arith.subi %sign3A_19, %sign3A_22 : i32
    %ne3A_24 = arith.cmpi ne, %sign3A_16, %sign3A_23 : i32
    %rem3A_25 = arith.remsi %add3A, %jit3A_10 : i32
    %ne3A_26 = arith.constant 0 : i32
    %ne3A_27 = arith.cmpi ne, %rem3A_25, %ne3A_26 : i32
    %and3A_28 = arith.andi %ne3A_24, %ne3A_27 : i1
    %sub3A = arith.constant 1 : i32
    %sub3A_29 = arith.subi %div3A, %sub3A : i32
    %select_n3A_30 = arith.select %and3A_28, %sub3A_29, %div3A : i32
    %mul3A_31 = arith.constant 512 : i32
    %mul3A_32 = arith.muli %select_n3A_30, %mul3A_31 : i32
    %mul3A_33 = arith.constant 24576 : i32
    %mul3A_34 = arith.muli %select_n3A_9, %mul3A_33 : i32
    "tpu.region"() ({
      %run_scoped3A = tpu.sem_alloc : memref<!tpu.dma_semaphore, #tpu.memory_space<semaphore_mem>>
      %dma_start3A = tpu.memref_slice %arg2[%mul3A_34] : memref<49152xf32, #tpu.memory_space<hbm>> -> memref<8192xf32, #tpu.memory_space<hbm>>
      %dma_start3A_61 = tpu.memref_slice %arg2[%mul3A_34] : memref<49152xf32, #tpu.memory_space<hbm>> -> memref<8192xf32, #tpu.memory_space<hbm>>
      tpu.enqueue_dma source(%dma_start3A_61 : memref<8192xf32, #tpu.memory_space<hbm>>) target(%arg4 : memref<8192xf32, #tpu.memory_space<vmem>>) target_semaphore(%run_scoped3A : memref<!tpu.dma_semaphore, #tpu.memory_space<semaphore_mem>>)
      %dma_wait3A = tpu.memref_slice %arg2[%mul3A_34] : memref<49152xf32, #tpu.memory_space<hbm>> -> memref<8192xf32, #tpu.memory_space<hbm>>
      %dma_wait3A_62 = tpu.memref_slice %arg2[%mul3A_34] : memref<49152xf32, #tpu.memory_space<hbm>> -> memref<8192xf32, #tpu.memory_space<hbm>>
      tpu.wait_dma2 semaphore(%run_scoped3A : memref<!tpu.dma_semaphore, #tpu.memory_space<semaphore_mem>>) src(%dma_wait3A_62 : memref<8192xf32, #tpu.memory_space<hbm>>) dst(%arg4 : memref<8192xf32, #tpu.memory_space<vmem>>)
      tpu.yield
    }) : () -> ()
    %add3A_35 = arith.constant 8192 : i32
    %add3A_36 = arith.addi %mul3A_34, %add3A_35 : i32
    "tpu.region"() ({
      %run_scoped3A = tpu.sem_alloc : memref<!tpu.dma_semaphore, #tpu.memory_space<semaphore_mem>>
      %dma_start3A = tpu.memref_slice %arg2[%add3A_36] : memref<49152xf32, #tpu.memory_space<hbm>> -> memref<8192xf32, #tpu.memory_space<hbm>>
      %dma_start3A_61 = tpu.memref_slice %arg2[%add3A_36] : memref<49152xf32, #tpu.memory_space<hbm>> -> memref<8192xf32, #tpu.memory_space<hbm>>
      tpu.enqueue_dma source(%dma_start3A_61 : memref<8192xf32, #tpu.memory_space<hbm>>) target(%arg5 : memref<8192xf32, #tpu.memory_space<vmem>>) target_semaphore(%run_scoped3A : memref<!tpu.dma_semaphore, #tpu.memory_space<semaphore_mem>>)
      %dma_wait3A = tpu.memref_slice %arg2[%add3A_36] : memref<49152xf32, #tpu.memory_space<hbm>> -> memref<8192xf32, #tpu.memory_space<hbm>>
      %dma_wait3A_62 = tpu.memref_slice %arg2[%add3A_36] : memref<49152xf32, #tpu.memory_space<hbm>> -> memref<8192xf32, #tpu.memory_space<hbm>>
      tpu.wait_dma2 semaphore(%run_scoped3A : memref<!tpu.dma_semaphore, #tpu.memory_space<semaphore_mem>>) src(%dma_wait3A_62 : memref<8192xf32, #tpu.memory_space<hbm>>) dst(%arg5 : memref<8192xf32, #tpu.memory_space<vmem>>)
      tpu.yield
    }) : () -> ()
    %add3A_37 = arith.constant 16384 : i32
    %add3A_38 = arith.addi %mul3A_34, %add3A_37 : i32
    "tpu.region"() ({
      %run_scoped3A = tpu.sem_alloc : memref<!tpu.dma_semaphore, #tpu.memory_space<semaphore_mem>>
      %dma_start3A = tpu.memref_slice %arg2[%add3A_38] : memref<49152xf32, #tpu.memory_space<hbm>> -> memref<8192xf32, #tpu.memory_space<hbm>>
      %dma_start3A_61 = tpu.memref_slice %arg2[%add3A_38] : memref<49152xf32, #tpu.memory_space<hbm>> -> memref<8192xf32, #tpu.memory_space<hbm>>
      tpu.enqueue_dma source(%dma_start3A_61 : memref<8192xf32, #tpu.memory_space<hbm>>) target(%arg6 : memref<8192xf32, #tpu.memory_space<vmem>>) target_semaphore(%run_scoped3A : memref<!tpu.dma_semaphore, #tpu.memory_space<semaphore_mem>>)
      %dma_wait3A = tpu.memref_slice %arg2[%add3A_38] : memref<49152xf32, #tpu.memory_space<hbm>> -> memref<8192xf32, #tpu.memory_space<hbm>>
      %dma_wait3A_62 = tpu.memref_slice %arg2[%add3A_38] : memref<49152xf32, #tpu.memory_space<hbm>> -> memref<8192xf32, #tpu.memory_space<hbm>>
      tpu.wait_dma2 semaphore(%run_scoped3A : memref<!tpu.dma_semaphore, #tpu.memory_space<semaphore_mem>>) src(%dma_wait3A_62 : memref<8192xf32, #tpu.memory_space<hbm>>) dst(%arg6 : memref<8192xf32, #tpu.memory_space<vmem>>)
      tpu.yield
    }) : () -> ()
    %scan3A = arith.constant 0 : i32
    %scan3A_39 = arith.constant 0 : i32
    %scan3A_40 = arith.constant 512 : i32
    %scan3A_41 = arith.addi %scan3A_39, %scan3A_40 : i32
    %scan3A_42 = arith.constant 1 : i32
    %scan3A_43 = scf.for %scan3A_61 = %scan3A_39 to %scan3A_41 step %scan3A_42 iter_args(%scan3A_62 = %scan3A) -> (i32)  : i32 {
      %mul3A_63 = arith.constant 16 : i32
      %mul3A_64 = arith.muli %scan3A_61, %mul3A_63 : i32
      %get3A = arith.index_cast %mul3A_64 : i32 to index
      %get3A_65 = tpu.vector_load %arg4[%get3A] {strides = array<i32>} : memref<8192xf32, #tpu.memory_space<vmem>>, vector<16xf32>,
      %get3A_66 = arith.index_cast %mul3A_64 : i32 to index
      %get3A_67 = tpu.vector_load %arg5[%get3A_66] {strides = array<i32>} : memref<8192xf32, #tpu.memory_space<vmem>>, vector<16xf32>,
      %get3A_68 = arith.index_cast %mul3A_64 : i32 to index
      %get3A_69 = tpu.vector_load %arg6[%get3A_68] {strides = array<i32>} : memref<8192xf32, #tpu.memory_space<vmem>>, vector<16xf32>,
      %mul3A_70 = arith.mulf %get3A_65, %get3A_65 : vector<16xf32>
      %mul3A_71 = arith.mulf %get3A_67, %get3A_67 : vector<16xf32>
      %add3A_72 = arith.addf %mul3A_70, %mul3A_71 : vector<16xf32>
      %mul3A_73 = arith.mulf %get3A_69, %get3A_69 : vector<16xf32>
      %add3A_74 = arith.addf %add3A_72, %mul3A_73 : vector<16xf32>
      %swap3A = arith.index_cast %mul3A_64 : i32 to index
      %swap3A_75 = tpu.vector_load %arg7[%swap3A] {strides = array<i32>} : memref<8192xf32, #tpu.memory_space<vmem>>, vector<16xf32>,
      tpu.vector_store %arg7[%swap3A], %add3A_74 {strides = array<i32>} : memref<8192xf32, #tpu.memory_space<vmem>>, vector<16xf32>,
      %bitcast3A = vector.bitcast %get3A_65 : vector<16xf32> to vector<16xi32>
      %shift_right_logical3A = arith.constant 16 : i32
      %shift_right_logical3A_76 = vector.broadcast %shift_right_logical3A : i32 to vector<16xi32>
      %shift_right_logical3A_77 = arith.shrui %bitcast3A, %shift_right_logical3A_76 : vector<16xi32>
      %and3A_78 = arith.constant 1 : i32
      %and3A_79 = vector.broadcast %and3A_78 : i32 to vector<16xi32>
      %and3A_80 = arith.andi %shift_right_logical3A_77, %and3A_79 : vector<16xi32>
      %add3A_81 = arith.constant 32767 : i32
      %add3A_82 = vector.broadcast %add3A_81 : i32 to vector<16xi32>
      %add3A_83 = arith.addi %add3A_82, %and3A_80 : vector<16xi32>
      %add3A_84 = arith.addi %bitcast3A, %add3A_83 : vector<16xi32>
      %and3A_85 = arith.constant -65536 : i32
      %and3A_86 = vector.broadcast %and3A_85 : i32 to vector<16xi32>
      %and3A_87 = arith.andi %add3A_84, %and3A_86 : vector<16xi32>
      %bitcast3A_88 = vector.bitcast %and3A_87 : vector<16xi32> to vector<16xf32>
      %swap3A_89 = arith.index_cast %mul3A_64 : i32 to index
      %swap3A_90 = tpu.vector_load %arg4[%swap3A_89] {strides = array<i32>} : memref<8192xf32, #tpu.memory_space<vmem>>, vector<16xf32>,
      tpu.vector_store %arg4[%swap3A_89], %bitcast3A_88 {strides = array<i32>} : memref<8192xf32, #tpu.memory_space<vmem>>, vector<16xf32>,
      %bitcast3A_91 = vector.bitcast %get3A_67 : vector<16xf32> to vector<16xi32>
      %shift_right_logical3A_92 = arith.constant 16 : i32
      %shift_right_logical3A_93 = vector.broadcast %shift_right_logical3A_92 : i32 to vector<16xi32>
      %shift_right_logical3A_94 = arith.shrui %bitcast3A_91, %shift_right_logical3A_93 : vector<16xi32>
      %and3A_95 = arith.constant 1 : i32
      %and3A_96 = vector.broadcast %and3A_95 : i32 to vector<16xi32>
      %and3A_97 = arith.andi %shift_right_logical3A_94, %and3A_96 : vector<16xi32>
      %add3A_98 = arith.constant 32767 : i32
      %add3A_99 = vector.broadcast %add3A_98 : i32 to vector<16xi32>
      %add3A_100 = arith.addi %add3A_99, %and3A_97 : vector<16xi32>
      %add3A_101 = arith.addi %bitcast3A_91, %add3A_100 : vector<16xi32>
      %and3A_102 = arith.constant -65536 : i32
      %and3A_103 = vector.broadcast %and3A_102 : i32 to vector<16xi32>
      %and3A_104 = arith.andi %add3A_101, %and3A_103 : vector<16xi32>
      %bitcast3A_105 = vector.bitcast %and3A_104 : vector<16xi32> to vector<16xf32>
      %swap3A_106 = arith.index_cast %mul3A_64 : i32 to index
      %swap3A_107 = tpu.vector_load %arg5[%swap3A_106] {strides = array<i32>} : memref<8192xf32, #tpu.memory_space<vmem>>, vector<16xf32>,
      tpu.vector_store %arg5[%swap3A_106], %bitcast3A_105 {strides = array<i32>} : memref<8192xf32, #tpu.memory_space<vmem>>, vector<16xf32>,
      %bitcast3A_108 = vector.bitcast %get3A_69 : vector<16xf32> to vector<16xi32>
      %shift_right_logical3A_109 = arith.constant 16 : i32
      %shift_right_logical3A_110 = vector.broadcast %shift_right_logical3A_109 : i32 to vector<16xi32>
      %shift_right_logical3A_111 = arith.shrui %bitcast3A_108, %shift_right_logical3A_110 : vector<16xi32>
      %and3A_112 = arith.constant 1 : i32
      %and3A_113 = vector.broadcast %and3A_112 : i32 to vector<16xi32>
      %and3A_114 = arith.andi %shift_right_logical3A_111, %and3A_113 : vector<16xi32>
      %add3A_115 = arith.constant 32767 : i32
      %add3A_116 = vector.broadcast %add3A_115 : i32 to vector<16xi32>
      %add3A_117 = arith.addi %add3A_116, %and3A_114 : vector<16xi32>
      %add3A_118 = arith.addi %bitcast3A_108, %add3A_117 : vector<16xi32>
      %and3A_119 = arith.constant -65536 : i32
      %and3A_120 = vector.broadcast %and3A_119 : i32 to vector<16xi32>
      %and3A_121 = arith.andi %add3A_118, %and3A_120 : vector<16xi32>
      %bitcast3A_122 = vector.bitcast %and3A_121 : vector<16xi32> to vector<16xf32>
      %swap3A_123 = arith.index_cast %mul3A_64 : i32 to index
      %swap3A_124 = tpu.vector_load %arg6[%swap3A_123] {strides = array<i32>} : memref<8192xf32, #tpu.memory_space<vmem>>, vector<16xf32>,
      tpu.vector_store %arg6[%swap3A_123], %bitcast3A_122 {strides = array<i32>} : memref<8192xf32, #tpu.memory_space<vmem>>, vector<16xf32>,
      %scan3A_125 = arith.constant 0 : i32
      scf.yield %scan3A_125 : i32
    }
    %scan3A_44 = arith.constant 512 : i32
    %iota3A = tpu.iota {dimensions = array<i32: 0>} : vector<16xi32>
    %eq3A_45 = arith.cmpi eq, %iota3A, %iota3A : vector<16xi32>
    %broadcast_in_dim3A = arith.constant 0x7F800000 : f32
    %broadcast_in_dim3A_46 = vector.broadcast %broadcast_in_dim3A : f32 to vector<16xf32>
    %broadcast_in_dim3A_47 = arith.constant 8192 : i32
    %broadcast_in_dim3A_48 = vector.broadcast %broadcast_in_dim3A_47 : i32 to vector<16xi32>
    %scan3A_49 = arith.constant 0 : i32
    %scan3A_50 = arith.constant 0 : i32
    %scan3A_51 = arith.constant 128 : i32
    %scan3A_52 = arith.addi %scan3A_50, %scan3A_51 : i32
    %scan3A_53 = arith.constant 1 : i32
    %scan3A_54 = scf.for %scan3A_61 = %scan3A_50 to %scan3A_52 step %scan3A_53 iter_args(%scan3A_62 = %scan3A_49) -> (i32)  : i32 {
      %mul3A_63 = arith.constant 4 : i32
      %mul3A_64 = arith.muli %scan3A_61, %mul3A_63 : i32
      %add3A_65 = arith.constant 0 : i32
      %add3A_66 = arith.addi %mul3A_64, %add3A_65 : i32
      %and3A_67 = arith.constant 15 : i32
      %and3A_68 = arith.andi %add3A_66, %and3A_67 : i32
      %add3A_69 = arith.addi %mul3A_32, %add3A_66 : i32
      %sub3A_70 = arith.subi %add3A_69, %and3A_68 : i32
      %broadcast_in_dim3A_71 = vector.broadcast %and3A_68 : i32 to vector<16xi32>
      %get3A = arith.index_cast %sub3A_70 : i32 to index
      %get3A_72 = tpu.vector_load %arg4[%get3A] {strides = array<i32>} : memref<8192xf32, #tpu.memory_space<vmem>>, vector<16xf32>,
      %broadcast_in_dim3A_73 = vector.shape_cast %broadcast_in_dim3A_71 : vector<16xi32> to vector<16x1xi32>
      %gather3A = vector.shape_cast %broadcast_in_dim3A_73 : vector<16x1xi32> to vector<16xi32>
      %gather3A_74 = tpu.dynamic_gather %get3A_72[%gather3A] in [0] : vector<16xf32>, vector<16xi32> -> vector<16xf32>
      %mul3A_75 = arith.constant -2.000000e+00 : f32
      %mul3A_76 = vector.broadcast %mul3A_75 : f32 to vector<16xf32>
      %mul3A_77 = arith.mulf %gather3A_74, %mul3A_76 : vector<16xf32>
      %get3A_78 = arith.index_cast %sub3A_70 : i32 to index
      %get3A_79 = tpu.vector_load %arg5[%get3A_78] {strides = array<i32>} : memref<8192xf32, #tpu.memory_space<vmem>>, vector<16xf32>,
      %broadcast_in_dim3A_80 = vector.shape_cast %broadcast_in_dim3A_71 : vector<16xi32> to vector<16x1xi32>
      %gather3A_81 = vector.shape_cast %broadcast_in_dim3A_80 : vector<16x1xi32> to vector<16xi32>
      %gather3A_82 = tpu.dynamic_gather %get3A_79[%gather3A_81] in [0] : vector<16xf32>, vector<16xi32> -> vector<16xf32>
      %mul3A_83 = arith.constant -2.000000e+00 : f32
      %mul3A_84 = vector.broadcast %mul3A_83 : f32 to vector<16xf32>
      %mul3A_85 = arith.mulf %gather3A_82, %mul3A_84 : vector<16xf32>
      %get3A_86 = arith.index_cast %sub3A_70 : i32 to index
      %get3A_87 = tpu.vector_load %arg6[%get3A_86] {strides = array<i32>} : memref<8192xf32, #tpu.memory_space<vmem>>, vector<16xf32>,
      %broadcast_in_dim3A_88 = vector.shape_cast %broadcast_in_dim3A_71 : vector<16xi32> to vector<16x1xi32>
      %gather3A_89 = vector.shape_cast %broadcast_in_dim3A_88 : vector<16x1xi32> to vector<16xi32>
      %gather3A_90 = tpu.dynamic_gather %get3A_87[%gather3A_89] in [0] : vector<16xf32>, vector<16xi32> -> vector<16xf32>
      %mul3A_91 = arith.constant -2.000000e+00 : f32
      %mul3A_92 = vector.broadcast %mul3A_91 : f32 to vector<16xf32>
      %mul3A_93 = arith.mulf %gather3A_90, %mul3A_92 : vector<16xf32>
      %get3A_94 = arith.index_cast %sub3A_70 : i32 to index
      %get3A_95 = tpu.vector_load %arg7[%get3A_94] {strides = array<i32>} : memref<8192xf32, #tpu.memory_space<vmem>>, vector<16xf32>,
      %broadcast_in_dim3A_96 = vector.shape_cast %broadcast_in_dim3A_71 : vector<16xi32> to vector<16x1xi32>
      %gather3A_97 = vector.shape_cast %broadcast_in_dim3A_96 : vector<16x1xi32> to vector<16xi32>
      %gather3A_98 = tpu.dynamic_gather %get3A_95[%gather3A_97] in [0] : vector<16xf32>, vector<16xi32> -> vector<16xf32>
      %mul3A_99 = arith.constant 4 : i32
      %mul3A_100 = arith.muli %scan3A_61, %mul3A_99 : i32
      %add3A_101 = arith.constant 1 : i32
      %add3A_102 = arith.addi %mul3A_100, %add3A_101 : i32
      %and3A_103 = arith.constant 15 : i32
      %and3A_104 = arith.andi %add3A_102, %and3A_103 : i32
      %add3A_105 = arith.addi %mul3A_32, %add3A_102 : i32
      %sub3A_106 = arith.subi %add3A_105, %and3A_104 : i32
      %broadcast_in_dim3A_107 = vector.broadcast %and3A_104 : i32 to vector<16xi32>
      %get3A_108 = arith.index_cast %sub3A_106 : i32 to index
      %get3A_109 = tpu.vector_load %arg4[%get3A_108] {strides = array<i32>} : memref<8192xf32, #tpu.memory_space<vmem>>, vector<16xf32>,
      %broadcast_in_dim3A_110 = vector.shape_cast %broadcast_in_dim3A_107 : vector<16xi32> to vector<16x1xi32>
      %gather3A_111 = vector.shape_cast %broadcast_in_dim3A_110 : vector<16x1xi32> to vector<16xi32>
      %gather3A_112 = tpu.dynamic_gather %get3A_109[%gather3A_111] in [0] : vector<16xf32>, vector<16xi32> -> vector<16xf32>
      %mul3A_113 = arith.constant -2.000000e+00 : f32
      %mul3A_114 = vector.broadcast %mul3A_113 : f32 to vector<16xf32>
      %mul3A_115 = arith.mulf %gather3A_112, %mul3A_114 : vector<16xf32>
      %get3A_116 = arith.index_cast %sub3A_106 : i32 to index
      %get3A_117 = tpu.vector_load %arg5[%get3A_116] {strides = array<i32>} : memref<8192xf32, #tpu.memory_space<vmem>>, vector<16xf32>,
      %broadcast_in_dim3A_118 = vector.shape_cast %broadcast_in_dim3A_107 : vector<16xi32> to vector<16x1xi32>
      %gather3A_119 = vector.shape_cast %broadcast_in_dim3A_118 : vector<16x1xi32> to vector<16xi32>
      %gather3A_120 = tpu.dynamic_gather %get3A_117[%gather3A_119] in [0] : vector<16xf32>, vector<16xi32> -> vector<16xf32>
      %mul3A_121 = arith.constant -2.000000e+00 : f32
      %mul3A_122 = vector.broadcast %mul3A_121 : f32 to vector<16xf32>
      %mul3A_123 = arith.mulf %gather3A_120, %mul3A_122 : vector<16xf32>
      %get3A_124 = arith.index_cast %sub3A_106 : i32 to index
      %get3A_125 = tpu.vector_load %arg6[%get3A_124] {strides = array<i32>} : memref<8192xf32, #tpu.memory_space<vmem>>, vector<16xf32>,
      %broadcast_in_dim3A_126 = vector.shape_cast %broadcast_in_dim3A_107 : vector<16xi32> to vector<16x1xi32>
      %gather3A_127 = vector.shape_cast %broadcast_in_dim3A_126 : vector<16x1xi32> to vector<16xi32>
      %gather3A_128 = tpu.dynamic_gather %get3A_125[%gather3A_127] in [0] : vector<16xf32>, vector<16xi32> -> vector<16xf32>
      %mul3A_129 = arith.constant -2.000000e+00 : f32
      %mul3A_130 = vector.broadcast %mul3A_129 : f32 to vector<16xf32>
      %mul3A_131 = arith.mulf %gather3A_128, %mul3A_130 : vector<16xf32>
      %get3A_132 = arith.index_cast %sub3A_106 : i32 to index
      %get3A_133 = tpu.vector_load %arg7[%get3A_132] {strides = array<i32>} : memref<8192xf32, #tpu.memory_space<vmem>>, vector<16xf32>,
      %broadcast_in_dim3A_134 = vector.shape_cast %broadcast_in_dim3A_107 : vector<16xi32> to vector<16x1xi32>
      %gather3A_135 = vector.shape_cast %broadcast_in_dim3A_134 : vector<16x1xi32> to vector<16xi32>
      %gather3A_136 = tpu.dynamic_gather %get3A_133[%gather3A_135] in [0] : vector<16xf32>, vector<16xi32> -> vector<16xf32>
      %mul3A_137 = arith.constant 4 : i32
      %mul3A_138 = arith.muli %scan3A_61, %mul3A_137 : i32
      %add3A_139 = arith.constant 2 : i32
      %add3A_140 = arith.addi %mul3A_138, %add3A_139 : i32
      %and3A_141 = arith.constant 15 : i32
      %and3A_142 = arith.andi %add3A_140, %and3A_141 : i32
      %add3A_143 = arith.addi %mul3A_32, %add3A_140 : i32
      %sub3A_144 = arith.subi %add3A_143, %and3A_142 : i32
      %broadcast_in_dim3A_145 = vector.broadcast %and3A_142 : i32 to vector<16xi32>
      %get3A_146 = arith.index_cast %sub3A_144 : i32 to index
      %get3A_147 = tpu.vector_load %arg4[%get3A_146] {strides = array<i32>} : memref<8192xf32, #tpu.memory_space<vmem>>, vector<16xf32>,
      %broadcast_in_dim3A_148 = vector.shape_cast %broadcast_in_dim3A_145 : vector<16xi32> to vector<16x1xi32>
      %gather3A_149 = vector.shape_cast %broadcast_in_dim3A_148 : vector<16x1xi32> to vector<16xi32>
      %gather3A_150 = tpu.dynamic_gather %get3A_147[%gather3A_149] in [0] : vector<16xf32>, vector<16xi32> -> vector<16xf32>
      %mul3A_151 = arith.constant -2.000000e+00 : f32
      %mul3A_152 = vector.broadcast %mul3A_151 : f32 to vector<16xf32>
      %mul3A_153 = arith.mulf %gather3A_150, %mul3A_152 : vector<16xf32>
      %get3A_154 = arith.index_cast %sub3A_144 : i32 to index
      %get3A_155 = tpu.vector_load %arg5[%get3A_154] {strides = array<i32>} : memref<8192xf32, #tpu.memory_space<vmem>>, vector<16xf32>,
      %broadcast_in_dim3A_156 = vector.shape_cast %broadcast_in_dim3A_145 : vector<16xi32> to vector<16x1xi32>
      %gather3A_157 = vector.shape_cast %broadcast_in_dim3A_156 : vector<16x1xi32> to vector<16xi32>
      %gather3A_158 = tpu.dynamic_gather %get3A_155[%gather3A_157] in [0] : vector<16xf32>, vector<16xi32> -> vector<16xf32>
      %mul3A_159 = arith.constant -2.000000e+00 : f32
      %mul3A_160 = vector.broadcast %mul3A_159 : f32 to vector<16xf32>
      %mul3A_161 = arith.mulf %gather3A_158, %mul3A_160 : vector<16xf32>
      %get3A_162 = arith.index_cast %sub3A_144 : i32 to index
      %get3A_163 = tpu.vector_load %arg6[%get3A_162] {strides = array<i32>} : memref<8192xf32, #tpu.memory_space<vmem>>, vector<16xf32>,
      %broadcast_in_dim3A_164 = vector.shape_cast %broadcast_in_dim3A_145 : vector<16xi32> to vector<16x1xi32>
      %gather3A_165 = vector.shape_cast %broadcast_in_dim3A_164 : vector<16x1xi32> to vector<16xi32>
      %gather3A_166 = tpu.dynamic_gather %get3A_163[%gather3A_165] in [0] : vector<16xf32>, vector<16xi32> -> vector<16xf32>
      %mul3A_167 = arith.constant -2.000000e+00 : f32
      %mul3A_168 = vector.broadcast %mul3A_167 : f32 to vector<16xf32>
      %mul3A_169 = arith.mulf %gather3A_166, %mul3A_168 : vector<16xf32>
      %get3A_170 = arith.index_cast %sub3A_144 : i32 to index
      %get3A_171 = tpu.vector_load %arg7[%get3A_170] {strides = array<i32>} : memref<8192xf32, #tpu.memory_space<vmem>>, vector<16xf32>,
      %broadcast_in_dim3A_172 = vector.shape_cast %broadcast_in_dim3A_145 : vector<16xi32> to vector<16x1xi32>
      %gather3A_173 = vector.shape_cast %broadcast_in_dim3A_172 : vector<16x1xi32> to vector<16xi32>
      %gather3A_174 = tpu.dynamic_gather %get3A_171[%gather3A_173] in [0] : vector<16xf32>, vector<16xi32> -> vector<16xf32>
      %mul3A_175 = arith.constant 4 : i32
      %mul3A_176 = arith.muli %scan3A_61, %mul3A_175 : i32
      %add3A_177 = arith.constant 3 : i32
      %add3A_178 = arith.addi %mul3A_176, %add3A_177 : i32
      %and3A_179 = arith.constant 15 : i32
      %and3A_180 = arith.andi %add3A_178, %and3A_179 : i32
      %add3A_181 = arith.addi %mul3A_32, %add3A_178 : i32
      %sub3A_182 = arith.subi %add3A_181, %and3A_180 : i32
      %broadcast_in_dim3A_183 = vector.broadcast %and3A_180 : i32 to vector<16xi32>
      %get3A_184 = arith.index_cast %sub3A_182 : i32 to index
      %get3A_185 = tpu.vector_load %arg4[%get3A_184] {strides = array<i32>} : memref<8192xf32, #tpu.memory_space<vmem>>, vector<16xf32>,
      %broadcast_in_dim3A_186 = vector.shape_cast %broadcast_in_dim3A_183 : vector<16xi32> to vector<16x1xi32>
      %gather3A_187 = vector.shape_cast %broadcast_in_dim3A_186 : vector<16x1xi32> to vector<16xi32>
      %gather3A_188 = tpu.dynamic_gather %get3A_185[%gather3A_187] in [0] : vector<16xf32>, vector<16xi32> -> vector<16xf32>
      %mul3A_189 = arith.constant -2.000000e+00 : f32
      %mul3A_190 = vector.broadcast %mul3A_189 : f32 to vector<16xf32>
      %mul3A_191 = arith.mulf %gather3A_188, %mul3A_190 : vector<16xf32>
      %get3A_192 = arith.index_cast %sub3A_182 : i32 to index
      %get3A_193 = tpu.vector_load %arg5[%get3A_192] {strides = array<i32>} : memref<8192xf32, #tpu.memory_space<vmem>>, vector<16xf32>,
      %broadcast_in_dim3A_194 = vector.shape_cast %broadcast_in_dim3A_183 : vector<16xi32> to vector<16x1xi32>
      %gather3A_195 = vector.shape_cast %broadcast_in_dim3A_194 : vector<16x1xi32> to vector<16xi32>
      %gather3A_196 = tpu.dynamic_gather %get3A_193[%gather3A_195] in [0] : vector<16xf32>, vector<16xi32> -> vector<16xf32>
      %mul3A_197 = arith.constant -2.000000e+00 : f32
      %mul3A_198 = vector.broadcast %mul3A_197 : f32 to vector<16xf32>
      %mul3A_199 = arith.mulf %gather3A_196, %mul3A_198 : vector<16xf32>
      %get3A_200 = arith.index_cast %sub3A_182 : i32 to index
      %get3A_201 = tpu.vector_load %arg6[%get3A_200] {strides = array<i32>} : memref<8192xf32, #tpu.memory_space<vmem>>, vector<16xf32>,
      %broadcast_in_dim3A_202 = vector.shape_cast %broadcast_in_dim3A_183 : vector<16xi32> to vector<16x1xi32>
      %gather3A_203 = vector.shape_cast %broadcast_in_dim3A_202 : vector<16x1xi32> to vector<16xi32>
      %gather3A_204 = tpu.dynamic_gather %get3A_201[%gather3A_203] in [0] : vector<16xf32>, vector<16xi32> -> vector<16xf32>
      %mul3A_205 = arith.constant -2.000000e+00 : f32
      %mul3A_206 = vector.broadcast %mul3A_205 : f32 to vector<16xf32>
      %mul3A_207 = arith.mulf %gather3A_204, %mul3A_206 : vector<16xf32>
      %get3A_208 = arith.index_cast %sub3A_182 : i32 to index
      %get3A_209 = tpu.vector_load %arg7[%get3A_208] {strides = array<i32>} : memref<8192xf32, #tpu.memory_space<vmem>>, vector<16xf32>,
      %broadcast_in_dim3A_210 = vector.shape_cast %broadcast_in_dim3A_183 : vector<16xi32> to vector<16x1xi32>
      %gather3A_211 = vector.shape_cast %broadcast_in_dim3A_210 : vector<16x1xi32> to vector<16xi32>
      %gather3A_212 = tpu.dynamic_gather %get3A_209[%gather3A_211] in [0] : vector<16xf32>, vector<16xi32> -> vector<16xf32>
      %scan3A_213 = arith.constant 0 : i32
      %scan3A_214 = arith.constant 0 : i32
      %scan3A_215 = arith.constant 32 : i32
      %scan3A_216 = arith.addi %scan3A_214, %scan3A_215 : i32
      %scan3A_217 = arith.constant 1 : i32
      %scan3A_218 = scf.for %scan3A_581 = %scan3A_214 to %scan3A_216 step %scan3A_217 iter_args(%scan3A_582 = %scan3A_213) -> (i32)  : i32 {
        %mul3A_583 = arith.constant 256 : i32
        %mul3A_584 = arith.muli %scan3A_581, %mul3A_583 : i32
        %add3A_585 = arith.constant 0 : i32
        %add3A_586 = arith.addi %add3A_585, %mul3A_584 : i32
        %add3A_587 = arith.constant 8192 : i32
        %add3A_588 = arith.addi %add3A_587, %mul3A_584 : i32
        %add3A_589 = arith.constant 16384 : i32
        %add3A_590 = arith.addi %add3A_589, %mul3A_584 : i32
        %add3A_591 = arith.constant 24576 : i32
        %add3A_592 = arith.addi %add3A_591, %mul3A_584 : i32
        %get3A_593 = tpu.memref_slice %arg4[%mul3A_584] : memref<8192xf32, #tpu.memory_space<vmem>> -> memref<256xf32, #tpu.memory_space<vmem>>
        %get3A_594 = arith.constant 0 : index
        %get3A_595 = tpu.vector_load %get3A_593[%get3A_594] {strides = array<i32>} : memref<256xf32, #tpu.memory_space<vmem>>, vector<16xf32>,
        %get3A_596 = tpu.memref_slice %arg5[%mul3A_584] : memref<8192xf32, #tpu.memory_space<vmem>> -> memref<256xf32, #tpu.memory_space<vmem>>
        %get3A_597 = arith.constant 0 : index
        %get3A_598 = tpu.vector_load %get3A_596[%get3A_597] {strides = array<i32>} : memref<256xf32, #tpu.memory_space<vmem>>, vector<16xf32>,
        %get3A_599 = tpu.memref_slice %arg6[%mul3A_584] : memref<8192xf32, #tpu.memory_space<vmem>> -> memref<256xf32, #tpu.memory_space<vmem>>
        %get3A_600 = arith.constant 0 : index
        %get3A_601 = tpu.vector_load %get3A_599[%get3A_600] {strides = array<i32>} : memref<256xf32, #tpu.memory_space<vmem>>, vector<16xf32>,
        %get3A_602 = tpu.memref_slice %arg7[%mul3A_584] : memref<8192xf32, #tpu.memory_space<vmem>> -> memref<256xf32, #tpu.memory_space<vmem>>
        %get3A_603 = arith.constant 0 : index
        %get3A_604 = tpu.vector_load %get3A_602[%get3A_603] {strides = array<i32>} : memref<256xf32, #tpu.memory_space<vmem>>, vector<16xf32>,
        %mul3A_605 = arith.mulf %mul3A_77, %get3A_595 : vector<16xf32>
        %mul3A_606 = arith.mulf %mul3A_85, %get3A_598 : vector<16xf32>
        %add3A_607 = arith.addf %mul3A_605, %mul3A_606 : vector<16xf32>
        %mul3A_608 = arith.mulf %mul3A_93, %get3A_601 : vector<16xf32>
        %add3A_609 = arith.addf %add3A_607, %mul3A_608 : vector<16xf32>
        %add3A_610 = arith.addf %gather3A_98, %add3A_609 : vector<16xf32>
        %add3A_611 = arith.addf %add3A_610, %get3A_604 : vector<16xf32>
        %swap3A_612 = tpu.memref_slice %arg8[%add3A_586] : memref<32768xf32, #tpu.memory_space<vmem>> -> memref<256xf32, #tpu.memory_space<vmem>>
        %swap3A_613 = arith.constant 0 : index
        %swap3A_614 = tpu.vector_load %swap3A_612[%swap3A_613] {strides = array<i32>} : memref<256xf32, #tpu.memory_space<vmem>>, vector<16xf32>,
        tpu.vector_store %swap3A_612[%swap3A_613], %add3A_611 {strides = array<i32>} : memref<256xf32, #tpu.memory_space<vmem>>, vector<16xf32>,
        %mul3A_615 = arith.mulf %mul3A_115, %get3A_595 : vector<16xf32>
        %mul3A_616 = arith.mulf %mul3A_123, %get3A_598 : vector<16xf32>
        %add3A_617 = arith.addf %mul3A_615, %mul3A_616 : vector<16xf32>
        %mul3A_618 = arith.mulf %mul3A_131, %get3A_601 : vector<16xf32>
        %add3A_619 = arith.addf %add3A_617, %mul3A_618 : vector<16xf32>
        %add3A_620 = arith.addf %gather3A_136, %add3A_619 : vector<16xf32>
        %add3A_621 = arith.addf %add3A_620, %get3A_604 : vector<16xf32>
        %swap3A_622 = tpu.memref_slice %arg8[%add3A_588] : memref<32768xf32, #tpu.memory_space<vmem>> -> memref<256xf32, #tpu.memory_space<vmem>>
        %swap3A_623 = arith.constant 0 : index
        %swap3A_624 = tpu.vector_load %swap3A_622[%swap3A_623] {strides = array<i32>} : memref<256xf32, #tpu.memory_space<vmem>>, vector<16xf32>,
        tpu.vector_store %swap3A_622[%swap3A_623], %add3A_621 {strides = array<i32>} : memref<256xf32, #tpu.memory_space<vmem>>, vector<16xf32>,
        %mul3A_625 = arith.mulf %mul3A_153, %get3A_595 : vector<16xf32>
        %mul3A_626 = arith.mulf %mul3A_161, %get3A_598 : vector<16xf32>
        %add3A_627 = arith.addf %mul3A_625, %mul3A_626 : vector<16xf32>
        %mul3A_628 = arith.mulf %mul3A_169, %get3A_601 : vector<16xf32>
        %add3A_629 = arith.addf %add3A_627, %mul3A_628 : vector<16xf32>
        %add3A_630 = arith.addf %gather3A_174, %add3A_629 : vector<16xf32>
        %add3A_631 = arith.addf %add3A_630, %get3A_604 : vector<16xf32>
        %swap3A_632 = tpu.memref_slice %arg8[%add3A_590] : memref<32768xf32, #tpu.memory_space<vmem>> -> memref<256xf32, #tpu.memory_space<vmem>>
        %swap3A_633 = arith.constant 0 : index
        %swap3A_634 = tpu.vector_load %swap3A_632[%swap3A_633] {strides = array<i32>} : memref<256xf32, #tpu.memory_space<vmem>>, vector<16xf32>,
        tpu.vector_store %swap3A_632[%swap3A_633], %add3A_631 {strides = array<i32>} : memref<256xf32, #tpu.memory_space<vmem>>, vector<16xf32>,
        %mul3A_635 = arith.mulf %mul3A_191, %get3A_595 : vector<16xf32>
        %mul3A_636 = arith.mulf %mul3A_199, %get3A_598 : vector<16xf32>
        %add3A_637 = arith.addf %mul3A_635, %mul3A_636 : vector<16xf32>
        %mul3A_638 = arith.mulf %mul3A_207, %get3A_601 : vector<16xf32>
        %add3A_639 = arith.addf %add3A_637, %mul3A_638 : vector<16xf32>
        %add3A_640 = arith.addf %gather3A_212, %add3A_639 : vector<16xf32>
        %add3A_641 = arith.addf %add3A_640, %get3A_604 : vector<16xf32>
        %swap3A_642 = tpu.memref_slice %arg8[%add3A_592] : memref<32768xf32, #tpu.memory_space<vmem>> -> memref<256xf32, #tpu.memory_space<vmem>>
        %swap3A_643 = arith.constant 0 : index
        %swap3A_644 = tpu.vector_load %swap3A_642[%swap3A_643] {strides = array<i32>} : memref<256xf32, #tpu.memory_space<vmem>>, vector<16xf32>,
        tpu.vector_store %swap3A_642[%swap3A_643], %add3A_641 {strides = array<i32>} : memref<256xf32, #tpu.memory_space<vmem>>, vector<16xf32>,
        %get3A_645 = tpu.memref_slice %arg4[%mul3A_584] : memref<8192xf32, #tpu.memory_space<vmem>> -> memref<256xf32, #tpu.memory_space<vmem>>
        %get3A_646 = arith.constant 16 : index
        %get3A_647 = tpu.vector_load %get3A_645[%get3A_646] {strides = array<i32>} : memref<256xf32, #tpu.memory_space<vmem>>, vector<16xf32>,
        %get3A_648 = tpu.memref_slice %arg5[%mul3A_584] : memref<8192xf32, #tpu.memory_space<vmem>> -> memref<256xf32, #tpu.memory_space<vmem>>
        %get3A_649 = arith.constant 16 : index
        %get3A_650 = tpu.vector_load %get3A_648[%get3A_649] {strides = array<i32>} : memref<256xf32, #tpu.memory_space<vmem>>, vector<16xf32>,
        %get3A_651 = tpu.memref_slice %arg6[%mul3A_584] : memref<8192xf32, #tpu.memory_space<vmem>> -> memref<256xf32, #tpu.memory_space<vmem>>
        %get3A_652 = arith.constant 16 : index
        %get3A_653 = tpu.vector_load %get3A_651[%get3A_652] {strides = array<i32>} : memref<256xf32, #tpu.memory_space<vmem>>, vector<16xf32>,
        %get3A_654 = tpu.memref_slice %arg7[%mul3A_584] : memref<8192xf32, #tpu.memory_space<vmem>> -> memref<256xf32, #tpu.memory_space<vmem>>
        %get3A_655 = arith.constant 16 : index
        %get3A_656 = tpu.vector_load %get3A_654[%get3A_655] {strides = array<i32>} : memref<256xf32, #tpu.memory_space<vmem>>, vector<16xf32>,
        %mul3A_657 = arith.mulf %mul3A_77, %get3A_647 : vector<16xf32>
        %mul3A_658 = arith.mulf %mul3A_85, %get3A_650 : vector<16xf32>
        %add3A_659 = arith.addf %mul3A_657, %mul3A_658 : vector<16xf32>
        %mul3A_660 = arith.mulf %mul3A_93, %get3A_653 : vector<16xf32>
        %add3A_661 = arith.addf %add3A_659, %mul3A_660 : vector<16xf32>
        %add3A_662 = arith.addf %gather3A_98, %add3A_661 : vector<16xf32>
        %add3A_663 = arith.addf %add3A_662, %get3A_656 : vector<16xf32>
        %swap3A_664 = tpu.memref_slice %arg8[%add3A_586] : memref<32768xf32, #tpu.memory_space<vmem>> -> memref<256xf32, #tpu.memory_space<vmem>>
        %swap3A_665 = arith.constant 16 : index
        %swap3A_666 = tpu.vector_load %swap3A_664[%swap3A_665] {strides = array<i32>} : memref<256xf32, #tpu.memory_space<vmem>>, vector<16xf32>,
        tpu.vector_store %swap3A_664[%swap3A_665], %add3A_663 {strides = array<i32>} : memref<256xf32, #tpu.memory_space<vmem>>, vector<16xf32>,
        %min3A = arith.minimumf %add3A_611, %add3A_663 : vector<16xf32>
        %mul3A_667 = arith.mulf %mul3A_115, %get3A_647 : vector<16xf32>
        %mul3A_668 = arith.mulf %mul3A_123, %get3A_650 : vector<16xf32>
        %add3A_669 = arith.addf %mul3A_667, %mul3A_668 : vector<16xf32>
        %mul3A_670 = arith.mulf %mul3A_131, %get3A_653 : vector<16xf32>
        %add3A_671 = arith.addf %add3A_669, %mul3A_670 : vector<16xf32>
        %add3A_672 = arith.addf %gather3A_136, %add3A_671 : vector<16xf32>
        %add3A_673 = arith.addf %add3A_672, %get3A_656 : vector<16xf32>
        %swap3A_674 = tpu.memref_slice %arg8[%add3A_588] : memref<32768xf32, #tpu.memory_space<vmem>> -> memref<256xf32, #tpu.memory_space<vmem>>
        %swap3A_675 = arith.constant 16 : index
        %swap3A_676 = tpu.vector_load %swap3A_674[%swap3A_675] {strides = array<i32>} : memref<256xf32, #tpu.memory_space<vmem>>, vector<16xf32>,
        tpu.vector_store %swap3A_674[%swap3A_675], %add3A_673 {strides = array<i32>} : memref<256xf32, #tpu.memory_space<vmem>>, vector<16xf32>,
        %min3A_677 = arith.minimumf %add3A_621, %add3A_673 : vector<16xf32>
        %mul3A_678 = arith.mulf %mul3A_153, %get3A_647 : vector<16xf32>
        %mul3A_679 = arith.mulf %mul3A_161, %get3A_650 : vector<16xf32>
        %add3A_680 = arith.addf %mul3A_678, %mul3A_679 : vector<16xf32>
        %mul3A_681 = arith.mulf %mul3A_169, %get3A_653 : vector<16xf32>
        %add3A_682 = arith.addf %add3A_680, %mul3A_681 : vector<16xf32>
        %add3A_683 = arith.addf %gather3A_174, %add3A_682 : vector<16xf32>
        %add3A_684 = arith.addf %add3A_683, %get3A_656 : vector<16xf32>
        %swap3A_685 = tpu.memref_slice %arg8[%add3A_590] : memref<32768xf32, #tpu.memory_space<vmem>> -> memref<256xf32, #tpu.memory_space<vmem>>
        %swap3A_686 = arith.constant 16 : index
        %swap3A_687 = tpu.vector_load %swap3A_685[%swap3A_686] {strides = array<i32>} : memref<256xf32, #tpu.memory_space<vmem>>, vector<16xf32>,
        tpu.vector_store %swap3A_685[%swap3A_686], %add3A_684 {strides = array<i32>} : memref<256xf32, #tpu.memory_space<vmem>>, vector<16xf32>,
        %min3A_688 = arith.minimumf %add3A_631, %add3A_684 : vector<16xf32>
        %mul3A_689 = arith.mulf %mul3A_191, %get3A_647 : vector<16xf32>
        %mul3A_690 = arith.mulf %mul3A_199, %get3A_650 : vector<16xf32>
        %add3A_691 = arith.addf %mul3A_689, %mul3A_690 : vector<16xf32>
        %mul3A_692 = arith.mulf %mul3A_207, %get3A_653 : vector<16xf32>
        %add3A_693 = arith.addf %add3A_691, %mul3A_692 : vector<16xf32>
        %add3A_694 = arith.addf %gather3A_212, %add3A_693 : vector<16xf32>
        %add3A_695 = arith.addf %add3A_694, %get3A_656 : vector<16xf32>
        %swap3A_696 = tpu.memref_slice %arg8[%add3A_592] : memref<32768xf32, #tpu.memory_space<vmem>> -> memref<256xf32, #tpu.memory_space<vmem>>
        %swap3A_697 = arith.constant 16 : index
        %swap3A_698 = tpu.vector_load %swap3A_696[%swap3A_697] {strides = array<i32>} : memref<256xf32, #tpu.memory_space<vmem>>, vector<16xf32>,
        tpu.vector_store %swap3A_696[%swap3A_697], %add3A_695 {strides = array<i32>} : memref<256xf32, #tpu.memory_space<vmem>>, vector<16xf32>,
        %min3A_699 = arith.minimumf %add3A_641, %add3A_695 : vector<16xf32>
        %get3A_700 = tpu.memref_slice %arg4[%mul3A_584] : memref<8192xf32, #tpu.memory_space<vmem>> -> memref<256xf32, #tpu.memory_space<vmem>>
        %get3A_701 = arith.constant 32 : index
        %get3A_702 = tpu.vector_load %get3A_700[%get3A_701] {strides = array<i32>} : memref<256xf32, #tpu.memory_space<vmem>>, vector<16xf32>,
        %get3A_703 = tpu.memref_slice %arg5[%mul3A_584] : memref<8192xf32, #tpu.memory_space<vmem>> -> memref<256xf32, #tpu.memory_space<vmem>>
        %get3A_704 = arith.constant 32 : index
        %get3A_705 = tpu.vector_load %get3A_703[%get3A_704] {strides = array<i32>} : memref<256xf32, #tpu.memory_space<vmem>>, vector<16xf32>,
        %get3A_706 = tpu.memref_slice %arg6[%mul3A_584] : memref<8192xf32, #tpu.memory_space<vmem>> -> memref<256xf32, #tpu.memory_space<vmem>>
        %get3A_707 = arith.constant 32 : index
        %get3A_708 = tpu.vector_load %get3A_706[%get3A_707] {strides = array<i32>} : memref<256xf32, #tpu.memory_space<vmem>>, vector<16xf32>,
        %get3A_709 = tpu.memref_slice %arg7[%mul3A_584] : memref<8192xf32, #tpu.memory_space<vmem>> -> memref<256xf32, #tpu.memory_space<vmem>>
        %get3A_710 = arith.constant 32 : index
        %get3A_711 = tpu.vector_load %get3A_709[%get3A_710] {strides = array<i32>} : memref<256xf32, #tpu.memory_space<vmem>>, vector<16xf32>,
        %mul3A_712 = arith.mulf %mul3A_77, %get3A_702 : vector<16xf32>
        %mul3A_713 = arith.mulf %mul3A_85, %get3A_705 : vector<16xf32>
        %add3A_714 = arith.addf %mul3A_712, %mul3A_713 : vector<16xf32>
        %mul3A_715 = arith.mulf %mul3A_93, %get3A_708 : vector<16xf32>
        %add3A_716 = arith.addf %add3A_714, %mul3A_715 : vector<16xf32>
        %add3A_717 = arith.addf %gather3A_98, %add3A_716 : vector<16xf32>
        %add3A_718 = arith.addf %add3A_717, %get3A_711 : vector<16xf32>
        %swap3A_719 = tpu.memref_slice %arg8[%add3A_586] : memref<32768xf32, #tpu.memory_space<vmem>> -> memref<256xf32, #tpu.memory_space<vmem>>
        %swap3A_720 = arith.constant 32 : index
        %swap3A_721 = tpu.vector_load %swap3A_719[%swap3A_720] {strides = array<i32>} : memref<256xf32, #tpu.memory_space<vmem>>, vector<16xf32>,
        tpu.vector_store %swap3A_719[%swap3A_720], %add3A_718 {strides = array<i32>} : memref<256xf32, #tpu.memory_space<vmem>>, vector<16xf32>,
        %min3A_722 = arith.minimumf %min3A, %add3A_718 : vector<16xf32>
        %mul3A_723 = arith.mulf %mul3A_115, %get3A_702 : vector<16xf32>
        %mul3A_724 = arith.mulf %mul3A_123, %get3A_705 : vector<16xf32>
        %add3A_725 = arith.addf %mul3A_723, %mul3A_724 : vector<16xf32>
        %mul3A_726 = arith.mulf %mul3A_131, %get3A_708 : vector<16xf32>
        %add3A_727 = arith.addf %add3A_725, %mul3A_726 : vector<16xf32>
        %add3A_728 = arith.addf %gather3A_136, %add3A_727 : vector<16xf32>
        %add3A_729 = arith.addf %add3A_728, %get3A_711 : vector<16xf32>
        %swap3A_730 = tpu.memref_slice %arg8[%add3A_588] : memref<32768xf32, #tpu.memory_space<vmem>> -> memref<256xf32, #tpu.memory_space<vmem>>
        %swap3A_731 = arith.constant 32 : index
        %swap3A_732 = tpu.vector_load %swap3A_730[%swap3A_731] {strides = array<i32>} : memref<256xf32, #tpu.memory_space<vmem>>, vector<16xf32>,
        tpu.vector_store %swap3A_730[%swap3A_731], %add3A_729 {strides = array<i32>} : memref<256xf32, #tpu.memory_space<vmem>>, vector<16xf32>,
        %min3A_733 = arith.minimumf %min3A_677, %add3A_729 : vector<16xf32>
        %mul3A_734 = arith.mulf %mul3A_153, %get3A_702 : vector<16xf32>
        %mul3A_735 = arith.mulf %mul3A_161, %get3A_705 : vector<16xf32>
        %add3A_736 = arith.addf %mul3A_734, %mul3A_735 : vector<16xf32>
        %mul3A_737 = arith.mulf %mul3A_169, %get3A_708 : vector<16xf32>
        %add3A_738 = arith.addf %add3A_736, %mul3A_737 : vector<16xf32>
        %add3A_739 = arith.addf %gather3A_174, %add3A_738 : vector<16xf32>
        %add3A_740 = arith.addf %add3A_739, %get3A_711 : vector<16xf32>
        %swap3A_741 = tpu.memref_slice %arg8[%add3A_590] : memref<32768xf32, #tpu.memory_space<vmem>> -> memref<256xf32, #tpu.memory_space<vmem>>
        %swap3A_742 = arith.constant 32 : index
        %swap3A_743 = tpu.vector_load %swap3A_741[%swap3A_742] {strides = array<i32>} : memref<256xf32, #tpu.memory_space<vmem>>, vector<16xf32>,
        tpu.vector_store %swap3A_741[%swap3A_742], %add3A_740 {strides = array<i32>} : memref<256xf32, #tpu.memory_space<vmem>>, vector<16xf32>,
        %min3A_744 = arith.minimumf %min3A_688, %add3A_740 : vector<16xf32>
        %mul3A_745 = arith.mulf %mul3A_191, %get3A_702 : vector<16xf32>
        %mul3A_746 = arith.mulf %mul3A_199, %get3A_705 : vector<16xf32>
        %add3A_747 = arith.addf %mul3A_745, %mul3A_746 : vector<16xf32>
        %mul3A_748 = arith.mulf %mul3A_207, %get3A_708 : vector<16xf32>
        %add3A_749 = arith.addf %add3A_747, %mul3A_748 : vector<16xf32>
        %add3A_750 = arith.addf %gather3A_212, %add3A_749 : vector<16xf32>
        %add3A_751 = arith.addf %add3A_750, %get3A_711 : vector<16xf32>
        %swap3A_752 = tpu.memref_slice %arg8[%add3A_592] : memref<32768xf32, #tpu.memory_space<vmem>> -> memref<256xf32, #tpu.memory_space<vmem>>
        %swap3A_753 = arith.constant 32 : index
        %swap3A_754 = tpu.vector_load %swap3A_752[%swap3A_753] {strides = array<i32>} : memref<256xf32, #tpu.memory_space<vmem>>, vector<16xf32>,
        tpu.vector_store %swap3A_752[%swap3A_753], %add3A_751 {strides = array<i32>} : memref<256xf32, #tpu.memory_space<vmem>>, vector<16xf32>,
        %min3A_755 = arith.minimumf %min3A_699, %add3A_751 : vector<16xf32>
        %get3A_756 = tpu.memref_slice %arg4[%mul3A_584] : memref<8192xf32, #tpu.memory_space<vmem>> -> memref<256xf32, #tpu.memory_space<vmem>>
        %get3A_757 = arith.constant 48 : index
        %get3A_758 = tpu.vector_load %get3A_756[%get3A_757] {strides = array<i32>} : memref<256xf32, #tpu.memory_space<vmem>>, vector<16xf32>,
        %get3A_759 = tpu.memref_slice %arg5[%mul3A_584] : memref<8192xf32, #tpu.memory_space<vmem>> -> memref<256xf32, #tpu.memory_space<vmem>>
        %get3A_760 = arith.constant 48 : index
        %get3A_761 = tpu.vector_load %get3A_759[%get3A_760] {strides = array<i32>} : memref<256xf32, #tpu.memory_space<vmem>>, vector<16xf32>,
        %get3A_762 = tpu.memref_slice %arg6[%mul3A_584] : memref<8192xf32, #tpu.memory_space<vmem>> -> memref<256xf32, #tpu.memory_space<vmem>>
        %get3A_763 = arith.constant 48 : index
        %get3A_764 = tpu.vector_load %get3A_762[%get3A_763] {strides = array<i32>} : memref<256xf32, #tpu.memory_space<vmem>>, vector<16xf32>,
        %get3A_765 = tpu.memref_slice %arg7[%mul3A_584] : memref<8192xf32, #tpu.memory_space<vmem>> -> memref<256xf32, #tpu.memory_space<vmem>>
        %get3A_766 = arith.constant 48 : index
        %get3A_767 = tpu.vector_load %get3A_765[%get3A_766] {strides = array<i32>} : memref<256xf32, #tpu.memory_space<vmem>>, vector<16xf32>,
        %mul3A_768 = arith.mulf %mul3A_77, %get3A_758 : vector<16xf32>
        %mul3A_769 = arith.mulf %mul3A_85, %get3A_761 : vector<16xf32>
        %add3A_770 = arith.addf %mul3A_768, %mul3A_769 : vector<16xf32>
        %mul3A_771 = arith.mulf %mul3A_93, %get3A_764 : vector<16xf32>
        %add3A_772 = arith.addf %add3A_770, %mul3A_771 : vector<16xf32>
        %add3A_773 = arith.addf %gather3A_98, %add3A_772 : vector<16xf32>
        %add3A_774 = arith.addf %add3A_773, %get3A_767 : vector<16xf32>
        %swap3A_775 = tpu.memref_slice %arg8[%add3A_586] : memref<32768xf32, #tpu.memory_space<vmem>> -> memref<256xf32, #tpu.memory_space<vmem>>
        %swap3A_776 = arith.constant 48 : index
        %swap3A_777 = tpu.vector_load %swap3A_775[%swap3A_776] {strides = array<i32>} : memref<256xf32, #tpu.memory_space<vmem>>, vector<16xf32>,
        tpu.vector_store %swap3A_775[%swap3A_776], %add3A_774 {strides = array<i32>} : memref<256xf32, #tpu.memory_space<vmem>>, vector<16xf32>,
        %min3A_778 = arith.minimumf %min3A_722, %add3A_774 : vector<16xf32>
        %mul3A_779 = arith.mulf %mul3A_115, %get3A_758 : vector<16xf32>
        %mul3A_780 = arith.mulf %mul3A_123, %get3A_761 : vector<16xf32>
        %add3A_781 = arith.addf %mul3A_779, %mul3A_780 : vector<16xf32>
        %mul3A_782 = arith.mulf %mul3A_131, %get3A_764 : vector<16xf32>
        %add3A_783 = arith.addf %add3A_781, %mul3A_782 : vector<16xf32>
        %add3A_784 = arith.addf %gather3A_136, %add3A_783 : vector<16xf32>
        %add3A_785 = arith.addf %add3A_784, %get3A_767 : vector<16xf32>
        %swap3A_786 = tpu.memref_slice %arg8[%add3A_588] : memref<32768xf32, #tpu.memory_space<vmem>> -> memref<256xf32, #tpu.memory_space<vmem>>
        %swap3A_787 = arith.constant 48 : index
        %swap3A_788 = tpu.vector_load %swap3A_786[%swap3A_787] {strides = array<i32>} : memref<256xf32, #tpu.memory_space<vmem>>, vector<16xf32>,
        tpu.vector_store %swap3A_786[%swap3A_787], %add3A_785 {strides = array<i32>} : memref<256xf32, #tpu.memory_space<vmem>>, vector<16xf32>,
        %min3A_789 = arith.minimumf %min3A_733, %add3A_785 : vector<16xf32>
        %mul3A_790 = arith.mulf %mul3A_153, %get3A_758 : vector<16xf32>
        %mul3A_791 = arith.mulf %mul3A_161, %get3A_761 : vector<16xf32>
        %add3A_792 = arith.addf %mul3A_790, %mul3A_791 : vector<16xf32>
        %mul3A_793 = arith.mulf %mul3A_169, %get3A_764 : vector<16xf32>
        %add3A_794 = arith.addf %add3A_792, %mul3A_793 : vector<16xf32>
        %add3A_795 = arith.addf %gather3A_174, %add3A_794 : vector<16xf32>
        %add3A_796 = arith.addf %add3A_795, %get3A_767 : vector<16xf32>
        %swap3A_797 = tpu.memref_slice %arg8[%add3A_590] : memref<32768xf32, #tpu.memory_space<vmem>> -> memref<256xf32, #tpu.memory_space<vmem>>
        %swap3A_798 = arith.constant 48 : index
        %swap3A_799 = tpu.vector_load %swap3A_797[%swap3A_798] {strides = array<i32>} : memref<256xf32, #tpu.memory_space<vmem>>, vector<16xf32>,
        tpu.vector_store %swap3A_797[%swap3A_798], %add3A_796 {strides = array<i32>} : memref<256xf32, #tpu.memory_space<vmem>>, vector<16xf32>,
        %min3A_800 = arith.minimumf %min3A_744, %add3A_796 : vector<16xf32>
        %mul3A_801 = arith.mulf %mul3A_191, %get3A_758 : vector<16xf32>
        %mul3A_802 = arith.mulf %mul3A_199, %get3A_761 : vector<16xf32>
        %add3A_803 = arith.addf %mul3A_801, %mul3A_802 : vector<16xf32>
        %mul3A_804 = arith.mulf %mul3A_207, %get3A_764 : vector<16xf32>
        %add3A_805 = arith.addf %add3A_803, %mul3A_804 : vector<16xf32>
        %add3A_806 = arith.addf %gather3A_212, %add3A_805 : vector<16xf32>
        %add3A_807 = arith.addf %add3A_806, %get3A_767 : vector<16xf32>
        %swap3A_808 = tpu.memref_slice %arg8[%add3A_592] : memref<32768xf32, #tpu.memory_space<vmem>> -> memref<256xf32, #tpu.memory_space<vmem>>
        %swap3A_809 = arith.constant 48 : index
        %swap3A_810 = tpu.vector_load %swap3A_808[%swap3A_809] {strides = array<i32>} : memref<256xf32, #tpu.memory_space<vmem>>, vector<16xf32>,
        tpu.vector_store %swap3A_808[%swap3A_809], %add3A_807 {strides = array<i32>} : memref<256xf32, #tpu.memory_space<vmem>>, vector<16xf32>,
        %min3A_811 = arith.minimumf %min3A_755, %add3A_807 : vector<16xf32>
        %get3A_812 = tpu.memref_slice %arg4[%mul3A_584] : memref<8192xf32, #tpu.memory_space<vmem>> -> memref<256xf32, #tpu.memory_space<vmem>>
        %get3A_813 = arith.constant 64 : index
        %get3A_814 = tpu.vector_load %get3A_812[%get3A_813] {strides = array<i32>} : memref<256xf32, #tpu.memory_space<vmem>>, vector<16xf32>,
        %get3A_815 = tpu.memref_slice %arg5[%mul3A_584] : memref<8192xf32, #tpu.memory_space<vmem>> -> memref<256xf32, #tpu.memory_space<vmem>>
        %get3A_816 = arith.constant 64 : index
        %get3A_817 = tpu.vector_load %get3A_815[%get3A_816] {strides = array<i32>} : memref<256xf32, #tpu.memory_space<vmem>>, vector<16xf32>,
        %get3A_818 = tpu.memref_slice %arg6[%mul3A_584] : memref<8192xf32, #tpu.memory_space<vmem>> -> memref<256xf32, #tpu.memory_space<vmem>>
        %get3A_819 = arith.constant 64 : index
        %get3A_820 = tpu.vector_load %get3A_818[%get3A_819] {strides = array<i32>} : memref<256xf32, #tpu.memory_space<vmem>>, vector<16xf32>,
        %get3A_821 = tpu.memref_slice %arg7[%mul3A_584] : memref<8192xf32, #tpu.memory_space<vmem>> -> memref<256xf32, #tpu.memory_space<vmem>>
        %get3A_822 = arith.constant 64 : index
        %get3A_823 = tpu.vector_load %get3A_821[%get3A_822] {strides = array<i32>} : memref<256xf32, #tpu.memory_space<vmem>>, vector<16xf32>,
        %mul3A_824 = arith.mulf %mul3A_77, %get3A_814 : vector<16xf32>
        %mul3A_825 = arith.mulf %mul3A_85, %get3A_817 : vector<16xf32>
        %add3A_826 = arith.addf %mul3A_824, %mul3A_825 : vector<16xf32>
        %mul3A_827 = arith.mulf %mul3A_93, %get3A_820 : vector<16xf32>
        %add3A_828 = arith.addf %add3A_826, %mul3A_827 : vector<16xf32>
        %add3A_829 = arith.addf %gather3A_98, %add3A_828 : vector<16xf32>
        %add3A_830 = arith.addf %add3A_829, %get3A_823 : vector<16xf32>
        %swap3A_831 = tpu.memref_slice %arg8[%add3A_586] : memref<32768xf32, #tpu.memory_space<vmem>> -> memref<256xf32, #tpu.memory_space<vmem>>
        %swap3A_832 = arith.constant 64 : index
        %swap3A_833 = tpu.vector_load %swap3A_831[%swap3A_832] {strides = array<i32>} : memref<256xf32, #tpu.memory_space<vmem>>, vector<16xf32>,
        tpu.vector_store %swap3A_831[%swap3A_832], %add3A_830 {strides = array<i32>} : memref<256xf32, #tpu.memory_space<vmem>>, vector<16xf32>,
        %min3A_834 = arith.minimumf %min3A_778, %add3A_830 : vector<16xf32>
        %mul3A_835 = arith.mulf %mul3A_115, %get3A_814 : vector<16xf32>
        %mul3A_836 = arith.mulf %mul3A_123, %get3A_817 : vector<16xf32>
        %add3A_837 = arith.addf %mul3A_835, %mul3A_836 : vector<16xf32>
        %mul3A_838 = arith.mulf %mul3A_131, %get3A_820 : vector<16xf32>
        %add3A_839 = arith.addf %add3A_837, %mul3A_838 : vector<16xf32>
        %add3A_840 = arith.addf %gather3A_136, %add3A_839 : vector<16xf32>
        %add3A_841 = arith.addf %add3A_840, %get3A_823 : vector<16xf32>
        %swap3A_842 = tpu.memref_slice %arg8[%add3A_588] : memref<32768xf32, #tpu.memory_space<vmem>> -> memref<256xf32, #tpu.memory_space<vmem>>
        %swap3A_843 = arith.constant 64 : index
        %swap3A_844 = tpu.vector_load %swap3A_842[%swap3A_843] {strides = array<i32>} : memref<256xf32, #tpu.memory_space<vmem>>, vector<16xf32>,
        tpu.vector_store %swap3A_842[%swap3A_843], %add3A_841 {strides = array<i32>} : memref<256xf32, #tpu.memory_space<vmem>>, vector<16xf32>,
        %min3A_845 = arith.minimumf %min3A_789, %add3A_841 : vector<16xf32>
        %mul3A_846 = arith.mulf %mul3A_153, %get3A_814 : vector<16xf32>
        %mul3A_847 = arith.mulf %mul3A_161, %get3A_817 : vector<16xf32>
        %add3A_848 = arith.addf %mul3A_846, %mul3A_847 : vector<16xf32>
        %mul3A_849 = arith.mulf %mul3A_169, %get3A_820 : vector<16xf32>
        %add3A_850 = arith.addf %add3A_848, %mul3A_849 : vector<16xf32>
        %add3A_851 = arith.addf %gather3A_174, %add3A_850 : vector<16xf32>
        %add3A_852 = arith.addf %add3A_851, %get3A_823 : vector<16xf32>
        %swap3A_853 = tpu.memref_slice %arg8[%add3A_590] : memref<32768xf32, #tpu.memory_space<vmem>> -> memref<256xf32, #tpu.memory_space<vmem>>
        %swap3A_854 = arith.constant 64 : index
        %swap3A_855 = tpu.vector_load %swap3A_853[%swap3A_854] {strides = array<i32>} : memref<256xf32, #tpu.memory_space<vmem>>, vector<16xf32>,
        tpu.vector_store %swap3A_853[%swap3A_854], %add3A_852 {strides = array<i32>} : memref<256xf32, #tpu.memory_space<vmem>>, vector<16xf32>,
        %min3A_856 = arith.minimumf %min3A_800, %add3A_852 : vector<16xf32>
        %mul3A_857 = arith.mulf %mul3A_191, %get3A_814 : vector<16xf32>
        %mul3A_858 = arith.mulf %mul3A_199, %get3A_817 : vector<16xf32>
        %add3A_859 = arith.addf %mul3A_857, %mul3A_858 : vector<16xf32>
        %mul3A_860 = arith.mulf %mul3A_207, %get3A_820 : vector<16xf32>
        %add3A_861 = arith.addf %add3A_859, %mul3A_860 : vector<16xf32>
        %add3A_862 = arith.addf %gather3A_212, %add3A_861 : vector<16xf32>
        %add3A_863 = arith.addf %add3A_862, %get3A_823 : vector<16xf32>
        %swap3A_864 = tpu.memref_slice %arg8[%add3A_592] : memref<32768xf32, #tpu.memory_space<vmem>> -> memref<256xf32, #tpu.memory_space<vmem>>
        %swap3A_865 = arith.constant 64 : index
        %swap3A_866 = tpu.vector_load %swap3A_864[%swap3A_865] {strides = array<i32>} : memref<256xf32, #tpu.memory_space<vmem>>, vector<16xf32>,
        tpu.vector_store %swap3A_864[%swap3A_865], %add3A_863 {strides = array<i32>} : memref<256xf32, #tpu.memory_space<vmem>>, vector<16xf32>,
        %min3A_867 = arith.minimumf %min3A_811, %add3A_863 : vector<16xf32>
        %get3A_868 = tpu.memref_slice %arg4[%mul3A_584] : memref<8192xf32, #tpu.memory_space<vmem>> -> memref<256xf32, #tpu.memory_space<vmem>>
        %get3A_869 = arith.constant 80 : index
        %get3A_870 = tpu.vector_load %get3A_868[%get3A_869] {strides = array<i32>} : memref<256xf32, #tpu.memory_space<vmem>>, vector<16xf32>,
        %get3A_871 = tpu.memref_slice %arg5[%mul3A_584] : memref<8192xf32, #tpu.memory_space<vmem>> -> memref<256xf32, #tpu.memory_space<vmem>>
        %get3A_872 = arith.constant 80 : index
        %get3A_873 = tpu.vector_load %get3A_871[%get3A_872] {strides = array<i32>} : memref<256xf32, #tpu.memory_space<vmem>>, vector<16xf32>,
        %get3A_874 = tpu.memref_slice %arg6[%mul3A_584] : memref<8192xf32, #tpu.memory_space<vmem>> -> memref<256xf32, #tpu.memory_space<vmem>>
        %get3A_875 = arith.constant 80 : index
        %get3A_876 = tpu.vector_load %get3A_874[%get3A_875] {strides = array<i32>} : memref<256xf32, #tpu.memory_space<vmem>>, vector<16xf32>,
        %get3A_877 = tpu.memref_slice %arg7[%mul3A_584] : memref<8192xf32, #tpu.memory_space<vmem>> -> memref<256xf32, #tpu.memory_space<vmem>>
        %get3A_878 = arith.constant 80 : index
        %get3A_879 = tpu.vector_load %get3A_877[%get3A_878] {strides = array<i32>} : memref<256xf32, #tpu.memory_space<vmem>>, vector<16xf32>,
        %mul3A_880 = arith.mulf %mul3A_77, %get3A_870 : vector<16xf32>
        %mul3A_881 = arith.mulf %mul3A_85, %get3A_873 : vector<16xf32>
        %add3A_882 = arith.addf %mul3A_880, %mul3A_881 : vector<16xf32>
        %mul3A_883 = arith.mulf %mul3A_93, %get3A_876 : vector<16xf32>
        %add3A_884 = arith.addf %add3A_882, %mul3A_883 : vector<16xf32>
        %add3A_885 = arith.addf %gather3A_98, %add3A_884 : vector<16xf32>
        %add3A_886 = arith.addf %add3A_885, %get3A_879 : vector<16xf32>
        %swap3A_887 = tpu.memref_slice %arg8[%add3A_586] : memref<32768xf32, #tpu.memory_space<vmem>> -> memref<256xf32, #tpu.memory_space<vmem>>
        %swap3A_888 = arith.constant 80 : index
        %swap3A_889 = tpu.vector_load %swap3A_887[%swap3A_888] {strides = array<i32>} : memref<256xf32, #tpu.memory_space<vmem>>, vector<16xf32>,
        tpu.vector_store %swap3A_887[%swap3A_888], %add3A_886 {strides = array<i32>} : memref<256xf32, #tpu.memory_space<vmem>>, vector<16xf32>,
        %min3A_890 = arith.minimumf %min3A_834, %add3A_886 : vector<16xf32>
        %mul3A_891 = arith.mulf %mul3A_115, %get3A_870 : vector<16xf32>
        %mul3A_892 = arith.mulf %mul3A_123, %get3A_873 : vector<16xf32>
        %add3A_893 = arith.addf %mul3A_891, %mul3A_892 : vector<16xf32>
        %mul3A_894 = arith.mulf %mul3A_131, %get3A_876 : vector<16xf32>
        %add3A_895 = arith.addf %add3A_893, %mul3A_894 : vector<16xf32>
        %add3A_896 = arith.addf %gather3A_136, %add3A_895 : vector<16xf32>
        %add3A_897 = arith.addf %add3A_896, %get3A_879 : vector<16xf32>
        %swap3A_898 = tpu.memref_slice %arg8[%add3A_588] : memref<32768xf32, #tpu.memory_space<vmem>> -> memref<256xf32, #tpu.memory_space<vmem>>
        %swap3A_899 = arith.constant 80 : index
        %swap3A_900 = tpu.vector_load %swap3A_898[%swap3A_899] {strides = array<i32>} : memref<256xf32, #tpu.memory_space<vmem>>, vector<16xf32>,
        tpu.vector_store %swap3A_898[%swap3A_899], %add3A_897 {strides = array<i32>} : memref<256xf32, #tpu.memory_space<vmem>>, vector<16xf32>,
        %min3A_901 = arith.minimumf %min3A_845, %add3A_897 : vector<16xf32>
        %mul3A_902 = arith.mulf %mul3A_153, %get3A_870 : vector<16xf32>
        %mul3A_903 = arith.mulf %mul3A_161, %get3A_873 : vector<16xf32>
        %add3A_904 = arith.addf %mul3A_902, %mul3A_903 : vector<16xf32>
        %mul3A_905 = arith.mulf %mul3A_169, %get3A_876 : vector<16xf32>
        %add3A_906 = arith.addf %add3A_904, %mul3A_905 : vector<16xf32>
        %add3A_907 = arith.addf %gather3A_174, %add3A_906 : vector<16xf32>
        %add3A_908 = arith.addf %add3A_907, %get3A_879 : vector<16xf32>
        %swap3A_909 = tpu.memref_slice %arg8[%add3A_590] : memref<32768xf32, #tpu.memory_space<vmem>> -> memref<256xf32, #tpu.memory_space<vmem>>
        %swap3A_910 = arith.constant 80 : index
        %swap3A_911 = tpu.vector_load %swap3A_909[%swap3A_910] {strides = array<i32>} : memref<256xf32, #tpu.memory_space<vmem>>, vector<16xf32>,
        tpu.vector_store %swap3A_909[%swap3A_910], %add3A_908 {strides = array<i32>} : memref<256xf32, #tpu.memory_space<vmem>>, vector<16xf32>,
        %min3A_912 = arith.minimumf %min3A_856, %add3A_908 : vector<16xf32>
        %mul3A_913 = arith.mulf %mul3A_191, %get3A_870 : vector<16xf32>
        %mul3A_914 = arith.mulf %mul3A_199, %get3A_873 : vector<16xf32>
        %add3A_915 = arith.addf %mul3A_913, %mul3A_914 : vector<16xf32>
        %mul3A_916 = arith.mulf %mul3A_207, %get3A_876 : vector<16xf32>
        %add3A_917 = arith.addf %add3A_915, %mul3A_916 : vector<16xf32>
        %add3A_918 = arith.addf %gather3A_212, %add3A_917 : vector<16xf32>
        %add3A_919 = arith.addf %add3A_918, %get3A_879 : vector<16xf32>
        %swap3A_920 = tpu.memref_slice %arg8[%add3A_592] : memref<32768xf32, #tpu.memory_space<vmem>> -> memref<256xf32, #tpu.memory_space<vmem>>
        %swap3A_921 = arith.constant 80 : index
        %swap3A_922 = tpu.vector_load %swap3A_920[%swap3A_921] {strides = array<i32>} : memref<256xf32, #tpu.memory_space<vmem>>, vector<16xf32>,
        tpu.vector_store %swap3A_920[%swap3A_921], %add3A_919 {strides = array<i32>} : memref<256xf32, #tpu.memory_space<vmem>>, vector<16xf32>,
        %min3A_923 = arith.minimumf %min3A_867, %add3A_919 : vector<16xf32>
        %get3A_924 = tpu.memref_slice %arg4[%mul3A_584] : memref<8192xf32, #tpu.memory_space<vmem>> -> memref<256xf32, #tpu.memory_space<vmem>>
        %get3A_925 = arith.constant 96 : index
        %get3A_926 = tpu.vector_load %get3A_924[%get3A_925] {strides = array<i32>} : memref<256xf32, #tpu.memory_space<vmem>>, vector<16xf32>,
        %get3A_927 = tpu.memref_slice %arg5[%mul3A_584] : memref<8192xf32, #tpu.memory_space<vmem>> -> memref<256xf32, #tpu.memory_space<vmem>>
        %get3A_928 = arith.constant 96 : index
        %get3A_929 = tpu.vector_load %get3A_927[%get3A_928] {strides = array<i32>} : memref<256xf32, #tpu.memory_space<vmem>>, vector<16xf32>,
        %get3A_930 = tpu.memref_slice %arg6[%mul3A_584] : memref<8192xf32, #tpu.memory_space<vmem>> -> memref<256xf32, #tpu.memory_space<vmem>>
        %get3A_931 = arith.constant 96 : index
        %get3A_932 = tpu.vector_load %get3A_930[%get3A_931] {strides = array<i32>} : memref<256xf32, #tpu.memory_space<vmem>>, vector<16xf32>,
        %get3A_933 = tpu.memref_slice %arg7[%mul3A_584] : memref<8192xf32, #tpu.memory_space<vmem>> -> memref<256xf32, #tpu.memory_space<vmem>>
        %get3A_934 = arith.constant 96 : index
        %get3A_935 = tpu.vector_load %get3A_933[%get3A_934] {strides = array<i32>} : memref<256xf32, #tpu.memory_space<vmem>>, vector<16xf32>,
        %mul3A_936 = arith.mulf %mul3A_77, %get3A_926 : vector<16xf32>
        %mul3A_937 = arith.mulf %mul3A_85, %get3A_929 : vector<16xf32>
        %add3A_938 = arith.addf %mul3A_936, %mul3A_937 : vector<16xf32>
        %mul3A_939 = arith.mulf %mul3A_93, %get3A_932 : vector<16xf32>
        %add3A_940 = arith.addf %add3A_938, %mul3A_939 : vector<16xf32>
        %add3A_941 = arith.addf %gather3A_98, %add3A_940 : vector<16xf32>
        %add3A_942 = arith.addf %add3A_941, %get3A_935 : vector<16xf32>
        %swap3A_943 = tpu.memref_slice %arg8[%add3A_586] : memref<32768xf32, #tpu.memory_space<vmem>> -> memref<256xf32, #tpu.memory_space<vmem>>
        %swap3A_944 = arith.constant 96 : index
        %swap3A_945 = tpu.vector_load %swap3A_943[%swap3A_944] {strides = array<i32>} : memref<256xf32, #tpu.memory_space<vmem>>, vector<16xf32>,
        tpu.vector_store %swap3A_943[%swap3A_944], %add3A_942 {strides = array<i32>} : memref<256xf32, #tpu.memory_space<vmem>>, vector<16xf32>,
        %min3A_946 = arith.minimumf %min3A_890, %add3A_942 : vector<16xf32>
        %mul3A_947 = arith.mulf %mul3A_115, %get3A_926 : vector<16xf32>
        %mul3A_948 = arith.mulf %mul3A_123, %get3A_929 : vector<16xf32>
        %add3A_949 = arith.addf %mul3A_947, %mul3A_948 : vector<16xf32>
        %mul3A_950 = arith.mulf %mul3A_131, %get3A_932 : vector<16xf32>
        %add3A_951 = arith.addf %add3A_949, %mul3A_950 : vector<16xf32>
        %add3A_952 = arith.addf %gather3A_136, %add3A_951 : vector<16xf32>
        %add3A_953 = arith.addf %add3A_952, %get3A_935 : vector<16xf32>
        %swap3A_954 = tpu.memref_slice %arg8[%add3A_588] : memref<32768xf32, #tpu.memory_space<vmem>> -> memref<256xf32, #tpu.memory_space<vmem>>
        %swap3A_955 = arith.constant 96 : index
        %swap3A_956 = tpu.vector_load %swap3A_954[%swap3A_955] {strides = array<i32>} : memref<256xf32, #tpu.memory_space<vmem>>, vector<16xf32>,
        tpu.vector_store %swap3A_954[%swap3A_955], %add3A_953 {strides = array<i32>} : memref<256xf32, #tpu.memory_space<vmem>>, vector<16xf32>,
        %min3A_957 = arith.minimumf %min3A_901, %add3A_953 : vector<16xf32>
        %mul3A_958 = arith.mulf %mul3A_153, %get3A_926 : vector<16xf32>
        %mul3A_959 = arith.mulf %mul3A_161, %get3A_929 : vector<16xf32>
        %add3A_960 = arith.addf %mul3A_958, %mul3A_959 : vector<16xf32>
        %mul3A_961 = arith.mulf %mul3A_169, %get3A_932 : vector<16xf32>
        %add3A_962 = arith.addf %add3A_960, %mul3A_961 : vector<16xf32>
        %add3A_963 = arith.addf %gather3A_174, %add3A_962 : vector<16xf32>
        %add3A_964 = arith.addf %add3A_963, %get3A_935 : vector<16xf32>
        %swap3A_965 = tpu.memref_slice %arg8[%add3A_590] : memref<32768xf32, #tpu.memory_space<vmem>> -> memref<256xf32, #tpu.memory_space<vmem>>
        %swap3A_966 = arith.constant 96 : index
        %swap3A_967 = tpu.vector_load %swap3A_965[%swap3A_966] {strides = array<i32>} : memref<256xf32, #tpu.memory_space<vmem>>, vector<16xf32>,
        tpu.vector_store %swap3A_965[%swap3A_966], %add3A_964 {strides = array<i32>} : memref<256xf32, #tpu.memory_space<vmem>>, vector<16xf32>,
        %min3A_968 = arith.minimumf %min3A_912, %add3A_964 : vector<16xf32>
        %mul3A_969 = arith.mulf %mul3A_191, %get3A_926 : vector<16xf32>
        %mul3A_970 = arith.mulf %mul3A_199, %get3A_929 : vector<16xf32>
        %add3A_971 = arith.addf %mul3A_969, %mul3A_970 : vector<16xf32>
        %mul3A_972 = arith.mulf %mul3A_207, %get3A_932 : vector<16xf32>
        %add3A_973 = arith.addf %add3A_971, %mul3A_972 : vector<16xf32>
        %add3A_974 = arith.addf %gather3A_212, %add3A_973 : vector<16xf32>
        %add3A_975 = arith.addf %add3A_974, %get3A_935 : vector<16xf32>
        %swap3A_976 = tpu.memref_slice %arg8[%add3A_592] : memref<32768xf32, #tpu.memory_space<vmem>> -> memref<256xf32, #tpu.memory_space<vmem>>
        %swap3A_977 = arith.constant 96 : index
        %swap3A_978 = tpu.vector_load %swap3A_976[%swap3A_977] {strides = array<i32>} : memref<256xf32, #tpu.memory_space<vmem>>, vector<16xf32>,
        tpu.vector_store %swap3A_976[%swap3A_977], %add3A_975 {strides = array<i32>} : memref<256xf32, #tpu.memory_space<vmem>>, vector<16xf32>,
        %min3A_979 = arith.minimumf %min3A_923, %add3A_975 : vector<16xf32>
        %get3A_980 = tpu.memref_slice %arg4[%mul3A_584] : memref<8192xf32, #tpu.memory_space<vmem>> -> memref<256xf32, #tpu.memory_space<vmem>>
        %get3A_981 = arith.constant 112 : index
        %get3A_982 = tpu.vector_load %get3A_980[%get3A_981] {strides = array<i32>} : memref<256xf32, #tpu.memory_space<vmem>>, vector<16xf32>,
        %get3A_983 = tpu.memref_slice %arg5[%mul3A_584] : memref<8192xf32, #tpu.memory_space<vmem>> -> memref<256xf32, #tpu.memory_space<vmem>>
        %get3A_984 = arith.constant 112 : index
        %get3A_985 = tpu.vector_load %get3A_983[%get3A_984] {strides = array<i32>} : memref<256xf32, #tpu.memory_space<vmem>>, vector<16xf32>,
        %get3A_986 = tpu.memref_slice %arg6[%mul3A_584] : memref<8192xf32, #tpu.memory_space<vmem>> -> memref<256xf32, #tpu.memory_space<vmem>>
        %get3A_987 = arith.constant 112 : index
        %get3A_988 = tpu.vector_load %get3A_986[%get3A_987] {strides = array<i32>} : memref<256xf32, #tpu.memory_space<vmem>>, vector<16xf32>,
        %get3A_989 = tpu.memref_slice %arg7[%mul3A_584] : memref<8192xf32, #tpu.memory_space<vmem>> -> memref<256xf32, #tpu.memory_space<vmem>>
        %get3A_990 = arith.constant 112 : index
        %get3A_991 = tpu.vector_load %get3A_989[%get3A_990] {strides = array<i32>} : memref<256xf32, #tpu.memory_space<vmem>>, vector<16xf32>,
        %mul3A_992 = arith.mulf %mul3A_77, %get3A_982 : vector<16xf32>
        %mul3A_993 = arith.mulf %mul3A_85, %get3A_985 : vector<16xf32>
        %add3A_994 = arith.addf %mul3A_992, %mul3A_993 : vector<16xf32>
        %mul3A_995 = arith.mulf %mul3A_93, %get3A_988 : vector<16xf32>
        %add3A_996 = arith.addf %add3A_994, %mul3A_995 : vector<16xf32>
        %add3A_997 = arith.addf %gather3A_98, %add3A_996 : vector<16xf32>
        %add3A_998 = arith.addf %add3A_997, %get3A_991 : vector<16xf32>
        %swap3A_999 = tpu.memref_slice %arg8[%add3A_586] : memref<32768xf32, #tpu.memory_space<vmem>> -> memref<256xf32, #tpu.memory_space<vmem>>
        %swap3A_1000 = arith.constant 112 : index
        %swap3A_1001 = tpu.vector_load %swap3A_999[%swap3A_1000] {strides = array<i32>} : memref<256xf32, #tpu.memory_space<vmem>>, vector<16xf32>,
        tpu.vector_store %swap3A_999[%swap3A_1000], %add3A_998 {strides = array<i32>} : memref<256xf32, #tpu.memory_space<vmem>>, vector<16xf32>,
        %min3A_1002 = arith.minimumf %min3A_946, %add3A_998 : vector<16xf32>
        %mul3A_1003 = arith.mulf %mul3A_115, %get3A_982 : vector<16xf32>
        %mul3A_1004 = arith.mulf %mul3A_123, %get3A_985 : vector<16xf32>
        %add3A_1005 = arith.addf %mul3A_1003, %mul3A_1004 : vector<16xf32>
        %mul3A_1006 = arith.mulf %mul3A_131, %get3A_988 : vector<16xf32>
        %add3A_1007 = arith.addf %add3A_1005, %mul3A_1006 : vector<16xf32>
        %add3A_1008 = arith.addf %gather3A_136, %add3A_1007 : vector<16xf32>
        %add3A_1009 = arith.addf %add3A_1008, %get3A_991 : vector<16xf32>
        %swap3A_1010 = tpu.memref_slice %arg8[%add3A_588] : memref<32768xf32, #tpu.memory_space<vmem>> -> memref<256xf32, #tpu.memory_space<vmem>>
        %swap3A_1011 = arith.constant 112 : index
        %swap3A_1012 = tpu.vector_load %swap3A_1010[%swap3A_1011] {strides = array<i32>} : memref<256xf32, #tpu.memory_space<vmem>>, vector<16xf32>,
        tpu.vector_store %swap3A_1010[%swap3A_1011], %add3A_1009 {strides = array<i32>} : memref<256xf32, #tpu.memory_space<vmem>>, vector<16xf32>,
        %min3A_1013 = arith.minimumf %min3A_957, %add3A_1009 : vector<16xf32>
        %mul3A_1014 = arith.mulf %mul3A_153, %get3A_982 : vector<16xf32>
        %mul3A_1015 = arith.mulf %mul3A_161, %get3A_985 : vector<16xf32>
        %add3A_1016 = arith.addf %mul3A_1014, %mul3A_1015 : vector<16xf32>
        %mul3A_1017 = arith.mulf %mul3A_169, %get3A_988 : vector<16xf32>
        %add3A_1018 = arith.addf %add3A_1016, %mul3A_1017 : vector<16xf32>
        %add3A_1019 = arith.addf %gather3A_174, %add3A_1018 : vector<16xf32>
        %add3A_1020 = arith.addf %add3A_1019, %get3A_991 : vector<16xf32>
        %swap3A_1021 = tpu.memref_slice %arg8[%add3A_590] : memref<32768xf32, #tpu.memory_space<vmem>> -> memref<256xf32, #tpu.memory_space<vmem>>
        %swap3A_1022 = arith.constant 112 : index
        %swap3A_1023 = tpu.vector_load %swap3A_1021[%swap3A_1022] {strides = array<i32>} : memref<256xf32, #tpu.memory_space<vmem>>, vector<16xf32>,
        tpu.vector_store %swap3A_1021[%swap3A_1022], %add3A_1020 {strides = array<i32>} : memref<256xf32, #tpu.memory_space<vmem>>, vector<16xf32>,
        %min3A_1024 = arith.minimumf %min3A_968, %add3A_1020 : vector<16xf32>
        %mul3A_1025 = arith.mulf %mul3A_191, %get3A_982 : vector<16xf32>
        %mul3A_1026 = arith.mulf %mul3A_199, %get3A_985 : vector<16xf32>
        %add3A_1027 = arith.addf %mul3A_1025, %mul3A_1026 : vector<16xf32>
        %mul3A_1028 = arith.mulf %mul3A_207, %get3A_988 : vector<16xf32>
        %add3A_1029 = arith.addf %add3A_1027, %mul3A_1028 : vector<16xf32>
        %add3A_1030 = arith.addf %gather3A_212, %add3A_1029 : vector<16xf32>
        %add3A_1031 = arith.addf %add3A_1030, %get3A_991 : vector<16xf32>
        %swap3A_1032 = tpu.memref_slice %arg8[%add3A_592] : memref<32768xf32, #tpu.memory_space<vmem>> -> memref<256xf32, #tpu.memory_space<vmem>>
        %swap3A_1033 = arith.constant 112 : index
        %swap3A_1034 = tpu.vector_load %swap3A_1032[%swap3A_1033] {strides = array<i32>} : memref<256xf32, #tpu.memory_space<vmem>>, vector<16xf32>,
        tpu.vector_store %swap3A_1032[%swap3A_1033], %add3A_1031 {strides = array<i32>} : memref<256xf32, #tpu.memory_space<vmem>>, vector<16xf32>,
        %min3A_1035 = arith.minimumf %min3A_979, %add3A_1031 : vector<16xf32>
        %get3A_1036 = tpu.memref_slice %arg4[%mul3A_584] : memref<8192xf32, #tpu.memory_space<vmem>> -> memref<256xf32, #tpu.memory_space<vmem>>
        %get3A_1037 = arith.constant 128 : index
        %get3A_1038 = tpu.vector_load %get3A_1036[%get3A_1037] {strides = array<i32>} : memref<256xf32, #tpu.memory_space<vmem>>, vector<16xf32>,
        %get3A_1039 = tpu.memref_slice %arg5[%mul3A_584] : memref<8192xf32, #tpu.memory_space<vmem>> -> memref<256xf32, #tpu.memory_space<vmem>>
        %get3A_1040 = arith.constant 128 : index
        %get3A_1041 = tpu.vector_load %get3A_1039[%get3A_1040] {strides = array<i32>} : memref<256xf32, #tpu.memory_space<vmem>>, vector<16xf32>,
        %get3A_1042 = tpu.memref_slice %arg6[%mul3A_584] : memref<8192xf32, #tpu.memory_space<vmem>> -> memref<256xf32, #tpu.memory_space<vmem>>
        %get3A_1043 = arith.constant 128 : index
        %get3A_1044 = tpu.vector_load %get3A_1042[%get3A_1043] {strides = array<i32>} : memref<256xf32, #tpu.memory_space<vmem>>, vector<16xf32>,
        %get3A_1045 = tpu.memref_slice %arg7[%mul3A_584] : memref<8192xf32, #tpu.memory_space<vmem>> -> memref<256xf32, #tpu.memory_space<vmem>>
        %get3A_1046 = arith.constant 128 : index
        %get3A_1047 = tpu.vector_load %get3A_1045[%get3A_1046] {strides = array<i32>} : memref<256xf32, #tpu.memory_space<vmem>>, vector<16xf32>,
        %mul3A_1048 = arith.mulf %mul3A_77, %get3A_1038 : vector<16xf32>
        %mul3A_1049 = arith.mulf %mul3A_85, %get3A_1041 : vector<16xf32>
        %add3A_1050 = arith.addf %mul3A_1048, %mul3A_1049 : vector<16xf32>
        %mul3A_1051 = arith.mulf %mul3A_93, %get3A_1044 : vector<16xf32>
        %add3A_1052 = arith.addf %add3A_1050, %mul3A_1051 : vector<16xf32>
        %add3A_1053 = arith.addf %gather3A_98, %add3A_1052 : vector<16xf32>
        %add3A_1054 = arith.addf %add3A_1053, %get3A_1047 : vector<16xf32>
        %swap3A_1055 = tpu.memref_slice %arg8[%add3A_586] : memref<32768xf32, #tpu.memory_space<vmem>> -> memref<256xf32, #tpu.memory_space<vmem>>
        %swap3A_1056 = arith.constant 128 : index
        %swap3A_1057 = tpu.vector_load %swap3A_1055[%swap3A_1056] {strides = array<i32>} : memref<256xf32, #tpu.memory_space<vmem>>, vector<16xf32>,
        tpu.vector_store %swap3A_1055[%swap3A_1056], %add3A_1054 {strides = array<i32>} : memref<256xf32, #tpu.memory_space<vmem>>, vector<16xf32>,
        %min3A_1058 = arith.minimumf %min3A_1002, %add3A_1054 : vector<16xf32>
        %mul3A_1059 = arith.mulf %mul3A_115, %get3A_1038 : vector<16xf32>
        %mul3A_1060 = arith.mulf %mul3A_123, %get3A_1041 : vector<16xf32>
        %add3A_1061 = arith.addf %mul3A_1059, %mul3A_1060 : vector<16xf32>
        %mul3A_1062 = arith.mulf %mul3A_131, %get3A_1044 : vector<16xf32>
        %add3A_1063 = arith.addf %add3A_1061, %mul3A_1062 : vector<16xf32>
        %add3A_1064 = arith.addf %gather3A_136, %add3A_1063 : vector<16xf32>
        %add3A_1065 = arith.addf %add3A_1064, %get3A_1047 : vector<16xf32>
        %swap3A_1066 = tpu.memref_slice %arg8[%add3A_588] : memref<32768xf32, #tpu.memory_space<vmem>> -> memref<256xf32, #tpu.memory_space<vmem>>
        %swap3A_1067 = arith.constant 128 : index
        %swap3A_1068 = tpu.vector_load %swap3A_1066[%swap3A_1067] {strides = array<i32>} : memref<256xf32, #tpu.memory_space<vmem>>, vector<16xf32>,
        tpu.vector_store %swap3A_1066[%swap3A_1067], %add3A_1065 {strides = array<i32>} : memref<256xf32, #tpu.memory_space<vmem>>, vector<16xf32>,
        %min3A_1069 = arith.minimumf %min3A_1013, %add3A_1065 : vector<16xf32>
        %mul3A_1070 = arith.mulf %mul3A_153, %get3A_1038 : vector<16xf32>
        %mul3A_1071 = arith.mulf %mul3A_161, %get3A_1041 : vector<16xf32>
        %add3A_1072 = arith.addf %mul3A_1070, %mul3A_1071 : vector<16xf32>
        %mul3A_1073 = arith.mulf %mul3A_169, %get3A_1044 : vector<16xf32>
        %add3A_1074 = arith.addf %add3A_1072, %mul3A_1073 : vector<16xf32>
        %add3A_1075 = arith.addf %gather3A_174, %add3A_1074 : vector<16xf32>
        %add3A_1076 = arith.addf %add3A_1075, %get3A_1047 : vector<16xf32>
        %swap3A_1077 = tpu.memref_slice %arg8[%add3A_590] : memref<32768xf32, #tpu.memory_space<vmem>> -> memref<256xf32, #tpu.memory_space<vmem>>
        %swap3A_1078 = arith.constant 128 : index
        %swap3A_1079 = tpu.vector_load %swap3A_1077[%swap3A_1078] {strides = array<i32>} : memref<256xf32, #tpu.memory_space<vmem>>, vector<16xf32>,
        tpu.vector_store %swap3A_1077[%swap3A_1078], %add3A_1076 {strides = array<i32>} : memref<256xf32, #tpu.memory_space<vmem>>, vector<16xf32>,
        %min3A_1080 = arith.minimumf %min3A_1024, %add3A_1076 : vector<16xf32>
        %mul3A_1081 = arith.mulf %mul3A_191, %get3A_1038 : vector<16xf32>
        %mul3A_1082 = arith.mulf %mul3A_199, %get3A_1041 : vector<16xf32>
        %add3A_1083 = arith.addf %mul3A_1081, %mul3A_1082 : vector<16xf32>
        %mul3A_1084 = arith.mulf %mul3A_207, %get3A_1044 : vector<16xf32>
        %add3A_1085 = arith.addf %add3A_1083, %mul3A_1084 : vector<16xf32>
        %add3A_1086 = arith.addf %gather3A_212, %add3A_1085 : vector<16xf32>
        %add3A_1087 = arith.addf %add3A_1086, %get3A_1047 : vector<16xf32>
        %swap3A_1088 = tpu.memref_slice %arg8[%add3A_592] : memref<32768xf32, #tpu.memory_space<vmem>> -> memref<256xf32, #tpu.memory_space<vmem>>
        %swap3A_1089 = arith.constant 128 : index
        %swap3A_1090 = tpu.vector_load %swap3A_1088[%swap3A_1089] {strides = array<i32>} : memref<256xf32, #tpu.memory_space<vmem>>, vector<16xf32>,
        tpu.vector_store %swap3A_1088[%swap3A_1089], %add3A_1087 {strides = array<i32>} : memref<256xf32, #tpu.memory_space<vmem>>, vector<16xf32>,
        %min3A_1091 = arith.minimumf %min3A_1035, %add3A_1087 : vector<16xf32>
        %get3A_1092 = tpu.memref_slice %arg4[%mul3A_584] : memref<8192xf32, #tpu.memory_space<vmem>> -> memref<256xf32, #tpu.memory_space<vmem>>
        %get3A_1093 = arith.constant 144 : index
        %get3A_1094 = tpu.vector_load %get3A_1092[%get3A_1093] {strides = array<i32>} : memref<256xf32, #tpu.memory_space<vmem>>, vector<16xf32>,
        %get3A_1095 = tpu.memref_slice %arg5[%mul3A_584] : memref<8192xf32, #tpu.memory_space<vmem>> -> memref<256xf32, #tpu.memory_space<vmem>>
        %get3A_1096 = arith.constant 144 : index
        %get3A_1097 = tpu.vector_load %get3A_1095[%get3A_1096] {strides = array<i32>} : memref<256xf32, #tpu.memory_space<vmem>>, vector<16xf32>,
        %get3A_1098 = tpu.memref_slice %arg6[%mul3A_584] : memref<8192xf32, #tpu.memory_space<vmem>> -> memref<256xf32, #tpu.memory_space<vmem>>
        %get3A_1099 = arith.constant 144 : index
        %get3A_1100 = tpu.vector_load %get3A_1098[%get3A_1099] {strides = array<i32>} : memref<256xf32, #tpu.memory_space<vmem>>, vector<16xf32>,
        %get3A_1101 = tpu.memref_slice %arg7[%mul3A_584] : memref<8192xf32, #tpu.memory_space<vmem>> -> memref<256xf32, #tpu.memory_space<vmem>>
        %get3A_1102 = arith.constant 144 : index
        %get3A_1103 = tpu.vector_load %get3A_1101[%get3A_1102] {strides = array<i32>} : memref<256xf32, #tpu.memory_space<vmem>>, vector<16xf32>,
        %mul3A_1104 = arith.mulf %mul3A_77, %get3A_1094 : vector<16xf32>
        %mul3A_1105 = arith.mulf %mul3A_85, %get3A_1097 : vector<16xf32>
        %add3A_1106 = arith.addf %mul3A_1104, %mul3A_1105 : vector<16xf32>
        %mul3A_1107 = arith.mulf %mul3A_93, %get3A_1100 : vector<16xf32>
        %add3A_1108 = arith.addf %add3A_1106, %mul3A_1107 : vector<16xf32>
        %add3A_1109 = arith.addf %gather3A_98, %add3A_1108 : vector<16xf32>
        %add3A_1110 = arith.addf %add3A_1109, %get3A_1103 : vector<16xf32>
        %swap3A_1111 = tpu.memref_slice %arg8[%add3A_586] : memref<32768xf32, #tpu.memory_space<vmem>> -> memref<256xf32, #tpu.memory_space<vmem>>
        %swap3A_1112 = arith.constant 144 : index
        %swap3A_1113 = tpu.vector_load %swap3A_1111[%swap3A_1112] {strides = array<i32>} : memref<256xf32, #tpu.memory_space<vmem>>, vector<16xf32>,
        tpu.vector_store %swap3A_1111[%swap3A_1112], %add3A_1110 {strides = array<i32>} : memref<256xf32, #tpu.memory_space<vmem>>, vector<16xf32>,
        %min3A_1114 = arith.minimumf %min3A_1058, %add3A_1110 : vector<16xf32>
        %mul3A_1115 = arith.mulf %mul3A_115, %get3A_1094 : vector<16xf32>
        %mul3A_1116 = arith.mulf %mul3A_123, %get3A_1097 : vector<16xf32>
        %add3A_1117 = arith.addf %mul3A_1115, %mul3A_1116 : vector<16xf32>
        %mul3A_1118 = arith.mulf %mul3A_131, %get3A_1100 : vector<16xf32>
        %add3A_1119 = arith.addf %add3A_1117, %mul3A_1118 : vector<16xf32>
        %add3A_1120 = arith.addf %gather3A_136, %add3A_1119 : vector<16xf32>
        %add3A_1121 = arith.addf %add3A_1120, %get3A_1103 : vector<16xf32>
        %swap3A_1122 = tpu.memref_slice %arg8[%add3A_588] : memref<32768xf32, #tpu.memory_space<vmem>> -> memref<256xf32, #tpu.memory_space<vmem>>
        %swap3A_1123 = arith.constant 144 : index
        %swap3A_1124 = tpu.vector_load %swap3A_1122[%swap3A_1123] {strides = array<i32>} : memref<256xf32, #tpu.memory_space<vmem>>, vector<16xf32>,
        tpu.vector_store %swap3A_1122[%swap3A_1123], %add3A_1121 {strides = array<i32>} : memref<256xf32, #tpu.memory_space<vmem>>, vector<16xf32>,
        %min3A_1125 = arith.minimumf %min3A_1069, %add3A_1121 : vector<16xf32>
        %mul3A_1126 = arith.mulf %mul3A_153, %get3A_1094 : vector<16xf32>
        %mul3A_1127 = arith.mulf %mul3A_161, %get3A_1097 : vector<16xf32>
        %add3A_1128 = arith.addf %mul3A_1126, %mul3A_1127 : vector<16xf32>
        %mul3A_1129 = arith.mulf %mul3A_169, %get3A_1100 : vector<16xf32>
        %add3A_1130 = arith.addf %add3A_1128, %mul3A_1129 : vector<16xf32>
        %add3A_1131 = arith.addf %gather3A_174, %add3A_1130 : vector<16xf32>
        %add3A_1132 = arith.addf %add3A_1131, %get3A_1103 : vector<16xf32>
        %swap3A_1133 = tpu.memref_slice %arg8[%add3A_590] : memref<32768xf32, #tpu.memory_space<vmem>> -> memref<256xf32, #tpu.memory_space<vmem>>
        %swap3A_1134 = arith.constant 144 : index
        %swap3A_1135 = tpu.vector_load %swap3A_1133[%swap3A_1134] {strides = array<i32>} : memref<256xf32, #tpu.memory_space<vmem>>, vector<16xf32>,
        tpu.vector_store %swap3A_1133[%swap3A_1134], %add3A_1132 {strides = array<i32>} : memref<256xf32, #tpu.memory_space<vmem>>, vector<16xf32>,
        %min3A_1136 = arith.minimumf %min3A_1080, %add3A_1132 : vector<16xf32>
        %mul3A_1137 = arith.mulf %mul3A_191, %get3A_1094 : vector<16xf32>
        %mul3A_1138 = arith.mulf %mul3A_199, %get3A_1097 : vector<16xf32>
        %add3A_1139 = arith.addf %mul3A_1137, %mul3A_1138 : vector<16xf32>
        %mul3A_1140 = arith.mulf %mul3A_207, %get3A_1100 : vector<16xf32>
        %add3A_1141 = arith.addf %add3A_1139, %mul3A_1140 : vector<16xf32>
        %add3A_1142 = arith.addf %gather3A_212, %add3A_1141 : vector<16xf32>
        %add3A_1143 = arith.addf %add3A_1142, %get3A_1103 : vector<16xf32>
        %swap3A_1144 = tpu.memref_slice %arg8[%add3A_592] : memref<32768xf32, #tpu.memory_space<vmem>> -> memref<256xf32, #tpu.memory_space<vmem>>
        %swap3A_1145 = arith.constant 144 : index
        %swap3A_1146 = tpu.vector_load %swap3A_1144[%swap3A_1145] {strides = array<i32>} : memref<256xf32, #tpu.memory_space<vmem>>, vector<16xf32>,
        tpu.vector_store %swap3A_1144[%swap3A_1145], %add3A_1143 {strides = array<i32>} : memref<256xf32, #tpu.memory_space<vmem>>, vector<16xf32>,
        %min3A_1147 = arith.minimumf %min3A_1091, %add3A_1143 : vector<16xf32>
        %get3A_1148 = tpu.memref_slice %arg4[%mul3A_584] : memref<8192xf32, #tpu.memory_space<vmem>> -> memref<256xf32, #tpu.memory_space<vmem>>
        %get3A_1149 = arith.constant 160 : index
        %get3A_1150 = tpu.vector_load %get3A_1148[%get3A_1149] {strides = array<i32>} : memref<256xf32, #tpu.memory_space<vmem>>, vector<16xf32>,
        %get3A_1151 = tpu.memref_slice %arg5[%mul3A_584] : memref<8192xf32, #tpu.memory_space<vmem>> -> memref<256xf32, #tpu.memory_space<vmem>>
        %get3A_1152 = arith.constant 160 : index
        %get3A_1153 = tpu.vector_load %get3A_1151[%get3A_1152] {strides = array<i32>} : memref<256xf32, #tpu.memory_space<vmem>>, vector<16xf32>,
        %get3A_1154 = tpu.memref_slice %arg6[%mul3A_584] : memref<8192xf32, #tpu.memory_space<vmem>> -> memref<256xf32, #tpu.memory_space<vmem>>
        %get3A_1155 = arith.constant 160 : index
        %get3A_1156 = tpu.vector_load %get3A_1154[%get3A_1155] {strides = array<i32>} : memref<256xf32, #tpu.memory_space<vmem>>, vector<16xf32>,
        %get3A_1157 = tpu.memref_slice %arg7[%mul3A_584] : memref<8192xf32, #tpu.memory_space<vmem>> -> memref<256xf32, #tpu.memory_space<vmem>>
        %get3A_1158 = arith.constant 160 : index
        %get3A_1159 = tpu.vector_load %get3A_1157[%get3A_1158] {strides = array<i32>} : memref<256xf32, #tpu.memory_space<vmem>>, vector<16xf32>,
        %mul3A_1160 = arith.mulf %mul3A_77, %get3A_1150 : vector<16xf32>
        %mul3A_1161 = arith.mulf %mul3A_85, %get3A_1153 : vector<16xf32>
        %add3A_1162 = arith.addf %mul3A_1160, %mul3A_1161 : vector<16xf32>
        %mul3A_1163 = arith.mulf %mul3A_93, %get3A_1156 : vector<16xf32>
        %add3A_1164 = arith.addf %add3A_1162, %mul3A_1163 : vector<16xf32>
        %add3A_1165 = arith.addf %gather3A_98, %add3A_1164 : vector<16xf32>
        %add3A_1166 = arith.addf %add3A_1165, %get3A_1159 : vector<16xf32>
        %swap3A_1167 = tpu.memref_slice %arg8[%add3A_586] : memref<32768xf32, #tpu.memory_space<vmem>> -> memref<256xf32, #tpu.memory_space<vmem>>
        %swap3A_1168 = arith.constant 160 : index
        %swap3A_1169 = tpu.vector_load %swap3A_1167[%swap3A_1168] {strides = array<i32>} : memref<256xf32, #tpu.memory_space<vmem>>, vector<16xf32>,
        tpu.vector_store %swap3A_1167[%swap3A_1168], %add3A_1166 {strides = array<i32>} : memref<256xf32, #tpu.memory_space<vmem>>, vector<16xf32>,
        %min3A_1170 = arith.minimumf %min3A_1114, %add3A_1166 : vector<16xf32>
        %mul3A_1171 = arith.mulf %mul3A_115, %get3A_1150 : vector<16xf32>
        %mul3A_1172 = arith.mulf %mul3A_123, %get3A_1153 : vector<16xf32>
        %add3A_1173 = arith.addf %mul3A_1171, %mul3A_1172 : vector<16xf32>
        %mul3A_1174 = arith.mulf %mul3A_131, %get3A_1156 : vector<16xf32>
        %add3A_1175 = arith.addf %add3A_1173, %mul3A_1174 : vector<16xf32>
        %add3A_1176 = arith.addf %gather3A_136, %add3A_1175 : vector<16xf32>
        %add3A_1177 = arith.addf %add3A_1176, %get3A_1159 : vector<16xf32>
        %swap3A_1178 = tpu.memref_slice %arg8[%add3A_588] : memref<32768xf32, #tpu.memory_space<vmem>> -> memref<256xf32, #tpu.memory_space<vmem>>
        %swap3A_1179 = arith.constant 160 : index
        %swap3A_1180 = tpu.vector_load %swap3A_1178[%swap3A_1179] {strides = array<i32>} : memref<256xf32, #tpu.memory_space<vmem>>, vector<16xf32>,
        tpu.vector_store %swap3A_1178[%swap3A_1179], %add3A_1177 {strides = array<i32>} : memref<256xf32, #tpu.memory_space<vmem>>, vector<16xf32>,
        %min3A_1181 = arith.minimumf %min3A_1125, %add3A_1177 : vector<16xf32>
        %mul3A_1182 = arith.mulf %mul3A_153, %get3A_1150 : vector<16xf32>
        %mul3A_1183 = arith.mulf %mul3A_161, %get3A_1153 : vector<16xf32>
        %add3A_1184 = arith.addf %mul3A_1182, %mul3A_1183 : vector<16xf32>
        %mul3A_1185 = arith.mulf %mul3A_169, %get3A_1156 : vector<16xf32>
        %add3A_1186 = arith.addf %add3A_1184, %mul3A_1185 : vector<16xf32>
        %add3A_1187 = arith.addf %gather3A_174, %add3A_1186 : vector<16xf32>
        %add3A_1188 = arith.addf %add3A_1187, %get3A_1159 : vector<16xf32>
        %swap3A_1189 = tpu.memref_slice %arg8[%add3A_590] : memref<32768xf32, #tpu.memory_space<vmem>> -> memref<256xf32, #tpu.memory_space<vmem>>
        %swap3A_1190 = arith.constant 160 : index
        %swap3A_1191 = tpu.vector_load %swap3A_1189[%swap3A_1190] {strides = array<i32>} : memref<256xf32, #tpu.memory_space<vmem>>, vector<16xf32>,
        tpu.vector_store %swap3A_1189[%swap3A_1190], %add3A_1188 {strides = array<i32>} : memref<256xf32, #tpu.memory_space<vmem>>, vector<16xf32>,
        %min3A_1192 = arith.minimumf %min3A_1136, %add3A_1188 : vector<16xf32>
        %mul3A_1193 = arith.mulf %mul3A_191, %get3A_1150 : vector<16xf32>
        %mul3A_1194 = arith.mulf %mul3A_199, %get3A_1153 : vector<16xf32>
        %add3A_1195 = arith.addf %mul3A_1193, %mul3A_1194 : vector<16xf32>
        %mul3A_1196 = arith.mulf %mul3A_207, %get3A_1156 : vector<16xf32>
        %add3A_1197 = arith.addf %add3A_1195, %mul3A_1196 : vector<16xf32>
        %add3A_1198 = arith.addf %gather3A_212, %add3A_1197 : vector<16xf32>
        %add3A_1199 = arith.addf %add3A_1198, %get3A_1159 : vector<16xf32>
        %swap3A_1200 = tpu.memref_slice %arg8[%add3A_592] : memref<32768xf32, #tpu.memory_space<vmem>> -> memref<256xf32, #tpu.memory_space<vmem>>
        %swap3A_1201 = arith.constant 160 : index
        %swap3A_1202 = tpu.vector_load %swap3A_1200[%swap3A_1201] {strides = array<i32>} : memref<256xf32, #tpu.memory_space<vmem>>, vector<16xf32>,
        tpu.vector_store %swap3A_1200[%swap3A_1201], %add3A_1199 {strides = array<i32>} : memref<256xf32, #tpu.memory_space<vmem>>, vector<16xf32>,
        %min3A_1203 = arith.minimumf %min3A_1147, %add3A_1199 : vector<16xf32>
        %get3A_1204 = tpu.memref_slice %arg4[%mul3A_584] : memref<8192xf32, #tpu.memory_space<vmem>> -> memref<256xf32, #tpu.memory_space<vmem>>
        %get3A_1205 = arith.constant 176 : index
        %get3A_1206 = tpu.vector_load %get3A_1204[%get3A_1205] {strides = array<i32>} : memref<256xf32, #tpu.memory_space<vmem>>, vector<16xf32>,
        %get3A_1207 = tpu.memref_slice %arg5[%mul3A_584] : memref<8192xf32, #tpu.memory_space<vmem>> -> memref<256xf32, #tpu.memory_space<vmem>>
        %get3A_1208 = arith.constant 176 : index
        %get3A_1209 = tpu.vector_load %get3A_1207[%get3A_1208] {strides = array<i32>} : memref<256xf32, #tpu.memory_space<vmem>>, vector<16xf32>,
        %get3A_1210 = tpu.memref_slice %arg6[%mul3A_584] : memref<8192xf32, #tpu.memory_space<vmem>> -> memref<256xf32, #tpu.memory_space<vmem>>
        %get3A_1211 = arith.constant 176 : index
        %get3A_1212 = tpu.vector_load %get3A_1210[%get3A_1211] {strides = array<i32>} : memref<256xf32, #tpu.memory_space<vmem>>, vector<16xf32>,
        %get3A_1213 = tpu.memref_slice %arg7[%mul3A_584] : memref<8192xf32, #tpu.memory_space<vmem>> -> memref<256xf32, #tpu.memory_space<vmem>>
        %get3A_1214 = arith.constant 176 : index
        %get3A_1215 = tpu.vector_load %get3A_1213[%get3A_1214] {strides = array<i32>} : memref<256xf32, #tpu.memory_space<vmem>>, vector<16xf32>,
        %mul3A_1216 = arith.mulf %mul3A_77, %get3A_1206 : vector<16xf32>
        %mul3A_1217 = arith.mulf %mul3A_85, %get3A_1209 : vector<16xf32>
        %add3A_1218 = arith.addf %mul3A_1216, %mul3A_1217 : vector<16xf32>
        %mul3A_1219 = arith.mulf %mul3A_93, %get3A_1212 : vector<16xf32>
        %add3A_1220 = arith.addf %add3A_1218, %mul3A_1219 : vector<16xf32>
        %add3A_1221 = arith.addf %gather3A_98, %add3A_1220 : vector<16xf32>
        %add3A_1222 = arith.addf %add3A_1221, %get3A_1215 : vector<16xf32>
        %swap3A_1223 = tpu.memref_slice %arg8[%add3A_586] : memref<32768xf32, #tpu.memory_space<vmem>> -> memref<256xf32, #tpu.memory_space<vmem>>
        %swap3A_1224 = arith.constant 176 : index
        %swap3A_1225 = tpu.vector_load %swap3A_1223[%swap3A_1224] {strides = array<i32>} : memref<256xf32, #tpu.memory_space<vmem>>, vector<16xf32>,
        tpu.vector_store %swap3A_1223[%swap3A_1224], %add3A_1222 {strides = array<i32>} : memref<256xf32, #tpu.memory_space<vmem>>, vector<16xf32>,
        %min3A_1226 = arith.minimumf %min3A_1170, %add3A_1222 : vector<16xf32>
        %mul3A_1227 = arith.mulf %mul3A_115, %get3A_1206 : vector<16xf32>
        %mul3A_1228 = arith.mulf %mul3A_123, %get3A_1209 : vector<16xf32>
        %add3A_1229 = arith.addf %mul3A_1227, %mul3A_1228 : vector<16xf32>
        %mul3A_1230 = arith.mulf %mul3A_131, %get3A_1212 : vector<16xf32>
        %add3A_1231 = arith.addf %add3A_1229, %mul3A_1230 : vector<16xf32>
        %add3A_1232 = arith.addf %gather3A_136, %add3A_1231 : vector<16xf32>
        %add3A_1233 = arith.addf %add3A_1232, %get3A_1215 : vector<16xf32>
        %swap3A_1234 = tpu.memref_slice %arg8[%add3A_588] : memref<32768xf32, #tpu.memory_space<vmem>> -> memref<256xf32, #tpu.memory_space<vmem>>
        %swap3A_1235 = arith.constant 176 : index
        %swap3A_1236 = tpu.vector_load %swap3A_1234[%swap3A_1235] {strides = array<i32>} : memref<256xf32, #tpu.memory_space<vmem>>, vector<16xf32>,
        tpu.vector_store %swap3A_1234[%swap3A_1235], %add3A_1233 {strides = array<i32>} : memref<256xf32, #tpu.memory_space<vmem>>, vector<16xf32>,
        %min3A_1237 = arith.minimumf %min3A_1181, %add3A_1233 : vector<16xf32>
        %mul3A_1238 = arith.mulf %mul3A_153, %get3A_1206 : vector<16xf32>
        %mul3A_1239 = arith.mulf %mul3A_161, %get3A_1209 : vector<16xf32>
        %add3A_1240 = arith.addf %mul3A_1238, %mul3A_1239 : vector<16xf32>
        %mul3A_1241 = arith.mulf %mul3A_169, %get3A_1212 : vector<16xf32>
        %add3A_1242 = arith.addf %add3A_1240, %mul3A_1241 : vector<16xf32>
        %add3A_1243 = arith.addf %gather3A_174, %add3A_1242 : vector<16xf32>
        %add3A_1244 = arith.addf %add3A_1243, %get3A_1215 : vector<16xf32>
        %swap3A_1245 = tpu.memref_slice %arg8[%add3A_590] : memref<32768xf32, #tpu.memory_space<vmem>> -> memref<256xf32, #tpu.memory_space<vmem>>
        %swap3A_1246 = arith.constant 176 : index
        %swap3A_1247 = tpu.vector_load %swap3A_1245[%swap3A_1246] {strides = array<i32>} : memref<256xf32, #tpu.memory_space<vmem>>, vector<16xf32>,
        tpu.vector_store %swap3A_1245[%swap3A_1246], %add3A_1244 {strides = array<i32>} : memref<256xf32, #tpu.memory_space<vmem>>, vector<16xf32>,
        %min3A_1248 = arith.minimumf %min3A_1192, %add3A_1244 : vector<16xf32>
        %mul3A_1249 = arith.mulf %mul3A_191, %get3A_1206 : vector<16xf32>
        %mul3A_1250 = arith.mulf %mul3A_199, %get3A_1209 : vector<16xf32>
        %add3A_1251 = arith.addf %mul3A_1249, %mul3A_1250 : vector<16xf32>
        %mul3A_1252 = arith.mulf %mul3A_207, %get3A_1212 : vector<16xf32>
        %add3A_1253 = arith.addf %add3A_1251, %mul3A_1252 : vector<16xf32>
        %add3A_1254 = arith.addf %gather3A_212, %add3A_1253 : vector<16xf32>
        %add3A_1255 = arith.addf %add3A_1254, %get3A_1215 : vector<16xf32>
        %swap3A_1256 = tpu.memref_slice %arg8[%add3A_592] : memref<32768xf32, #tpu.memory_space<vmem>> -> memref<256xf32, #tpu.memory_space<vmem>>
        %swap3A_1257 = arith.constant 176 : index
        %swap3A_1258 = tpu.vector_load %swap3A_1256[%swap3A_1257] {strides = array<i32>} : memref<256xf32, #tpu.memory_space<vmem>>, vector<16xf32>,
        tpu.vector_store %swap3A_1256[%swap3A_1257], %add3A_1255 {strides = array<i32>} : memref<256xf32, #tpu.memory_space<vmem>>, vector<16xf32>,
        %min3A_1259 = arith.minimumf %min3A_1203, %add3A_1255 : vector<16xf32>
        %get3A_1260 = tpu.memref_slice %arg4[%mul3A_584] : memref<8192xf32, #tpu.memory_space<vmem>> -> memref<256xf32, #tpu.memory_space<vmem>>
        %get3A_1261 = arith.constant 192 : index
        %get3A_1262 = tpu.vector_load %get3A_1260[%get3A_1261] {strides = array<i32>} : memref<256xf32, #tpu.memory_space<vmem>>, vector<16xf32>,
        %get3A_1263 = tpu.memref_slice %arg5[%mul3A_584] : memref<8192xf32, #tpu.memory_space<vmem>> -> memref<256xf32, #tpu.memory_space<vmem>>
        %get3A_1264 = arith.constant 192 : index
        %get3A_1265 = tpu.vector_load %get3A_1263[%get3A_1264] {strides = array<i32>} : memref<256xf32, #tpu.memory_space<vmem>>, vector<16xf32>,
        %get3A_1266 = tpu.memref_slice %arg6[%mul3A_584] : memref<8192xf32, #tpu.memory_space<vmem>> -> memref<256xf32, #tpu.memory_space<vmem>>
        %get3A_1267 = arith.constant 192 : index
        %get3A_1268 = tpu.vector_load %get3A_1266[%get3A_1267] {strides = array<i32>} : memref<256xf32, #tpu.memory_space<vmem>>, vector<16xf32>,
        %get3A_1269 = tpu.memref_slice %arg7[%mul3A_584] : memref<8192xf32, #tpu.memory_space<vmem>> -> memref<256xf32, #tpu.memory_space<vmem>>
        %get3A_1270 = arith.constant 192 : index
        %get3A_1271 = tpu.vector_load %get3A_1269[%get3A_1270] {strides = array<i32>} : memref<256xf32, #tpu.memory_space<vmem>>, vector<16xf32>,
        %mul3A_1272 = arith.mulf %mul3A_77, %get3A_1262 : vector<16xf32>
        %mul3A_1273 = arith.mulf %mul3A_85, %get3A_1265 : vector<16xf32>
        %add3A_1274 = arith.addf %mul3A_1272, %mul3A_1273 : vector<16xf32>
        %mul3A_1275 = arith.mulf %mul3A_93, %get3A_1268 : vector<16xf32>
        %add3A_1276 = arith.addf %add3A_1274, %mul3A_1275 : vector<16xf32>
        %add3A_1277 = arith.addf %gather3A_98, %add3A_1276 : vector<16xf32>
        %add3A_1278 = arith.addf %add3A_1277, %get3A_1271 : vector<16xf32>
        %swap3A_1279 = tpu.memref_slice %arg8[%add3A_586] : memref<32768xf32, #tpu.memory_space<vmem>> -> memref<256xf32, #tpu.memory_space<vmem>>
        %swap3A_1280 = arith.constant 192 : index
        %swap3A_1281 = tpu.vector_load %swap3A_1279[%swap3A_1280] {strides = array<i32>} : memref<256xf32, #tpu.memory_space<vmem>>, vector<16xf32>,
        tpu.vector_store %swap3A_1279[%swap3A_1280], %add3A_1278 {strides = array<i32>} : memref<256xf32, #tpu.memory_space<vmem>>, vector<16xf32>,
        %min3A_1282 = arith.minimumf %min3A_1226, %add3A_1278 : vector<16xf32>
        %mul3A_1283 = arith.mulf %mul3A_115, %get3A_1262 : vector<16xf32>
        %mul3A_1284 = arith.mulf %mul3A_123, %get3A_1265 : vector<16xf32>
        %add3A_1285 = arith.addf %mul3A_1283, %mul3A_1284 : vector<16xf32>
        %mul3A_1286 = arith.mulf %mul3A_131, %get3A_1268 : vector<16xf32>
        %add3A_1287 = arith.addf %add3A_1285, %mul3A_1286 : vector<16xf32>
        %add3A_1288 = arith.addf %gather3A_136, %add3A_1287 : vector<16xf32>
        %add3A_1289 = arith.addf %add3A_1288, %get3A_1271 : vector<16xf32>
        %swap3A_1290 = tpu.memref_slice %arg8[%add3A_588] : memref<32768xf32, #tpu.memory_space<vmem>> -> memref<256xf32, #tpu.memory_space<vmem>>
        %swap3A_1291 = arith.constant 192 : index
        %swap3A_1292 = tpu.vector_load %swap3A_1290[%swap3A_1291] {strides = array<i32>} : memref<256xf32, #tpu.memory_space<vmem>>, vector<16xf32>,
        tpu.vector_store %swap3A_1290[%swap3A_1291], %add3A_1289 {strides = array<i32>} : memref<256xf32, #tpu.memory_space<vmem>>, vector<16xf32>,
        %min3A_1293 = arith.minimumf %min3A_1237, %add3A_1289 : vector<16xf32>
        %mul3A_1294 = arith.mulf %mul3A_153, %get3A_1262 : vector<16xf32>
        %mul3A_1295 = arith.mulf %mul3A_161, %get3A_1265 : vector<16xf32>
        %add3A_1296 = arith.addf %mul3A_1294, %mul3A_1295 : vector<16xf32>
        %mul3A_1297 = arith.mulf %mul3A_169, %get3A_1268 : vector<16xf32>
        %add3A_1298 = arith.addf %add3A_1296, %mul3A_1297 : vector<16xf32>
        %add3A_1299 = arith.addf %gather3A_174, %add3A_1298 : vector<16xf32>
        %add3A_1300 = arith.addf %add3A_1299, %get3A_1271 : vector<16xf32>
        %swap3A_1301 = tpu.memref_slice %arg8[%add3A_590] : memref<32768xf32, #tpu.memory_space<vmem>> -> memref<256xf32, #tpu.memory_space<vmem>>
        %swap3A_1302 = arith.constant 192 : index
        %swap3A_1303 = tpu.vector_load %swap3A_1301[%swap3A_1302] {strides = array<i32>} : memref<256xf32, #tpu.memory_space<vmem>>, vector<16xf32>,
        tpu.vector_store %swap3A_1301[%swap3A_1302], %add3A_1300 {strides = array<i32>} : memref<256xf32, #tpu.memory_space<vmem>>, vector<16xf32>,
        %min3A_1304 = arith.minimumf %min3A_1248, %add3A_1300 : vector<16xf32>
        %mul3A_1305 = arith.mulf %mul3A_191, %get3A_1262 : vector<16xf32>
        %mul3A_1306 = arith.mulf %mul3A_199, %get3A_1265 : vector<16xf32>
        %add3A_1307 = arith.addf %mul3A_1305, %mul3A_1306 : vector<16xf32>
        %mul3A_1308 = arith.mulf %mul3A_207, %get3A_1268 : vector<16xf32>
        %add3A_1309 = arith.addf %add3A_1307, %mul3A_1308 : vector<16xf32>
        %add3A_1310 = arith.addf %gather3A_212, %add3A_1309 : vector<16xf32>
        %add3A_1311 = arith.addf %add3A_1310, %get3A_1271 : vector<16xf32>
        %swap3A_1312 = tpu.memref_slice %arg8[%add3A_592] : memref<32768xf32, #tpu.memory_space<vmem>> -> memref<256xf32, #tpu.memory_space<vmem>>
        %swap3A_1313 = arith.constant 192 : index
        %swap3A_1314 = tpu.vector_load %swap3A_1312[%swap3A_1313] {strides = array<i32>} : memref<256xf32, #tpu.memory_space<vmem>>, vector<16xf32>,
        tpu.vector_store %swap3A_1312[%swap3A_1313], %add3A_1311 {strides = array<i32>} : memref<256xf32, #tpu.memory_space<vmem>>, vector<16xf32>,
        %min3A_1315 = arith.minimumf %min3A_1259, %add3A_1311 : vector<16xf32>
        %get3A_1316 = tpu.memref_slice %arg4[%mul3A_584] : memref<8192xf32, #tpu.memory_space<vmem>> -> memref<256xf32, #tpu.memory_space<vmem>>
        %get3A_1317 = arith.constant 208 : index
        %get3A_1318 = tpu.vector_load %get3A_1316[%get3A_1317] {strides = array<i32>} : memref<256xf32, #tpu.memory_space<vmem>>, vector<16xf32>,
        %get3A_1319 = tpu.memref_slice %arg5[%mul3A_584] : memref<8192xf32, #tpu.memory_space<vmem>> -> memref<256xf32, #tpu.memory_space<vmem>>
        %get3A_1320 = arith.constant 208 : index
        %get3A_1321 = tpu.vector_load %get3A_1319[%get3A_1320] {strides = array<i32>} : memref<256xf32, #tpu.memory_space<vmem>>, vector<16xf32>,
        %get3A_1322 = tpu.memref_slice %arg6[%mul3A_584] : memref<8192xf32, #tpu.memory_space<vmem>> -> memref<256xf32, #tpu.memory_space<vmem>>
        %get3A_1323 = arith.constant 208 : index
        %get3A_1324 = tpu.vector_load %get3A_1322[%get3A_1323] {strides = array<i32>} : memref<256xf32, #tpu.memory_space<vmem>>, vector<16xf32>,
        %get3A_1325 = tpu.memref_slice %arg7[%mul3A_584] : memref<8192xf32, #tpu.memory_space<vmem>> -> memref<256xf32, #tpu.memory_space<vmem>>
        %get3A_1326 = arith.constant 208 : index
        %get3A_1327 = tpu.vector_load %get3A_1325[%get3A_1326] {strides = array<i32>} : memref<256xf32, #tpu.memory_space<vmem>>, vector<16xf32>,
        %mul3A_1328 = arith.mulf %mul3A_77, %get3A_1318 : vector<16xf32>
        %mul3A_1329 = arith.mulf %mul3A_85, %get3A_1321 : vector<16xf32>
        %add3A_1330 = arith.addf %mul3A_1328, %mul3A_1329 : vector<16xf32>
        %mul3A_1331 = arith.mulf %mul3A_93, %get3A_1324 : vector<16xf32>
        %add3A_1332 = arith.addf %add3A_1330, %mul3A_1331 : vector<16xf32>
        %add3A_1333 = arith.addf %gather3A_98, %add3A_1332 : vector<16xf32>
        %add3A_1334 = arith.addf %add3A_1333, %get3A_1327 : vector<16xf32>
        %swap3A_1335 = tpu.memref_slice %arg8[%add3A_586] : memref<32768xf32, #tpu.memory_space<vmem>> -> memref<256xf32, #tpu.memory_space<vmem>>
        %swap3A_1336 = arith.constant 208 : index
        %swap3A_1337 = tpu.vector_load %swap3A_1335[%swap3A_1336] {strides = array<i32>} : memref<256xf32, #tpu.memory_space<vmem>>, vector<16xf32>,
        tpu.vector_store %swap3A_1335[%swap3A_1336], %add3A_1334 {strides = array<i32>} : memref<256xf32, #tpu.memory_space<vmem>>, vector<16xf32>,
        %min3A_1338 = arith.minimumf %min3A_1282, %add3A_1334 : vector<16xf32>
        %mul3A_1339 = arith.mulf %mul3A_115, %get3A_1318 : vector<16xf32>
        %mul3A_1340 = arith.mulf %mul3A_123, %get3A_1321 : vector<16xf32>
        %add3A_1341 = arith.addf %mul3A_1339, %mul3A_1340 : vector<16xf32>
        %mul3A_1342 = arith.mulf %mul3A_131, %get3A_1324 : vector<16xf32>
        %add3A_1343 = arith.addf %add3A_1341, %mul3A_1342 : vector<16xf32>
        %add3A_1344 = arith.addf %gather3A_136, %add3A_1343 : vector<16xf32>
        %add3A_1345 = arith.addf %add3A_1344, %get3A_1327 : vector<16xf32>
        %swap3A_1346 = tpu.memref_slice %arg8[%add3A_588] : memref<32768xf32, #tpu.memory_space<vmem>> -> memref<256xf32, #tpu.memory_space<vmem>>
        %swap3A_1347 = arith.constant 208 : index
        %swap3A_1348 = tpu.vector_load %swap3A_1346[%swap3A_1347] {strides = array<i32>} : memref<256xf32, #tpu.memory_space<vmem>>, vector<16xf32>,
        tpu.vector_store %swap3A_1346[%swap3A_1347], %add3A_1345 {strides = array<i32>} : memref<256xf32, #tpu.memory_space<vmem>>, vector<16xf32>,
        %min3A_1349 = arith.minimumf %min3A_1293, %add3A_1345 : vector<16xf32>
        %mul3A_1350 = arith.mulf %mul3A_153, %get3A_1318 : vector<16xf32>
        %mul3A_1351 = arith.mulf %mul3A_161, %get3A_1321 : vector<16xf32>
        %add3A_1352 = arith.addf %mul3A_1350, %mul3A_1351 : vector<16xf32>
        %mul3A_1353 = arith.mulf %mul3A_169, %get3A_1324 : vector<16xf32>
        %add3A_1354 = arith.addf %add3A_1352, %mul3A_1353 : vector<16xf32>
        %add3A_1355 = arith.addf %gather3A_174, %add3A_1354 : vector<16xf32>
        %add3A_1356 = arith.addf %add3A_1355, %get3A_1327 : vector<16xf32>
        %swap3A_1357 = tpu.memref_slice %arg8[%add3A_590] : memref<32768xf32, #tpu.memory_space<vmem>> -> memref<256xf32, #tpu.memory_space<vmem>>
        %swap3A_1358 = arith.constant 208 : index
        %swap3A_1359 = tpu.vector_load %swap3A_1357[%swap3A_1358] {strides = array<i32>} : memref<256xf32, #tpu.memory_space<vmem>>, vector<16xf32>,
        tpu.vector_store %swap3A_1357[%swap3A_1358], %add3A_1356 {strides = array<i32>} : memref<256xf32, #tpu.memory_space<vmem>>, vector<16xf32>,
        %min3A_1360 = arith.minimumf %min3A_1304, %add3A_1356 : vector<16xf32>
        %mul3A_1361 = arith.mulf %mul3A_191, %get3A_1318 : vector<16xf32>
        %mul3A_1362 = arith.mulf %mul3A_199, %get3A_1321 : vector<16xf32>
        %add3A_1363 = arith.addf %mul3A_1361, %mul3A_1362 : vector<16xf32>
        %mul3A_1364 = arith.mulf %mul3A_207, %get3A_1324 : vector<16xf32>
        %add3A_1365 = arith.addf %add3A_1363, %mul3A_1364 : vector<16xf32>
        %add3A_1366 = arith.addf %gather3A_212, %add3A_1365 : vector<16xf32>
        %add3A_1367 = arith.addf %add3A_1366, %get3A_1327 : vector<16xf32>
        %swap3A_1368 = tpu.memref_slice %arg8[%add3A_592] : memref<32768xf32, #tpu.memory_space<vmem>> -> memref<256xf32, #tpu.memory_space<vmem>>
        %swap3A_1369 = arith.constant 208 : index
        %swap3A_1370 = tpu.vector_load %swap3A_1368[%swap3A_1369] {strides = array<i32>} : memref<256xf32, #tpu.memory_space<vmem>>, vector<16xf32>,
        tpu.vector_store %swap3A_1368[%swap3A_1369], %add3A_1367 {strides = array<i32>} : memref<256xf32, #tpu.memory_space<vmem>>, vector<16xf32>,
        %min3A_1371 = arith.minimumf %min3A_1315, %add3A_1367 : vector<16xf32>
        %get3A_1372 = tpu.memref_slice %arg4[%mul3A_584] : memref<8192xf32, #tpu.memory_space<vmem>> -> memref<256xf32, #tpu.memory_space<vmem>>
        %get3A_1373 = arith.constant 224 : index
        %get3A_1374 = tpu.vector_load %get3A_1372[%get3A_1373] {strides = array<i32>} : memref<256xf32, #tpu.memory_space<vmem>>, vector<16xf32>,
        %get3A_1375 = tpu.memref_slice %arg5[%mul3A_584] : memref<8192xf32, #tpu.memory_space<vmem>> -> memref<256xf32, #tpu.memory_space<vmem>>
        %get3A_1376 = arith.constant 224 : index
        %get3A_1377 = tpu.vector_load %get3A_1375[%get3A_1376] {strides = array<i32>} : memref<256xf32, #tpu.memory_space<vmem>>, vector<16xf32>,
        %get3A_1378 = tpu.memref_slice %arg6[%mul3A_584] : memref<8192xf32, #tpu.memory_space<vmem>> -> memref<256xf32, #tpu.memory_space<vmem>>
        %get3A_1379 = arith.constant 224 : index
        %get3A_1380 = tpu.vector_load %get3A_1378[%get3A_1379] {strides = array<i32>} : memref<256xf32, #tpu.memory_space<vmem>>, vector<16xf32>,
        %get3A_1381 = tpu.memref_slice %arg7[%mul3A_584] : memref<8192xf32, #tpu.memory_space<vmem>> -> memref<256xf32, #tpu.memory_space<vmem>>
        %get3A_1382 = arith.constant 224 : index
        %get3A_1383 = tpu.vector_load %get3A_1381[%get3A_1382] {strides = array<i32>} : memref<256xf32, #tpu.memory_space<vmem>>, vector<16xf32>,
        %mul3A_1384 = arith.mulf %mul3A_77, %get3A_1374 : vector<16xf32>
        %mul3A_1385 = arith.mulf %mul3A_85, %get3A_1377 : vector<16xf32>
        %add3A_1386 = arith.addf %mul3A_1384, %mul3A_1385 : vector<16xf32>
        %mul3A_1387 = arith.mulf %mul3A_93, %get3A_1380 : vector<16xf32>
        %add3A_1388 = arith.addf %add3A_1386, %mul3A_1387 : vector<16xf32>
        %add3A_1389 = arith.addf %gather3A_98, %add3A_1388 : vector<16xf32>
        %add3A_1390 = arith.addf %add3A_1389, %get3A_1383 : vector<16xf32>
        %swap3A_1391 = tpu.memref_slice %arg8[%add3A_586] : memref<32768xf32, #tpu.memory_space<vmem>> -> memref<256xf32, #tpu.memory_space<vmem>>
        %swap3A_1392 = arith.constant 224 : index
        %swap3A_1393 = tpu.vector_load %swap3A_1391[%swap3A_1392] {strides = array<i32>} : memref<256xf32, #tpu.memory_space<vmem>>, vector<16xf32>,
        tpu.vector_store %swap3A_1391[%swap3A_1392], %add3A_1390 {strides = array<i32>} : memref<256xf32, #tpu.memory_space<vmem>>, vector<16xf32>,
        %min3A_1394 = arith.minimumf %min3A_1338, %add3A_1390 : vector<16xf32>
        %mul3A_1395 = arith.mulf %mul3A_115, %get3A_1374 : vector<16xf32>
        %mul3A_1396 = arith.mulf %mul3A_123, %get3A_1377 : vector<16xf32>
        %add3A_1397 = arith.addf %mul3A_1395, %mul3A_1396 : vector<16xf32>
        %mul3A_1398 = arith.mulf %mul3A_131, %get3A_1380 : vector<16xf32>
        %add3A_1399 = arith.addf %add3A_1397, %mul3A_1398 : vector<16xf32>
        %add3A_1400 = arith.addf %gather3A_136, %add3A_1399 : vector<16xf32>
        %add3A_1401 = arith.addf %add3A_1400, %get3A_1383 : vector<16xf32>
        %swap3A_1402 = tpu.memref_slice %arg8[%add3A_588] : memref<32768xf32, #tpu.memory_space<vmem>> -> memref<256xf32, #tpu.memory_space<vmem>>
        %swap3A_1403 = arith.constant 224 : index
        %swap3A_1404 = tpu.vector_load %swap3A_1402[%swap3A_1403] {strides = array<i32>} : memref<256xf32, #tpu.memory_space<vmem>>, vector<16xf32>,
        tpu.vector_store %swap3A_1402[%swap3A_1403], %add3A_1401 {strides = array<i32>} : memref<256xf32, #tpu.memory_space<vmem>>, vector<16xf32>,
        %min3A_1405 = arith.minimumf %min3A_1349, %add3A_1401 : vector<16xf32>
        %mul3A_1406 = arith.mulf %mul3A_153, %get3A_1374 : vector<16xf32>
        %mul3A_1407 = arith.mulf %mul3A_161, %get3A_1377 : vector<16xf32>
        %add3A_1408 = arith.addf %mul3A_1406, %mul3A_1407 : vector<16xf32>
        %mul3A_1409 = arith.mulf %mul3A_169, %get3A_1380 : vector<16xf32>
        %add3A_1410 = arith.addf %add3A_1408, %mul3A_1409 : vector<16xf32>
        %add3A_1411 = arith.addf %gather3A_174, %add3A_1410 : vector<16xf32>
        %add3A_1412 = arith.addf %add3A_1411, %get3A_1383 : vector<16xf32>
        %swap3A_1413 = tpu.memref_slice %arg8[%add3A_590] : memref<32768xf32, #tpu.memory_space<vmem>> -> memref<256xf32, #tpu.memory_space<vmem>>
        %swap3A_1414 = arith.constant 224 : index
        %swap3A_1415 = tpu.vector_load %swap3A_1413[%swap3A_1414] {strides = array<i32>} : memref<256xf32, #tpu.memory_space<vmem>>, vector<16xf32>,
        tpu.vector_store %swap3A_1413[%swap3A_1414], %add3A_1412 {strides = array<i32>} : memref<256xf32, #tpu.memory_space<vmem>>, vector<16xf32>,
        %min3A_1416 = arith.minimumf %min3A_1360, %add3A_1412 : vector<16xf32>
        %mul3A_1417 = arith.mulf %mul3A_191, %get3A_1374 : vector<16xf32>
        %mul3A_1418 = arith.mulf %mul3A_199, %get3A_1377 : vector<16xf32>
        %add3A_1419 = arith.addf %mul3A_1417, %mul3A_1418 : vector<16xf32>
        %mul3A_1420 = arith.mulf %mul3A_207, %get3A_1380 : vector<16xf32>
        %add3A_1421 = arith.addf %add3A_1419, %mul3A_1420 : vector<16xf32>
        %add3A_1422 = arith.addf %gather3A_212, %add3A_1421 : vector<16xf32>
        %add3A_1423 = arith.addf %add3A_1422, %get3A_1383 : vector<16xf32>
        %swap3A_1424 = tpu.memref_slice %arg8[%add3A_592] : memref<32768xf32, #tpu.memory_space<vmem>> -> memref<256xf32, #tpu.memory_space<vmem>>
        %swap3A_1425 = arith.constant 224 : index
        %swap3A_1426 = tpu.vector_load %swap3A_1424[%swap3A_1425] {strides = array<i32>} : memref<256xf32, #tpu.memory_space<vmem>>, vector<16xf32>,
        tpu.vector_store %swap3A_1424[%swap3A_1425], %add3A_1423 {strides = array<i32>} : memref<256xf32, #tpu.memory_space<vmem>>, vector<16xf32>,
        %min3A_1427 = arith.minimumf %min3A_1371, %add3A_1423 : vector<16xf32>
        %get3A_1428 = tpu.memref_slice %arg4[%mul3A_584] : memref<8192xf32, #tpu.memory_space<vmem>> -> memref<256xf32, #tpu.memory_space<vmem>>
        %get3A_1429 = arith.constant 240 : index
        %get3A_1430 = tpu.vector_load %get3A_1428[%get3A_1429] {strides = array<i32>} : memref<256xf32, #tpu.memory_space<vmem>>, vector<16xf32>,
        %get3A_1431 = tpu.memref_slice %arg5[%mul3A_584] : memref<8192xf32, #tpu.memory_space<vmem>> -> memref<256xf32, #tpu.memory_space<vmem>>
        %get3A_1432 = arith.constant 240 : index
        %get3A_1433 = tpu.vector_load %get3A_1431[%get3A_1432] {strides = array<i32>} : memref<256xf32, #tpu.memory_space<vmem>>, vector<16xf32>,
        %get3A_1434 = tpu.memref_slice %arg6[%mul3A_584] : memref<8192xf32, #tpu.memory_space<vmem>> -> memref<256xf32, #tpu.memory_space<vmem>>
        %get3A_1435 = arith.constant 240 : index
        %get3A_1436 = tpu.vector_load %get3A_1434[%get3A_1435] {strides = array<i32>} : memref<256xf32, #tpu.memory_space<vmem>>, vector<16xf32>,
        %get3A_1437 = tpu.memref_slice %arg7[%mul3A_584] : memref<8192xf32, #tpu.memory_space<vmem>> -> memref<256xf32, #tpu.memory_space<vmem>>
        %get3A_1438 = arith.constant 240 : index
        %get3A_1439 = tpu.vector_load %get3A_1437[%get3A_1438] {strides = array<i32>} : memref<256xf32, #tpu.memory_space<vmem>>, vector<16xf32>,
        %mul3A_1440 = arith.mulf %mul3A_77, %get3A_1430 : vector<16xf32>
        %mul3A_1441 = arith.mulf %mul3A_85, %get3A_1433 : vector<16xf32>
        %add3A_1442 = arith.addf %mul3A_1440, %mul3A_1441 : vector<16xf32>
        %mul3A_1443 = arith.mulf %mul3A_93, %get3A_1436 : vector<16xf32>
        %add3A_1444 = arith.addf %add3A_1442, %mul3A_1443 : vector<16xf32>
        %add3A_1445 = arith.addf %gather3A_98, %add3A_1444 : vector<16xf32>
        %add3A_1446 = arith.addf %add3A_1445, %get3A_1439 : vector<16xf32>
        %swap3A_1447 = tpu.memref_slice %arg8[%add3A_586] : memref<32768xf32, #tpu.memory_space<vmem>> -> memref<256xf32, #tpu.memory_space<vmem>>
        %swap3A_1448 = arith.constant 240 : index
        %swap3A_1449 = tpu.vector_load %swap3A_1447[%swap3A_1448] {strides = array<i32>} : memref<256xf32, #tpu.memory_space<vmem>>, vector<16xf32>,
        tpu.vector_store %swap3A_1447[%swap3A_1448], %add3A_1446 {strides = array<i32>} : memref<256xf32, #tpu.memory_space<vmem>>, vector<16xf32>,
        %min3A_1450 = arith.minimumf %min3A_1394, %add3A_1446 : vector<16xf32>
        %mul3A_1451 = arith.mulf %mul3A_115, %get3A_1430 : vector<16xf32>
        %mul3A_1452 = arith.mulf %mul3A_123, %get3A_1433 : vector<16xf32>
        %add3A_1453 = arith.addf %mul3A_1451, %mul3A_1452 : vector<16xf32>
        %mul3A_1454 = arith.mulf %mul3A_131, %get3A_1436 : vector<16xf32>
        %add3A_1455 = arith.addf %add3A_1453, %mul3A_1454 : vector<16xf32>
        %add3A_1456 = arith.addf %gather3A_136, %add3A_1455 : vector<16xf32>
        %add3A_1457 = arith.addf %add3A_1456, %get3A_1439 : vector<16xf32>
        %swap3A_1458 = tpu.memref_slice %arg8[%add3A_588] : memref<32768xf32, #tpu.memory_space<vmem>> -> memref<256xf32, #tpu.memory_space<vmem>>
        %swap3A_1459 = arith.constant 240 : index
        %swap3A_1460 = tpu.vector_load %swap3A_1458[%swap3A_1459] {strides = array<i32>} : memref<256xf32, #tpu.memory_space<vmem>>, vector<16xf32>,
        tpu.vector_store %swap3A_1458[%swap3A_1459], %add3A_1457 {strides = array<i32>} : memref<256xf32, #tpu.memory_space<vmem>>, vector<16xf32>,
        %min3A_1461 = arith.minimumf %min3A_1405, %add3A_1457 : vector<16xf32>
        %mul3A_1462 = arith.mulf %mul3A_153, %get3A_1430 : vector<16xf32>
        %mul3A_1463 = arith.mulf %mul3A_161, %get3A_1433 : vector<16xf32>
        %add3A_1464 = arith.addf %mul3A_1462, %mul3A_1463 : vector<16xf32>
        %mul3A_1465 = arith.mulf %mul3A_169, %get3A_1436 : vector<16xf32>
        %add3A_1466 = arith.addf %add3A_1464, %mul3A_1465 : vector<16xf32>
        %add3A_1467 = arith.addf %gather3A_174, %add3A_1466 : vector<16xf32>
        %add3A_1468 = arith.addf %add3A_1467, %get3A_1439 : vector<16xf32>
        %swap3A_1469 = tpu.memref_slice %arg8[%add3A_590] : memref<32768xf32, #tpu.memory_space<vmem>> -> memref<256xf32, #tpu.memory_space<vmem>>
        %swap3A_1470 = arith.constant 240 : index
        %swap3A_1471 = tpu.vector_load %swap3A_1469[%swap3A_1470] {strides = array<i32>} : memref<256xf32, #tpu.memory_space<vmem>>, vector<16xf32>,
        tpu.vector_store %swap3A_1469[%swap3A_1470], %add3A_1468 {strides = array<i32>} : memref<256xf32, #tpu.memory_space<vmem>>, vector<16xf32>,
        %min3A_1472 = arith.minimumf %min3A_1416, %add3A_1468 : vector<16xf32>
        %mul3A_1473 = arith.mulf %mul3A_191, %get3A_1430 : vector<16xf32>
        %mul3A_1474 = arith.mulf %mul3A_199, %get3A_1433 : vector<16xf32>
        %add3A_1475 = arith.addf %mul3A_1473, %mul3A_1474 : vector<16xf32>
        %mul3A_1476 = arith.mulf %mul3A_207, %get3A_1436 : vector<16xf32>
        %add3A_1477 = arith.addf %add3A_1475, %mul3A_1476 : vector<16xf32>
        %add3A_1478 = arith.addf %gather3A_212, %add3A_1477 : vector<16xf32>
        %add3A_1479 = arith.addf %add3A_1478, %get3A_1439 : vector<16xf32>
        %swap3A_1480 = tpu.memref_slice %arg8[%add3A_592] : memref<32768xf32, #tpu.memory_space<vmem>> -> memref<256xf32, #tpu.memory_space<vmem>>
        %swap3A_1481 = arith.constant 240 : index
        %swap3A_1482 = tpu.vector_load %swap3A_1480[%swap3A_1481] {strides = array<i32>} : memref<256xf32, #tpu.memory_space<vmem>>, vector<16xf32>,
        tpu.vector_store %swap3A_1480[%swap3A_1481], %add3A_1479 {strides = array<i32>} : memref<256xf32, #tpu.memory_space<vmem>>, vector<16xf32>,
        %min3A_1483 = arith.minimumf %min3A_1427, %add3A_1479 : vector<16xf32>
        %mul3A_1484 = arith.constant 16 : i32
        %mul3A_1485 = arith.muli %scan3A_581, %mul3A_1484 : i32
        %add3A_1486 = arith.constant 0 : i32
        %add3A_1487 = arith.addi %add3A_1486, %mul3A_1485 : i32
        %swap3A_1488 = arith.index_cast %add3A_1487 : i32 to index
        %swap3A_1489 = tpu.vector_load %arg9[%swap3A_1488] {strides = array<i32>} : memref<2048xf32, #tpu.memory_space<vmem>>, vector<16xf32>,
        tpu.vector_store %arg9[%swap3A_1488], %min3A_1450 {strides = array<i32>} : memref<2048xf32, #tpu.memory_space<vmem>>, vector<16xf32>,
        %mul3A_1490 = arith.constant 16 : i32
        %mul3A_1491 = arith.muli %scan3A_581, %mul3A_1490 : i32
        %add3A_1492 = arith.constant 512 : i32
        %add3A_1493 = arith.addi %add3A_1492, %mul3A_1491 : i32
        %swap3A_1494 = arith.index_cast %add3A_1493 : i32 to index
        %swap3A_1495 = tpu.vector_load %arg9[%swap3A_1494] {strides = array<i32>} : memref<2048xf32, #tpu.memory_space<vmem>>, vector<16xf32>,
        tpu.vector_store %arg9[%swap3A_1494], %min3A_1461 {strides = array<i32>} : memref<2048xf32, #tpu.memory_space<vmem>>, vector<16xf32>,
        %mul3A_1496 = arith.constant 16 : i32
        %mul3A_1497 = arith.muli %scan3A_581, %mul3A_1496 : i32
        %add3A_1498 = arith.constant 1024 : i32
        %add3A_1499 = arith.addi %add3A_1498, %mul3A_1497 : i32
        %swap3A_1500 = arith.index_cast %add3A_1499 : i32 to index
        %swap3A_1501 = tpu.vector_load %arg9[%swap3A_1500] {strides = array<i32>} : memref<2048xf32, #tpu.memory_space<vmem>>, vector<16xf32>,
        tpu.vector_store %arg9[%swap3A_1500], %min3A_1472 {strides = array<i32>} : memref<2048xf32, #tpu.memory_space<vmem>>, vector<16xf32>,
        %mul3A_1502 = arith.constant 16 : i32
        %mul3A_1503 = arith.muli %scan3A_581, %mul3A_1502 : i32
        %add3A_1504 = arith.constant 1536 : i32
        %add3A_1505 = arith.addi %add3A_1504, %mul3A_1503 : i32
        %swap3A_1506 = arith.index_cast %add3A_1505 : i32 to index
        %swap3A_1507 = tpu.vector_load %arg9[%swap3A_1506] {strides = array<i32>} : memref<2048xf32, #tpu.memory_space<vmem>>, vector<16xf32>,
        tpu.vector_store %arg9[%swap3A_1506], %min3A_1483 {strides = array<i32>} : memref<2048xf32, #tpu.memory_space<vmem>>, vector<16xf32>,
        %scan3A_1508 = arith.constant 0 : i32
        scf.yield %scan3A_1508 : i32
      }
      %scan3A_219 = arith.constant 32 : i32
      %mul3A_220 = arith.constant 4 : i32
      %mul3A_221 = arith.muli %scan3A_61, %mul3A_220 : i32
      %add3A_222 = arith.constant 0 : i32
      %add3A_223 = arith.addi %mul3A_221, %add3A_222 : i32
      %scan3A_224 = arith.constant 0 : i32
      %scan3A_225 = arith.constant 32 : i32
      %scan3A_226 = arith.addi %scan3A_224, %scan3A_225 : i32
      %scan3A_227 = arith.constant 1 : i32
      %scan3A_228:2 = scf.for %scan3A_581 = %scan3A_224 to %scan3A_226 step %scan3A_227 iter_args(%scan3A_582 = %broadcast_in_dim3A_46, %scan3A_583 = %broadcast_in_dim3A_46) -> (vector<16xf32>, vector<16xf32>)  : i32 {
        %mul3A_584 = arith.constant 16 : i32
        %mul3A_585 = arith.muli %scan3A_581, %mul3A_584 : i32
        %add3A_586 = arith.constant 0 : i32
        %add3A_587 = arith.addi %add3A_586, %mul3A_585 : i32
        %get3A_588 = arith.index_cast %add3A_587 : i32 to index
        %get3A_589 = tpu.vector_load %arg9[%get3A_588] {strides = array<i32>} : memref<2048xf32, #tpu.memory_space<vmem>>, vector<16xf32>,
        %min3A = arith.minimumf %scan3A_582, %get3A_589 : vector<16xf32>
        %max3A = arith.maximumf %scan3A_582, %get3A_589 : vector<16xf32>
        %min3A_590 = arith.minimumf %scan3A_583, %max3A : vector<16xf32>
        scf.yield %min3A, %min3A_590 : vector<16xf32>, vector<16xf32>
      }
      %scan3A_229 = arith.constant 32 : i32
      %reduce_max3A = arith.constant true
      %reduce_max3A_230 = vector.broadcast %reduce_max3A : i1 to vector<16xi1>
      %reduce_max3A_231 = tpu.scan <max>, %scan3A_228#1 masked %reduce_max3A_230 : vector<16xf32>, vector<16xi1> -> vector<16xf32>
      %reduce_max3A_232 = vector.extract %reduce_max3A_231[15] : f32 from vector<16xf32>
      %scan3A_233 = arith.constant 0 : i32
      %scan3A_234 = arith.constant 0 : i32
      %scan3A_235 = arith.constant 32 : i32
      %scan3A_236 = arith.addi %scan3A_234, %scan3A_235 : i32
      %scan3A_237 = arith.constant 1 : i32
      %scan3A_238 = scf.for %scan3A_581 = %scan3A_234 to %scan3A_236 step %scan3A_237 iter_args(%scan3A_582 = %scan3A_233) -> (i32)  : i32 {
        %mul3A_583 = arith.constant 16 : i32
        %mul3A_584 = arith.muli %scan3A_581, %mul3A_583 : i32
        %add3A_585 = arith.constant 0 : i32
        %add3A_586 = arith.addi %add3A_585, %mul3A_584 : i32
        %get3A_587 = arith.index_cast %add3A_586 : i32 to index
        %get3A_588 = tpu.vector_load %arg9[%get3A_587] {strides = array<i32>} : memref<2048xf32, #tpu.memory_space<vmem>>, vector<16xf32>,
        %le3A = vector.broadcast %reduce_max3A_232 : f32 to vector<16xf32>
        %le3A_589 = arith.cmpf ole, %get3A_588, %le3A : vector<16xf32>
        %swap3A_590 = arith.index_cast %scan3A_582 : i32 to index
        %swap3A_591 = tpu.vector_load %arg10[%swap3A_590] masked %le3A_589 {strides = array<i32>} : memref<528xf32, #tpu.memory_space<vmem>>, vector<16xf32>, vector<16xi1>
        tpu.vector_store %arg10[%swap3A_590], %get3A_588 masked %le3A_589 {strides = array<i32>} : memref<528xf32, #tpu.memory_space<vmem>>, vector<16xf32>, vector<16xi1>
        %mul3A_592 = arith.constant 16 : i32
        %mul3A_593 = arith.muli %scan3A_581, %mul3A_592 : i32
        %add3A_594 = vector.broadcast %mul3A_593 : i32 to vector<16xi32>
        %add3A_595 = arith.addi %add3A_594, %iota3A : vector<16xi32>
        %swap3A_596 = arith.index_cast %scan3A_582 : i32 to index
        %swap3A_597 = tpu.vector_load %arg11[%swap3A_596] masked %le3A_589 {strides = array<i32>} : memref<528xi32, #tpu.memory_space<vmem>>, vector<16xi32>, vector<16xi1>
        tpu.vector_store %arg11[%swap3A_596], %add3A_595 masked %le3A_589 {strides = array<i32>} : memref<528xi32, #tpu.memory_space<vmem>>, vector<16xi32>, vector<16xi1>
        %all_reduce_population_count3A = tpu.all_reduce %le3A_589 {dim = 0 : i64, kind = #tpu.reduction_kind<sum>} : vector<16xi1> -> vector<16xi32>
        %slice3A = vector.extract_strided_slice %all_reduce_population_count3A {offsets = [0], sizes = [1], strides = [1]} : vector<16xi32> to vector<1xi32>
        %squeeze3A = vector.extract %slice3A[0] : i32 from vector<1xi32>
        %add3A_598 = arith.addi %scan3A_582, %squeeze3A : i32
        scf.yield %add3A_598 : i32
      }
      %scan3A_239 = arith.constant 32 : i32
      %swap3A = arith.index_cast %scan3A_238 : i32 to index
      %swap3A_240 = tpu.vector_load %arg10[%swap3A] masked %eq3A_45 {strides = array<i32>} : memref<528xf32, #tpu.memory_space<vmem>>, vector<16xf32>, vector<16xi1>
      tpu.vector_store %arg10[%swap3A], %broadcast_in_dim3A_46 masked %eq3A_45 {strides = array<i32>} : memref<528xf32, #tpu.memory_space<vmem>>, vector<16xf32>, vector<16xi1>
      %add3A_241 = arith.constant 15 : i32
      %add3A_242 = arith.addi %scan3A_238, %add3A_241 : i32
      %shift_right_logical3A = arith.constant 4 : i32
      %shift_right_logical3A_243 = arith.shrui %add3A_242, %shift_right_logical3A : i32
      %while3A = arith.constant 0 : i32
      %while3A_244 = arith.constant 0x7F800000 : f32
      %while3A_245 = arith.subi %shift_right_logical3A_243, %while3A : i32
      %while3A_246 = arith.addi %while3A, %while3A_245 : i32
      %while3A_247 = arith.constant 1 : i32
      %while3A_248 = arith.divsi %while3A_245, %while3A_247 : i32
      %while3A_249 = arith.muli %while3A_248, %while3A_247 : i32
      %while3A_250 = arith.addi %while3A, %while3A_249 : i32
      %while3A_251 = arith.constant 1 : i32
      %while3A_252:5 = scf.for %while3A_581 = %while3A to %while3A_250 step %while3A_251 iter_args(%while3A_582 = %broadcast_in_dim3A_46, %while3A_583 = %broadcast_in_dim3A_48, %while3A_584 = %broadcast_in_dim3A_46, %while3A_585 = %broadcast_in_dim3A_48, %while3A_586 = %while3A_244) -> (vector<16xf32>, vector<16xi32>, vector<16xf32>, vector<16xi32>, f32)  : i32 {
        %mul3A_587 = arith.constant 16 : i32
        %mul3A_588 = arith.muli %while3A_581, %mul3A_587 : i32
        %get3A_589 = arith.index_cast %mul3A_588 : i32 to index
        %get3A_590 = tpu.vector_load %arg10[%get3A_589] {strides = array<i32>} : memref<528xf32, #tpu.memory_space<vmem>>, vector<16xf32>,
        %mul3A_591 = arith.constant 16 : i32
        %mul3A_592 = arith.muli %while3A_581, %mul3A_591 : i32
        %get3A_593 = arith.index_cast %mul3A_592 : i32 to index
        %get3A_594 = tpu.vector_load %arg11[%get3A_593] {strides = array<i32>} : memref<528xi32, #tpu.memory_space<vmem>>, vector<16xi32>,
        %reduce_min3A = arith.constant true
        %reduce_min3A_595 = vector.broadcast %reduce_min3A : i1 to vector<16xi1>
        %reduce_min3A_596 = tpu.scan <min>, %get3A_590 masked %reduce_min3A_595 : vector<16xf32>, vector<16xi1> -> vector<16xf32>
        %reduce_min3A_597 = vector.extract %reduce_min3A_596[15] : f32 from vector<16xf32>
        %lt3A_598 = arith.cmpf olt, %reduce_min3A_597, %while3A_586 : f32
        %convert_element_type3A = arith.extui %lt3A_598 : i1 to i32
        %cond3A = arith.constant 0 : i32
        %cond3A_599 = arith.cmpi ne, %convert_element_type3A, %cond3A : i32
        %cond3A_600:5 = scf.if %cond3A_599 -> (vector<16xf32>, vector<16xi32>, vector<16xf32>, vector<16xi32>, f32) {
          %masked_sort3A = arith.constant dense<true> : vector<16xi1>
          %masked_sort3A_601, %masked_sort3A_602, %masked_sort3A_603 = tpu.sort %get3A_590, %get3A_594 masked %masked_sort3A : (vector<16xf32>, vector<16xi32>, vector<16xi1>) -> (vector<16xi1>, vector<16xf32>, vector<16xi32>)
          %rev3A = arith.constant 15 : i32
          %rev3A_604 = vector.broadcast %rev3A : i32 to vector<16xi32>
          %rev3A_605 = tpu.iota {dimensions = array<i32: 0>} : vector<16xi32>
          %rev3A_606 = arith.subi %rev3A_604, %rev3A_605 : vector<16xi32>
          %rev3A_607 = tpu.dynamic_gather %masked_sort3A_602[%rev3A_606] in [0] : vector<16xf32>, vector<16xi32> -> vector<16xf32>
          %rev3A_608 = arith.constant 15 : i32
          %rev3A_609 = vector.broadcast %rev3A_608 : i32 to vector<16xi32>
          %rev3A_610 = tpu.iota {dimensions = array<i32: 0>} : vector<16xi32>
          %rev3A_611 = arith.subi %rev3A_609, %rev3A_610 : vector<16xi32>
          %rev3A_612 = tpu.dynamic_gather %masked_sort3A_603[%rev3A_611] in [0] : vector<16xi32>, vector<16xi32> -> vector<16xi32>
          %le3A = arith.cmpf ole, %while3A_584, %rev3A_607 : vector<16xf32>
          %min3A = arith.minimumf %while3A_584, %rev3A_607 : vector<16xf32>
          %select_n3A_613 = arith.select %le3A, %while3A_585, %rev3A_612 : vector<16xi1>, vector<16xi32>
          %masked_sort3A_614 = arith.constant dense<true> : vector<16xi1>
          %masked_sort3A_615, %masked_sort3A_616, %masked_sort3A_617 = tpu.sort %min3A, %select_n3A_613 masked %masked_sort3A_614 : (vector<16xf32>, vector<16xi32>, vector<16xi1>) -> (vector<16xi1>, vector<16xf32>, vector<16xi32>)
          %rev3A_618 = arith.constant 15 : i32
          %rev3A_619 = vector.broadcast %rev3A_618 : i32 to vector<16xi32>
          %rev3A_620 = tpu.iota {dimensions = array<i32: 0>} : vector<16xi32>
          %rev3A_621 = arith.subi %rev3A_619, %rev3A_620 : vector<16xi32>
          %rev3A_622 = tpu.dynamic_gather %masked_sort3A_616[%rev3A_621] in [0] : vector<16xf32>, vector<16xi32> -> vector<16xf32>
          %rev3A_623 = arith.constant 15 : i32
          %rev3A_624 = vector.broadcast %rev3A_623 : i32 to vector<16xi32>
          %rev3A_625 = tpu.iota {dimensions = array<i32: 0>} : vector<16xi32>
          %rev3A_626 = arith.subi %rev3A_624, %rev3A_625 : vector<16xi32>
          %rev3A_627 = tpu.dynamic_gather %masked_sort3A_617[%rev3A_626] in [0] : vector<16xi32>, vector<16xi32> -> vector<16xi32>
          %le3A_628 = arith.cmpf ole, %while3A_582, %rev3A_622 : vector<16xf32>
          %min3A_629 = arith.minimumf %while3A_582, %rev3A_622 : vector<16xf32>
          %select_n3A_630 = arith.select %le3A_628, %while3A_583, %rev3A_627 : vector<16xi1>, vector<16xi32>
          %max3A = arith.maximumf %while3A_582, %rev3A_622 : vector<16xf32>
          %select_n3A_631 = arith.select %le3A_628, %rev3A_627, %while3A_583 : vector<16xi1>, vector<16xi32>
          %masked_sort3A_632 = arith.constant dense<true> : vector<16xi1>
          %masked_sort3A_633, %masked_sort3A_634, %masked_sort3A_635 = tpu.sort %min3A_629, %select_n3A_630 masked %masked_sort3A_632 : (vector<16xf32>, vector<16xi32>, vector<16xi1>) -> (vector<16xi1>, vector<16xf32>, vector<16xi32>)
          %masked_sort3A_636 = arith.constant dense<true> : vector<16xi1>
          %masked_sort3A_637, %masked_sort3A_638, %masked_sort3A_639 = tpu.sort %max3A, %select_n3A_631 masked %masked_sort3A_636 : (vector<16xf32>, vector<16xi32>, vector<16xi1>) -> (vector<16xi1>, vector<16xf32>, vector<16xi32>)
          %reduce_max3A_640 = arith.constant true
          %reduce_max3A_641 = vector.broadcast %reduce_max3A_640 : i1 to vector<16xi1>
          %reduce_max3A_642 = tpu.scan <max>, %masked_sort3A_638 masked %reduce_max3A_641 : vector<16xf32>, vector<16xi1> -> vector<16xf32>
          %reduce_max3A_643 = vector.extract %reduce_max3A_642[15] : f32 from vector<16xf32>
          scf.yield %masked_sort3A_634, %masked_sort3A_635, %masked_sort3A_638, %masked_sort3A_639, %reduce_max3A_643 : vector<16xf32>, vector<16xi32>, vector<16xf32>, vector<16xi32>, f32
        } else {
          scf.yield %while3A_582, %while3A_583, %while3A_584, %while3A_585, %while3A_586 : vector<16xf32>, vector<16xi32>, vector<16xf32>, vector<16xi32>, f32
        }
        scf.yield %cond3A_600#0, %cond3A_600#1, %cond3A_600#2, %cond3A_600#3, %cond3A_600#4 : vector<16xf32>, vector<16xi32>, vector<16xf32>, vector<16xi32>, f32
      }
      %while3A_253 = arith.constant 1 : i32
      %while3A_254:5 = scf.for %while3A_581 = %while3A_250 to %while3A_246 step %while3A_253 iter_args(%while3A_582 = %while3A_252#0, %while3A_583 = %while3A_252#1, %while3A_584 = %while3A_252#2, %while3A_585 = %while3A_252#3, %while3A_586 = %while3A_252#4) -> (vector<16xf32>, vector<16xi32>, vector<16xf32>, vector<16xi32>, f32)  : i32 {
        %mul3A_587 = arith.constant 16 : i32
        %mul3A_588 = arith.muli %while3A_581, %mul3A_587 : i32
        %get3A_589 = arith.index_cast %mul3A_588 : i32 to index
        %get3A_590 = tpu.vector_load %arg10[%get3A_589] {strides = array<i32>} : memref<528xf32, #tpu.memory_space<vmem>>, vector<16xf32>,
        %mul3A_591 = arith.constant 16 : i32
        %mul3A_592 = arith.muli %while3A_581, %mul3A_591 : i32
        %get3A_593 = arith.index_cast %mul3A_592 : i32 to index
        %get3A_594 = tpu.vector_load %arg11[%get3A_593] {strides = array<i32>} : memref<528xi32, #tpu.memory_space<vmem>>, vector<16xi32>,
        %reduce_min3A = arith.constant true
        %reduce_min3A_595 = vector.broadcast %reduce_min3A : i1 to vector<16xi1>
        %reduce_min3A_596 = tpu.scan <min>, %get3A_590 masked %reduce_min3A_595 : vector<16xf32>, vector<16xi1> -> vector<16xf32>
        %reduce_min3A_597 = vector.extract %reduce_min3A_596[15] : f32 from vector<16xf32>
        %lt3A_598 = arith.cmpf olt, %reduce_min3A_597, %while3A_586 : f32
        %convert_element_type3A = arith.extui %lt3A_598 : i1 to i32
        %cond3A = arith.constant 0 : i32
        %cond3A_599 = arith.cmpi ne, %convert_element_type3A, %cond3A : i32
        %cond3A_600:5 = scf.if %cond3A_599 -> (vector<16xf32>, vector<16xi32>, vector<16xf32>, vector<16xi32>, f32) {
          %masked_sort3A = arith.constant dense<true> : vector<16xi1>
          %masked_sort3A_601, %masked_sort3A_602, %masked_sort3A_603 = tpu.sort %get3A_590, %get3A_594 masked %masked_sort3A : (vector<16xf32>, vector<16xi32>, vector<16xi1>) -> (vector<16xi1>, vector<16xf32>, vector<16xi32>)
          %rev3A = arith.constant 15 : i32
          %rev3A_604 = vector.broadcast %rev3A : i32 to vector<16xi32>
          %rev3A_605 = tpu.iota {dimensions = array<i32: 0>} : vector<16xi32>
          %rev3A_606 = arith.subi %rev3A_604, %rev3A_605 : vector<16xi32>
          %rev3A_607 = tpu.dynamic_gather %masked_sort3A_602[%rev3A_606] in [0] : vector<16xf32>, vector<16xi32> -> vector<16xf32>
          %rev3A_608 = arith.constant 15 : i32
          %rev3A_609 = vector.broadcast %rev3A_608 : i32 to vector<16xi32>
          %rev3A_610 = tpu.iota {dimensions = array<i32: 0>} : vector<16xi32>
          %rev3A_611 = arith.subi %rev3A_609, %rev3A_610 : vector<16xi32>
          %rev3A_612 = tpu.dynamic_gather %masked_sort3A_603[%rev3A_611] in [0] : vector<16xi32>, vector<16xi32> -> vector<16xi32>
          %le3A = arith.cmpf ole, %while3A_584, %rev3A_607 : vector<16xf32>
          %min3A = arith.minimumf %while3A_584, %rev3A_607 : vector<16xf32>
          %select_n3A_613 = arith.select %le3A, %while3A_585, %rev3A_612 : vector<16xi1>, vector<16xi32>
          %masked_sort3A_614 = arith.constant dense<true> : vector<16xi1>
          %masked_sort3A_615, %masked_sort3A_616, %masked_sort3A_617 = tpu.sort %min3A, %select_n3A_613 masked %masked_sort3A_614 : (vector<16xf32>, vector<16xi32>, vector<16xi1>) -> (vector<16xi1>, vector<16xf32>, vector<16xi32>)
          %rev3A_618 = arith.constant 15 : i32
          %rev3A_619 = vector.broadcast %rev3A_618 : i32 to vector<16xi32>
          %rev3A_620 = tpu.iota {dimensions = array<i32: 0>} : vector<16xi32>
          %rev3A_621 = arith.subi %rev3A_619, %rev3A_620 : vector<16xi32>
          %rev3A_622 = tpu.dynamic_gather %masked_sort3A_616[%rev3A_621] in [0] : vector<16xf32>, vector<16xi32> -> vector<16xf32>
          %rev3A_623 = arith.constant 15 : i32
          %rev3A_624 = vector.broadcast %rev3A_623 : i32 to vector<16xi32>
          %rev3A_625 = tpu.iota {dimensions = array<i32: 0>} : vector<16xi32>
          %rev3A_626 = arith.subi %rev3A_624, %rev3A_625 : vector<16xi32>
          %rev3A_627 = tpu.dynamic_gather %masked_sort3A_617[%rev3A_626] in [0] : vector<16xi32>, vector<16xi32> -> vector<16xi32>
          %le3A_628 = arith.cmpf ole, %while3A_582, %rev3A_622 : vector<16xf32>
          %min3A_629 = arith.minimumf %while3A_582, %rev3A_622 : vector<16xf32>
          %select_n3A_630 = arith.select %le3A_628, %while3A_583, %rev3A_627 : vector<16xi1>, vector<16xi32>
          %max3A = arith.maximumf %while3A_582, %rev3A_622 : vector<16xf32>
          %select_n3A_631 = arith.select %le3A_628, %rev3A_627, %while3A_583 : vector<16xi1>, vector<16xi32>
          %masked_sort3A_632 = arith.constant dense<true> : vector<16xi1>
          %masked_sort3A_633, %masked_sort3A_634, %masked_sort3A_635 = tpu.sort %min3A_629, %select_n3A_630 masked %masked_sort3A_632 : (vector<16xf32>, vector<16xi32>, vector<16xi1>) -> (vector<16xi1>, vector<16xf32>, vector<16xi32>)
          %masked_sort3A_636 = arith.constant dense<true> : vector<16xi1>
          %masked_sort3A_637, %masked_sort3A_638, %masked_sort3A_639 = tpu.sort %max3A, %select_n3A_631 masked %masked_sort3A_636 : (vector<16xf32>, vector<16xi32>, vector<16xi1>) -> (vector<16xi1>, vector<16xf32>, vector<16xi32>)
          %reduce_max3A_640 = arith.constant true
          %reduce_max3A_641 = vector.broadcast %reduce_max3A_640 : i1 to vector<16xi1>
          %reduce_max3A_642 = tpu.scan <max>, %masked_sort3A_638 masked %reduce_max3A_641 : vector<16xf32>, vector<16xi1> -> vector<16xf32>
          %reduce_max3A_643 = vector.extract %reduce_max3A_642[15] : f32 from vector<16xf32>
          scf.yield %masked_sort3A_634, %masked_sort3A_635, %masked_sort3A_638, %masked_sort3A_639, %reduce_max3A_643 : vector<16xf32>, vector<16xi32>, vector<16xf32>, vector<16xi32>, f32
        } else {
          scf.yield %while3A_582, %while3A_583, %while3A_584, %while3A_585, %while3A_586 : vector<16xf32>, vector<16xi32>, vector<16xf32>, vector<16xi32>, f32
        }
        scf.yield %cond3A_600#0, %cond3A_600#1, %cond3A_600#2, %cond3A_600#3, %cond3A_600#4 : vector<16xf32>, vector<16xi32>, vector<16xf32>, vector<16xi32>, f32
      }
      %while3A_255 = arith.constant 0 : i32
      %while3A_256 = arith.constant 0 : i32
      %while3A_257 = arith.subi %shift_right_logical3A_243, %while3A_255 : i32
      %while3A_258 = arith.addi %while3A_255, %while3A_257 : i32
      %while3A_259 = arith.constant 1 : i32
      %while3A_260 = arith.divsi %while3A_257, %while3A_259 : i32
      %while3A_261 = arith.muli %while3A_260, %while3A_259 : i32
      %while3A_262 = arith.addi %while3A_255, %while3A_261 : i32
      %while3A_263 = arith.constant 1 : i32
      %while3A_264 = scf.for %while3A_581 = %while3A_255 to %while3A_262 step %while3A_263 iter_args(%while3A_582 = %while3A_256) -> (i32)  : i32 {
        %mul3A_583 = arith.constant 16 : i32
        %mul3A_584 = arith.muli %while3A_581, %mul3A_583 : i32
        %get3A_585 = arith.index_cast %mul3A_584 : i32 to index
        %get3A_586 = tpu.vector_load %arg10[%get3A_585] {strides = array<i32>} : memref<528xf32, #tpu.memory_space<vmem>>, vector<16xf32>,
        %mul3A_587 = arith.constant 16 : i32
        %mul3A_588 = arith.muli %while3A_581, %mul3A_587 : i32
        %get3A_589 = arith.index_cast %mul3A_588 : i32 to index
        %get3A_590 = tpu.vector_load %arg11[%get3A_589] {strides = array<i32>} : memref<528xi32, #tpu.memory_space<vmem>>, vector<16xi32>,
        %le3A = vector.broadcast %while3A_254#4 : f32 to vector<16xf32>
        %le3A_591 = arith.cmpf ole, %get3A_586, %le3A : vector<16xf32>
        %swap3A_592 = arith.index_cast %while3A_582 : i32 to index
        %swap3A_593 = tpu.vector_load %arg12[%swap3A_592] masked %le3A_591 {strides = array<i32>} : memref<528xi32, #tpu.memory_space<vmem>>, vector<16xi32>, vector<16xi1>
        tpu.vector_store %arg12[%swap3A_592], %get3A_590 masked %le3A_591 {strides = array<i32>} : memref<528xi32, #tpu.memory_space<vmem>>, vector<16xi32>, vector<16xi1>
        %all_reduce_population_count3A = tpu.all_reduce %le3A_591 {dim = 0 : i64, kind = #tpu.reduction_kind<sum>} : vector<16xi1> -> vector<16xi32>
        %slice3A = vector.extract_strided_slice %all_reduce_population_count3A {offsets = [0], sizes = [1], strides = [1]} : vector<16xi32> to vector<1xi32>
        %squeeze3A = vector.extract %slice3A[0] : i32 from vector<1xi32>
        %add3A_594 = arith.addi %while3A_582, %squeeze3A : i32
        scf.yield %add3A_594 : i32
      }
      %while3A_265 = arith.constant 1 : i32
      %while3A_266 = scf.for %while3A_581 = %while3A_262 to %while3A_258 step %while3A_265 iter_args(%while3A_582 = %while3A_264) -> (i32)  : i32 {
        %mul3A_583 = arith.constant 16 : i32
        %mul3A_584 = arith.muli %while3A_581, %mul3A_583 : i32
        %get3A_585 = arith.index_cast %mul3A_584 : i32 to index
        %get3A_586 = tpu.vector_load %arg10[%get3A_585] {strides = array<i32>} : memref<528xf32, #tpu.memory_space<vmem>>, vector<16xf32>,
        %mul3A_587 = arith.constant 16 : i32
        %mul3A_588 = arith.muli %while3A_581, %mul3A_587 : i32
        %get3A_589 = arith.index_cast %mul3A_588 : i32 to index
        %get3A_590 = tpu.vector_load %arg11[%get3A_589] {strides = array<i32>} : memref<528xi32, #tpu.memory_space<vmem>>, vector<16xi32>,
        %le3A = vector.broadcast %while3A_254#4 : f32 to vector<16xf32>
        %le3A_591 = arith.cmpf ole, %get3A_586, %le3A : vector<16xf32>
        %swap3A_592 = arith.index_cast %while3A_582 : i32 to index
        %swap3A_593 = tpu.vector_load %arg12[%swap3A_592] masked %le3A_591 {strides = array<i32>} : memref<528xi32, #tpu.memory_space<vmem>>, vector<16xi32>, vector<16xi1>
        tpu.vector_store %arg12[%swap3A_592], %get3A_590 masked %le3A_591 {strides = array<i32>} : memref<528xi32, #tpu.memory_space<vmem>>, vector<16xi32>, vector<16xi1>
        %all_reduce_population_count3A = tpu.all_reduce %le3A_591 {dim = 0 : i64, kind = #tpu.reduction_kind<sum>} : vector<16xi1> -> vector<16xi32>
        %slice3A = vector.extract_strided_slice %all_reduce_population_count3A {offsets = [0], sizes = [1], strides = [1]} : vector<16xi32> to vector<1xi32>
        %squeeze3A = vector.extract %slice3A[0] : i32 from vector<1xi32>
        %add3A_594 = arith.addi %while3A_582, %squeeze3A : i32
        scf.yield %add3A_594 : i32
      }
      %while3A_267 = arith.constant 0 : i32
      %while3A_268 = arith.constant 0 : i32
      %while3A_269 = arith.subi %while3A_266, %while3A_267 : i32
      %while3A_270 = arith.addi %while3A_267, %while3A_269 : i32
      %while3A_271 = arith.constant 1 : i32
      %while3A_272 = arith.divsi %while3A_269, %while3A_271 : i32
      %while3A_273 = arith.muli %while3A_272, %while3A_271 : i32
      %while3A_274 = arith.addi %while3A_267, %while3A_273 : i32
      %while3A_275 = arith.constant 1 : i32
      %while3A_276 = scf.for %while3A_581 = %while3A_267 to %while3A_274 step %while3A_275 iter_args(%while3A_582 = %while3A_268) -> (i32)  : i32 {
        %shift_right_logical3A_583 = arith.constant 4 : i32
        %shift_right_logical3A_584 = arith.shrui %while3A_581, %shift_right_logical3A_583 : i32
        %shift_left3A = arith.constant 4 : i32
        %shift_left3A_585 = arith.shli %shift_right_logical3A_584, %shift_left3A : i32
        %get3A_586 = arith.index_cast %shift_left3A_585 : i32 to index
        %get3A_587 = tpu.vector_load %arg12[%get3A_586] {strides = array<i32>} : memref<528xi32, #tpu.memory_space<vmem>>, vector<16xi32>,
        %and3A_588 = arith.constant 15 : i32
        %and3A_589 = arith.andi %while3A_581, %and3A_588 : i32
        %broadcast_in_dim3A_590 = vector.broadcast %and3A_589 : i32 to vector<16xi32>
        %broadcast_in_dim3A_591 = vector.shape_cast %broadcast_in_dim3A_590 : vector<16xi32> to vector<16x1xi32>
        %gather3A_592 = vector.shape_cast %broadcast_in_dim3A_591 : vector<16x1xi32> to vector<16xi32>
        %gather3A_593 = tpu.dynamic_gather %get3A_587[%gather3A_592] in [0] : vector<16xi32>, vector<16xi32> -> vector<16xi32>
        %shift_right_logical3A_594 = arith.constant 4 : i32
        %shift_right_logical3A_595 = vector.broadcast %shift_right_logical3A_594 : i32 to vector<16xi32>
        %shift_right_logical3A_596 = arith.shrui %gather3A_593, %shift_right_logical3A_595 : vector<16xi32>
        %shift_left3A_597 = arith.constant 8 : i32
        %shift_left3A_598 = vector.broadcast %shift_left3A_597 : i32 to vector<16xi32>
        %shift_left3A_599 = arith.shli %shift_right_logical3A_596, %shift_left3A_598 : vector<16xi32>
        %and3A_600 = arith.constant 15 : i32
        %and3A_601 = vector.broadcast %and3A_600 : i32 to vector<16xi32>
        %and3A_602 = arith.andi %gather3A_593, %and3A_601 : vector<16xi32>
        %add3A_603 = arith.addi %shift_left3A_599, %and3A_602 : vector<16xi32>
        %mul3A_604 = arith.constant 16 : i32
        %mul3A_605 = vector.broadcast %mul3A_604 : i32 to vector<16xi32>
        %mul3A_606 = arith.muli %mul3A_605, %iota3A : vector<16xi32>
        %add3A_607 = arith.addi %add3A_603, %mul3A_606 : vector<16xi32>
        %add3A_608 = arith.constant 0 : i32
        %add3A_609 = vector.broadcast %add3A_608 : i32 to vector<16xi32>
        %add3A_610 = arith.addi %add3A_609, %add3A_607 : vector<16xi32>
        %gather3A_611 = tpu.vector_load_idx %arg8[%add3A_610] : memref<32768xf32, #tpu.memory_space<vmem>>[vector<16xi32>], vector<16xf32>,
        %le3A = vector.broadcast %while3A_254#4 : f32 to vector<16xf32>
        %le3A_612 = arith.cmpf ole, %gather3A_611, %le3A : vector<16xf32>
        %swap3A_613 = arith.index_cast %while3A_582 : i32 to index
        %swap3A_614 = tpu.vector_load %arg13[%swap3A_613] masked %le3A_612 {strides = array<i32>} : memref<8208xf32, #tpu.memory_space<vmem>>, vector<16xf32>, vector<16xi1>
        tpu.vector_store %arg13[%swap3A_613], %gather3A_611 masked %le3A_612 {strides = array<i32>} : memref<8208xf32, #tpu.memory_space<vmem>>, vector<16xf32>, vector<16xi1>
        %swap3A_615 = arith.index_cast %while3A_582 : i32 to index
        %swap3A_616 = tpu.vector_load %arg14[%swap3A_615] masked %le3A_612 {strides = array<i32>} : memref<8208xi32, #tpu.memory_space<vmem>>, vector<16xi32>, vector<16xi1>
        tpu.vector_store %arg14[%swap3A_615], %add3A_607 masked %le3A_612 {strides = array<i32>} : memref<8208xi32, #tpu.memory_space<vmem>>, vector<16xi32>, vector<16xi1>
        %all_reduce_population_count3A = tpu.all_reduce %le3A_612 {dim = 0 : i64, kind = #tpu.reduction_kind<sum>} : vector<16xi1> -> vector<16xi32>
        %slice3A = vector.extract_strided_slice %all_reduce_population_count3A {offsets = [0], sizes = [1], strides = [1]} : vector<16xi32> to vector<1xi32>
        %squeeze3A = vector.extract %slice3A[0] : i32 from vector<1xi32>
        %add3A_617 = arith.addi %while3A_582, %squeeze3A : i32
        scf.yield %add3A_617 : i32
      }
      %while3A_277 = arith.constant 1 : i32
      %while3A_278 = scf.for %while3A_581 = %while3A_274 to %while3A_270 step %while3A_277 iter_args(%while3A_582 = %while3A_276) -> (i32)  : i32 {
        %shift_right_logical3A_583 = arith.constant 4 : i32
        %shift_right_logical3A_584 = arith.shrui %while3A_581, %shift_right_logical3A_583 : i32
        %shift_left3A = arith.constant 4 : i32
        %shift_left3A_585 = arith.shli %shift_right_logical3A_584, %shift_left3A : i32
        %get3A_586 = arith.index_cast %shift_left3A_585 : i32 to index
        %get3A_587 = tpu.vector_load %arg12[%get3A_586] {strides = array<i32>} : memref<528xi32, #tpu.memory_space<vmem>>, vector<16xi32>,
        %and3A_588 = arith.constant 15 : i32
        %and3A_589 = arith.andi %while3A_581, %and3A_588 : i32
        %broadcast_in_dim3A_590 = vector.broadcast %and3A_589 : i32 to vector<16xi32>
        %broadcast_in_dim3A_591 = vector.shape_cast %broadcast_in_dim3A_590 : vector<16xi32> to vector<16x1xi32>
        %gather3A_592 = vector.shape_cast %broadcast_in_dim3A_591 : vector<16x1xi32> to vector<16xi32>
        %gather3A_593 = tpu.dynamic_gather %get3A_587[%gather3A_592] in [0] : vector<16xi32>, vector<16xi32> -> vector<16xi32>
        %shift_right_logical3A_594 = arith.constant 4 : i32
        %shift_right_logical3A_595 = vector.broadcast %shift_right_logical3A_594 : i32 to vector<16xi32>
        %shift_right_logical3A_596 = arith.shrui %gather3A_593, %shift_right_logical3A_595 : vector<16xi32>
        %shift_left3A_597 = arith.constant 8 : i32
        %shift_left3A_598 = vector.broadcast %shift_left3A_597 : i32 to vector<16xi32>
        %shift_left3A_599 = arith.shli %shift_right_logical3A_596, %shift_left3A_598 : vector<16xi32>
        %and3A_600 = arith.constant 15 : i32
        %and3A_601 = vector.broadcast %and3A_600 : i32 to vector<16xi32>
        %and3A_602 = arith.andi %gather3A_593, %and3A_601 : vector<16xi32>
        %add3A_603 = arith.addi %shift_left3A_599, %and3A_602 : vector<16xi32>
        %mul3A_604 = arith.constant 16 : i32
        %mul3A_605 = vector.broadcast %mul3A_604 : i32 to vector<16xi32>
        %mul3A_606 = arith.muli %mul3A_605, %iota3A : vector<16xi32>
        %add3A_607 = arith.addi %add3A_603, %mul3A_606 : vector<16xi32>
        %add3A_608 = arith.constant 0 : i32
        %add3A_609 = vector.broadcast %add3A_608 : i32 to vector<16xi32>
        %add3A_610 = arith.addi %add3A_609, %add3A_607 : vector<16xi32>
        %gather3A_611 = tpu.vector_load_idx %arg8[%add3A_610] : memref<32768xf32, #tpu.memory_space<vmem>>[vector<16xi32>], vector<16xf32>,
        %le3A = vector.broadcast %while3A_254#4 : f32 to vector<16xf32>
        %le3A_612 = arith.cmpf ole, %gather3A_611, %le3A : vector<16xf32>
        %swap3A_613 = arith.index_cast %while3A_582 : i32 to index
        %swap3A_614 = tpu.vector_load %arg13[%swap3A_613] masked %le3A_612 {strides = array<i32>} : memref<8208xf32, #tpu.memory_space<vmem>>, vector<16xf32>, vector<16xi1>
        tpu.vector_store %arg13[%swap3A_613], %gather3A_611 masked %le3A_612 {strides = array<i32>} : memref<8208xf32, #tpu.memory_space<vmem>>, vector<16xf32>, vector<16xi1>
        %swap3A_615 = arith.index_cast %while3A_582 : i32 to index
        %swap3A_616 = tpu.vector_load %arg14[%swap3A_615] masked %le3A_612 {strides = array<i32>} : memref<8208xi32, #tpu.memory_space<vmem>>, vector<16xi32>, vector<16xi1>
        tpu.vector_store %arg14[%swap3A_615], %add3A_607 masked %le3A_612 {strides = array<i32>} : memref<8208xi32, #tpu.memory_space<vmem>>, vector<16xi32>, vector<16xi1>
        %all_reduce_population_count3A = tpu.all_reduce %le3A_612 {dim = 0 : i64, kind = #tpu.reduction_kind<sum>} : vector<16xi1> -> vector<16xi32>
        %slice3A = vector.extract_strided_slice %all_reduce_population_count3A {offsets = [0], sizes = [1], strides = [1]} : vector<16xi32> to vector<1xi32>
        %squeeze3A = vector.extract %slice3A[0] : i32 from vector<1xi32>
        %add3A_617 = arith.addi %while3A_582, %squeeze3A : i32
        scf.yield %add3A_617 : i32
      }
      %swap3A_279 = arith.index_cast %while3A_278 : i32 to index
      %swap3A_280 = tpu.vector_load %arg13[%swap3A_279] masked %eq3A_45 {strides = array<i32>} : memref<8208xf32, #tpu.memory_space<vmem>>, vector<16xf32>, vector<16xi1>
      tpu.vector_store %arg13[%swap3A_279], %broadcast_in_dim3A_46 masked %eq3A_45 {strides = array<i32>} : memref<8208xf32, #tpu.memory_space<vmem>>, vector<16xf32>, vector<16xi1>
      %add3A_281 = arith.constant 15 : i32
      %add3A_282 = arith.addi %while3A_278, %add3A_281 : i32
      %shift_right_logical3A_283 = arith.constant 4 : i32
      %shift_right_logical3A_284 = arith.shrui %add3A_282, %shift_right_logical3A_283 : i32
      %while3A_285 = arith.constant 0 : i32
      %while3A_286 = arith.constant 0x7F800000 : f32
      %while3A_287 = arith.subi %shift_right_logical3A_284, %while3A_285 : i32
      %while3A_288 = arith.addi %while3A_285, %while3A_287 : i32
      %while3A_289 = arith.constant 1 : i32
      %while3A_290 = arith.divsi %while3A_287, %while3A_289 : i32
      %while3A_291 = arith.muli %while3A_290, %while3A_289 : i32
      %while3A_292 = arith.addi %while3A_285, %while3A_291 : i32
      %while3A_293 = arith.constant 1 : i32
      %while3A_294:5 = scf.for %while3A_581 = %while3A_285 to %while3A_292 step %while3A_293 iter_args(%while3A_582 = %broadcast_in_dim3A_46, %while3A_583 = %broadcast_in_dim3A_48, %while3A_584 = %broadcast_in_dim3A_46, %while3A_585 = %broadcast_in_dim3A_48, %while3A_586 = %while3A_286) -> (vector<16xf32>, vector<16xi32>, vector<16xf32>, vector<16xi32>, f32)  : i32 {
        %mul3A_587 = arith.constant 16 : i32
        %mul3A_588 = arith.muli %while3A_581, %mul3A_587 : i32
        %get3A_589 = arith.index_cast %mul3A_588 : i32 to index
        %get3A_590 = tpu.vector_load %arg13[%get3A_589] {strides = array<i32>} : memref<8208xf32, #tpu.memory_space<vmem>>, vector<16xf32>,
        %mul3A_591 = arith.constant 16 : i32
        %mul3A_592 = arith.muli %while3A_581, %mul3A_591 : i32
        %get3A_593 = arith.index_cast %mul3A_592 : i32 to index
        %get3A_594 = tpu.vector_load %arg14[%get3A_593] {strides = array<i32>} : memref<8208xi32, #tpu.memory_space<vmem>>, vector<16xi32>,
        %reduce_min3A = arith.constant true
        %reduce_min3A_595 = vector.broadcast %reduce_min3A : i1 to vector<16xi1>
        %reduce_min3A_596 = tpu.scan <min>, %get3A_590 masked %reduce_min3A_595 : vector<16xf32>, vector<16xi1> -> vector<16xf32>
        %reduce_min3A_597 = vector.extract %reduce_min3A_596[15] : f32 from vector<16xf32>
        %lt3A_598 = arith.cmpf olt, %reduce_min3A_597, %while3A_586 : f32
        %convert_element_type3A = arith.extui %lt3A_598 : i1 to i32
        %cond3A = arith.constant 0 : i32
        %cond3A_599 = arith.cmpi ne, %convert_element_type3A, %cond3A : i32
        %cond3A_600:5 = scf.if %cond3A_599 -> (vector<16xf32>, vector<16xi32>, vector<16xf32>, vector<16xi32>, f32) {
          %masked_sort3A = arith.constant dense<true> : vector<16xi1>
          %masked_sort3A_601, %masked_sort3A_602, %masked_sort3A_603 = tpu.sort %get3A_590, %get3A_594 masked %masked_sort3A : (vector<16xf32>, vector<16xi32>, vector<16xi1>) -> (vector<16xi1>, vector<16xf32>, vector<16xi32>)
          %rev3A = arith.constant 15 : i32
          %rev3A_604 = vector.broadcast %rev3A : i32 to vector<16xi32>
          %rev3A_605 = tpu.iota {dimensions = array<i32: 0>} : vector<16xi32>
          %rev3A_606 = arith.subi %rev3A_604, %rev3A_605 : vector<16xi32>
          %rev3A_607 = tpu.dynamic_gather %masked_sort3A_602[%rev3A_606] in [0] : vector<16xf32>, vector<16xi32> -> vector<16xf32>
          %rev3A_608 = arith.constant 15 : i32
          %rev3A_609 = vector.broadcast %rev3A_608 : i32 to vector<16xi32>
          %rev3A_610 = tpu.iota {dimensions = array<i32: 0>} : vector<16xi32>
          %rev3A_611 = arith.subi %rev3A_609, %rev3A_610 : vector<16xi32>
          %rev3A_612 = tpu.dynamic_gather %masked_sort3A_603[%rev3A_611] in [0] : vector<16xi32>, vector<16xi32> -> vector<16xi32>
          %le3A = arith.cmpf ole, %while3A_584, %rev3A_607 : vector<16xf32>
          %min3A = arith.minimumf %while3A_584, %rev3A_607 : vector<16xf32>
          %select_n3A_613 = arith.select %le3A, %while3A_585, %rev3A_612 : vector<16xi1>, vector<16xi32>
          %masked_sort3A_614 = arith.constant dense<true> : vector<16xi1>
          %masked_sort3A_615, %masked_sort3A_616, %masked_sort3A_617 = tpu.sort %min3A, %select_n3A_613 masked %masked_sort3A_614 : (vector<16xf32>, vector<16xi32>, vector<16xi1>) -> (vector<16xi1>, vector<16xf32>, vector<16xi32>)
          %rev3A_618 = arith.constant 15 : i32
          %rev3A_619 = vector.broadcast %rev3A_618 : i32 to vector<16xi32>
          %rev3A_620 = tpu.iota {dimensions = array<i32: 0>} : vector<16xi32>
          %rev3A_621 = arith.subi %rev3A_619, %rev3A_620 : vector<16xi32>
          %rev3A_622 = tpu.dynamic_gather %masked_sort3A_616[%rev3A_621] in [0] : vector<16xf32>, vector<16xi32> -> vector<16xf32>
          %rev3A_623 = arith.constant 15 : i32
          %rev3A_624 = vector.broadcast %rev3A_623 : i32 to vector<16xi32>
          %rev3A_625 = tpu.iota {dimensions = array<i32: 0>} : vector<16xi32>
          %rev3A_626 = arith.subi %rev3A_624, %rev3A_625 : vector<16xi32>
          %rev3A_627 = tpu.dynamic_gather %masked_sort3A_617[%rev3A_626] in [0] : vector<16xi32>, vector<16xi32> -> vector<16xi32>
          %le3A_628 = arith.cmpf ole, %while3A_582, %rev3A_622 : vector<16xf32>
          %min3A_629 = arith.minimumf %while3A_582, %rev3A_622 : vector<16xf32>
          %select_n3A_630 = arith.select %le3A_628, %while3A_583, %rev3A_627 : vector<16xi1>, vector<16xi32>
          %max3A = arith.maximumf %while3A_582, %rev3A_622 : vector<16xf32>
          %select_n3A_631 = arith.select %le3A_628, %rev3A_627, %while3A_583 : vector<16xi1>, vector<16xi32>
          %masked_sort3A_632 = arith.constant dense<true> : vector<16xi1>
          %masked_sort3A_633, %masked_sort3A_634, %masked_sort3A_635 = tpu.sort %min3A_629, %select_n3A_630 masked %masked_sort3A_632 : (vector<16xf32>, vector<16xi32>, vector<16xi1>) -> (vector<16xi1>, vector<16xf32>, vector<16xi32>)
          %masked_sort3A_636 = arith.constant dense<true> : vector<16xi1>
          %masked_sort3A_637, %masked_sort3A_638, %masked_sort3A_639 = tpu.sort %max3A, %select_n3A_631 masked %masked_sort3A_636 : (vector<16xf32>, vector<16xi32>, vector<16xi1>) -> (vector<16xi1>, vector<16xf32>, vector<16xi32>)
          %reduce_max3A_640 = arith.constant true
          %reduce_max3A_641 = vector.broadcast %reduce_max3A_640 : i1 to vector<16xi1>
          %reduce_max3A_642 = tpu.scan <max>, %masked_sort3A_638 masked %reduce_max3A_641 : vector<16xf32>, vector<16xi1> -> vector<16xf32>
          %reduce_max3A_643 = vector.extract %reduce_max3A_642[15] : f32 from vector<16xf32>
          scf.yield %masked_sort3A_634, %masked_sort3A_635, %masked_sort3A_638, %masked_sort3A_639, %reduce_max3A_643 : vector<16xf32>, vector<16xi32>, vector<16xf32>, vector<16xi32>, f32
        } else {
          scf.yield %while3A_582, %while3A_583, %while3A_584, %while3A_585, %while3A_586 : vector<16xf32>, vector<16xi32>, vector<16xf32>, vector<16xi32>, f32
        }
        scf.yield %cond3A_600#0, %cond3A_600#1, %cond3A_600#2, %cond3A_600#3, %cond3A_600#4 : vector<16xf32>, vector<16xi32>, vector<16xf32>, vector<16xi32>, f32
      }
      %while3A_295 = arith.constant 1 : i32
      %while3A_296:5 = scf.for %while3A_581 = %while3A_292 to %while3A_288 step %while3A_295 iter_args(%while3A_582 = %while3A_294#0, %while3A_583 = %while3A_294#1, %while3A_584 = %while3A_294#2, %while3A_585 = %while3A_294#3, %while3A_586 = %while3A_294#4) -> (vector<16xf32>, vector<16xi32>, vector<16xf32>, vector<16xi32>, f32)  : i32 {
        %mul3A_587 = arith.constant 16 : i32
        %mul3A_588 = arith.muli %while3A_581, %mul3A_587 : i32
        %get3A_589 = arith.index_cast %mul3A_588 : i32 to index
        %get3A_590 = tpu.vector_load %arg13[%get3A_589] {strides = array<i32>} : memref<8208xf32, #tpu.memory_space<vmem>>, vector<16xf32>,
        %mul3A_591 = arith.constant 16 : i32
        %mul3A_592 = arith.muli %while3A_581, %mul3A_591 : i32
        %get3A_593 = arith.index_cast %mul3A_592 : i32 to index
        %get3A_594 = tpu.vector_load %arg14[%get3A_593] {strides = array<i32>} : memref<8208xi32, #tpu.memory_space<vmem>>, vector<16xi32>,
        %reduce_min3A = arith.constant true
        %reduce_min3A_595 = vector.broadcast %reduce_min3A : i1 to vector<16xi1>
        %reduce_min3A_596 = tpu.scan <min>, %get3A_590 masked %reduce_min3A_595 : vector<16xf32>, vector<16xi1> -> vector<16xf32>
        %reduce_min3A_597 = vector.extract %reduce_min3A_596[15] : f32 from vector<16xf32>
        %lt3A_598 = arith.cmpf olt, %reduce_min3A_597, %while3A_586 : f32
        %convert_element_type3A = arith.extui %lt3A_598 : i1 to i32
        %cond3A = arith.constant 0 : i32
        %cond3A_599 = arith.cmpi ne, %convert_element_type3A, %cond3A : i32
        %cond3A_600:5 = scf.if %cond3A_599 -> (vector<16xf32>, vector<16xi32>, vector<16xf32>, vector<16xi32>, f32) {
          %masked_sort3A = arith.constant dense<true> : vector<16xi1>
          %masked_sort3A_601, %masked_sort3A_602, %masked_sort3A_603 = tpu.sort %get3A_590, %get3A_594 masked %masked_sort3A : (vector<16xf32>, vector<16xi32>, vector<16xi1>) -> (vector<16xi1>, vector<16xf32>, vector<16xi32>)
          %rev3A = arith.constant 15 : i32
          %rev3A_604 = vector.broadcast %rev3A : i32 to vector<16xi32>
          %rev3A_605 = tpu.iota {dimensions = array<i32: 0>} : vector<16xi32>
          %rev3A_606 = arith.subi %rev3A_604, %rev3A_605 : vector<16xi32>
          %rev3A_607 = tpu.dynamic_gather %masked_sort3A_602[%rev3A_606] in [0] : vector<16xf32>, vector<16xi32> -> vector<16xf32>
          %rev3A_608 = arith.constant 15 : i32
          %rev3A_609 = vector.broadcast %rev3A_608 : i32 to vector<16xi32>
          %rev3A_610 = tpu.iota {dimensions = array<i32: 0>} : vector<16xi32>
          %rev3A_611 = arith.subi %rev3A_609, %rev3A_610 : vector<16xi32>
          %rev3A_612 = tpu.dynamic_gather %masked_sort3A_603[%rev3A_611] in [0] : vector<16xi32>, vector<16xi32> -> vector<16xi32>
          %le3A = arith.cmpf ole, %while3A_584, %rev3A_607 : vector<16xf32>
          %min3A = arith.minimumf %while3A_584, %rev3A_607 : vector<16xf32>
          %select_n3A_613 = arith.select %le3A, %while3A_585, %rev3A_612 : vector<16xi1>, vector<16xi32>
          %masked_sort3A_614 = arith.constant dense<true> : vector<16xi1>
          %masked_sort3A_615, %masked_sort3A_616, %masked_sort3A_617 = tpu.sort %min3A, %select_n3A_613 masked %masked_sort3A_614 : (vector<16xf32>, vector<16xi32>, vector<16xi1>) -> (vector<16xi1>, vector<16xf32>, vector<16xi32>)
          %rev3A_618 = arith.constant 15 : i32
          %rev3A_619 = vector.broadcast %rev3A_618 : i32 to vector<16xi32>
          %rev3A_620 = tpu.iota {dimensions = array<i32: 0>} : vector<16xi32>
          %rev3A_621 = arith.subi %rev3A_619, %rev3A_620 : vector<16xi32>
          %rev3A_622 = tpu.dynamic_gather %masked_sort3A_616[%rev3A_621] in [0] : vector<16xf32>, vector<16xi32> -> vector<16xf32>
          %rev3A_623 = arith.constant 15 : i32
          %rev3A_624 = vector.broadcast %rev3A_623 : i32 to vector<16xi32>
          %rev3A_625 = tpu.iota {dimensions = array<i32: 0>} : vector<16xi32>
          %rev3A_626 = arith.subi %rev3A_624, %rev3A_625 : vector<16xi32>
          %rev3A_627 = tpu.dynamic_gather %masked_sort3A_617[%rev3A_626] in [0] : vector<16xi32>, vector<16xi32> -> vector<16xi32>
          %le3A_628 = arith.cmpf ole, %while3A_582, %rev3A_622 : vector<16xf32>
          %min3A_629 = arith.minimumf %while3A_582, %rev3A_622 : vector<16xf32>
          %select_n3A_630 = arith.select %le3A_628, %while3A_583, %rev3A_627 : vector<16xi1>, vector<16xi32>
          %max3A = arith.maximumf %while3A_582, %rev3A_622 : vector<16xf32>
          %select_n3A_631 = arith.select %le3A_628, %rev3A_627, %while3A_583 : vector<16xi1>, vector<16xi32>
          %masked_sort3A_632 = arith.constant dense<true> : vector<16xi1>
          %masked_sort3A_633, %masked_sort3A_634, %masked_sort3A_635 = tpu.sort %min3A_629, %select_n3A_630 masked %masked_sort3A_632 : (vector<16xf32>, vector<16xi32>, vector<16xi1>) -> (vector<16xi1>, vector<16xf32>, vector<16xi32>)
          %masked_sort3A_636 = arith.constant dense<true> : vector<16xi1>
          %masked_sort3A_637, %masked_sort3A_638, %masked_sort3A_639 = tpu.sort %max3A, %select_n3A_631 masked %masked_sort3A_636 : (vector<16xf32>, vector<16xi32>, vector<16xi1>) -> (vector<16xi1>, vector<16xf32>, vector<16xi32>)
          %reduce_max3A_640 = arith.constant true
          %reduce_max3A_641 = vector.broadcast %reduce_max3A_640 : i1 to vector<16xi1>
          %reduce_max3A_642 = tpu.scan <max>, %masked_sort3A_638 masked %reduce_max3A_641 : vector<16xf32>, vector<16xi1> -> vector<16xf32>
          %reduce_max3A_643 = vector.extract %reduce_max3A_642[15] : f32 from vector<16xf32>
          scf.yield %masked_sort3A_634, %masked_sort3A_635, %masked_sort3A_638, %masked_sort3A_639, %reduce_max3A_643 : vector<16xf32>, vector<16xi32>, vector<16xf32>, vector<16xi32>, f32
        } else {
          scf.yield %while3A_582, %while3A_583, %while3A_584, %while3A_585, %while3A_586 : vector<16xf32>, vector<16xi32>, vector<16xf32>, vector<16xi32>, f32
        }
        scf.yield %cond3A_600#0, %cond3A_600#1, %cond3A_600#2, %cond3A_600#3, %cond3A_600#4 : vector<16xf32>, vector<16xi32>, vector<16xf32>, vector<16xi32>, f32
      }
      %mul3A_297 = arith.constant 32 : i32
      %mul3A_298 = arith.muli %add3A_223, %mul3A_297 : i32
      %swap3A_299 = arith.index_cast %mul3A_298 : i32 to index
      %swap3A_300 = tpu.vector_load %arg15[%swap3A_299] {strides = array<i32>} : memref<16384xi32, #tpu.memory_space<vmem>>, vector<16xi32>,
      tpu.vector_store %arg15[%swap3A_299], %while3A_296#1 {strides = array<i32>} : memref<16384xi32, #tpu.memory_space<vmem>>, vector<16xi32>,
      %mul3A_301 = arith.constant 32 : i32
      %mul3A_302 = arith.muli %add3A_223, %mul3A_301 : i32
      %add3A_303 = arith.constant 16 : i32
      %add3A_304 = arith.addi %mul3A_302, %add3A_303 : i32
      %swap3A_305 = arith.index_cast %add3A_304 : i32 to index
      %swap3A_306 = tpu.vector_load %arg15[%swap3A_305] {strides = array<i32>} : memref<16384xi32, #tpu.memory_space<vmem>>, vector<16xi32>,
      tpu.vector_store %arg15[%swap3A_305], %while3A_296#3 {strides = array<i32>} : memref<16384xi32, #tpu.memory_space<vmem>>, vector<16xi32>,
      %mul3A_307 = arith.constant 4 : i32
      %mul3A_308 = arith.muli %scan3A_61, %mul3A_307 : i32
      %add3A_309 = arith.constant 1 : i32
      %add3A_310 = arith.addi %mul3A_308, %add3A_309 : i32
      %scan3A_311 = arith.constant 0 : i32
      %scan3A_312 = arith.constant 32 : i32
      %scan3A_313 = arith.addi %scan3A_311, %scan3A_312 : i32
      %scan3A_314 = arith.constant 1 : i32
      %scan3A_315:2 = scf.for %scan3A_581 = %scan3A_311 to %scan3A_313 step %scan3A_314 iter_args(%scan3A_582 = %broadcast_in_dim3A_46, %scan3A_583 = %broadcast_in_dim3A_46) -> (vector<16xf32>, vector<16xf32>)  : i32 {
        %mul3A_584 = arith.constant 16 : i32
        %mul3A_585 = arith.muli %scan3A_581, %mul3A_584 : i32
        %add3A_586 = arith.constant 512 : i32
        %add3A_587 = arith.addi %add3A_586, %mul3A_585 : i32
        %get3A_588 = arith.index_cast %add3A_587 : i32 to index
        %get3A_589 = tpu.vector_load %arg9[%get3A_588] {strides = array<i32>} : memref<2048xf32, #tpu.memory_space<vmem>>, vector<16xf32>,
        %min3A = arith.minimumf %scan3A_582, %get3A_589 : vector<16xf32>
        %max3A = arith.maximumf %scan3A_582, %get3A_589 : vector<16xf32>
        %min3A_590 = arith.minimumf %scan3A_583, %max3A : vector<16xf32>
        scf.yield %min3A, %min3A_590 : vector<16xf32>, vector<16xf32>
      }
      %scan3A_316 = arith.constant 32 : i32
      %reduce_max3A_317 = arith.constant true
      %reduce_max3A_318 = vector.broadcast %reduce_max3A_317 : i1 to vector<16xi1>
      %reduce_max3A_319 = tpu.scan <max>, %scan3A_315#1 masked %reduce_max3A_318 : vector<16xf32>, vector<16xi1> -> vector<16xf32>
      %reduce_max3A_320 = vector.extract %reduce_max3A_319[15] : f32 from vector<16xf32>
      %scan3A_321 = arith.constant 0 : i32
      %scan3A_322 = arith.constant 0 : i32
      %scan3A_323 = arith.constant 32 : i32
      %scan3A_324 = arith.addi %scan3A_322, %scan3A_323 : i32
      %scan3A_325 = arith.constant 1 : i32
      %scan3A_326 = scf.for %scan3A_581 = %scan3A_322 to %scan3A_324 step %scan3A_325 iter_args(%scan3A_582 = %scan3A_321) -> (i32)  : i32 {
        %mul3A_583 = arith.constant 16 : i32
        %mul3A_584 = arith.muli %scan3A_581, %mul3A_583 : i32
        %add3A_585 = arith.constant 512 : i32
        %add3A_586 = arith.addi %add3A_585, %mul3A_584 : i32
        %get3A_587 = arith.index_cast %add3A_586 : i32 to index
        %get3A_588 = tpu.vector_load %arg9[%get3A_587] {strides = array<i32>} : memref<2048xf32, #tpu.memory_space<vmem>>, vector<16xf32>,
        %le3A = vector.broadcast %reduce_max3A_320 : f32 to vector<16xf32>
        %le3A_589 = arith.cmpf ole, %get3A_588, %le3A : vector<16xf32>
        %swap3A_590 = arith.index_cast %scan3A_582 : i32 to index
        %swap3A_591 = tpu.vector_load %arg10[%swap3A_590] masked %le3A_589 {strides = array<i32>} : memref<528xf32, #tpu.memory_space<vmem>>, vector<16xf32>, vector<16xi1>
        tpu.vector_store %arg10[%swap3A_590], %get3A_588 masked %le3A_589 {strides = array<i32>} : memref<528xf32, #tpu.memory_space<vmem>>, vector<16xf32>, vector<16xi1>
        %mul3A_592 = arith.constant 16 : i32
        %mul3A_593 = arith.muli %scan3A_581, %mul3A_592 : i32
        %add3A_594 = vector.broadcast %mul3A_593 : i32 to vector<16xi32>
        %add3A_595 = arith.addi %add3A_594, %iota3A : vector<16xi32>
        %swap3A_596 = arith.index_cast %scan3A_582 : i32 to index
        %swap3A_597 = tpu.vector_load %arg11[%swap3A_596] masked %le3A_589 {strides = array<i32>} : memref<528xi32, #tpu.memory_space<vmem>>, vector<16xi32>, vector<16xi1>
        tpu.vector_store %arg11[%swap3A_596], %add3A_595 masked %le3A_589 {strides = array<i32>} : memref<528xi32, #tpu.memory_space<vmem>>, vector<16xi32>, vector<16xi1>
        %all_reduce_population_count3A = tpu.all_reduce %le3A_589 {dim = 0 : i64, kind = #tpu.reduction_kind<sum>} : vector<16xi1> -> vector<16xi32>
        %slice3A = vector.extract_strided_slice %all_reduce_population_count3A {offsets = [0], sizes = [1], strides = [1]} : vector<16xi32> to vector<1xi32>
        %squeeze3A = vector.extract %slice3A[0] : i32 from vector<1xi32>
        %add3A_598 = arith.addi %scan3A_582, %squeeze3A : i32
        scf.yield %add3A_598 : i32
      }
      %scan3A_327 = arith.constant 32 : i32
      %swap3A_328 = arith.index_cast %scan3A_326 : i32 to index
      %swap3A_329 = tpu.vector_load %arg10[%swap3A_328] masked %eq3A_45 {strides = array<i32>} : memref<528xf32, #tpu.memory_space<vmem>>, vector<16xf32>, vector<16xi1>
      tpu.vector_store %arg10[%swap3A_328], %broadcast_in_dim3A_46 masked %eq3A_45 {strides = array<i32>} : memref<528xf32, #tpu.memory_space<vmem>>, vector<16xf32>, vector<16xi1>
      %add3A_330 = arith.constant 15 : i32
      %add3A_331 = arith.addi %scan3A_326, %add3A_330 : i32
      %shift_right_logical3A_332 = arith.constant 4 : i32
      %shift_right_logical3A_333 = arith.shrui %add3A_331, %shift_right_logical3A_332 : i32
      %while3A_334 = arith.constant 0 : i32
      %while3A_335 = arith.constant 0x7F800000 : f32
      %while3A_336 = arith.subi %shift_right_logical3A_333, %while3A_334 : i32
      %while3A_337 = arith.addi %while3A_334, %while3A_336 : i32
      %while3A_338 = arith.constant 1 : i32
      %while3A_339 = arith.divsi %while3A_336, %while3A_338 : i32
      %while3A_340 = arith.muli %while3A_339, %while3A_338 : i32
      %while3A_341 = arith.addi %while3A_334, %while3A_340 : i32
      %while3A_342 = arith.constant 1 : i32
      %while3A_343:5 = scf.for %while3A_581 = %while3A_334 to %while3A_341 step %while3A_342 iter_args(%while3A_582 = %broadcast_in_dim3A_46, %while3A_583 = %broadcast_in_dim3A_48, %while3A_584 = %broadcast_in_dim3A_46, %while3A_585 = %broadcast_in_dim3A_48, %while3A_586 = %while3A_335) -> (vector<16xf32>, vector<16xi32>, vector<16xf32>, vector<16xi32>, f32)  : i32 {
        %mul3A_587 = arith.constant 16 : i32
        %mul3A_588 = arith.muli %while3A_581, %mul3A_587 : i32
        %get3A_589 = arith.index_cast %mul3A_588 : i32 to index
        %get3A_590 = tpu.vector_load %arg10[%get3A_589] {strides = array<i32>} : memref<528xf32, #tpu.memory_space<vmem>>, vector<16xf32>,
        %mul3A_591 = arith.constant 16 : i32
        %mul3A_592 = arith.muli %while3A_581, %mul3A_591 : i32
        %get3A_593 = arith.index_cast %mul3A_592 : i32 to index
        %get3A_594 = tpu.vector_load %arg11[%get3A_593] {strides = array<i32>} : memref<528xi32, #tpu.memory_space<vmem>>, vector<16xi32>,
        %reduce_min3A = arith.constant true
        %reduce_min3A_595 = vector.broadcast %reduce_min3A : i1 to vector<16xi1>
        %reduce_min3A_596 = tpu.scan <min>, %get3A_590 masked %reduce_min3A_595 : vector<16xf32>, vector<16xi1> -> vector<16xf32>
        %reduce_min3A_597 = vector.extract %reduce_min3A_596[15] : f32 from vector<16xf32>
        %lt3A_598 = arith.cmpf olt, %reduce_min3A_597, %while3A_586 : f32
        %convert_element_type3A = arith.extui %lt3A_598 : i1 to i32
        %cond3A = arith.constant 0 : i32
        %cond3A_599 = arith.cmpi ne, %convert_element_type3A, %cond3A : i32
        %cond3A_600:5 = scf.if %cond3A_599 -> (vector<16xf32>, vector<16xi32>, vector<16xf32>, vector<16xi32>, f32) {
          %masked_sort3A = arith.constant dense<true> : vector<16xi1>
          %masked_sort3A_601, %masked_sort3A_602, %masked_sort3A_603 = tpu.sort %get3A_590, %get3A_594 masked %masked_sort3A : (vector<16xf32>, vector<16xi32>, vector<16xi1>) -> (vector<16xi1>, vector<16xf32>, vector<16xi32>)
          %rev3A = arith.constant 15 : i32
          %rev3A_604 = vector.broadcast %rev3A : i32 to vector<16xi32>
          %rev3A_605 = tpu.iota {dimensions = array<i32: 0>} : vector<16xi32>
          %rev3A_606 = arith.subi %rev3A_604, %rev3A_605 : vector<16xi32>
          %rev3A_607 = tpu.dynamic_gather %masked_sort3A_602[%rev3A_606] in [0] : vector<16xf32>, vector<16xi32> -> vector<16xf32>
          %rev3A_608 = arith.constant 15 : i32
          %rev3A_609 = vector.broadcast %rev3A_608 : i32 to vector<16xi32>
          %rev3A_610 = tpu.iota {dimensions = array<i32: 0>} : vector<16xi32>
          %rev3A_611 = arith.subi %rev3A_609, %rev3A_610 : vector<16xi32>
          %rev3A_612 = tpu.dynamic_gather %masked_sort3A_603[%rev3A_611] in [0] : vector<16xi32>, vector<16xi32> -> vector<16xi32>
          %le3A = arith.cmpf ole, %while3A_584, %rev3A_607 : vector<16xf32>
          %min3A = arith.minimumf %while3A_584, %rev3A_607 : vector<16xf32>
          %select_n3A_613 = arith.select %le3A, %while3A_585, %rev3A_612 : vector<16xi1>, vector<16xi32>
          %masked_sort3A_614 = arith.constant dense<true> : vector<16xi1>
          %masked_sort3A_615, %masked_sort3A_616, %masked_sort3A_617 = tpu.sort %min3A, %select_n3A_613 masked %masked_sort3A_614 : (vector<16xf32>, vector<16xi32>, vector<16xi1>) -> (vector<16xi1>, vector<16xf32>, vector<16xi32>)
          %rev3A_618 = arith.constant 15 : i32
          %rev3A_619 = vector.broadcast %rev3A_618 : i32 to vector<16xi32>
          %rev3A_620 = tpu.iota {dimensions = array<i32: 0>} : vector<16xi32>
          %rev3A_621 = arith.subi %rev3A_619, %rev3A_620 : vector<16xi32>
          %rev3A_622 = tpu.dynamic_gather %masked_sort3A_616[%rev3A_621] in [0] : vector<16xf32>, vector<16xi32> -> vector<16xf32>
          %rev3A_623 = arith.constant 15 : i32
          %rev3A_624 = vector.broadcast %rev3A_623 : i32 to vector<16xi32>
          %rev3A_625 = tpu.iota {dimensions = array<i32: 0>} : vector<16xi32>
          %rev3A_626 = arith.subi %rev3A_624, %rev3A_625 : vector<16xi32>
          %rev3A_627 = tpu.dynamic_gather %masked_sort3A_617[%rev3A_626] in [0] : vector<16xi32>, vector<16xi32> -> vector<16xi32>
          %le3A_628 = arith.cmpf ole, %while3A_582, %rev3A_622 : vector<16xf32>
          %min3A_629 = arith.minimumf %while3A_582, %rev3A_622 : vector<16xf32>
          %select_n3A_630 = arith.select %le3A_628, %while3A_583, %rev3A_627 : vector<16xi1>, vector<16xi32>
          %max3A = arith.maximumf %while3A_582, %rev3A_622 : vector<16xf32>
          %select_n3A_631 = arith.select %le3A_628, %rev3A_627, %while3A_583 : vector<16xi1>, vector<16xi32>
          %masked_sort3A_632 = arith.constant dense<true> : vector<16xi1>
          %masked_sort3A_633, %masked_sort3A_634, %masked_sort3A_635 = tpu.sort %min3A_629, %select_n3A_630 masked %masked_sort3A_632 : (vector<16xf32>, vector<16xi32>, vector<16xi1>) -> (vector<16xi1>, vector<16xf32>, vector<16xi32>)
          %masked_sort3A_636 = arith.constant dense<true> : vector<16xi1>
          %masked_sort3A_637, %masked_sort3A_638, %masked_sort3A_639 = tpu.sort %max3A, %select_n3A_631 masked %masked_sort3A_636 : (vector<16xf32>, vector<16xi32>, vector<16xi1>) -> (vector<16xi1>, vector<16xf32>, vector<16xi32>)
          %reduce_max3A_640 = arith.constant true
          %reduce_max3A_641 = vector.broadcast %reduce_max3A_640 : i1 to vector<16xi1>
          %reduce_max3A_642 = tpu.scan <max>, %masked_sort3A_638 masked %reduce_max3A_641 : vector<16xf32>, vector<16xi1> -> vector<16xf32>
          %reduce_max3A_643 = vector.extract %reduce_max3A_642[15] : f32 from vector<16xf32>
          scf.yield %masked_sort3A_634, %masked_sort3A_635, %masked_sort3A_638, %masked_sort3A_639, %reduce_max3A_643 : vector<16xf32>, vector<16xi32>, vector<16xf32>, vector<16xi32>, f32
        } else {
          scf.yield %while3A_582, %while3A_583, %while3A_584, %while3A_585, %while3A_586 : vector<16xf32>, vector<16xi32>, vector<16xf32>, vector<16xi32>, f32
        }
        scf.yield %cond3A_600#0, %cond3A_600#1, %cond3A_600#2, %cond3A_600#3, %cond3A_600#4 : vector<16xf32>, vector<16xi32>, vector<16xf32>, vector<16xi32>, f32
      }
      %while3A_344 = arith.constant 1 : i32
      %while3A_345:5 = scf.for %while3A_581 = %while3A_341 to %while3A_337 step %while3A_344 iter_args(%while3A_582 = %while3A_343#0, %while3A_583 = %while3A_343#1, %while3A_584 = %while3A_343#2, %while3A_585 = %while3A_343#3, %while3A_586 = %while3A_343#4) -> (vector<16xf32>, vector<16xi32>, vector<16xf32>, vector<16xi32>, f32)  : i32 {
        %mul3A_587 = arith.constant 16 : i32
        %mul3A_588 = arith.muli %while3A_581, %mul3A_587 : i32
        %get3A_589 = arith.index_cast %mul3A_588 : i32 to index
        %get3A_590 = tpu.vector_load %arg10[%get3A_589] {strides = array<i32>} : memref<528xf32, #tpu.memory_space<vmem>>, vector<16xf32>,
        %mul3A_591 = arith.constant 16 : i32
        %mul3A_592 = arith.muli %while3A_581, %mul3A_591 : i32
        %get3A_593 = arith.index_cast %mul3A_592 : i32 to index
        %get3A_594 = tpu.vector_load %arg11[%get3A_593] {strides = array<i32>} : memref<528xi32, #tpu.memory_space<vmem>>, vector<16xi32>,
        %reduce_min3A = arith.constant true
        %reduce_min3A_595 = vector.broadcast %reduce_min3A : i1 to vector<16xi1>
        %reduce_min3A_596 = tpu.scan <min>, %get3A_590 masked %reduce_min3A_595 : vector<16xf32>, vector<16xi1> -> vector<16xf32>
        %reduce_min3A_597 = vector.extract %reduce_min3A_596[15] : f32 from vector<16xf32>
        %lt3A_598 = arith.cmpf olt, %reduce_min3A_597, %while3A_586 : f32
        %convert_element_type3A = arith.extui %lt3A_598 : i1 to i32
        %cond3A = arith.constant 0 : i32
        %cond3A_599 = arith.cmpi ne, %convert_element_type3A, %cond3A : i32
        %cond3A_600:5 = scf.if %cond3A_599 -> (vector<16xf32>, vector<16xi32>, vector<16xf32>, vector<16xi32>, f32) {
          %masked_sort3A = arith.constant dense<true> : vector<16xi1>
          %masked_sort3A_601, %masked_sort3A_602, %masked_sort3A_603 = tpu.sort %get3A_590, %get3A_594 masked %masked_sort3A : (vector<16xf32>, vector<16xi32>, vector<16xi1>) -> (vector<16xi1>, vector<16xf32>, vector<16xi32>)
          %rev3A = arith.constant 15 : i32
          %rev3A_604 = vector.broadcast %rev3A : i32 to vector<16xi32>
          %rev3A_605 = tpu.iota {dimensions = array<i32: 0>} : vector<16xi32>
          %rev3A_606 = arith.subi %rev3A_604, %rev3A_605 : vector<16xi32>
          %rev3A_607 = tpu.dynamic_gather %masked_sort3A_602[%rev3A_606] in [0] : vector<16xf32>, vector<16xi32> -> vector<16xf32>
          %rev3A_608 = arith.constant 15 : i32
          %rev3A_609 = vector.broadcast %rev3A_608 : i32 to vector<16xi32>
          %rev3A_610 = tpu.iota {dimensions = array<i32: 0>} : vector<16xi32>
          %rev3A_611 = arith.subi %rev3A_609, %rev3A_610 : vector<16xi32>
          %rev3A_612 = tpu.dynamic_gather %masked_sort3A_603[%rev3A_611] in [0] : vector<16xi32>, vector<16xi32> -> vector<16xi32>
          %le3A = arith.cmpf ole, %while3A_584, %rev3A_607 : vector<16xf32>
          %min3A = arith.minimumf %while3A_584, %rev3A_607 : vector<16xf32>
          %select_n3A_613 = arith.select %le3A, %while3A_585, %rev3A_612 : vector<16xi1>, vector<16xi32>
          %masked_sort3A_614 = arith.constant dense<true> : vector<16xi1>
          %masked_sort3A_615, %masked_sort3A_616, %masked_sort3A_617 = tpu.sort %min3A, %select_n3A_613 masked %masked_sort3A_614 : (vector<16xf32>, vector<16xi32>, vector<16xi1>) -> (vector<16xi1>, vector<16xf32>, vector<16xi32>)
          %rev3A_618 = arith.constant 15 : i32
          %rev3A_619 = vector.broadcast %rev3A_618 : i32 to vector<16xi32>
          %rev3A_620 = tpu.iota {dimensions = array<i32: 0>} : vector<16xi32>
          %rev3A_621 = arith.subi %rev3A_619, %rev3A_620 : vector<16xi32>
          %rev3A_622 = tpu.dynamic_gather %masked_sort3A_616[%rev3A_621] in [0] : vector<16xf32>, vector<16xi32> -> vector<16xf32>
          %rev3A_623 = arith.constant 15 : i32
          %rev3A_624 = vector.broadcast %rev3A_623 : i32 to vector<16xi32>
          %rev3A_625 = tpu.iota {dimensions = array<i32: 0>} : vector<16xi32>
          %rev3A_626 = arith.subi %rev3A_624, %rev3A_625 : vector<16xi32>
          %rev3A_627 = tpu.dynamic_gather %masked_sort3A_617[%rev3A_626] in [0] : vector<16xi32>, vector<16xi32> -> vector<16xi32>
          %le3A_628 = arith.cmpf ole, %while3A_582, %rev3A_622 : vector<16xf32>
          %min3A_629 = arith.minimumf %while3A_582, %rev3A_622 : vector<16xf32>
          %select_n3A_630 = arith.select %le3A_628, %while3A_583, %rev3A_627 : vector<16xi1>, vector<16xi32>
          %max3A = arith.maximumf %while3A_582, %rev3A_622 : vector<16xf32>
          %select_n3A_631 = arith.select %le3A_628, %rev3A_627, %while3A_583 : vector<16xi1>, vector<16xi32>
          %masked_sort3A_632 = arith.constant dense<true> : vector<16xi1>
          %masked_sort3A_633, %masked_sort3A_634, %masked_sort3A_635 = tpu.sort %min3A_629, %select_n3A_630 masked %masked_sort3A_632 : (vector<16xf32>, vector<16xi32>, vector<16xi1>) -> (vector<16xi1>, vector<16xf32>, vector<16xi32>)
          %masked_sort3A_636 = arith.constant dense<true> : vector<16xi1>
          %masked_sort3A_637, %masked_sort3A_638, %masked_sort3A_639 = tpu.sort %max3A, %select_n3A_631 masked %masked_sort3A_636 : (vector<16xf32>, vector<16xi32>, vector<16xi1>) -> (vector<16xi1>, vector<16xf32>, vector<16xi32>)
          %reduce_max3A_640 = arith.constant true
          %reduce_max3A_641 = vector.broadcast %reduce_max3A_640 : i1 to vector<16xi1>
          %reduce_max3A_642 = tpu.scan <max>, %masked_sort3A_638 masked %reduce_max3A_641 : vector<16xf32>, vector<16xi1> -> vector<16xf32>
          %reduce_max3A_643 = vector.extract %reduce_max3A_642[15] : f32 from vector<16xf32>
          scf.yield %masked_sort3A_634, %masked_sort3A_635, %masked_sort3A_638, %masked_sort3A_639, %reduce_max3A_643 : vector<16xf32>, vector<16xi32>, vector<16xf32>, vector<16xi32>, f32
        } else {
          scf.yield %while3A_582, %while3A_583, %while3A_584, %while3A_585, %while3A_586 : vector<16xf32>, vector<16xi32>, vector<16xf32>, vector<16xi32>, f32
        }
        scf.yield %cond3A_600#0, %cond3A_600#1, %cond3A_600#2, %cond3A_600#3, %cond3A_600#4 : vector<16xf32>, vector<16xi32>, vector<16xf32>, vector<16xi32>, f32
      }
      %while3A_346 = arith.constant 0 : i32
      %while3A_347 = arith.constant 0 : i32
      %while3A_348 = arith.subi %shift_right_logical3A_333, %while3A_346 : i32
      %while3A_349 = arith.addi %while3A_346, %while3A_348 : i32
      %while3A_350 = arith.constant 1 : i32
      %while3A_351 = arith.divsi %while3A_348, %while3A_350 : i32
      %while3A_352 = arith.muli %while3A_351, %while3A_350 : i32
      %while3A_353 = arith.addi %while3A_346, %while3A_352 : i32
      %while3A_354 = arith.constant 1 : i32
      %while3A_355 = scf.for %while3A_581 = %while3A_346 to %while3A_353 step %while3A_354 iter_args(%while3A_582 = %while3A_347) -> (i32)  : i32 {
        %mul3A_583 = arith.constant 16 : i32
        %mul3A_584 = arith.muli %while3A_581, %mul3A_583 : i32
        %get3A_585 = arith.index_cast %mul3A_584 : i32 to index
        %get3A_586 = tpu.vector_load %arg10[%get3A_585] {strides = array<i32>} : memref<528xf32, #tpu.memory_space<vmem>>, vector<16xf32>,
        %mul3A_587 = arith.constant 16 : i32
        %mul3A_588 = arith.muli %while3A_581, %mul3A_587 : i32
        %get3A_589 = arith.index_cast %mul3A_588 : i32 to index
        %get3A_590 = tpu.vector_load %arg11[%get3A_589] {strides = array<i32>} : memref<528xi32, #tpu.memory_space<vmem>>, vector<16xi32>,
        %le3A = vector.broadcast %while3A_345#4 : f32 to vector<16xf32>
        %le3A_591 = arith.cmpf ole, %get3A_586, %le3A : vector<16xf32>
        %swap3A_592 = arith.index_cast %while3A_582 : i32 to index
        %swap3A_593 = tpu.vector_load %arg12[%swap3A_592] masked %le3A_591 {strides = array<i32>} : memref<528xi32, #tpu.memory_space<vmem>>, vector<16xi32>, vector<16xi1>
        tpu.vector_store %arg12[%swap3A_592], %get3A_590 masked %le3A_591 {strides = array<i32>} : memref<528xi32, #tpu.memory_space<vmem>>, vector<16xi32>, vector<16xi1>
        %all_reduce_population_count3A = tpu.all_reduce %le3A_591 {dim = 0 : i64, kind = #tpu.reduction_kind<sum>} : vector<16xi1> -> vector<16xi32>
        %slice3A = vector.extract_strided_slice %all_reduce_population_count3A {offsets = [0], sizes = [1], strides = [1]} : vector<16xi32> to vector<1xi32>
        %squeeze3A = vector.extract %slice3A[0] : i32 from vector<1xi32>
        %add3A_594 = arith.addi %while3A_582, %squeeze3A : i32
        scf.yield %add3A_594 : i32
      }
      %while3A_356 = arith.constant 1 : i32
      %while3A_357 = scf.for %while3A_581 = %while3A_353 to %while3A_349 step %while3A_356 iter_args(%while3A_582 = %while3A_355) -> (i32)  : i32 {
        %mul3A_583 = arith.constant 16 : i32
        %mul3A_584 = arith.muli %while3A_581, %mul3A_583 : i32
        %get3A_585 = arith.index_cast %mul3A_584 : i32 to index
        %get3A_586 = tpu.vector_load %arg10[%get3A_585] {strides = array<i32>} : memref<528xf32, #tpu.memory_space<vmem>>, vector<16xf32>,
        %mul3A_587 = arith.constant 16 : i32
        %mul3A_588 = arith.muli %while3A_581, %mul3A_587 : i32
        %get3A_589 = arith.index_cast %mul3A_588 : i32 to index
        %get3A_590 = tpu.vector_load %arg11[%get3A_589] {strides = array<i32>} : memref<528xi32, #tpu.memory_space<vmem>>, vector<16xi32>,
        %le3A = vector.broadcast %while3A_345#4 : f32 to vector<16xf32>
        %le3A_591 = arith.cmpf ole, %get3A_586, %le3A : vector<16xf32>
        %swap3A_592 = arith.index_cast %while3A_582 : i32 to index
        %swap3A_593 = tpu.vector_load %arg12[%swap3A_592] masked %le3A_591 {strides = array<i32>} : memref<528xi32, #tpu.memory_space<vmem>>, vector<16xi32>, vector<16xi1>
        tpu.vector_store %arg12[%swap3A_592], %get3A_590 masked %le3A_591 {strides = array<i32>} : memref<528xi32, #tpu.memory_space<vmem>>, vector<16xi32>, vector<16xi1>
        %all_reduce_population_count3A = tpu.all_reduce %le3A_591 {dim = 0 : i64, kind = #tpu.reduction_kind<sum>} : vector<16xi1> -> vector<16xi32>
        %slice3A = vector.extract_strided_slice %all_reduce_population_count3A {offsets = [0], sizes = [1], strides = [1]} : vector<16xi32> to vector<1xi32>
        %squeeze3A = vector.extract %slice3A[0] : i32 from vector<1xi32>
        %add3A_594 = arith.addi %while3A_582, %squeeze3A : i32
        scf.yield %add3A_594 : i32
      }
      %while3A_358 = arith.constant 0 : i32
      %while3A_359 = arith.constant 0 : i32
      %while3A_360 = arith.subi %while3A_357, %while3A_358 : i32
      %while3A_361 = arith.addi %while3A_358, %while3A_360 : i32
      %while3A_362 = arith.constant 1 : i32
      %while3A_363 = arith.divsi %while3A_360, %while3A_362 : i32
      %while3A_364 = arith.muli %while3A_363, %while3A_362 : i32
      %while3A_365 = arith.addi %while3A_358, %while3A_364 : i32
      %while3A_366 = arith.constant 1 : i32
      %while3A_367 = scf.for %while3A_581 = %while3A_358 to %while3A_365 step %while3A_366 iter_args(%while3A_582 = %while3A_359) -> (i32)  : i32 {
        %shift_right_logical3A_583 = arith.constant 4 : i32
        %shift_right_logical3A_584 = arith.shrui %while3A_581, %shift_right_logical3A_583 : i32
        %shift_left3A = arith.constant 4 : i32
        %shift_left3A_585 = arith.shli %shift_right_logical3A_584, %shift_left3A : i32
        %get3A_586 = arith.index_cast %shift_left3A_585 : i32 to index
        %get3A_587 = tpu.vector_load %arg12[%get3A_586] {strides = array<i32>} : memref<528xi32, #tpu.memory_space<vmem>>, vector<16xi32>,
        %and3A_588 = arith.constant 15 : i32
        %and3A_589 = arith.andi %while3A_581, %and3A_588 : i32
        %broadcast_in_dim3A_590 = vector.broadcast %and3A_589 : i32 to vector<16xi32>
        %broadcast_in_dim3A_591 = vector.shape_cast %broadcast_in_dim3A_590 : vector<16xi32> to vector<16x1xi32>
        %gather3A_592 = vector.shape_cast %broadcast_in_dim3A_591 : vector<16x1xi32> to vector<16xi32>
        %gather3A_593 = tpu.dynamic_gather %get3A_587[%gather3A_592] in [0] : vector<16xi32>, vector<16xi32> -> vector<16xi32>
        %shift_right_logical3A_594 = arith.constant 4 : i32
        %shift_right_logical3A_595 = vector.broadcast %shift_right_logical3A_594 : i32 to vector<16xi32>
        %shift_right_logical3A_596 = arith.shrui %gather3A_593, %shift_right_logical3A_595 : vector<16xi32>
        %shift_left3A_597 = arith.constant 8 : i32
        %shift_left3A_598 = vector.broadcast %shift_left3A_597 : i32 to vector<16xi32>
        %shift_left3A_599 = arith.shli %shift_right_logical3A_596, %shift_left3A_598 : vector<16xi32>
        %and3A_600 = arith.constant 15 : i32
        %and3A_601 = vector.broadcast %and3A_600 : i32 to vector<16xi32>
        %and3A_602 = arith.andi %gather3A_593, %and3A_601 : vector<16xi32>
        %add3A_603 = arith.addi %shift_left3A_599, %and3A_602 : vector<16xi32>
        %mul3A_604 = arith.constant 16 : i32
        %mul3A_605 = vector.broadcast %mul3A_604 : i32 to vector<16xi32>
        %mul3A_606 = arith.muli %mul3A_605, %iota3A : vector<16xi32>
        %add3A_607 = arith.addi %add3A_603, %mul3A_606 : vector<16xi32>
        %add3A_608 = arith.constant 8192 : i32
        %add3A_609 = vector.broadcast %add3A_608 : i32 to vector<16xi32>
        %add3A_610 = arith.addi %add3A_609, %add3A_607 : vector<16xi32>
        %gather3A_611 = tpu.vector_load_idx %arg8[%add3A_610] : memref<32768xf32, #tpu.memory_space<vmem>>[vector<16xi32>], vector<16xf32>,
        %le3A = vector.broadcast %while3A_345#4 : f32 to vector<16xf32>
        %le3A_612 = arith.cmpf ole, %gather3A_611, %le3A : vector<16xf32>
        %swap3A_613 = arith.index_cast %while3A_582 : i32 to index
        %swap3A_614 = tpu.vector_load %arg13[%swap3A_613] masked %le3A_612 {strides = array<i32>} : memref<8208xf32, #tpu.memory_space<vmem>>, vector<16xf32>, vector<16xi1>
        tpu.vector_store %arg13[%swap3A_613], %gather3A_611 masked %le3A_612 {strides = array<i32>} : memref<8208xf32, #tpu.memory_space<vmem>>, vector<16xf32>, vector<16xi1>
        %swap3A_615 = arith.index_cast %while3A_582 : i32 to index
        %swap3A_616 = tpu.vector_load %arg14[%swap3A_615] masked %le3A_612 {strides = array<i32>} : memref<8208xi32, #tpu.memory_space<vmem>>, vector<16xi32>, vector<16xi1>
        tpu.vector_store %arg14[%swap3A_615], %add3A_607 masked %le3A_612 {strides = array<i32>} : memref<8208xi32, #tpu.memory_space<vmem>>, vector<16xi32>, vector<16xi1>
        %all_reduce_population_count3A = tpu.all_reduce %le3A_612 {dim = 0 : i64, kind = #tpu.reduction_kind<sum>} : vector<16xi1> -> vector<16xi32>
        %slice3A = vector.extract_strided_slice %all_reduce_population_count3A {offsets = [0], sizes = [1], strides = [1]} : vector<16xi32> to vector<1xi32>
        %squeeze3A = vector.extract %slice3A[0] : i32 from vector<1xi32>
        %add3A_617 = arith.addi %while3A_582, %squeeze3A : i32
        scf.yield %add3A_617 : i32
      }
      %while3A_368 = arith.constant 1 : i32
      %while3A_369 = scf.for %while3A_581 = %while3A_365 to %while3A_361 step %while3A_368 iter_args(%while3A_582 = %while3A_367) -> (i32)  : i32 {
        %shift_right_logical3A_583 = arith.constant 4 : i32
        %shift_right_logical3A_584 = arith.shrui %while3A_581, %shift_right_logical3A_583 : i32
        %shift_left3A = arith.constant 4 : i32
        %shift_left3A_585 = arith.shli %shift_right_logical3A_584, %shift_left3A : i32
        %get3A_586 = arith.index_cast %shift_left3A_585 : i32 to index
        %get3A_587 = tpu.vector_load %arg12[%get3A_586] {strides = array<i32>} : memref<528xi32, #tpu.memory_space<vmem>>, vector<16xi32>,
        %and3A_588 = arith.constant 15 : i32
        %and3A_589 = arith.andi %while3A_581, %and3A_588 : i32
        %broadcast_in_dim3A_590 = vector.broadcast %and3A_589 : i32 to vector<16xi32>
        %broadcast_in_dim3A_591 = vector.shape_cast %broadcast_in_dim3A_590 : vector<16xi32> to vector<16x1xi32>
        %gather3A_592 = vector.shape_cast %broadcast_in_dim3A_591 : vector<16x1xi32> to vector<16xi32>
        %gather3A_593 = tpu.dynamic_gather %get3A_587[%gather3A_592] in [0] : vector<16xi32>, vector<16xi32> -> vector<16xi32>
        %shift_right_logical3A_594 = arith.constant 4 : i32
        %shift_right_logical3A_595 = vector.broadcast %shift_right_logical3A_594 : i32 to vector<16xi32>
        %shift_right_logical3A_596 = arith.shrui %gather3A_593, %shift_right_logical3A_595 : vector<16xi32>
        %shift_left3A_597 = arith.constant 8 : i32
        %shift_left3A_598 = vector.broadcast %shift_left3A_597 : i32 to vector<16xi32>
        %shift_left3A_599 = arith.shli %shift_right_logical3A_596, %shift_left3A_598 : vector<16xi32>
        %and3A_600 = arith.constant 15 : i32
        %and3A_601 = vector.broadcast %and3A_600 : i32 to vector<16xi32>
        %and3A_602 = arith.andi %gather3A_593, %and3A_601 : vector<16xi32>
        %add3A_603 = arith.addi %shift_left3A_599, %and3A_602 : vector<16xi32>
        %mul3A_604 = arith.constant 16 : i32
        %mul3A_605 = vector.broadcast %mul3A_604 : i32 to vector<16xi32>
        %mul3A_606 = arith.muli %mul3A_605, %iota3A : vector<16xi32>
        %add3A_607 = arith.addi %add3A_603, %mul3A_606 : vector<16xi32>
        %add3A_608 = arith.constant 8192 : i32
        %add3A_609 = vector.broadcast %add3A_608 : i32 to vector<16xi32>
        %add3A_610 = arith.addi %add3A_609, %add3A_607 : vector<16xi32>
        %gather3A_611 = tpu.vector_load_idx %arg8[%add3A_610] : memref<32768xf32, #tpu.memory_space<vmem>>[vector<16xi32>], vector<16xf32>,
        %le3A = vector.broadcast %while3A_345#4 : f32 to vector<16xf32>
        %le3A_612 = arith.cmpf ole, %gather3A_611, %le3A : vector<16xf32>
        %swap3A_613 = arith.index_cast %while3A_582 : i32 to index
        %swap3A_614 = tpu.vector_load %arg13[%swap3A_613] masked %le3A_612 {strides = array<i32>} : memref<8208xf32, #tpu.memory_space<vmem>>, vector<16xf32>, vector<16xi1>
        tpu.vector_store %arg13[%swap3A_613], %gather3A_611 masked %le3A_612 {strides = array<i32>} : memref<8208xf32, #tpu.memory_space<vmem>>, vector<16xf32>, vector<16xi1>
        %swap3A_615 = arith.index_cast %while3A_582 : i32 to index
        %swap3A_616 = tpu.vector_load %arg14[%swap3A_615] masked %le3A_612 {strides = array<i32>} : memref<8208xi32, #tpu.memory_space<vmem>>, vector<16xi32>, vector<16xi1>
        tpu.vector_store %arg14[%swap3A_615], %add3A_607 masked %le3A_612 {strides = array<i32>} : memref<8208xi32, #tpu.memory_space<vmem>>, vector<16xi32>, vector<16xi1>
        %all_reduce_population_count3A = tpu.all_reduce %le3A_612 {dim = 0 : i64, kind = #tpu.reduction_kind<sum>} : vector<16xi1> -> vector<16xi32>
        %slice3A = vector.extract_strided_slice %all_reduce_population_count3A {offsets = [0], sizes = [1], strides = [1]} : vector<16xi32> to vector<1xi32>
        %squeeze3A = vector.extract %slice3A[0] : i32 from vector<1xi32>
        %add3A_617 = arith.addi %while3A_582, %squeeze3A : i32
        scf.yield %add3A_617 : i32
      }
      %swap3A_370 = arith.index_cast %while3A_369 : i32 to index
      %swap3A_371 = tpu.vector_load %arg13[%swap3A_370] masked %eq3A_45 {strides = array<i32>} : memref<8208xf32, #tpu.memory_space<vmem>>, vector<16xf32>, vector<16xi1>
      tpu.vector_store %arg13[%swap3A_370], %broadcast_in_dim3A_46 masked %eq3A_45 {strides = array<i32>} : memref<8208xf32, #tpu.memory_space<vmem>>, vector<16xf32>, vector<16xi1>
      %add3A_372 = arith.constant 15 : i32
      %add3A_373 = arith.addi %while3A_369, %add3A_372 : i32
      %shift_right_logical3A_374 = arith.constant 4 : i32
      %shift_right_logical3A_375 = arith.shrui %add3A_373, %shift_right_logical3A_374 : i32
      %while3A_376 = arith.constant 0 : i32
      %while3A_377 = arith.constant 0x7F800000 : f32
      %while3A_378 = arith.subi %shift_right_logical3A_375, %while3A_376 : i32
      %while3A_379 = arith.addi %while3A_376, %while3A_378 : i32
      %while3A_380 = arith.constant 1 : i32
      %while3A_381 = arith.divsi %while3A_378, %while3A_380 : i32
      %while3A_382 = arith.muli %while3A_381, %while3A_380 : i32
      %while3A_383 = arith.addi %while3A_376, %while3A_382 : i32
      %while3A_384 = arith.constant 1 : i32
      %while3A_385:5 = scf.for %while3A_581 = %while3A_376 to %while3A_383 step %while3A_384 iter_args(%while3A_582 = %broadcast_in_dim3A_46, %while3A_583 = %broadcast_in_dim3A_48, %while3A_584 = %broadcast_in_dim3A_46, %while3A_585 = %broadcast_in_dim3A_48, %while3A_586 = %while3A_377) -> (vector<16xf32>, vector<16xi32>, vector<16xf32>, vector<16xi32>, f32)  : i32 {
        %mul3A_587 = arith.constant 16 : i32
        %mul3A_588 = arith.muli %while3A_581, %mul3A_587 : i32
        %get3A_589 = arith.index_cast %mul3A_588 : i32 to index
        %get3A_590 = tpu.vector_load %arg13[%get3A_589] {strides = array<i32>} : memref<8208xf32, #tpu.memory_space<vmem>>, vector<16xf32>,
        %mul3A_591 = arith.constant 16 : i32
        %mul3A_592 = arith.muli %while3A_581, %mul3A_591 : i32
        %get3A_593 = arith.index_cast %mul3A_592 : i32 to index
        %get3A_594 = tpu.vector_load %arg14[%get3A_593] {strides = array<i32>} : memref<8208xi32, #tpu.memory_space<vmem>>, vector<16xi32>,
        %reduce_min3A = arith.constant true
        %reduce_min3A_595 = vector.broadcast %reduce_min3A : i1 to vector<16xi1>
        %reduce_min3A_596 = tpu.scan <min>, %get3A_590 masked %reduce_min3A_595 : vector<16xf32>, vector<16xi1> -> vector<16xf32>
        %reduce_min3A_597 = vector.extract %reduce_min3A_596[15] : f32 from vector<16xf32>
        %lt3A_598 = arith.cmpf olt, %reduce_min3A_597, %while3A_586 : f32
        %convert_element_type3A = arith.extui %lt3A_598 : i1 to i32
        %cond3A = arith.constant 0 : i32
        %cond3A_599 = arith.cmpi ne, %convert_element_type3A, %cond3A : i32
        %cond3A_600:5 = scf.if %cond3A_599 -> (vector<16xf32>, vector<16xi32>, vector<16xf32>, vector<16xi32>, f32) {
          %masked_sort3A = arith.constant dense<true> : vector<16xi1>
          %masked_sort3A_601, %masked_sort3A_602, %masked_sort3A_603 = tpu.sort %get3A_590, %get3A_594 masked %masked_sort3A : (vector<16xf32>, vector<16xi32>, vector<16xi1>) -> (vector<16xi1>, vector<16xf32>, vector<16xi32>)
          %rev3A = arith.constant 15 : i32
          %rev3A_604 = vector.broadcast %rev3A : i32 to vector<16xi32>
          %rev3A_605 = tpu.iota {dimensions = array<i32: 0>} : vector<16xi32>
          %rev3A_606 = arith.subi %rev3A_604, %rev3A_605 : vector<16xi32>
          %rev3A_607 = tpu.dynamic_gather %masked_sort3A_602[%rev3A_606] in [0] : vector<16xf32>, vector<16xi32> -> vector<16xf32>
          %rev3A_608 = arith.constant 15 : i32
          %rev3A_609 = vector.broadcast %rev3A_608 : i32 to vector<16xi32>
          %rev3A_610 = tpu.iota {dimensions = array<i32: 0>} : vector<16xi32>
          %rev3A_611 = arith.subi %rev3A_609, %rev3A_610 : vector<16xi32>
          %rev3A_612 = tpu.dynamic_gather %masked_sort3A_603[%rev3A_611] in [0] : vector<16xi32>, vector<16xi32> -> vector<16xi32>
          %le3A = arith.cmpf ole, %while3A_584, %rev3A_607 : vector<16xf32>
          %min3A = arith.minimumf %while3A_584, %rev3A_607 : vector<16xf32>
          %select_n3A_613 = arith.select %le3A, %while3A_585, %rev3A_612 : vector<16xi1>, vector<16xi32>
          %masked_sort3A_614 = arith.constant dense<true> : vector<16xi1>
          %masked_sort3A_615, %masked_sort3A_616, %masked_sort3A_617 = tpu.sort %min3A, %select_n3A_613 masked %masked_sort3A_614 : (vector<16xf32>, vector<16xi32>, vector<16xi1>) -> (vector<16xi1>, vector<16xf32>, vector<16xi32>)
          %rev3A_618 = arith.constant 15 : i32
          %rev3A_619 = vector.broadcast %rev3A_618 : i32 to vector<16xi32>
          %rev3A_620 = tpu.iota {dimensions = array<i32: 0>} : vector<16xi32>
          %rev3A_621 = arith.subi %rev3A_619, %rev3A_620 : vector<16xi32>
          %rev3A_622 = tpu.dynamic_gather %masked_sort3A_616[%rev3A_621] in [0] : vector<16xf32>, vector<16xi32> -> vector<16xf32>
          %rev3A_623 = arith.constant 15 : i32
          %rev3A_624 = vector.broadcast %rev3A_623 : i32 to vector<16xi32>
          %rev3A_625 = tpu.iota {dimensions = array<i32: 0>} : vector<16xi32>
          %rev3A_626 = arith.subi %rev3A_624, %rev3A_625 : vector<16xi32>
          %rev3A_627 = tpu.dynamic_gather %masked_sort3A_617[%rev3A_626] in [0] : vector<16xi32>, vector<16xi32> -> vector<16xi32>
          %le3A_628 = arith.cmpf ole, %while3A_582, %rev3A_622 : vector<16xf32>
          %min3A_629 = arith.minimumf %while3A_582, %rev3A_622 : vector<16xf32>
          %select_n3A_630 = arith.select %le3A_628, %while3A_583, %rev3A_627 : vector<16xi1>, vector<16xi32>
          %max3A = arith.maximumf %while3A_582, %rev3A_622 : vector<16xf32>
          %select_n3A_631 = arith.select %le3A_628, %rev3A_627, %while3A_583 : vector<16xi1>, vector<16xi32>
          %masked_sort3A_632 = arith.constant dense<true> : vector<16xi1>
          %masked_sort3A_633, %masked_sort3A_634, %masked_sort3A_635 = tpu.sort %min3A_629, %select_n3A_630 masked %masked_sort3A_632 : (vector<16xf32>, vector<16xi32>, vector<16xi1>) -> (vector<16xi1>, vector<16xf32>, vector<16xi32>)
          %masked_sort3A_636 = arith.constant dense<true> : vector<16xi1>
          %masked_sort3A_637, %masked_sort3A_638, %masked_sort3A_639 = tpu.sort %max3A, %select_n3A_631 masked %masked_sort3A_636 : (vector<16xf32>, vector<16xi32>, vector<16xi1>) -> (vector<16xi1>, vector<16xf32>, vector<16xi32>)
          %reduce_max3A_640 = arith.constant true
          %reduce_max3A_641 = vector.broadcast %reduce_max3A_640 : i1 to vector<16xi1>
          %reduce_max3A_642 = tpu.scan <max>, %masked_sort3A_638 masked %reduce_max3A_641 : vector<16xf32>, vector<16xi1> -> vector<16xf32>
          %reduce_max3A_643 = vector.extract %reduce_max3A_642[15] : f32 from vector<16xf32>
          scf.yield %masked_sort3A_634, %masked_sort3A_635, %masked_sort3A_638, %masked_sort3A_639, %reduce_max3A_643 : vector<16xf32>, vector<16xi32>, vector<16xf32>, vector<16xi32>, f32
        } else {
          scf.yield %while3A_582, %while3A_583, %while3A_584, %while3A_585, %while3A_586 : vector<16xf32>, vector<16xi32>, vector<16xf32>, vector<16xi32>, f32
        }
        scf.yield %cond3A_600#0, %cond3A_600#1, %cond3A_600#2, %cond3A_600#3, %cond3A_600#4 : vector<16xf32>, vector<16xi32>, vector<16xf32>, vector<16xi32>, f32
      }
      %while3A_386 = arith.constant 1 : i32
      %while3A_387:5 = scf.for %while3A_581 = %while3A_383 to %while3A_379 step %while3A_386 iter_args(%while3A_582 = %while3A_385#0, %while3A_583 = %while3A_385#1, %while3A_584 = %while3A_385#2, %while3A_585 = %while3A_385#3, %while3A_586 = %while3A_385#4) -> (vector<16xf32>, vector<16xi32>, vector<16xf32>, vector<16xi32>, f32)  : i32 {
        %mul3A_587 = arith.constant 16 : i32
        %mul3A_588 = arith.muli %while3A_581, %mul3A_587 : i32
        %get3A_589 = arith.index_cast %mul3A_588 : i32 to index
        %get3A_590 = tpu.vector_load %arg13[%get3A_589] {strides = array<i32>} : memref<8208xf32, #tpu.memory_space<vmem>>, vector<16xf32>,
        %mul3A_591 = arith.constant 16 : i32
        %mul3A_592 = arith.muli %while3A_581, %mul3A_591 : i32
        %get3A_593 = arith.index_cast %mul3A_592 : i32 to index
        %get3A_594 = tpu.vector_load %arg14[%get3A_593] {strides = array<i32>} : memref<8208xi32, #tpu.memory_space<vmem>>, vector<16xi32>,
        %reduce_min3A = arith.constant true
        %reduce_min3A_595 = vector.broadcast %reduce_min3A : i1 to vector<16xi1>
        %reduce_min3A_596 = tpu.scan <min>, %get3A_590 masked %reduce_min3A_595 : vector<16xf32>, vector<16xi1> -> vector<16xf32>
        %reduce_min3A_597 = vector.extract %reduce_min3A_596[15] : f32 from vector<16xf32>
        %lt3A_598 = arith.cmpf olt, %reduce_min3A_597, %while3A_586 : f32
        %convert_element_type3A = arith.extui %lt3A_598 : i1 to i32
        %cond3A = arith.constant 0 : i32
        %cond3A_599 = arith.cmpi ne, %convert_element_type3A, %cond3A : i32
        %cond3A_600:5 = scf.if %cond3A_599 -> (vector<16xf32>, vector<16xi32>, vector<16xf32>, vector<16xi32>, f32) {
          %masked_sort3A = arith.constant dense<true> : vector<16xi1>
          %masked_sort3A_601, %masked_sort3A_602, %masked_sort3A_603 = tpu.sort %get3A_590, %get3A_594 masked %masked_sort3A : (vector<16xf32>, vector<16xi32>, vector<16xi1>) -> (vector<16xi1>, vector<16xf32>, vector<16xi32>)
          %rev3A = arith.constant 15 : i32
          %rev3A_604 = vector.broadcast %rev3A : i32 to vector<16xi32>
          %rev3A_605 = tpu.iota {dimensions = array<i32: 0>} : vector<16xi32>
          %rev3A_606 = arith.subi %rev3A_604, %rev3A_605 : vector<16xi32>
          %rev3A_607 = tpu.dynamic_gather %masked_sort3A_602[%rev3A_606] in [0] : vector<16xf32>, vector<16xi32> -> vector<16xf32>
          %rev3A_608 = arith.constant 15 : i32
          %rev3A_609 = vector.broadcast %rev3A_608 : i32 to vector<16xi32>
          %rev3A_610 = tpu.iota {dimensions = array<i32: 0>} : vector<16xi32>
          %rev3A_611 = arith.subi %rev3A_609, %rev3A_610 : vector<16xi32>
          %rev3A_612 = tpu.dynamic_gather %masked_sort3A_603[%rev3A_611] in [0] : vector<16xi32>, vector<16xi32> -> vector<16xi32>
          %le3A = arith.cmpf ole, %while3A_584, %rev3A_607 : vector<16xf32>
          %min3A = arith.minimumf %while3A_584, %rev3A_607 : vector<16xf32>
          %select_n3A_613 = arith.select %le3A, %while3A_585, %rev3A_612 : vector<16xi1>, vector<16xi32>
          %masked_sort3A_614 = arith.constant dense<true> : vector<16xi1>
          %masked_sort3A_615, %masked_sort3A_616, %masked_sort3A_617 = tpu.sort %min3A, %select_n3A_613 masked %masked_sort3A_614 : (vector<16xf32>, vector<16xi32>, vector<16xi1>) -> (vector<16xi1>, vector<16xf32>, vector<16xi32>)
          %rev3A_618 = arith.constant 15 : i32
          %rev3A_619 = vector.broadcast %rev3A_618 : i32 to vector<16xi32>
          %rev3A_620 = tpu.iota {dimensions = array<i32: 0>} : vector<16xi32>
          %rev3A_621 = arith.subi %rev3A_619, %rev3A_620 : vector<16xi32>
          %rev3A_622 = tpu.dynamic_gather %masked_sort3A_616[%rev3A_621] in [0] : vector<16xf32>, vector<16xi32> -> vector<16xf32>
          %rev3A_623 = arith.constant 15 : i32
          %rev3A_624 = vector.broadcast %rev3A_623 : i32 to vector<16xi32>
          %rev3A_625 = tpu.iota {dimensions = array<i32: 0>} : vector<16xi32>
          %rev3A_626 = arith.subi %rev3A_624, %rev3A_625 : vector<16xi32>
          %rev3A_627 = tpu.dynamic_gather %masked_sort3A_617[%rev3A_626] in [0] : vector<16xi32>, vector<16xi32> -> vector<16xi32>
          %le3A_628 = arith.cmpf ole, %while3A_582, %rev3A_622 : vector<16xf32>
          %min3A_629 = arith.minimumf %while3A_582, %rev3A_622 : vector<16xf32>
          %select_n3A_630 = arith.select %le3A_628, %while3A_583, %rev3A_627 : vector<16xi1>, vector<16xi32>
          %max3A = arith.maximumf %while3A_582, %rev3A_622 : vector<16xf32>
          %select_n3A_631 = arith.select %le3A_628, %rev3A_627, %while3A_583 : vector<16xi1>, vector<16xi32>
          %masked_sort3A_632 = arith.constant dense<true> : vector<16xi1>
          %masked_sort3A_633, %masked_sort3A_634, %masked_sort3A_635 = tpu.sort %min3A_629, %select_n3A_630 masked %masked_sort3A_632 : (vector<16xf32>, vector<16xi32>, vector<16xi1>) -> (vector<16xi1>, vector<16xf32>, vector<16xi32>)
          %masked_sort3A_636 = arith.constant dense<true> : vector<16xi1>
          %masked_sort3A_637, %masked_sort3A_638, %masked_sort3A_639 = tpu.sort %max3A, %select_n3A_631 masked %masked_sort3A_636 : (vector<16xf32>, vector<16xi32>, vector<16xi1>) -> (vector<16xi1>, vector<16xf32>, vector<16xi32>)
          %reduce_max3A_640 = arith.constant true
          %reduce_max3A_641 = vector.broadcast %reduce_max3A_640 : i1 to vector<16xi1>
          %reduce_max3A_642 = tpu.scan <max>, %masked_sort3A_638 masked %reduce_max3A_641 : vector<16xf32>, vector<16xi1> -> vector<16xf32>
          %reduce_max3A_643 = vector.extract %reduce_max3A_642[15] : f32 from vector<16xf32>
          scf.yield %masked_sort3A_634, %masked_sort3A_635, %masked_sort3A_638, %masked_sort3A_639, %reduce_max3A_643 : vector<16xf32>, vector<16xi32>, vector<16xf32>, vector<16xi32>, f32
        } else {
          scf.yield %while3A_582, %while3A_583, %while3A_584, %while3A_585, %while3A_586 : vector<16xf32>, vector<16xi32>, vector<16xf32>, vector<16xi32>, f32
        }
        scf.yield %cond3A_600#0, %cond3A_600#1, %cond3A_600#2, %cond3A_600#3, %cond3A_600#4 : vector<16xf32>, vector<16xi32>, vector<16xf32>, vector<16xi32>, f32
      }
      %mul3A_388 = arith.constant 32 : i32
      %mul3A_389 = arith.muli %add3A_310, %mul3A_388 : i32
      %swap3A_390 = arith.index_cast %mul3A_389 : i32 to index
      %swap3A_391 = tpu.vector_load %arg15[%swap3A_390] {strides = array<i32>} : memref<16384xi32, #tpu.memory_space<vmem>>, vector<16xi32>,
      tpu.vector_store %arg15[%swap3A_390], %while3A_387#1 {strides = array<i32>} : memref<16384xi32, #tpu.memory_space<vmem>>, vector<16xi32>,
      %mul3A_392 = arith.constant 32 : i32
      %mul3A_393 = arith.muli %add3A_310, %mul3A_392 : i32
      %add3A_394 = arith.constant 16 : i32
      %add3A_395 = arith.addi %mul3A_393, %add3A_394 : i32
      %swap3A_396 = arith.index_cast %add3A_395 : i32 to index
      %swap3A_397 = tpu.vector_load %arg15[%swap3A_396] {strides = array<i32>} : memref<16384xi32, #tpu.memory_space<vmem>>, vector<16xi32>,
      tpu.vector_store %arg15[%swap3A_396], %while3A_387#3 {strides = array<i32>} : memref<16384xi32, #tpu.memory_space<vmem>>, vector<16xi32>,
      %mul3A_398 = arith.constant 4 : i32
      %mul3A_399 = arith.muli %scan3A_61, %mul3A_398 : i32
      %add3A_400 = arith.constant 2 : i32
      %add3A_401 = arith.addi %mul3A_399, %add3A_400 : i32
      %scan3A_402 = arith.constant 0 : i32
      %scan3A_403 = arith.constant 32 : i32
      %scan3A_404 = arith.addi %scan3A_402, %scan3A_403 : i32
      %scan3A_405 = arith.constant 1 : i32
      %scan3A_406:2 = scf.for %scan3A_581 = %scan3A_402 to %scan3A_404 step %scan3A_405 iter_args(%scan3A_582 = %broadcast_in_dim3A_46, %scan3A_583 = %broadcast_in_dim3A_46) -> (vector<16xf32>, vector<16xf32>)  : i32 {
        %mul3A_584 = arith.constant 16 : i32
        %mul3A_585 = arith.muli %scan3A_581, %mul3A_584 : i32
        %add3A_586 = arith.constant 1024 : i32
        %add3A_587 = arith.addi %add3A_586, %mul3A_585 : i32
        %get3A_588 = arith.index_cast %add3A_587 : i32 to index
        %get3A_589 = tpu.vector_load %arg9[%get3A_588] {strides = array<i32>} : memref<2048xf32, #tpu.memory_space<vmem>>, vector<16xf32>,
        %min3A = arith.minimumf %scan3A_582, %get3A_589 : vector<16xf32>
        %max3A = arith.maximumf %scan3A_582, %get3A_589 : vector<16xf32>
        %min3A_590 = arith.minimumf %scan3A_583, %max3A : vector<16xf32>
        scf.yield %min3A, %min3A_590 : vector<16xf32>, vector<16xf32>
      }
      %scan3A_407 = arith.constant 32 : i32
      %reduce_max3A_408 = arith.constant true
      %reduce_max3A_409 = vector.broadcast %reduce_max3A_408 : i1 to vector<16xi1>
      %reduce_max3A_410 = tpu.scan <max>, %scan3A_406#1 masked %reduce_max3A_409 : vector<16xf32>, vector<16xi1> -> vector<16xf32>
      %reduce_max3A_411 = vector.extract %reduce_max3A_410[15] : f32 from vector<16xf32>
      %scan3A_412 = arith.constant 0 : i32
      %scan3A_413 = arith.constant 0 : i32
      %scan3A_414 = arith.constant 32 : i32
      %scan3A_415 = arith.addi %scan3A_413, %scan3A_414 : i32
      %scan3A_416 = arith.constant 1 : i32
      %scan3A_417 = scf.for %scan3A_581 = %scan3A_413 to %scan3A_415 step %scan3A_416 iter_args(%scan3A_582 = %scan3A_412) -> (i32)  : i32 {
        %mul3A_583 = arith.constant 16 : i32
        %mul3A_584 = arith.muli %scan3A_581, %mul3A_583 : i32
        %add3A_585 = arith.constant 1024 : i32
        %add3A_586 = arith.addi %add3A_585, %mul3A_584 : i32
        %get3A_587 = arith.index_cast %add3A_586 : i32 to index
        %get3A_588 = tpu.vector_load %arg9[%get3A_587] {strides = array<i32>} : memref<2048xf32, #tpu.memory_space<vmem>>, vector<16xf32>,
        %le3A = vector.broadcast %reduce_max3A_411 : f32 to vector<16xf32>
        %le3A_589 = arith.cmpf ole, %get3A_588, %le3A : vector<16xf32>
        %swap3A_590 = arith.index_cast %scan3A_582 : i32 to index
        %swap3A_591 = tpu.vector_load %arg10[%swap3A_590] masked %le3A_589 {strides = array<i32>} : memref<528xf32, #tpu.memory_space<vmem>>, vector<16xf32>, vector<16xi1>
        tpu.vector_store %arg10[%swap3A_590], %get3A_588 masked %le3A_589 {strides = array<i32>} : memref<528xf32, #tpu.memory_space<vmem>>, vector<16xf32>, vector<16xi1>
        %mul3A_592 = arith.constant 16 : i32
        %mul3A_593 = arith.muli %scan3A_581, %mul3A_592 : i32
        %add3A_594 = vector.broadcast %mul3A_593 : i32 to vector<16xi32>
        %add3A_595 = arith.addi %add3A_594, %iota3A : vector<16xi32>
        %swap3A_596 = arith.index_cast %scan3A_582 : i32 to index
        %swap3A_597 = tpu.vector_load %arg11[%swap3A_596] masked %le3A_589 {strides = array<i32>} : memref<528xi32, #tpu.memory_space<vmem>>, vector<16xi32>, vector<16xi1>
        tpu.vector_store %arg11[%swap3A_596], %add3A_595 masked %le3A_589 {strides = array<i32>} : memref<528xi32, #tpu.memory_space<vmem>>, vector<16xi32>, vector<16xi1>
        %all_reduce_population_count3A = tpu.all_reduce %le3A_589 {dim = 0 : i64, kind = #tpu.reduction_kind<sum>} : vector<16xi1> -> vector<16xi32>
        %slice3A = vector.extract_strided_slice %all_reduce_population_count3A {offsets = [0], sizes = [1], strides = [1]} : vector<16xi32> to vector<1xi32>
        %squeeze3A = vector.extract %slice3A[0] : i32 from vector<1xi32>
        %add3A_598 = arith.addi %scan3A_582, %squeeze3A : i32
        scf.yield %add3A_598 : i32
      }
      %scan3A_418 = arith.constant 32 : i32
      %swap3A_419 = arith.index_cast %scan3A_417 : i32 to index
      %swap3A_420 = tpu.vector_load %arg10[%swap3A_419] masked %eq3A_45 {strides = array<i32>} : memref<528xf32, #tpu.memory_space<vmem>>, vector<16xf32>, vector<16xi1>
      tpu.vector_store %arg10[%swap3A_419], %broadcast_in_dim3A_46 masked %eq3A_45 {strides = array<i32>} : memref<528xf32, #tpu.memory_space<vmem>>, vector<16xf32>, vector<16xi1>
      %add3A_421 = arith.constant 15 : i32
      %add3A_422 = arith.addi %scan3A_417, %add3A_421 : i32
      %shift_right_logical3A_423 = arith.constant 4 : i32
      %shift_right_logical3A_424 = arith.shrui %add3A_422, %shift_right_logical3A_423 : i32
      %while3A_425 = arith.constant 0 : i32
      %while3A_426 = arith.constant 0x7F800000 : f32
      %while3A_427 = arith.subi %shift_right_logical3A_424, %while3A_425 : i32
      %while3A_428 = arith.addi %while3A_425, %while3A_427 : i32
      %while3A_429 = arith.constant 1 : i32
      %while3A_430 = arith.divsi %while3A_427, %while3A_429 : i32
      %while3A_431 = arith.muli %while3A_430, %while3A_429 : i32
      %while3A_432 = arith.addi %while3A_425, %while3A_431 : i32
      %while3A_433 = arith.constant 1 : i32
      %while3A_434:5 = scf.for %while3A_581 = %while3A_425 to %while3A_432 step %while3A_433 iter_args(%while3A_582 = %broadcast_in_dim3A_46, %while3A_583 = %broadcast_in_dim3A_48, %while3A_584 = %broadcast_in_dim3A_46, %while3A_585 = %broadcast_in_dim3A_48, %while3A_586 = %while3A_426) -> (vector<16xf32>, vector<16xi32>, vector<16xf32>, vector<16xi32>, f32)  : i32 {
        %mul3A_587 = arith.constant 16 : i32
        %mul3A_588 = arith.muli %while3A_581, %mul3A_587 : i32
        %get3A_589 = arith.index_cast %mul3A_588 : i32 to index
        %get3A_590 = tpu.vector_load %arg10[%get3A_589] {strides = array<i32>} : memref<528xf32, #tpu.memory_space<vmem>>, vector<16xf32>,
        %mul3A_591 = arith.constant 16 : i32
        %mul3A_592 = arith.muli %while3A_581, %mul3A_591 : i32
        %get3A_593 = arith.index_cast %mul3A_592 : i32 to index
        %get3A_594 = tpu.vector_load %arg11[%get3A_593] {strides = array<i32>} : memref<528xi32, #tpu.memory_space<vmem>>, vector<16xi32>,
        %reduce_min3A = arith.constant true
        %reduce_min3A_595 = vector.broadcast %reduce_min3A : i1 to vector<16xi1>
        %reduce_min3A_596 = tpu.scan <min>, %get3A_590 masked %reduce_min3A_595 : vector<16xf32>, vector<16xi1> -> vector<16xf32>
        %reduce_min3A_597 = vector.extract %reduce_min3A_596[15] : f32 from vector<16xf32>
        %lt3A_598 = arith.cmpf olt, %reduce_min3A_597, %while3A_586 : f32
        %convert_element_type3A = arith.extui %lt3A_598 : i1 to i32
        %cond3A = arith.constant 0 : i32
        %cond3A_599 = arith.cmpi ne, %convert_element_type3A, %cond3A : i32
        %cond3A_600:5 = scf.if %cond3A_599 -> (vector<16xf32>, vector<16xi32>, vector<16xf32>, vector<16xi32>, f32) {
          %masked_sort3A = arith.constant dense<true> : vector<16xi1>
          %masked_sort3A_601, %masked_sort3A_602, %masked_sort3A_603 = tpu.sort %get3A_590, %get3A_594 masked %masked_sort3A : (vector<16xf32>, vector<16xi32>, vector<16xi1>) -> (vector<16xi1>, vector<16xf32>, vector<16xi32>)
          %rev3A = arith.constant 15 : i32
          %rev3A_604 = vector.broadcast %rev3A : i32 to vector<16xi32>
          %rev3A_605 = tpu.iota {dimensions = array<i32: 0>} : vector<16xi32>
          %rev3A_606 = arith.subi %rev3A_604, %rev3A_605 : vector<16xi32>
          %rev3A_607 = tpu.dynamic_gather %masked_sort3A_602[%rev3A_606] in [0] : vector<16xf32>, vector<16xi32> -> vector<16xf32>
          %rev3A_608 = arith.constant 15 : i32
          %rev3A_609 = vector.broadcast %rev3A_608 : i32 to vector<16xi32>
          %rev3A_610 = tpu.iota {dimensions = array<i32: 0>} : vector<16xi32>
          %rev3A_611 = arith.subi %rev3A_609, %rev3A_610 : vector<16xi32>
          %rev3A_612 = tpu.dynamic_gather %masked_sort3A_603[%rev3A_611] in [0] : vector<16xi32>, vector<16xi32> -> vector<16xi32>
          %le3A = arith.cmpf ole, %while3A_584, %rev3A_607 : vector<16xf32>
          %min3A = arith.minimumf %while3A_584, %rev3A_607 : vector<16xf32>
          %select_n3A_613 = arith.select %le3A, %while3A_585, %rev3A_612 : vector<16xi1>, vector<16xi32>
          %masked_sort3A_614 = arith.constant dense<true> : vector<16xi1>
          %masked_sort3A_615, %masked_sort3A_616, %masked_sort3A_617 = tpu.sort %min3A, %select_n3A_613 masked %masked_sort3A_614 : (vector<16xf32>, vector<16xi32>, vector<16xi1>) -> (vector<16xi1>, vector<16xf32>, vector<16xi32>)
          %rev3A_618 = arith.constant 15 : i32
          %rev3A_619 = vector.broadcast %rev3A_618 : i32 to vector<16xi32>
          %rev3A_620 = tpu.iota {dimensions = array<i32: 0>} : vector<16xi32>
          %rev3A_621 = arith.subi %rev3A_619, %rev3A_620 : vector<16xi32>
          %rev3A_622 = tpu.dynamic_gather %masked_sort3A_616[%rev3A_621] in [0] : vector<16xf32>, vector<16xi32> -> vector<16xf32>
          %rev3A_623 = arith.constant 15 : i32
          %rev3A_624 = vector.broadcast %rev3A_623 : i32 to vector<16xi32>
          %rev3A_625 = tpu.iota {dimensions = array<i32: 0>} : vector<16xi32>
          %rev3A_626 = arith.subi %rev3A_624, %rev3A_625 : vector<16xi32>
          %rev3A_627 = tpu.dynamic_gather %masked_sort3A_617[%rev3A_626] in [0] : vector<16xi32>, vector<16xi32> -> vector<16xi32>
          %le3A_628 = arith.cmpf ole, %while3A_582, %rev3A_622 : vector<16xf32>
          %min3A_629 = arith.minimumf %while3A_582, %rev3A_622 : vector<16xf32>
          %select_n3A_630 = arith.select %le3A_628, %while3A_583, %rev3A_627 : vector<16xi1>, vector<16xi32>
          %max3A = arith.maximumf %while3A_582, %rev3A_622 : vector<16xf32>
          %select_n3A_631 = arith.select %le3A_628, %rev3A_627, %while3A_583 : vector<16xi1>, vector<16xi32>
          %masked_sort3A_632 = arith.constant dense<true> : vector<16xi1>
          %masked_sort3A_633, %masked_sort3A_634, %masked_sort3A_635 = tpu.sort %min3A_629, %select_n3A_630 masked %masked_sort3A_632 : (vector<16xf32>, vector<16xi32>, vector<16xi1>) -> (vector<16xi1>, vector<16xf32>, vector<16xi32>)
          %masked_sort3A_636 = arith.constant dense<true> : vector<16xi1>
          %masked_sort3A_637, %masked_sort3A_638, %masked_sort3A_639 = tpu.sort %max3A, %select_n3A_631 masked %masked_sort3A_636 : (vector<16xf32>, vector<16xi32>, vector<16xi1>) -> (vector<16xi1>, vector<16xf32>, vector<16xi32>)
          %reduce_max3A_640 = arith.constant true
          %reduce_max3A_641 = vector.broadcast %reduce_max3A_640 : i1 to vector<16xi1>
          %reduce_max3A_642 = tpu.scan <max>, %masked_sort3A_638 masked %reduce_max3A_641 : vector<16xf32>, vector<16xi1> -> vector<16xf32>
          %reduce_max3A_643 = vector.extract %reduce_max3A_642[15] : f32 from vector<16xf32>
          scf.yield %masked_sort3A_634, %masked_sort3A_635, %masked_sort3A_638, %masked_sort3A_639, %reduce_max3A_643 : vector<16xf32>, vector<16xi32>, vector<16xf32>, vector<16xi32>, f32
        } else {
          scf.yield %while3A_582, %while3A_583, %while3A_584, %while3A_585, %while3A_586 : vector<16xf32>, vector<16xi32>, vector<16xf32>, vector<16xi32>, f32
        }
        scf.yield %cond3A_600#0, %cond3A_600#1, %cond3A_600#2, %cond3A_600#3, %cond3A_600#4 : vector<16xf32>, vector<16xi32>, vector<16xf32>, vector<16xi32>, f32
      }
      %while3A_435 = arith.constant 1 : i32
      %while3A_436:5 = scf.for %while3A_581 = %while3A_432 to %while3A_428 step %while3A_435 iter_args(%while3A_582 = %while3A_434#0, %while3A_583 = %while3A_434#1, %while3A_584 = %while3A_434#2, %while3A_585 = %while3A_434#3, %while3A_586 = %while3A_434#4) -> (vector<16xf32>, vector<16xi32>, vector<16xf32>, vector<16xi32>, f32)  : i32 {
        %mul3A_587 = arith.constant 16 : i32
        %mul3A_588 = arith.muli %while3A_581, %mul3A_587 : i32
        %get3A_589 = arith.index_cast %mul3A_588 : i32 to index
        %get3A_590 = tpu.vector_load %arg10[%get3A_589] {strides = array<i32>} : memref<528xf32, #tpu.memory_space<vmem>>, vector<16xf32>,
        %mul3A_591 = arith.constant 16 : i32
        %mul3A_592 = arith.muli %while3A_581, %mul3A_591 : i32
        %get3A_593 = arith.index_cast %mul3A_592 : i32 to index
        %get3A_594 = tpu.vector_load %arg11[%get3A_593] {strides = array<i32>} : memref<528xi32, #tpu.memory_space<vmem>>, vector<16xi32>,
        %reduce_min3A = arith.constant true
        %reduce_min3A_595 = vector.broadcast %reduce_min3A : i1 to vector<16xi1>
        %reduce_min3A_596 = tpu.scan <min>, %get3A_590 masked %reduce_min3A_595 : vector<16xf32>, vector<16xi1> -> vector<16xf32>
        %reduce_min3A_597 = vector.extract %reduce_min3A_596[15] : f32 from vector<16xf32>
        %lt3A_598 = arith.cmpf olt, %reduce_min3A_597, %while3A_586 : f32
        %convert_element_type3A = arith.extui %lt3A_598 : i1 to i32
        %cond3A = arith.constant 0 : i32
        %cond3A_599 = arith.cmpi ne, %convert_element_type3A, %cond3A : i32
        %cond3A_600:5 = scf.if %cond3A_599 -> (vector<16xf32>, vector<16xi32>, vector<16xf32>, vector<16xi32>, f32) {
          %masked_sort3A = arith.constant dense<true> : vector<16xi1>
          %masked_sort3A_601, %masked_sort3A_602, %masked_sort3A_603 = tpu.sort %get3A_590, %get3A_594 masked %masked_sort3A : (vector<16xf32>, vector<16xi32>, vector<16xi1>) -> (vector<16xi1>, vector<16xf32>, vector<16xi32>)
          %rev3A = arith.constant 15 : i32
          %rev3A_604 = vector.broadcast %rev3A : i32 to vector<16xi32>
          %rev3A_605 = tpu.iota {dimensions = array<i32: 0>} : vector<16xi32>
          %rev3A_606 = arith.subi %rev3A_604, %rev3A_605 : vector<16xi32>
          %rev3A_607 = tpu.dynamic_gather %masked_sort3A_602[%rev3A_606] in [0] : vector<16xf32>, vector<16xi32> -> vector<16xf32>
          %rev3A_608 = arith.constant 15 : i32
          %rev3A_609 = vector.broadcast %rev3A_608 : i32 to vector<16xi32>
          %rev3A_610 = tpu.iota {dimensions = array<i32: 0>} : vector<16xi32>
          %rev3A_611 = arith.subi %rev3A_609, %rev3A_610 : vector<16xi32>
          %rev3A_612 = tpu.dynamic_gather %masked_sort3A_603[%rev3A_611] in [0] : vector<16xi32>, vector<16xi32> -> vector<16xi32>
          %le3A = arith.cmpf ole, %while3A_584, %rev3A_607 : vector<16xf32>
          %min3A = arith.minimumf %while3A_584, %rev3A_607 : vector<16xf32>
          %select_n3A_613 = arith.select %le3A, %while3A_585, %rev3A_612 : vector<16xi1>, vector<16xi32>
          %masked_sort3A_614 = arith.constant dense<true> : vector<16xi1>
          %masked_sort3A_615, %masked_sort3A_616, %masked_sort3A_617 = tpu.sort %min3A, %select_n3A_613 masked %masked_sort3A_614 : (vector<16xf32>, vector<16xi32>, vector<16xi1>) -> (vector<16xi1>, vector<16xf32>, vector<16xi32>)
          %rev3A_618 = arith.constant 15 : i32
          %rev3A_619 = vector.broadcast %rev3A_618 : i32 to vector<16xi32>
          %rev3A_620 = tpu.iota {dimensions = array<i32: 0>} : vector<16xi32>
          %rev3A_621 = arith.subi %rev3A_619, %rev3A_620 : vector<16xi32>
          %rev3A_622 = tpu.dynamic_gather %masked_sort3A_616[%rev3A_621] in [0] : vector<16xf32>, vector<16xi32> -> vector<16xf32>
          %rev3A_623 = arith.constant 15 : i32
          %rev3A_624 = vector.broadcast %rev3A_623 : i32 to vector<16xi32>
          %rev3A_625 = tpu.iota {dimensions = array<i32: 0>} : vector<16xi32>
          %rev3A_626 = arith.subi %rev3A_624, %rev3A_625 : vector<16xi32>
          %rev3A_627 = tpu.dynamic_gather %masked_sort3A_617[%rev3A_626] in [0] : vector<16xi32>, vector<16xi32> -> vector<16xi32>
          %le3A_628 = arith.cmpf ole, %while3A_582, %rev3A_622 : vector<16xf32>
          %min3A_629 = arith.minimumf %while3A_582, %rev3A_622 : vector<16xf32>
          %select_n3A_630 = arith.select %le3A_628, %while3A_583, %rev3A_627 : vector<16xi1>, vector<16xi32>
          %max3A = arith.maximumf %while3A_582, %rev3A_622 : vector<16xf32>
          %select_n3A_631 = arith.select %le3A_628, %rev3A_627, %while3A_583 : vector<16xi1>, vector<16xi32>
          %masked_sort3A_632 = arith.constant dense<true> : vector<16xi1>
          %masked_sort3A_633, %masked_sort3A_634, %masked_sort3A_635 = tpu.sort %min3A_629, %select_n3A_630 masked %masked_sort3A_632 : (vector<16xf32>, vector<16xi32>, vector<16xi1>) -> (vector<16xi1>, vector<16xf32>, vector<16xi32>)
          %masked_sort3A_636 = arith.constant dense<true> : vector<16xi1>
          %masked_sort3A_637, %masked_sort3A_638, %masked_sort3A_639 = tpu.sort %max3A, %select_n3A_631 masked %masked_sort3A_636 : (vector<16xf32>, vector<16xi32>, vector<16xi1>) -> (vector<16xi1>, vector<16xf32>, vector<16xi32>)
          %reduce_max3A_640 = arith.constant true
          %reduce_max3A_641 = vector.broadcast %reduce_max3A_640 : i1 to vector<16xi1>
          %reduce_max3A_642 = tpu.scan <max>, %masked_sort3A_638 masked %reduce_max3A_641 : vector<16xf32>, vector<16xi1> -> vector<16xf32>
          %reduce_max3A_643 = vector.extract %reduce_max3A_642[15] : f32 from vector<16xf32>
          scf.yield %masked_sort3A_634, %masked_sort3A_635, %masked_sort3A_638, %masked_sort3A_639, %reduce_max3A_643 : vector<16xf32>, vector<16xi32>, vector<16xf32>, vector<16xi32>, f32
        } else {
          scf.yield %while3A_582, %while3A_583, %while3A_584, %while3A_585, %while3A_586 : vector<16xf32>, vector<16xi32>, vector<16xf32>, vector<16xi32>, f32
        }
        scf.yield %cond3A_600#0, %cond3A_600#1, %cond3A_600#2, %cond3A_600#3, %cond3A_600#4 : vector<16xf32>, vector<16xi32>, vector<16xf32>, vector<16xi32>, f32
      }
      %while3A_437 = arith.constant 0 : i32
      %while3A_438 = arith.constant 0 : i32
      %while3A_439 = arith.subi %shift_right_logical3A_424, %while3A_437 : i32
      %while3A_440 = arith.addi %while3A_437, %while3A_439 : i32
      %while3A_441 = arith.constant 1 : i32
      %while3A_442 = arith.divsi %while3A_439, %while3A_441 : i32
      %while3A_443 = arith.muli %while3A_442, %while3A_441 : i32
      %while3A_444 = arith.addi %while3A_437, %while3A_443 : i32
      %while3A_445 = arith.constant 1 : i32
      %while3A_446 = scf.for %while3A_581 = %while3A_437 to %while3A_444 step %while3A_445 iter_args(%while3A_582 = %while3A_438) -> (i32)  : i32 {
        %mul3A_583 = arith.constant 16 : i32
        %mul3A_584 = arith.muli %while3A_581, %mul3A_583 : i32
        %get3A_585 = arith.index_cast %mul3A_584 : i32 to index
        %get3A_586 = tpu.vector_load %arg10[%get3A_585] {strides = array<i32>} : memref<528xf32, #tpu.memory_space<vmem>>, vector<16xf32>,
        %mul3A_587 = arith.constant 16 : i32
        %mul3A_588 = arith.muli %while3A_581, %mul3A_587 : i32
        %get3A_589 = arith.index_cast %mul3A_588 : i32 to index
        %get3A_590 = tpu.vector_load %arg11[%get3A_589] {strides = array<i32>} : memref<528xi32, #tpu.memory_space<vmem>>, vector<16xi32>,
        %le3A = vector.broadcast %while3A_436#4 : f32 to vector<16xf32>
        %le3A_591 = arith.cmpf ole, %get3A_586, %le3A : vector<16xf32>
        %swap3A_592 = arith.index_cast %while3A_582 : i32 to index
        %swap3A_593 = tpu.vector_load %arg12[%swap3A_592] masked %le3A_591 {strides = array<i32>} : memref<528xi32, #tpu.memory_space<vmem>>, vector<16xi32>, vector<16xi1>
        tpu.vector_store %arg12[%swap3A_592], %get3A_590 masked %le3A_591 {strides = array<i32>} : memref<528xi32, #tpu.memory_space<vmem>>, vector<16xi32>, vector<16xi1>
        %all_reduce_population_count3A = tpu.all_reduce %le3A_591 {dim = 0 : i64, kind = #tpu.reduction_kind<sum>} : vector<16xi1> -> vector<16xi32>
        %slice3A = vector.extract_strided_slice %all_reduce_population_count3A {offsets = [0], sizes = [1], strides = [1]} : vector<16xi32> to vector<1xi32>
        %squeeze3A = vector.extract %slice3A[0] : i32 from vector<1xi32>
        %add3A_594 = arith.addi %while3A_582, %squeeze3A : i32
        scf.yield %add3A_594 : i32
      }
      %while3A_447 = arith.constant 1 : i32
      %while3A_448 = scf.for %while3A_581 = %while3A_444 to %while3A_440 step %while3A_447 iter_args(%while3A_582 = %while3A_446) -> (i32)  : i32 {
        %mul3A_583 = arith.constant 16 : i32
        %mul3A_584 = arith.muli %while3A_581, %mul3A_583 : i32
        %get3A_585 = arith.index_cast %mul3A_584 : i32 to index
        %get3A_586 = tpu.vector_load %arg10[%get3A_585] {strides = array<i32>} : memref<528xf32, #tpu.memory_space<vmem>>, vector<16xf32>,
        %mul3A_587 = arith.constant 16 : i32
        %mul3A_588 = arith.muli %while3A_581, %mul3A_587 : i32
        %get3A_589 = arith.index_cast %mul3A_588 : i32 to index
        %get3A_590 = tpu.vector_load %arg11[%get3A_589] {strides = array<i32>} : memref<528xi32, #tpu.memory_space<vmem>>, vector<16xi32>,
        %le3A = vector.broadcast %while3A_436#4 : f32 to vector<16xf32>
        %le3A_591 = arith.cmpf ole, %get3A_586, %le3A : vector<16xf32>
        %swap3A_592 = arith.index_cast %while3A_582 : i32 to index
        %swap3A_593 = tpu.vector_load %arg12[%swap3A_592] masked %le3A_591 {strides = array<i32>} : memref<528xi32, #tpu.memory_space<vmem>>, vector<16xi32>, vector<16xi1>
        tpu.vector_store %arg12[%swap3A_592], %get3A_590 masked %le3A_591 {strides = array<i32>} : memref<528xi32, #tpu.memory_space<vmem>>, vector<16xi32>, vector<16xi1>
        %all_reduce_population_count3A = tpu.all_reduce %le3A_591 {dim = 0 : i64, kind = #tpu.reduction_kind<sum>} : vector<16xi1> -> vector<16xi32>
        %slice3A = vector.extract_strided_slice %all_reduce_population_count3A {offsets = [0], sizes = [1], strides = [1]} : vector<16xi32> to vector<1xi32>
        %squeeze3A = vector.extract %slice3A[0] : i32 from vector<1xi32>
        %add3A_594 = arith.addi %while3A_582, %squeeze3A : i32
        scf.yield %add3A_594 : i32
      }
      %while3A_449 = arith.constant 0 : i32
      %while3A_450 = arith.constant 0 : i32
      %while3A_451 = arith.subi %while3A_448, %while3A_449 : i32
      %while3A_452 = arith.addi %while3A_449, %while3A_451 : i32
      %while3A_453 = arith.constant 1 : i32
      %while3A_454 = arith.divsi %while3A_451, %while3A_453 : i32
      %while3A_455 = arith.muli %while3A_454, %while3A_453 : i32
      %while3A_456 = arith.addi %while3A_449, %while3A_455 : i32
      %while3A_457 = arith.constant 1 : i32
      %while3A_458 = scf.for %while3A_581 = %while3A_449 to %while3A_456 step %while3A_457 iter_args(%while3A_582 = %while3A_450) -> (i32)  : i32 {
        %shift_right_logical3A_583 = arith.constant 4 : i32
        %shift_right_logical3A_584 = arith.shrui %while3A_581, %shift_right_logical3A_583 : i32
        %shift_left3A = arith.constant 4 : i32
        %shift_left3A_585 = arith.shli %shift_right_logical3A_584, %shift_left3A : i32
        %get3A_586 = arith.index_cast %shift_left3A_585 : i32 to index
        %get3A_587 = tpu.vector_load %arg12[%get3A_586] {strides = array<i32>} : memref<528xi32, #tpu.memory_space<vmem>>, vector<16xi32>,
        %and3A_588 = arith.constant 15 : i32
        %and3A_589 = arith.andi %while3A_581, %and3A_588 : i32
        %broadcast_in_dim3A_590 = vector.broadcast %and3A_589 : i32 to vector<16xi32>
        %broadcast_in_dim3A_591 = vector.shape_cast %broadcast_in_dim3A_590 : vector<16xi32> to vector<16x1xi32>
        %gather3A_592 = vector.shape_cast %broadcast_in_dim3A_591 : vector<16x1xi32> to vector<16xi32>
        %gather3A_593 = tpu.dynamic_gather %get3A_587[%gather3A_592] in [0] : vector<16xi32>, vector<16xi32> -> vector<16xi32>
        %shift_right_logical3A_594 = arith.constant 4 : i32
        %shift_right_logical3A_595 = vector.broadcast %shift_right_logical3A_594 : i32 to vector<16xi32>
        %shift_right_logical3A_596 = arith.shrui %gather3A_593, %shift_right_logical3A_595 : vector<16xi32>
        %shift_left3A_597 = arith.constant 8 : i32
        %shift_left3A_598 = vector.broadcast %shift_left3A_597 : i32 to vector<16xi32>
        %shift_left3A_599 = arith.shli %shift_right_logical3A_596, %shift_left3A_598 : vector<16xi32>
        %and3A_600 = arith.constant 15 : i32
        %and3A_601 = vector.broadcast %and3A_600 : i32 to vector<16xi32>
        %and3A_602 = arith.andi %gather3A_593, %and3A_601 : vector<16xi32>
        %add3A_603 = arith.addi %shift_left3A_599, %and3A_602 : vector<16xi32>
        %mul3A_604 = arith.constant 16 : i32
        %mul3A_605 = vector.broadcast %mul3A_604 : i32 to vector<16xi32>
        %mul3A_606 = arith.muli %mul3A_605, %iota3A : vector<16xi32>
        %add3A_607 = arith.addi %add3A_603, %mul3A_606 : vector<16xi32>
        %add3A_608 = arith.constant 16384 : i32
        %add3A_609 = vector.broadcast %add3A_608 : i32 to vector<16xi32>
        %add3A_610 = arith.addi %add3A_609, %add3A_607 : vector<16xi32>
        %gather3A_611 = tpu.vector_load_idx %arg8[%add3A_610] : memref<32768xf32, #tpu.memory_space<vmem>>[vector<16xi32>], vector<16xf32>,
        %le3A = vector.broadcast %while3A_436#4 : f32 to vector<16xf32>
        %le3A_612 = arith.cmpf ole, %gather3A_611, %le3A : vector<16xf32>
        %swap3A_613 = arith.index_cast %while3A_582 : i32 to index
        %swap3A_614 = tpu.vector_load %arg13[%swap3A_613] masked %le3A_612 {strides = array<i32>} : memref<8208xf32, #tpu.memory_space<vmem>>, vector<16xf32>, vector<16xi1>
        tpu.vector_store %arg13[%swap3A_613], %gather3A_611 masked %le3A_612 {strides = array<i32>} : memref<8208xf32, #tpu.memory_space<vmem>>, vector<16xf32>, vector<16xi1>
        %swap3A_615 = arith.index_cast %while3A_582 : i32 to index
        %swap3A_616 = tpu.vector_load %arg14[%swap3A_615] masked %le3A_612 {strides = array<i32>} : memref<8208xi32, #tpu.memory_space<vmem>>, vector<16xi32>, vector<16xi1>
        tpu.vector_store %arg14[%swap3A_615], %add3A_607 masked %le3A_612 {strides = array<i32>} : memref<8208xi32, #tpu.memory_space<vmem>>, vector<16xi32>, vector<16xi1>
        %all_reduce_population_count3A = tpu.all_reduce %le3A_612 {dim = 0 : i64, kind = #tpu.reduction_kind<sum>} : vector<16xi1> -> vector<16xi32>
        %slice3A = vector.extract_strided_slice %all_reduce_population_count3A {offsets = [0], sizes = [1], strides = [1]} : vector<16xi32> to vector<1xi32>
        %squeeze3A = vector.extract %slice3A[0] : i32 from vector<1xi32>
        %add3A_617 = arith.addi %while3A_582, %squeeze3A : i32
        scf.yield %add3A_617 : i32
      }
      %while3A_459 = arith.constant 1 : i32
      %while3A_460 = scf.for %while3A_581 = %while3A_456 to %while3A_452 step %while3A_459 iter_args(%while3A_582 = %while3A_458) -> (i32)  : i32 {
        %shift_right_logical3A_583 = arith.constant 4 : i32
        %shift_right_logical3A_584 = arith.shrui %while3A_581, %shift_right_logical3A_583 : i32
        %shift_left3A = arith.constant 4 : i32
        %shift_left3A_585 = arith.shli %shift_right_logical3A_584, %shift_left3A : i32
        %get3A_586 = arith.index_cast %shift_left3A_585 : i32 to index
        %get3A_587 = tpu.vector_load %arg12[%get3A_586] {strides = array<i32>} : memref<528xi32, #tpu.memory_space<vmem>>, vector<16xi32>,
        %and3A_588 = arith.constant 15 : i32
        %and3A_589 = arith.andi %while3A_581, %and3A_588 : i32
        %broadcast_in_dim3A_590 = vector.broadcast %and3A_589 : i32 to vector<16xi32>
        %broadcast_in_dim3A_591 = vector.shape_cast %broadcast_in_dim3A_590 : vector<16xi32> to vector<16x1xi32>
        %gather3A_592 = vector.shape_cast %broadcast_in_dim3A_591 : vector<16x1xi32> to vector<16xi32>
        %gather3A_593 = tpu.dynamic_gather %get3A_587[%gather3A_592] in [0] : vector<16xi32>, vector<16xi32> -> vector<16xi32>
        %shift_right_logical3A_594 = arith.constant 4 : i32
        %shift_right_logical3A_595 = vector.broadcast %shift_right_logical3A_594 : i32 to vector<16xi32>
        %shift_right_logical3A_596 = arith.shrui %gather3A_593, %shift_right_logical3A_595 : vector<16xi32>
        %shift_left3A_597 = arith.constant 8 : i32
        %shift_left3A_598 = vector.broadcast %shift_left3A_597 : i32 to vector<16xi32>
        %shift_left3A_599 = arith.shli %shift_right_logical3A_596, %shift_left3A_598 : vector<16xi32>
        %and3A_600 = arith.constant 15 : i32
        %and3A_601 = vector.broadcast %and3A_600 : i32 to vector<16xi32>
        %and3A_602 = arith.andi %gather3A_593, %and3A_601 : vector<16xi32>
        %add3A_603 = arith.addi %shift_left3A_599, %and3A_602 : vector<16xi32>
        %mul3A_604 = arith.constant 16 : i32
        %mul3A_605 = vector.broadcast %mul3A_604 : i32 to vector<16xi32>
        %mul3A_606 = arith.muli %mul3A_605, %iota3A : vector<16xi32>
        %add3A_607 = arith.addi %add3A_603, %mul3A_606 : vector<16xi32>
        %add3A_608 = arith.constant 16384 : i32
        %add3A_609 = vector.broadcast %add3A_608 : i32 to vector<16xi32>
        %add3A_610 = arith.addi %add3A_609, %add3A_607 : vector<16xi32>
        %gather3A_611 = tpu.vector_load_idx %arg8[%add3A_610] : memref<32768xf32, #tpu.memory_space<vmem>>[vector<16xi32>], vector<16xf32>,
        %le3A = vector.broadcast %while3A_436#4 : f32 to vector<16xf32>
        %le3A_612 = arith.cmpf ole, %gather3A_611, %le3A : vector<16xf32>
        %swap3A_613 = arith.index_cast %while3A_582 : i32 to index
        %swap3A_614 = tpu.vector_load %arg13[%swap3A_613] masked %le3A_612 {strides = array<i32>} : memref<8208xf32, #tpu.memory_space<vmem>>, vector<16xf32>, vector<16xi1>
        tpu.vector_store %arg13[%swap3A_613], %gather3A_611 masked %le3A_612 {strides = array<i32>} : memref<8208xf32, #tpu.memory_space<vmem>>, vector<16xf32>, vector<16xi1>
        %swap3A_615 = arith.index_cast %while3A_582 : i32 to index
        %swap3A_616 = tpu.vector_load %arg14[%swap3A_615] masked %le3A_612 {strides = array<i32>} : memref<8208xi32, #tpu.memory_space<vmem>>, vector<16xi32>, vector<16xi1>
        tpu.vector_store %arg14[%swap3A_615], %add3A_607 masked %le3A_612 {strides = array<i32>} : memref<8208xi32, #tpu.memory_space<vmem>>, vector<16xi32>, vector<16xi1>
        %all_reduce_population_count3A = tpu.all_reduce %le3A_612 {dim = 0 : i64, kind = #tpu.reduction_kind<sum>} : vector<16xi1> -> vector<16xi32>
        %slice3A = vector.extract_strided_slice %all_reduce_population_count3A {offsets = [0], sizes = [1], strides = [1]} : vector<16xi32> to vector<1xi32>
        %squeeze3A = vector.extract %slice3A[0] : i32 from vector<1xi32>
        %add3A_617 = arith.addi %while3A_582, %squeeze3A : i32
        scf.yield %add3A_617 : i32
      }
      %swap3A_461 = arith.index_cast %while3A_460 : i32 to index
      %swap3A_462 = tpu.vector_load %arg13[%swap3A_461] masked %eq3A_45 {strides = array<i32>} : memref<8208xf32, #tpu.memory_space<vmem>>, vector<16xf32>, vector<16xi1>
      tpu.vector_store %arg13[%swap3A_461], %broadcast_in_dim3A_46 masked %eq3A_45 {strides = array<i32>} : memref<8208xf32, #tpu.memory_space<vmem>>, vector<16xf32>, vector<16xi1>
      %add3A_463 = arith.constant 15 : i32
      %add3A_464 = arith.addi %while3A_460, %add3A_463 : i32
      %shift_right_logical3A_465 = arith.constant 4 : i32
      %shift_right_logical3A_466 = arith.shrui %add3A_464, %shift_right_logical3A_465 : i32
      %while3A_467 = arith.constant 0 : i32
      %while3A_468 = arith.constant 0x7F800000 : f32
      %while3A_469 = arith.subi %shift_right_logical3A_466, %while3A_467 : i32
      %while3A_470 = arith.addi %while3A_467, %while3A_469 : i32
      %while3A_471 = arith.constant 1 : i32
      %while3A_472 = arith.divsi %while3A_469, %while3A_471 : i32
      %while3A_473 = arith.muli %while3A_472, %while3A_471 : i32
      %while3A_474 = arith.addi %while3A_467, %while3A_473 : i32
      %while3A_475 = arith.constant 1 : i32
      %while3A_476:5 = scf.for %while3A_581 = %while3A_467 to %while3A_474 step %while3A_475 iter_args(%while3A_582 = %broadcast_in_dim3A_46, %while3A_583 = %broadcast_in_dim3A_48, %while3A_584 = %broadcast_in_dim3A_46, %while3A_585 = %broadcast_in_dim3A_48, %while3A_586 = %while3A_468) -> (vector<16xf32>, vector<16xi32>, vector<16xf32>, vector<16xi32>, f32)  : i32 {
        %mul3A_587 = arith.constant 16 : i32
        %mul3A_588 = arith.muli %while3A_581, %mul3A_587 : i32
        %get3A_589 = arith.index_cast %mul3A_588 : i32 to index
        %get3A_590 = tpu.vector_load %arg13[%get3A_589] {strides = array<i32>} : memref<8208xf32, #tpu.memory_space<vmem>>, vector<16xf32>,
        %mul3A_591 = arith.constant 16 : i32
        %mul3A_592 = arith.muli %while3A_581, %mul3A_591 : i32
        %get3A_593 = arith.index_cast %mul3A_592 : i32 to index
        %get3A_594 = tpu.vector_load %arg14[%get3A_593] {strides = array<i32>} : memref<8208xi32, #tpu.memory_space<vmem>>, vector<16xi32>,
        %reduce_min3A = arith.constant true
        %reduce_min3A_595 = vector.broadcast %reduce_min3A : i1 to vector<16xi1>
        %reduce_min3A_596 = tpu.scan <min>, %get3A_590 masked %reduce_min3A_595 : vector<16xf32>, vector<16xi1> -> vector<16xf32>
        %reduce_min3A_597 = vector.extract %reduce_min3A_596[15] : f32 from vector<16xf32>
        %lt3A_598 = arith.cmpf olt, %reduce_min3A_597, %while3A_586 : f32
        %convert_element_type3A = arith.extui %lt3A_598 : i1 to i32
        %cond3A = arith.constant 0 : i32
        %cond3A_599 = arith.cmpi ne, %convert_element_type3A, %cond3A : i32
        %cond3A_600:5 = scf.if %cond3A_599 -> (vector<16xf32>, vector<16xi32>, vector<16xf32>, vector<16xi32>, f32) {
          %masked_sort3A = arith.constant dense<true> : vector<16xi1>
          %masked_sort3A_601, %masked_sort3A_602, %masked_sort3A_603 = tpu.sort %get3A_590, %get3A_594 masked %masked_sort3A : (vector<16xf32>, vector<16xi32>, vector<16xi1>) -> (vector<16xi1>, vector<16xf32>, vector<16xi32>)
          %rev3A = arith.constant 15 : i32
          %rev3A_604 = vector.broadcast %rev3A : i32 to vector<16xi32>
          %rev3A_605 = tpu.iota {dimensions = array<i32: 0>} : vector<16xi32>
          %rev3A_606 = arith.subi %rev3A_604, %rev3A_605 : vector<16xi32>
          %rev3A_607 = tpu.dynamic_gather %masked_sort3A_602[%rev3A_606] in [0] : vector<16xf32>, vector<16xi32> -> vector<16xf32>
          %rev3A_608 = arith.constant 15 : i32
          %rev3A_609 = vector.broadcast %rev3A_608 : i32 to vector<16xi32>
          %rev3A_610 = tpu.iota {dimensions = array<i32: 0>} : vector<16xi32>
          %rev3A_611 = arith.subi %rev3A_609, %rev3A_610 : vector<16xi32>
          %rev3A_612 = tpu.dynamic_gather %masked_sort3A_603[%rev3A_611] in [0] : vector<16xi32>, vector<16xi32> -> vector<16xi32>
          %le3A = arith.cmpf ole, %while3A_584, %rev3A_607 : vector<16xf32>
          %min3A = arith.minimumf %while3A_584, %rev3A_607 : vector<16xf32>
          %select_n3A_613 = arith.select %le3A, %while3A_585, %rev3A_612 : vector<16xi1>, vector<16xi32>
          %masked_sort3A_614 = arith.constant dense<true> : vector<16xi1>
          %masked_sort3A_615, %masked_sort3A_616, %masked_sort3A_617 = tpu.sort %min3A, %select_n3A_613 masked %masked_sort3A_614 : (vector<16xf32>, vector<16xi32>, vector<16xi1>) -> (vector<16xi1>, vector<16xf32>, vector<16xi32>)
          %rev3A_618 = arith.constant 15 : i32
          %rev3A_619 = vector.broadcast %rev3A_618 : i32 to vector<16xi32>
          %rev3A_620 = tpu.iota {dimensions = array<i32: 0>} : vector<16xi32>
          %rev3A_621 = arith.subi %rev3A_619, %rev3A_620 : vector<16xi32>
          %rev3A_622 = tpu.dynamic_gather %masked_sort3A_616[%rev3A_621] in [0] : vector<16xf32>, vector<16xi32> -> vector<16xf32>
          %rev3A_623 = arith.constant 15 : i32
          %rev3A_624 = vector.broadcast %rev3A_623 : i32 to vector<16xi32>
          %rev3A_625 = tpu.iota {dimensions = array<i32: 0>} : vector<16xi32>
          %rev3A_626 = arith.subi %rev3A_624, %rev3A_625 : vector<16xi32>
          %rev3A_627 = tpu.dynamic_gather %masked_sort3A_617[%rev3A_626] in [0] : vector<16xi32>, vector<16xi32> -> vector<16xi32>
          %le3A_628 = arith.cmpf ole, %while3A_582, %rev3A_622 : vector<16xf32>
          %min3A_629 = arith.minimumf %while3A_582, %rev3A_622 : vector<16xf32>
          %select_n3A_630 = arith.select %le3A_628, %while3A_583, %rev3A_627 : vector<16xi1>, vector<16xi32>
          %max3A = arith.maximumf %while3A_582, %rev3A_622 : vector<16xf32>
          %select_n3A_631 = arith.select %le3A_628, %rev3A_627, %while3A_583 : vector<16xi1>, vector<16xi32>
          %masked_sort3A_632 = arith.constant dense<true> : vector<16xi1>
          %masked_sort3A_633, %masked_sort3A_634, %masked_sort3A_635 = tpu.sort %min3A_629, %select_n3A_630 masked %masked_sort3A_632 : (vector<16xf32>, vector<16xi32>, vector<16xi1>) -> (vector<16xi1>, vector<16xf32>, vector<16xi32>)
          %masked_sort3A_636 = arith.constant dense<true> : vector<16xi1>
          %masked_sort3A_637, %masked_sort3A_638, %masked_sort3A_639 = tpu.sort %max3A, %select_n3A_631 masked %masked_sort3A_636 : (vector<16xf32>, vector<16xi32>, vector<16xi1>) -> (vector<16xi1>, vector<16xf32>, vector<16xi32>)
          %reduce_max3A_640 = arith.constant true
          %reduce_max3A_641 = vector.broadcast %reduce_max3A_640 : i1 to vector<16xi1>
          %reduce_max3A_642 = tpu.scan <max>, %masked_sort3A_638 masked %reduce_max3A_641 : vector<16xf32>, vector<16xi1> -> vector<16xf32>
          %reduce_max3A_643 = vector.extract %reduce_max3A_642[15] : f32 from vector<16xf32>
          scf.yield %masked_sort3A_634, %masked_sort3A_635, %masked_sort3A_638, %masked_sort3A_639, %reduce_max3A_643 : vector<16xf32>, vector<16xi32>, vector<16xf32>, vector<16xi32>, f32
        } else {
          scf.yield %while3A_582, %while3A_583, %while3A_584, %while3A_585, %while3A_586 : vector<16xf32>, vector<16xi32>, vector<16xf32>, vector<16xi32>, f32
        }
        scf.yield %cond3A_600#0, %cond3A_600#1, %cond3A_600#2, %cond3A_600#3, %cond3A_600#4 : vector<16xf32>, vector<16xi32>, vector<16xf32>, vector<16xi32>, f32
      }
      %while3A_477 = arith.constant 1 : i32
      %while3A_478:5 = scf.for %while3A_581 = %while3A_474 to %while3A_470 step %while3A_477 iter_args(%while3A_582 = %while3A_476#0, %while3A_583 = %while3A_476#1, %while3A_584 = %while3A_476#2, %while3A_585 = %while3A_476#3, %while3A_586 = %while3A_476#4) -> (vector<16xf32>, vector<16xi32>, vector<16xf32>, vector<16xi32>, f32)  : i32 {
        %mul3A_587 = arith.constant 16 : i32
        %mul3A_588 = arith.muli %while3A_581, %mul3A_587 : i32
        %get3A_589 = arith.index_cast %mul3A_588 : i32 to index
        %get3A_590 = tpu.vector_load %arg13[%get3A_589] {strides = array<i32>} : memref<8208xf32, #tpu.memory_space<vmem>>, vector<16xf32>,
        %mul3A_591 = arith.constant 16 : i32
        %mul3A_592 = arith.muli %while3A_581, %mul3A_591 : i32
        %get3A_593 = arith.index_cast %mul3A_592 : i32 to index
        %get3A_594 = tpu.vector_load %arg14[%get3A_593] {strides = array<i32>} : memref<8208xi32, #tpu.memory_space<vmem>>, vector<16xi32>,
        %reduce_min3A = arith.constant true
        %reduce_min3A_595 = vector.broadcast %reduce_min3A : i1 to vector<16xi1>
        %reduce_min3A_596 = tpu.scan <min>, %get3A_590 masked %reduce_min3A_595 : vector<16xf32>, vector<16xi1> -> vector<16xf32>
        %reduce_min3A_597 = vector.extract %reduce_min3A_596[15] : f32 from vector<16xf32>
        %lt3A_598 = arith.cmpf olt, %reduce_min3A_597, %while3A_586 : f32
        %convert_element_type3A = arith.extui %lt3A_598 : i1 to i32
        %cond3A = arith.constant 0 : i32
        %cond3A_599 = arith.cmpi ne, %convert_element_type3A, %cond3A : i32
        %cond3A_600:5 = scf.if %cond3A_599 -> (vector<16xf32>, vector<16xi32>, vector<16xf32>, vector<16xi32>, f32) {
          %masked_sort3A = arith.constant dense<true> : vector<16xi1>
          %masked_sort3A_601, %masked_sort3A_602, %masked_sort3A_603 = tpu.sort %get3A_590, %get3A_594 masked %masked_sort3A : (vector<16xf32>, vector<16xi32>, vector<16xi1>) -> (vector<16xi1>, vector<16xf32>, vector<16xi32>)
          %rev3A = arith.constant 15 : i32
          %rev3A_604 = vector.broadcast %rev3A : i32 to vector<16xi32>
          %rev3A_605 = tpu.iota {dimensions = array<i32: 0>} : vector<16xi32>
          %rev3A_606 = arith.subi %rev3A_604, %rev3A_605 : vector<16xi32>
          %rev3A_607 = tpu.dynamic_gather %masked_sort3A_602[%rev3A_606] in [0] : vector<16xf32>, vector<16xi32> -> vector<16xf32>
          %rev3A_608 = arith.constant 15 : i32
          %rev3A_609 = vector.broadcast %rev3A_608 : i32 to vector<16xi32>
          %rev3A_610 = tpu.iota {dimensions = array<i32: 0>} : vector<16xi32>
          %rev3A_611 = arith.subi %rev3A_609, %rev3A_610 : vector<16xi32>
          %rev3A_612 = tpu.dynamic_gather %masked_sort3A_603[%rev3A_611] in [0] : vector<16xi32>, vector<16xi32> -> vector<16xi32>
          %le3A = arith.cmpf ole, %while3A_584, %rev3A_607 : vector<16xf32>
          %min3A = arith.minimumf %while3A_584, %rev3A_607 : vector<16xf32>
          %select_n3A_613 = arith.select %le3A, %while3A_585, %rev3A_612 : vector<16xi1>, vector<16xi32>
          %masked_sort3A_614 = arith.constant dense<true> : vector<16xi1>
          %masked_sort3A_615, %masked_sort3A_616, %masked_sort3A_617 = tpu.sort %min3A, %select_n3A_613 masked %masked_sort3A_614 : (vector<16xf32>, vector<16xi32>, vector<16xi1>) -> (vector<16xi1>, vector<16xf32>, vector<16xi32>)
          %rev3A_618 = arith.constant 15 : i32
          %rev3A_619 = vector.broadcast %rev3A_618 : i32 to vector<16xi32>
          %rev3A_620 = tpu.iota {dimensions = array<i32: 0>} : vector<16xi32>
          %rev3A_621 = arith.subi %rev3A_619, %rev3A_620 : vector<16xi32>
          %rev3A_622 = tpu.dynamic_gather %masked_sort3A_616[%rev3A_621] in [0] : vector<16xf32>, vector<16xi32> -> vector<16xf32>
          %rev3A_623 = arith.constant 15 : i32
          %rev3A_624 = vector.broadcast %rev3A_623 : i32 to vector<16xi32>
          %rev3A_625 = tpu.iota {dimensions = array<i32: 0>} : vector<16xi32>
          %rev3A_626 = arith.subi %rev3A_624, %rev3A_625 : vector<16xi32>
          %rev3A_627 = tpu.dynamic_gather %masked_sort3A_617[%rev3A_626] in [0] : vector<16xi32>, vector<16xi32> -> vector<16xi32>
          %le3A_628 = arith.cmpf ole, %while3A_582, %rev3A_622 : vector<16xf32>
          %min3A_629 = arith.minimumf %while3A_582, %rev3A_622 : vector<16xf32>
          %select_n3A_630 = arith.select %le3A_628, %while3A_583, %rev3A_627 : vector<16xi1>, vector<16xi32>
          %max3A = arith.maximumf %while3A_582, %rev3A_622 : vector<16xf32>
          %select_n3A_631 = arith.select %le3A_628, %rev3A_627, %while3A_583 : vector<16xi1>, vector<16xi32>
          %masked_sort3A_632 = arith.constant dense<true> : vector<16xi1>
          %masked_sort3A_633, %masked_sort3A_634, %masked_sort3A_635 = tpu.sort %min3A_629, %select_n3A_630 masked %masked_sort3A_632 : (vector<16xf32>, vector<16xi32>, vector<16xi1>) -> (vector<16xi1>, vector<16xf32>, vector<16xi32>)
          %masked_sort3A_636 = arith.constant dense<true> : vector<16xi1>
          %masked_sort3A_637, %masked_sort3A_638, %masked_sort3A_639 = tpu.sort %max3A, %select_n3A_631 masked %masked_sort3A_636 : (vector<16xf32>, vector<16xi32>, vector<16xi1>) -> (vector<16xi1>, vector<16xf32>, vector<16xi32>)
          %reduce_max3A_640 = arith.constant true
          %reduce_max3A_641 = vector.broadcast %reduce_max3A_640 : i1 to vector<16xi1>
          %reduce_max3A_642 = tpu.scan <max>, %masked_sort3A_638 masked %reduce_max3A_641 : vector<16xf32>, vector<16xi1> -> vector<16xf32>
          %reduce_max3A_643 = vector.extract %reduce_max3A_642[15] : f32 from vector<16xf32>
          scf.yield %masked_sort3A_634, %masked_sort3A_635, %masked_sort3A_638, %masked_sort3A_639, %reduce_max3A_643 : vector<16xf32>, vector<16xi32>, vector<16xf32>, vector<16xi32>, f32
        } else {
          scf.yield %while3A_582, %while3A_583, %while3A_584, %while3A_585, %while3A_586 : vector<16xf32>, vector<16xi32>, vector<16xf32>, vector<16xi32>, f32
        }
        scf.yield %cond3A_600#0, %cond3A_600#1, %cond3A_600#2, %cond3A_600#3, %cond3A_600#4 : vector<16xf32>, vector<16xi32>, vector<16xf32>, vector<16xi32>, f32
      }
      %mul3A_479 = arith.constant 32 : i32
      %mul3A_480 = arith.muli %add3A_401, %mul3A_479 : i32
      %swap3A_481 = arith.index_cast %mul3A_480 : i32 to index
      %swap3A_482 = tpu.vector_load %arg15[%swap3A_481] {strides = array<i32>} : memref<16384xi32, #tpu.memory_space<vmem>>, vector<16xi32>,
      tpu.vector_store %arg15[%swap3A_481], %while3A_478#1 {strides = array<i32>} : memref<16384xi32, #tpu.memory_space<vmem>>, vector<16xi32>,
      %mul3A_483 = arith.constant 32 : i32
      %mul3A_484 = arith.muli %add3A_401, %mul3A_483 : i32
      %add3A_485 = arith.constant 16 : i32
      %add3A_486 = arith.addi %mul3A_484, %add3A_485 : i32
      %swap3A_487 = arith.index_cast %add3A_486 : i32 to index
      %swap3A_488 = tpu.vector_load %arg15[%swap3A_487] {strides = array<i32>} : memref<16384xi32, #tpu.memory_space<vmem>>, vector<16xi32>,
      tpu.vector_store %arg15[%swap3A_487], %while3A_478#3 {strides = array<i32>} : memref<16384xi32, #tpu.memory_space<vmem>>, vector<16xi32>,
      %mul3A_489 = arith.constant 4 : i32
      %mul3A_490 = arith.muli %scan3A_61, %mul3A_489 : i32
      %add3A_491 = arith.constant 3 : i32
      %add3A_492 = arith.addi %mul3A_490, %add3A_491 : i32
      %scan3A_493 = arith.constant 0 : i32
      %scan3A_494 = arith.constant 32 : i32
      %scan3A_495 = arith.addi %scan3A_493, %scan3A_494 : i32
      %scan3A_496 = arith.constant 1 : i32
      %scan3A_497:2 = scf.for %scan3A_581 = %scan3A_493 to %scan3A_495 step %scan3A_496 iter_args(%scan3A_582 = %broadcast_in_dim3A_46, %scan3A_583 = %broadcast_in_dim3A_46) -> (vector<16xf32>, vector<16xf32>)  : i32 {
        %mul3A_584 = arith.constant 16 : i32
        %mul3A_585 = arith.muli %scan3A_581, %mul3A_584 : i32
        %add3A_586 = arith.constant 1536 : i32
        %add3A_587 = arith.addi %add3A_586, %mul3A_585 : i32
        %get3A_588 = arith.index_cast %add3A_587 : i32 to index
        %get3A_589 = tpu.vector_load %arg9[%get3A_588] {strides = array<i32>} : memref<2048xf32, #tpu.memory_space<vmem>>, vector<16xf32>,
        %min3A = arith.minimumf %scan3A_582, %get3A_589 : vector<16xf32>
        %max3A = arith.maximumf %scan3A_582, %get3A_589 : vector<16xf32>
        %min3A_590 = arith.minimumf %scan3A_583, %max3A : vector<16xf32>
        scf.yield %min3A, %min3A_590 : vector<16xf32>, vector<16xf32>
      }
      %scan3A_498 = arith.constant 32 : i32
      %reduce_max3A_499 = arith.constant true
      %reduce_max3A_500 = vector.broadcast %reduce_max3A_499 : i1 to vector<16xi1>
      %reduce_max3A_501 = tpu.scan <max>, %scan3A_497#1 masked %reduce_max3A_500 : vector<16xf32>, vector<16xi1> -> vector<16xf32>
      %reduce_max3A_502 = vector.extract %reduce_max3A_501[15] : f32 from vector<16xf32>
      %scan3A_503 = arith.constant 0 : i32
      %scan3A_504 = arith.constant 0 : i32
      %scan3A_505 = arith.constant 32 : i32
      %scan3A_506 = arith.addi %scan3A_504, %scan3A_505 : i32
      %scan3A_507 = arith.constant 1 : i32
      %scan3A_508 = scf.for %scan3A_581 = %scan3A_504 to %scan3A_506 step %scan3A_507 iter_args(%scan3A_582 = %scan3A_503) -> (i32)  : i32 {
        %mul3A_583 = arith.constant 16 : i32
        %mul3A_584 = arith.muli %scan3A_581, %mul3A_583 : i32
        %add3A_585 = arith.constant 1536 : i32
        %add3A_586 = arith.addi %add3A_585, %mul3A_584 : i32
        %get3A_587 = arith.index_cast %add3A_586 : i32 to index
        %get3A_588 = tpu.vector_load %arg9[%get3A_587] {strides = array<i32>} : memref<2048xf32, #tpu.memory_space<vmem>>, vector<16xf32>,
        %le3A = vector.broadcast %reduce_max3A_502 : f32 to vector<16xf32>
        %le3A_589 = arith.cmpf ole, %get3A_588, %le3A : vector<16xf32>
        %swap3A_590 = arith.index_cast %scan3A_582 : i32 to index
        %swap3A_591 = tpu.vector_load %arg10[%swap3A_590] masked %le3A_589 {strides = array<i32>} : memref<528xf32, #tpu.memory_space<vmem>>, vector<16xf32>, vector<16xi1>
        tpu.vector_store %arg10[%swap3A_590], %get3A_588 masked %le3A_589 {strides = array<i32>} : memref<528xf32, #tpu.memory_space<vmem>>, vector<16xf32>, vector<16xi1>
        %mul3A_592 = arith.constant 16 : i32
        %mul3A_593 = arith.muli %scan3A_581, %mul3A_592 : i32
        %add3A_594 = vector.broadcast %mul3A_593 : i32 to vector<16xi32>
        %add3A_595 = arith.addi %add3A_594, %iota3A : vector<16xi32>
        %swap3A_596 = arith.index_cast %scan3A_582 : i32 to index
        %swap3A_597 = tpu.vector_load %arg11[%swap3A_596] masked %le3A_589 {strides = array<i32>} : memref<528xi32, #tpu.memory_space<vmem>>, vector<16xi32>, vector<16xi1>
        tpu.vector_store %arg11[%swap3A_596], %add3A_595 masked %le3A_589 {strides = array<i32>} : memref<528xi32, #tpu.memory_space<vmem>>, vector<16xi32>, vector<16xi1>
        %all_reduce_population_count3A = tpu.all_reduce %le3A_589 {dim = 0 : i64, kind = #tpu.reduction_kind<sum>} : vector<16xi1> -> vector<16xi32>
        %slice3A = vector.extract_strided_slice %all_reduce_population_count3A {offsets = [0], sizes = [1], strides = [1]} : vector<16xi32> to vector<1xi32>
        %squeeze3A = vector.extract %slice3A[0] : i32 from vector<1xi32>
        %add3A_598 = arith.addi %scan3A_582, %squeeze3A : i32
        scf.yield %add3A_598 : i32
      }
      %scan3A_509 = arith.constant 32 : i32
      %swap3A_510 = arith.index_cast %scan3A_508 : i32 to index
      %swap3A_511 = tpu.vector_load %arg10[%swap3A_510] masked %eq3A_45 {strides = array<i32>} : memref<528xf32, #tpu.memory_space<vmem>>, vector<16xf32>, vector<16xi1>
      tpu.vector_store %arg10[%swap3A_510], %broadcast_in_dim3A_46 masked %eq3A_45 {strides = array<i32>} : memref<528xf32, #tpu.memory_space<vmem>>, vector<16xf32>, vector<16xi1>
      %add3A_512 = arith.constant 15 : i32
      %add3A_513 = arith.addi %scan3A_508, %add3A_512 : i32
      %shift_right_logical3A_514 = arith.constant 4 : i32
      %shift_right_logical3A_515 = arith.shrui %add3A_513, %shift_right_logical3A_514 : i32
      %while3A_516 = arith.constant 0 : i32
      %while3A_517 = arith.constant 0x7F800000 : f32
      %while3A_518 = arith.subi %shift_right_logical3A_515, %while3A_516 : i32
      %while3A_519 = arith.addi %while3A_516, %while3A_518 : i32
      %while3A_520 = arith.constant 1 : i32
      %while3A_521 = arith.divsi %while3A_518, %while3A_520 : i32
      %while3A_522 = arith.muli %while3A_521, %while3A_520 : i32
      %while3A_523 = arith.addi %while3A_516, %while3A_522 : i32
      %while3A_524 = arith.constant 1 : i32
      %while3A_525:5 = scf.for %while3A_581 = %while3A_516 to %while3A_523 step %while3A_524 iter_args(%while3A_582 = %broadcast_in_dim3A_46, %while3A_583 = %broadcast_in_dim3A_48, %while3A_584 = %broadcast_in_dim3A_46, %while3A_585 = %broadcast_in_dim3A_48, %while3A_586 = %while3A_517) -> (vector<16xf32>, vector<16xi32>, vector<16xf32>, vector<16xi32>, f32)  : i32 {
        %mul3A_587 = arith.constant 16 : i32
        %mul3A_588 = arith.muli %while3A_581, %mul3A_587 : i32
        %get3A_589 = arith.index_cast %mul3A_588 : i32 to index
        %get3A_590 = tpu.vector_load %arg10[%get3A_589] {strides = array<i32>} : memref<528xf32, #tpu.memory_space<vmem>>, vector<16xf32>,
        %mul3A_591 = arith.constant 16 : i32
        %mul3A_592 = arith.muli %while3A_581, %mul3A_591 : i32
        %get3A_593 = arith.index_cast %mul3A_592 : i32 to index
        %get3A_594 = tpu.vector_load %arg11[%get3A_593] {strides = array<i32>} : memref<528xi32, #tpu.memory_space<vmem>>, vector<16xi32>,
        %reduce_min3A = arith.constant true
        %reduce_min3A_595 = vector.broadcast %reduce_min3A : i1 to vector<16xi1>
        %reduce_min3A_596 = tpu.scan <min>, %get3A_590 masked %reduce_min3A_595 : vector<16xf32>, vector<16xi1> -> vector<16xf32>
        %reduce_min3A_597 = vector.extract %reduce_min3A_596[15] : f32 from vector<16xf32>
        %lt3A_598 = arith.cmpf olt, %reduce_min3A_597, %while3A_586 : f32
        %convert_element_type3A = arith.extui %lt3A_598 : i1 to i32
        %cond3A = arith.constant 0 : i32
        %cond3A_599 = arith.cmpi ne, %convert_element_type3A, %cond3A : i32
        %cond3A_600:5 = scf.if %cond3A_599 -> (vector<16xf32>, vector<16xi32>, vector<16xf32>, vector<16xi32>, f32) {
          %masked_sort3A = arith.constant dense<true> : vector<16xi1>
          %masked_sort3A_601, %masked_sort3A_602, %masked_sort3A_603 = tpu.sort %get3A_590, %get3A_594 masked %masked_sort3A : (vector<16xf32>, vector<16xi32>, vector<16xi1>) -> (vector<16xi1>, vector<16xf32>, vector<16xi32>)
          %rev3A = arith.constant 15 : i32
          %rev3A_604 = vector.broadcast %rev3A : i32 to vector<16xi32>
          %rev3A_605 = tpu.iota {dimensions = array<i32: 0>} : vector<16xi32>
          %rev3A_606 = arith.subi %rev3A_604, %rev3A_605 : vector<16xi32>
          %rev3A_607 = tpu.dynamic_gather %masked_sort3A_602[%rev3A_606] in [0] : vector<16xf32>, vector<16xi32> -> vector<16xf32>
          %rev3A_608 = arith.constant 15 : i32
          %rev3A_609 = vector.broadcast %rev3A_608 : i32 to vector<16xi32>
          %rev3A_610 = tpu.iota {dimensions = array<i32: 0>} : vector<16xi32>
          %rev3A_611 = arith.subi %rev3A_609, %rev3A_610 : vector<16xi32>
          %rev3A_612 = tpu.dynamic_gather %masked_sort3A_603[%rev3A_611] in [0] : vector<16xi32>, vector<16xi32> -> vector<16xi32>
          %le3A = arith.cmpf ole, %while3A_584, %rev3A_607 : vector<16xf32>
          %min3A = arith.minimumf %while3A_584, %rev3A_607 : vector<16xf32>
          %select_n3A_613 = arith.select %le3A, %while3A_585, %rev3A_612 : vector<16xi1>, vector<16xi32>
          %masked_sort3A_614 = arith.constant dense<true> : vector<16xi1>
          %masked_sort3A_615, %masked_sort3A_616, %masked_sort3A_617 = tpu.sort %min3A, %select_n3A_613 masked %masked_sort3A_614 : (vector<16xf32>, vector<16xi32>, vector<16xi1>) -> (vector<16xi1>, vector<16xf32>, vector<16xi32>)
          %rev3A_618 = arith.constant 15 : i32
          %rev3A_619 = vector.broadcast %rev3A_618 : i32 to vector<16xi32>
          %rev3A_620 = tpu.iota {dimensions = array<i32: 0>} : vector<16xi32>
          %rev3A_621 = arith.subi %rev3A_619, %rev3A_620 : vector<16xi32>
          %rev3A_622 = tpu.dynamic_gather %masked_sort3A_616[%rev3A_621] in [0] : vector<16xf32>, vector<16xi32> -> vector<16xf32>
          %rev3A_623 = arith.constant 15 : i32
          %rev3A_624 = vector.broadcast %rev3A_623 : i32 to vector<16xi32>
          %rev3A_625 = tpu.iota {dimensions = array<i32: 0>} : vector<16xi32>
          %rev3A_626 = arith.subi %rev3A_624, %rev3A_625 : vector<16xi32>
          %rev3A_627 = tpu.dynamic_gather %masked_sort3A_617[%rev3A_626] in [0] : vector<16xi32>, vector<16xi32> -> vector<16xi32>
          %le3A_628 = arith.cmpf ole, %while3A_582, %rev3A_622 : vector<16xf32>
          %min3A_629 = arith.minimumf %while3A_582, %rev3A_622 : vector<16xf32>
          %select_n3A_630 = arith.select %le3A_628, %while3A_583, %rev3A_627 : vector<16xi1>, vector<16xi32>
          %max3A = arith.maximumf %while3A_582, %rev3A_622 : vector<16xf32>
          %select_n3A_631 = arith.select %le3A_628, %rev3A_627, %while3A_583 : vector<16xi1>, vector<16xi32>
          %masked_sort3A_632 = arith.constant dense<true> : vector<16xi1>
          %masked_sort3A_633, %masked_sort3A_634, %masked_sort3A_635 = tpu.sort %min3A_629, %select_n3A_630 masked %masked_sort3A_632 : (vector<16xf32>, vector<16xi32>, vector<16xi1>) -> (vector<16xi1>, vector<16xf32>, vector<16xi32>)
          %masked_sort3A_636 = arith.constant dense<true> : vector<16xi1>
          %masked_sort3A_637, %masked_sort3A_638, %masked_sort3A_639 = tpu.sort %max3A, %select_n3A_631 masked %masked_sort3A_636 : (vector<16xf32>, vector<16xi32>, vector<16xi1>) -> (vector<16xi1>, vector<16xf32>, vector<16xi32>)
          %reduce_max3A_640 = arith.constant true
          %reduce_max3A_641 = vector.broadcast %reduce_max3A_640 : i1 to vector<16xi1>
          %reduce_max3A_642 = tpu.scan <max>, %masked_sort3A_638 masked %reduce_max3A_641 : vector<16xf32>, vector<16xi1> -> vector<16xf32>
          %reduce_max3A_643 = vector.extract %reduce_max3A_642[15] : f32 from vector<16xf32>
          scf.yield %masked_sort3A_634, %masked_sort3A_635, %masked_sort3A_638, %masked_sort3A_639, %reduce_max3A_643 : vector<16xf32>, vector<16xi32>, vector<16xf32>, vector<16xi32>, f32
        } else {
          scf.yield %while3A_582, %while3A_583, %while3A_584, %while3A_585, %while3A_586 : vector<16xf32>, vector<16xi32>, vector<16xf32>, vector<16xi32>, f32
        }
        scf.yield %cond3A_600#0, %cond3A_600#1, %cond3A_600#2, %cond3A_600#3, %cond3A_600#4 : vector<16xf32>, vector<16xi32>, vector<16xf32>, vector<16xi32>, f32
      }
      %while3A_526 = arith.constant 1 : i32
      %while3A_527:5 = scf.for %while3A_581 = %while3A_523 to %while3A_519 step %while3A_526 iter_args(%while3A_582 = %while3A_525#0, %while3A_583 = %while3A_525#1, %while3A_584 = %while3A_525#2, %while3A_585 = %while3A_525#3, %while3A_586 = %while3A_525#4) -> (vector<16xf32>, vector<16xi32>, vector<16xf32>, vector<16xi32>, f32)  : i32 {
        %mul3A_587 = arith.constant 16 : i32
        %mul3A_588 = arith.muli %while3A_581, %mul3A_587 : i32
        %get3A_589 = arith.index_cast %mul3A_588 : i32 to index
        %get3A_590 = tpu.vector_load %arg10[%get3A_589] {strides = array<i32>} : memref<528xf32, #tpu.memory_space<vmem>>, vector<16xf32>,
        %mul3A_591 = arith.constant 16 : i32
        %mul3A_592 = arith.muli %while3A_581, %mul3A_591 : i32
        %get3A_593 = arith.index_cast %mul3A_592 : i32 to index
        %get3A_594 = tpu.vector_load %arg11[%get3A_593] {strides = array<i32>} : memref<528xi32, #tpu.memory_space<vmem>>, vector<16xi32>,
        %reduce_min3A = arith.constant true
        %reduce_min3A_595 = vector.broadcast %reduce_min3A : i1 to vector<16xi1>
        %reduce_min3A_596 = tpu.scan <min>, %get3A_590 masked %reduce_min3A_595 : vector<16xf32>, vector<16xi1> -> vector<16xf32>
        %reduce_min3A_597 = vector.extract %reduce_min3A_596[15] : f32 from vector<16xf32>
        %lt3A_598 = arith.cmpf olt, %reduce_min3A_597, %while3A_586 : f32
        %convert_element_type3A = arith.extui %lt3A_598 : i1 to i32
        %cond3A = arith.constant 0 : i32
        %cond3A_599 = arith.cmpi ne, %convert_element_type3A, %cond3A : i32
        %cond3A_600:5 = scf.if %cond3A_599 -> (vector<16xf32>, vector<16xi32>, vector<16xf32>, vector<16xi32>, f32) {
          %masked_sort3A = arith.constant dense<true> : vector<16xi1>
          %masked_sort3A_601, %masked_sort3A_602, %masked_sort3A_603 = tpu.sort %get3A_590, %get3A_594 masked %masked_sort3A : (vector<16xf32>, vector<16xi32>, vector<16xi1>) -> (vector<16xi1>, vector<16xf32>, vector<16xi32>)
          %rev3A = arith.constant 15 : i32
          %rev3A_604 = vector.broadcast %rev3A : i32 to vector<16xi32>
          %rev3A_605 = tpu.iota {dimensions = array<i32: 0>} : vector<16xi32>
          %rev3A_606 = arith.subi %rev3A_604, %rev3A_605 : vector<16xi32>
          %rev3A_607 = tpu.dynamic_gather %masked_sort3A_602[%rev3A_606] in [0] : vector<16xf32>, vector<16xi32> -> vector<16xf32>
          %rev3A_608 = arith.constant 15 : i32
          %rev3A_609 = vector.broadcast %rev3A_608 : i32 to vector<16xi32>
          %rev3A_610 = tpu.iota {dimensions = array<i32: 0>} : vector<16xi32>
          %rev3A_611 = arith.subi %rev3A_609, %rev3A_610 : vector<16xi32>
          %rev3A_612 = tpu.dynamic_gather %masked_sort3A_603[%rev3A_611] in [0] : vector<16xi32>, vector<16xi32> -> vector<16xi32>
          %le3A = arith.cmpf ole, %while3A_584, %rev3A_607 : vector<16xf32>
          %min3A = arith.minimumf %while3A_584, %rev3A_607 : vector<16xf32>
          %select_n3A_613 = arith.select %le3A, %while3A_585, %rev3A_612 : vector<16xi1>, vector<16xi32>
          %masked_sort3A_614 = arith.constant dense<true> : vector<16xi1>
          %masked_sort3A_615, %masked_sort3A_616, %masked_sort3A_617 = tpu.sort %min3A, %select_n3A_613 masked %masked_sort3A_614 : (vector<16xf32>, vector<16xi32>, vector<16xi1>) -> (vector<16xi1>, vector<16xf32>, vector<16xi32>)
          %rev3A_618 = arith.constant 15 : i32
          %rev3A_619 = vector.broadcast %rev3A_618 : i32 to vector<16xi32>
          %rev3A_620 = tpu.iota {dimensions = array<i32: 0>} : vector<16xi32>
          %rev3A_621 = arith.subi %rev3A_619, %rev3A_620 : vector<16xi32>
          %rev3A_622 = tpu.dynamic_gather %masked_sort3A_616[%rev3A_621] in [0] : vector<16xf32>, vector<16xi32> -> vector<16xf32>
          %rev3A_623 = arith.constant 15 : i32
          %rev3A_624 = vector.broadcast %rev3A_623 : i32 to vector<16xi32>
          %rev3A_625 = tpu.iota {dimensions = array<i32: 0>} : vector<16xi32>
          %rev3A_626 = arith.subi %rev3A_624, %rev3A_625 : vector<16xi32>
          %rev3A_627 = tpu.dynamic_gather %masked_sort3A_617[%rev3A_626] in [0] : vector<16xi32>, vector<16xi32> -> vector<16xi32>
          %le3A_628 = arith.cmpf ole, %while3A_582, %rev3A_622 : vector<16xf32>
          %min3A_629 = arith.minimumf %while3A_582, %rev3A_622 : vector<16xf32>
          %select_n3A_630 = arith.select %le3A_628, %while3A_583, %rev3A_627 : vector<16xi1>, vector<16xi32>
          %max3A = arith.maximumf %while3A_582, %rev3A_622 : vector<16xf32>
          %select_n3A_631 = arith.select %le3A_628, %rev3A_627, %while3A_583 : vector<16xi1>, vector<16xi32>
          %masked_sort3A_632 = arith.constant dense<true> : vector<16xi1>
          %masked_sort3A_633, %masked_sort3A_634, %masked_sort3A_635 = tpu.sort %min3A_629, %select_n3A_630 masked %masked_sort3A_632 : (vector<16xf32>, vector<16xi32>, vector<16xi1>) -> (vector<16xi1>, vector<16xf32>, vector<16xi32>)
          %masked_sort3A_636 = arith.constant dense<true> : vector<16xi1>
          %masked_sort3A_637, %masked_sort3A_638, %masked_sort3A_639 = tpu.sort %max3A, %select_n3A_631 masked %masked_sort3A_636 : (vector<16xf32>, vector<16xi32>, vector<16xi1>) -> (vector<16xi1>, vector<16xf32>, vector<16xi32>)
          %reduce_max3A_640 = arith.constant true
          %reduce_max3A_641 = vector.broadcast %reduce_max3A_640 : i1 to vector<16xi1>
          %reduce_max3A_642 = tpu.scan <max>, %masked_sort3A_638 masked %reduce_max3A_641 : vector<16xf32>, vector<16xi1> -> vector<16xf32>
          %reduce_max3A_643 = vector.extract %reduce_max3A_642[15] : f32 from vector<16xf32>
          scf.yield %masked_sort3A_634, %masked_sort3A_635, %masked_sort3A_638, %masked_sort3A_639, %reduce_max3A_643 : vector<16xf32>, vector<16xi32>, vector<16xf32>, vector<16xi32>, f32
        } else {
          scf.yield %while3A_582, %while3A_583, %while3A_584, %while3A_585, %while3A_586 : vector<16xf32>, vector<16xi32>, vector<16xf32>, vector<16xi32>, f32
        }
        scf.yield %cond3A_600#0, %cond3A_600#1, %cond3A_600#2, %cond3A_600#3, %cond3A_600#4 : vector<16xf32>, vector<16xi32>, vector<16xf32>, vector<16xi32>, f32
      }
      %while3A_528 = arith.constant 0 : i32
      %while3A_529 = arith.constant 0 : i32
      %while3A_530 = arith.subi %shift_right_logical3A_515, %while3A_528 : i32
      %while3A_531 = arith.addi %while3A_528, %while3A_530 : i32
      %while3A_532 = arith.constant 1 : i32
      %while3A_533 = arith.divsi %while3A_530, %while3A_532 : i32
      %while3A_534 = arith.muli %while3A_533, %while3A_532 : i32
      %while3A_535 = arith.addi %while3A_528, %while3A_534 : i32
      %while3A_536 = arith.constant 1 : i32
      %while3A_537 = scf.for %while3A_581 = %while3A_528 to %while3A_535 step %while3A_536 iter_args(%while3A_582 = %while3A_529) -> (i32)  : i32 {
        %mul3A_583 = arith.constant 16 : i32
        %mul3A_584 = arith.muli %while3A_581, %mul3A_583 : i32
        %get3A_585 = arith.index_cast %mul3A_584 : i32 to index
        %get3A_586 = tpu.vector_load %arg10[%get3A_585] {strides = array<i32>} : memref<528xf32, #tpu.memory_space<vmem>>, vector<16xf32>,
        %mul3A_587 = arith.constant 16 : i32
        %mul3A_588 = arith.muli %while3A_581, %mul3A_587 : i32
        %get3A_589 = arith.index_cast %mul3A_588 : i32 to index
        %get3A_590 = tpu.vector_load %arg11[%get3A_589] {strides = array<i32>} : memref<528xi32, #tpu.memory_space<vmem>>, vector<16xi32>,
        %le3A = vector.broadcast %while3A_527#4 : f32 to vector<16xf32>
        %le3A_591 = arith.cmpf ole, %get3A_586, %le3A : vector<16xf32>
        %swap3A_592 = arith.index_cast %while3A_582 : i32 to index
        %swap3A_593 = tpu.vector_load %arg12[%swap3A_592] masked %le3A_591 {strides = array<i32>} : memref<528xi32, #tpu.memory_space<vmem>>, vector<16xi32>, vector<16xi1>
        tpu.vector_store %arg12[%swap3A_592], %get3A_590 masked %le3A_591 {strides = array<i32>} : memref<528xi32, #tpu.memory_space<vmem>>, vector<16xi32>, vector<16xi1>
        %all_reduce_population_count3A = tpu.all_reduce %le3A_591 {dim = 0 : i64, kind = #tpu.reduction_kind<sum>} : vector<16xi1> -> vector<16xi32>
        %slice3A = vector.extract_strided_slice %all_reduce_population_count3A {offsets = [0], sizes = [1], strides = [1]} : vector<16xi32> to vector<1xi32>
        %squeeze3A = vector.extract %slice3A[0] : i32 from vector<1xi32>
        %add3A_594 = arith.addi %while3A_582, %squeeze3A : i32
        scf.yield %add3A_594 : i32
      }
      %while3A_538 = arith.constant 1 : i32
      %while3A_539 = scf.for %while3A_581 = %while3A_535 to %while3A_531 step %while3A_538 iter_args(%while3A_582 = %while3A_537) -> (i32)  : i32 {
        %mul3A_583 = arith.constant 16 : i32
        %mul3A_584 = arith.muli %while3A_581, %mul3A_583 : i32
        %get3A_585 = arith.index_cast %mul3A_584 : i32 to index
        %get3A_586 = tpu.vector_load %arg10[%get3A_585] {strides = array<i32>} : memref<528xf32, #tpu.memory_space<vmem>>, vector<16xf32>,
        %mul3A_587 = arith.constant 16 : i32
        %mul3A_588 = arith.muli %while3A_581, %mul3A_587 : i32
        %get3A_589 = arith.index_cast %mul3A_588 : i32 to index
        %get3A_590 = tpu.vector_load %arg11[%get3A_589] {strides = array<i32>} : memref<528xi32, #tpu.memory_space<vmem>>, vector<16xi32>,
        %le3A = vector.broadcast %while3A_527#4 : f32 to vector<16xf32>
        %le3A_591 = arith.cmpf ole, %get3A_586, %le3A : vector<16xf32>
        %swap3A_592 = arith.index_cast %while3A_582 : i32 to index
        %swap3A_593 = tpu.vector_load %arg12[%swap3A_592] masked %le3A_591 {strides = array<i32>} : memref<528xi32, #tpu.memory_space<vmem>>, vector<16xi32>, vector<16xi1>
        tpu.vector_store %arg12[%swap3A_592], %get3A_590 masked %le3A_591 {strides = array<i32>} : memref<528xi32, #tpu.memory_space<vmem>>, vector<16xi32>, vector<16xi1>
        %all_reduce_population_count3A = tpu.all_reduce %le3A_591 {dim = 0 : i64, kind = #tpu.reduction_kind<sum>} : vector<16xi1> -> vector<16xi32>
        %slice3A = vector.extract_strided_slice %all_reduce_population_count3A {offsets = [0], sizes = [1], strides = [1]} : vector<16xi32> to vector<1xi32>
        %squeeze3A = vector.extract %slice3A[0] : i32 from vector<1xi32>
        %add3A_594 = arith.addi %while3A_582, %squeeze3A : i32
        scf.yield %add3A_594 : i32
      }
      %while3A_540 = arith.constant 0 : i32
      %while3A_541 = arith.constant 0 : i32
      %while3A_542 = arith.subi %while3A_539, %while3A_540 : i32
      %while3A_543 = arith.addi %while3A_540, %while3A_542 : i32
      %while3A_544 = arith.constant 1 : i32
      %while3A_545 = arith.divsi %while3A_542, %while3A_544 : i32
      %while3A_546 = arith.muli %while3A_545, %while3A_544 : i32
      %while3A_547 = arith.addi %while3A_540, %while3A_546 : i32
      %while3A_548 = arith.constant 1 : i32
      %while3A_549 = scf.for %while3A_581 = %while3A_540 to %while3A_547 step %while3A_548 iter_args(%while3A_582 = %while3A_541) -> (i32)  : i32 {
        %shift_right_logical3A_583 = arith.constant 4 : i32
        %shift_right_logical3A_584 = arith.shrui %while3A_581, %shift_right_logical3A_583 : i32
        %shift_left3A = arith.constant 4 : i32
        %shift_left3A_585 = arith.shli %shift_right_logical3A_584, %shift_left3A : i32
        %get3A_586 = arith.index_cast %shift_left3A_585 : i32 to index
        %get3A_587 = tpu.vector_load %arg12[%get3A_586] {strides = array<i32>} : memref<528xi32, #tpu.memory_space<vmem>>, vector<16xi32>,
        %and3A_588 = arith.constant 15 : i32
        %and3A_589 = arith.andi %while3A_581, %and3A_588 : i32
        %broadcast_in_dim3A_590 = vector.broadcast %and3A_589 : i32 to vector<16xi32>
        %broadcast_in_dim3A_591 = vector.shape_cast %broadcast_in_dim3A_590 : vector<16xi32> to vector<16x1xi32>
        %gather3A_592 = vector.shape_cast %broadcast_in_dim3A_591 : vector<16x1xi32> to vector<16xi32>
        %gather3A_593 = tpu.dynamic_gather %get3A_587[%gather3A_592] in [0] : vector<16xi32>, vector<16xi32> -> vector<16xi32>
        %shift_right_logical3A_594 = arith.constant 4 : i32
        %shift_right_logical3A_595 = vector.broadcast %shift_right_logical3A_594 : i32 to vector<16xi32>
        %shift_right_logical3A_596 = arith.shrui %gather3A_593, %shift_right_logical3A_595 : vector<16xi32>
        %shift_left3A_597 = arith.constant 8 : i32
        %shift_left3A_598 = vector.broadcast %shift_left3A_597 : i32 to vector<16xi32>
        %shift_left3A_599 = arith.shli %shift_right_logical3A_596, %shift_left3A_598 : vector<16xi32>
        %and3A_600 = arith.constant 15 : i32
        %and3A_601 = vector.broadcast %and3A_600 : i32 to vector<16xi32>
        %and3A_602 = arith.andi %gather3A_593, %and3A_601 : vector<16xi32>
        %add3A_603 = arith.addi %shift_left3A_599, %and3A_602 : vector<16xi32>
        %mul3A_604 = arith.constant 16 : i32
        %mul3A_605 = vector.broadcast %mul3A_604 : i32 to vector<16xi32>
        %mul3A_606 = arith.muli %mul3A_605, %iota3A : vector<16xi32>
        %add3A_607 = arith.addi %add3A_603, %mul3A_606 : vector<16xi32>
        %add3A_608 = arith.constant 24576 : i32
        %add3A_609 = vector.broadcast %add3A_608 : i32 to vector<16xi32>
        %add3A_610 = arith.addi %add3A_609, %add3A_607 : vector<16xi32>
        %gather3A_611 = tpu.vector_load_idx %arg8[%add3A_610] : memref<32768xf32, #tpu.memory_space<vmem>>[vector<16xi32>], vector<16xf32>,
        %le3A = vector.broadcast %while3A_527#4 : f32 to vector<16xf32>
        %le3A_612 = arith.cmpf ole, %gather3A_611, %le3A : vector<16xf32>
        %swap3A_613 = arith.index_cast %while3A_582 : i32 to index
        %swap3A_614 = tpu.vector_load %arg13[%swap3A_613] masked %le3A_612 {strides = array<i32>} : memref<8208xf32, #tpu.memory_space<vmem>>, vector<16xf32>, vector<16xi1>
        tpu.vector_store %arg13[%swap3A_613], %gather3A_611 masked %le3A_612 {strides = array<i32>} : memref<8208xf32, #tpu.memory_space<vmem>>, vector<16xf32>, vector<16xi1>
        %swap3A_615 = arith.index_cast %while3A_582 : i32 to index
        %swap3A_616 = tpu.vector_load %arg14[%swap3A_615] masked %le3A_612 {strides = array<i32>} : memref<8208xi32, #tpu.memory_space<vmem>>, vector<16xi32>, vector<16xi1>
        tpu.vector_store %arg14[%swap3A_615], %add3A_607 masked %le3A_612 {strides = array<i32>} : memref<8208xi32, #tpu.memory_space<vmem>>, vector<16xi32>, vector<16xi1>
        %all_reduce_population_count3A = tpu.all_reduce %le3A_612 {dim = 0 : i64, kind = #tpu.reduction_kind<sum>} : vector<16xi1> -> vector<16xi32>
        %slice3A = vector.extract_strided_slice %all_reduce_population_count3A {offsets = [0], sizes = [1], strides = [1]} : vector<16xi32> to vector<1xi32>
        %squeeze3A = vector.extract %slice3A[0] : i32 from vector<1xi32>
        %add3A_617 = arith.addi %while3A_582, %squeeze3A : i32
        scf.yield %add3A_617 : i32
      }
      %while3A_550 = arith.constant 1 : i32
      %while3A_551 = scf.for %while3A_581 = %while3A_547 to %while3A_543 step %while3A_550 iter_args(%while3A_582 = %while3A_549) -> (i32)  : i32 {
        %shift_right_logical3A_583 = arith.constant 4 : i32
        %shift_right_logical3A_584 = arith.shrui %while3A_581, %shift_right_logical3A_583 : i32
        %shift_left3A = arith.constant 4 : i32
        %shift_left3A_585 = arith.shli %shift_right_logical3A_584, %shift_left3A : i32
        %get3A_586 = arith.index_cast %shift_left3A_585 : i32 to index
        %get3A_587 = tpu.vector_load %arg12[%get3A_586] {strides = array<i32>} : memref<528xi32, #tpu.memory_space<vmem>>, vector<16xi32>,
        %and3A_588 = arith.constant 15 : i32
        %and3A_589 = arith.andi %while3A_581, %and3A_588 : i32
        %broadcast_in_dim3A_590 = vector.broadcast %and3A_589 : i32 to vector<16xi32>
        %broadcast_in_dim3A_591 = vector.shape_cast %broadcast_in_dim3A_590 : vector<16xi32> to vector<16x1xi32>
        %gather3A_592 = vector.shape_cast %broadcast_in_dim3A_591 : vector<16x1xi32> to vector<16xi32>
        %gather3A_593 = tpu.dynamic_gather %get3A_587[%gather3A_592] in [0] : vector<16xi32>, vector<16xi32> -> vector<16xi32>
        %shift_right_logical3A_594 = arith.constant 4 : i32
        %shift_right_logical3A_595 = vector.broadcast %shift_right_logical3A_594 : i32 to vector<16xi32>
        %shift_right_logical3A_596 = arith.shrui %gather3A_593, %shift_right_logical3A_595 : vector<16xi32>
        %shift_left3A_597 = arith.constant 8 : i32
        %shift_left3A_598 = vector.broadcast %shift_left3A_597 : i32 to vector<16xi32>
        %shift_left3A_599 = arith.shli %shift_right_logical3A_596, %shift_left3A_598 : vector<16xi32>
        %and3A_600 = arith.constant 15 : i32
        %and3A_601 = vector.broadcast %and3A_600 : i32 to vector<16xi32>
        %and3A_602 = arith.andi %gather3A_593, %and3A_601 : vector<16xi32>
        %add3A_603 = arith.addi %shift_left3A_599, %and3A_602 : vector<16xi32>
        %mul3A_604 = arith.constant 16 : i32
        %mul3A_605 = vector.broadcast %mul3A_604 : i32 to vector<16xi32>
        %mul3A_606 = arith.muli %mul3A_605, %iota3A : vector<16xi32>
        %add3A_607 = arith.addi %add3A_603, %mul3A_606 : vector<16xi32>
        %add3A_608 = arith.constant 24576 : i32
        %add3A_609 = vector.broadcast %add3A_608 : i32 to vector<16xi32>
        %add3A_610 = arith.addi %add3A_609, %add3A_607 : vector<16xi32>
        %gather3A_611 = tpu.vector_load_idx %arg8[%add3A_610] : memref<32768xf32, #tpu.memory_space<vmem>>[vector<16xi32>], vector<16xf32>,
        %le3A = vector.broadcast %while3A_527#4 : f32 to vector<16xf32>
        %le3A_612 = arith.cmpf ole, %gather3A_611, %le3A : vector<16xf32>
        %swap3A_613 = arith.index_cast %while3A_582 : i32 to index
        %swap3A_614 = tpu.vector_load %arg13[%swap3A_613] masked %le3A_612 {strides = array<i32>} : memref<8208xf32, #tpu.memory_space<vmem>>, vector<16xf32>, vector<16xi1>
        tpu.vector_store %arg13[%swap3A_613], %gather3A_611 masked %le3A_612 {strides = array<i32>} : memref<8208xf32, #tpu.memory_space<vmem>>, vector<16xf32>, vector<16xi1>
        %swap3A_615 = arith.index_cast %while3A_582 : i32 to index
        %swap3A_616 = tpu.vector_load %arg14[%swap3A_615] masked %le3A_612 {strides = array<i32>} : memref<8208xi32, #tpu.memory_space<vmem>>, vector<16xi32>, vector<16xi1>
        tpu.vector_store %arg14[%swap3A_615], %add3A_607 masked %le3A_612 {strides = array<i32>} : memref<8208xi32, #tpu.memory_space<vmem>>, vector<16xi32>, vector<16xi1>
        %all_reduce_population_count3A = tpu.all_reduce %le3A_612 {dim = 0 : i64, kind = #tpu.reduction_kind<sum>} : vector<16xi1> -> vector<16xi32>
        %slice3A = vector.extract_strided_slice %all_reduce_population_count3A {offsets = [0], sizes = [1], strides = [1]} : vector<16xi32> to vector<1xi32>
        %squeeze3A = vector.extract %slice3A[0] : i32 from vector<1xi32>
        %add3A_617 = arith.addi %while3A_582, %squeeze3A : i32
        scf.yield %add3A_617 : i32
      }
      %swap3A_552 = arith.index_cast %while3A_551 : i32 to index
      %swap3A_553 = tpu.vector_load %arg13[%swap3A_552] masked %eq3A_45 {strides = array<i32>} : memref<8208xf32, #tpu.memory_space<vmem>>, vector<16xf32>, vector<16xi1>
      tpu.vector_store %arg13[%swap3A_552], %broadcast_in_dim3A_46 masked %eq3A_45 {strides = array<i32>} : memref<8208xf32, #tpu.memory_space<vmem>>, vector<16xf32>, vector<16xi1>
      %add3A_554 = arith.constant 15 : i32
      %add3A_555 = arith.addi %while3A_551, %add3A_554 : i32
      %shift_right_logical3A_556 = arith.constant 4 : i32
      %shift_right_logical3A_557 = arith.shrui %add3A_555, %shift_right_logical3A_556 : i32
      %while3A_558 = arith.constant 0 : i32
      %while3A_559 = arith.constant 0x7F800000 : f32
      %while3A_560 = arith.subi %shift_right_logical3A_557, %while3A_558 : i32
      %while3A_561 = arith.addi %while3A_558, %while3A_560 : i32
      %while3A_562 = arith.constant 1 : i32
      %while3A_563 = arith.divsi %while3A_560, %while3A_562 : i32
      %while3A_564 = arith.muli %while3A_563, %while3A_562 : i32
      %while3A_565 = arith.addi %while3A_558, %while3A_564 : i32
      %while3A_566 = arith.constant 1 : i32
      %while3A_567:5 = scf.for %while3A_581 = %while3A_558 to %while3A_565 step %while3A_566 iter_args(%while3A_582 = %broadcast_in_dim3A_46, %while3A_583 = %broadcast_in_dim3A_48, %while3A_584 = %broadcast_in_dim3A_46, %while3A_585 = %broadcast_in_dim3A_48, %while3A_586 = %while3A_559) -> (vector<16xf32>, vector<16xi32>, vector<16xf32>, vector<16xi32>, f32)  : i32 {
        %mul3A_587 = arith.constant 16 : i32
        %mul3A_588 = arith.muli %while3A_581, %mul3A_587 : i32
        %get3A_589 = arith.index_cast %mul3A_588 : i32 to index
        %get3A_590 = tpu.vector_load %arg13[%get3A_589] {strides = array<i32>} : memref<8208xf32, #tpu.memory_space<vmem>>, vector<16xf32>,
        %mul3A_591 = arith.constant 16 : i32
        %mul3A_592 = arith.muli %while3A_581, %mul3A_591 : i32
        %get3A_593 = arith.index_cast %mul3A_592 : i32 to index
        %get3A_594 = tpu.vector_load %arg14[%get3A_593] {strides = array<i32>} : memref<8208xi32, #tpu.memory_space<vmem>>, vector<16xi32>,
        %reduce_min3A = arith.constant true
        %reduce_min3A_595 = vector.broadcast %reduce_min3A : i1 to vector<16xi1>
        %reduce_min3A_596 = tpu.scan <min>, %get3A_590 masked %reduce_min3A_595 : vector<16xf32>, vector<16xi1> -> vector<16xf32>
        %reduce_min3A_597 = vector.extract %reduce_min3A_596[15] : f32 from vector<16xf32>
        %lt3A_598 = arith.cmpf olt, %reduce_min3A_597, %while3A_586 : f32
        %convert_element_type3A = arith.extui %lt3A_598 : i1 to i32
        %cond3A = arith.constant 0 : i32
        %cond3A_599 = arith.cmpi ne, %convert_element_type3A, %cond3A : i32
        %cond3A_600:5 = scf.if %cond3A_599 -> (vector<16xf32>, vector<16xi32>, vector<16xf32>, vector<16xi32>, f32) {
          %masked_sort3A = arith.constant dense<true> : vector<16xi1>
          %masked_sort3A_601, %masked_sort3A_602, %masked_sort3A_603 = tpu.sort %get3A_590, %get3A_594 masked %masked_sort3A : (vector<16xf32>, vector<16xi32>, vector<16xi1>) -> (vector<16xi1>, vector<16xf32>, vector<16xi32>)
          %rev3A = arith.constant 15 : i32
          %rev3A_604 = vector.broadcast %rev3A : i32 to vector<16xi32>
          %rev3A_605 = tpu.iota {dimensions = array<i32: 0>} : vector<16xi32>
          %rev3A_606 = arith.subi %rev3A_604, %rev3A_605 : vector<16xi32>
          %rev3A_607 = tpu.dynamic_gather %masked_sort3A_602[%rev3A_606] in [0] : vector<16xf32>, vector<16xi32> -> vector<16xf32>
          %rev3A_608 = arith.constant 15 : i32
          %rev3A_609 = vector.broadcast %rev3A_608 : i32 to vector<16xi32>
          %rev3A_610 = tpu.iota {dimensions = array<i32: 0>} : vector<16xi32>
          %rev3A_611 = arith.subi %rev3A_609, %rev3A_610 : vector<16xi32>
          %rev3A_612 = tpu.dynamic_gather %masked_sort3A_603[%rev3A_611] in [0] : vector<16xi32>, vector<16xi32> -> vector<16xi32>
          %le3A = arith.cmpf ole, %while3A_584, %rev3A_607 : vector<16xf32>
          %min3A = arith.minimumf %while3A_584, %rev3A_607 : vector<16xf32>
          %select_n3A_613 = arith.select %le3A, %while3A_585, %rev3A_612 : vector<16xi1>, vector<16xi32>
          %masked_sort3A_614 = arith.constant dense<true> : vector<16xi1>
          %masked_sort3A_615, %masked_sort3A_616, %masked_sort3A_617 = tpu.sort %min3A, %select_n3A_613 masked %masked_sort3A_614 : (vector<16xf32>, vector<16xi32>, vector<16xi1>) -> (vector<16xi1>, vector<16xf32>, vector<16xi32>)
          %rev3A_618 = arith.constant 15 : i32
          %rev3A_619 = vector.broadcast %rev3A_618 : i32 to vector<16xi32>
          %rev3A_620 = tpu.iota {dimensions = array<i32: 0>} : vector<16xi32>
          %rev3A_621 = arith.subi %rev3A_619, %rev3A_620 : vector<16xi32>
          %rev3A_622 = tpu.dynamic_gather %masked_sort3A_616[%rev3A_621] in [0] : vector<16xf32>, vector<16xi32> -> vector<16xf32>
          %rev3A_623 = arith.constant 15 : i32
          %rev3A_624 = vector.broadcast %rev3A_623 : i32 to vector<16xi32>
          %rev3A_625 = tpu.iota {dimensions = array<i32: 0>} : vector<16xi32>
          %rev3A_626 = arith.subi %rev3A_624, %rev3A_625 : vector<16xi32>
          %rev3A_627 = tpu.dynamic_gather %masked_sort3A_617[%rev3A_626] in [0] : vector<16xi32>, vector<16xi32> -> vector<16xi32>
          %le3A_628 = arith.cmpf ole, %while3A_582, %rev3A_622 : vector<16xf32>
          %min3A_629 = arith.minimumf %while3A_582, %rev3A_622 : vector<16xf32>
          %select_n3A_630 = arith.select %le3A_628, %while3A_583, %rev3A_627 : vector<16xi1>, vector<16xi32>
          %max3A = arith.maximumf %while3A_582, %rev3A_622 : vector<16xf32>
          %select_n3A_631 = arith.select %le3A_628, %rev3A_627, %while3A_583 : vector<16xi1>, vector<16xi32>
          %masked_sort3A_632 = arith.constant dense<true> : vector<16xi1>
          %masked_sort3A_633, %masked_sort3A_634, %masked_sort3A_635 = tpu.sort %min3A_629, %select_n3A_630 masked %masked_sort3A_632 : (vector<16xf32>, vector<16xi32>, vector<16xi1>) -> (vector<16xi1>, vector<16xf32>, vector<16xi32>)
          %masked_sort3A_636 = arith.constant dense<true> : vector<16xi1>
          %masked_sort3A_637, %masked_sort3A_638, %masked_sort3A_639 = tpu.sort %max3A, %select_n3A_631 masked %masked_sort3A_636 : (vector<16xf32>, vector<16xi32>, vector<16xi1>) -> (vector<16xi1>, vector<16xf32>, vector<16xi32>)
          %reduce_max3A_640 = arith.constant true
          %reduce_max3A_641 = vector.broadcast %reduce_max3A_640 : i1 to vector<16xi1>
          %reduce_max3A_642 = tpu.scan <max>, %masked_sort3A_638 masked %reduce_max3A_641 : vector<16xf32>, vector<16xi1> -> vector<16xf32>
          %reduce_max3A_643 = vector.extract %reduce_max3A_642[15] : f32 from vector<16xf32>
          scf.yield %masked_sort3A_634, %masked_sort3A_635, %masked_sort3A_638, %masked_sort3A_639, %reduce_max3A_643 : vector<16xf32>, vector<16xi32>, vector<16xf32>, vector<16xi32>, f32
        } else {
          scf.yield %while3A_582, %while3A_583, %while3A_584, %while3A_585, %while3A_586 : vector<16xf32>, vector<16xi32>, vector<16xf32>, vector<16xi32>, f32
        }
        scf.yield %cond3A_600#0, %cond3A_600#1, %cond3A_600#2, %cond3A_600#3, %cond3A_600#4 : vector<16xf32>, vector<16xi32>, vector<16xf32>, vector<16xi32>, f32
      }
      %while3A_568 = arith.constant 1 : i32
      %while3A_569:5 = scf.for %while3A_581 = %while3A_565 to %while3A_561 step %while3A_568 iter_args(%while3A_582 = %while3A_567#0, %while3A_583 = %while3A_567#1, %while3A_584 = %while3A_567#2, %while3A_585 = %while3A_567#3, %while3A_586 = %while3A_567#4) -> (vector<16xf32>, vector<16xi32>, vector<16xf32>, vector<16xi32>, f32)  : i32 {
        %mul3A_587 = arith.constant 16 : i32
        %mul3A_588 = arith.muli %while3A_581, %mul3A_587 : i32
        %get3A_589 = arith.index_cast %mul3A_588 : i32 to index
        %get3A_590 = tpu.vector_load %arg13[%get3A_589] {strides = array<i32>} : memref<8208xf32, #tpu.memory_space<vmem>>, vector<16xf32>,
        %mul3A_591 = arith.constant 16 : i32
        %mul3A_592 = arith.muli %while3A_581, %mul3A_591 : i32
        %get3A_593 = arith.index_cast %mul3A_592 : i32 to index
        %get3A_594 = tpu.vector_load %arg14[%get3A_593] {strides = array<i32>} : memref<8208xi32, #tpu.memory_space<vmem>>, vector<16xi32>,
        %reduce_min3A = arith.constant true
        %reduce_min3A_595 = vector.broadcast %reduce_min3A : i1 to vector<16xi1>
        %reduce_min3A_596 = tpu.scan <min>, %get3A_590 masked %reduce_min3A_595 : vector<16xf32>, vector<16xi1> -> vector<16xf32>
        %reduce_min3A_597 = vector.extract %reduce_min3A_596[15] : f32 from vector<16xf32>
        %lt3A_598 = arith.cmpf olt, %reduce_min3A_597, %while3A_586 : f32
        %convert_element_type3A = arith.extui %lt3A_598 : i1 to i32
        %cond3A = arith.constant 0 : i32
        %cond3A_599 = arith.cmpi ne, %convert_element_type3A, %cond3A : i32
        %cond3A_600:5 = scf.if %cond3A_599 -> (vector<16xf32>, vector<16xi32>, vector<16xf32>, vector<16xi32>, f32) {
          %masked_sort3A = arith.constant dense<true> : vector<16xi1>
          %masked_sort3A_601, %masked_sort3A_602, %masked_sort3A_603 = tpu.sort %get3A_590, %get3A_594 masked %masked_sort3A : (vector<16xf32>, vector<16xi32>, vector<16xi1>) -> (vector<16xi1>, vector<16xf32>, vector<16xi32>)
          %rev3A = arith.constant 15 : i32
          %rev3A_604 = vector.broadcast %rev3A : i32 to vector<16xi32>
          %rev3A_605 = tpu.iota {dimensions = array<i32: 0>} : vector<16xi32>
          %rev3A_606 = arith.subi %rev3A_604, %rev3A_605 : vector<16xi32>
          %rev3A_607 = tpu.dynamic_gather %masked_sort3A_602[%rev3A_606] in [0] : vector<16xf32>, vector<16xi32> -> vector<16xf32>
          %rev3A_608 = arith.constant 15 : i32
          %rev3A_609 = vector.broadcast %rev3A_608 : i32 to vector<16xi32>
          %rev3A_610 = tpu.iota {dimensions = array<i32: 0>} : vector<16xi32>
          %rev3A_611 = arith.subi %rev3A_609, %rev3A_610 : vector<16xi32>
          %rev3A_612 = tpu.dynamic_gather %masked_sort3A_603[%rev3A_611] in [0] : vector<16xi32>, vector<16xi32> -> vector<16xi32>
          %le3A = arith.cmpf ole, %while3A_584, %rev3A_607 : vector<16xf32>
          %min3A = arith.minimumf %while3A_584, %rev3A_607 : vector<16xf32>
          %select_n3A_613 = arith.select %le3A, %while3A_585, %rev3A_612 : vector<16xi1>, vector<16xi32>
          %masked_sort3A_614 = arith.constant dense<true> : vector<16xi1>
          %masked_sort3A_615, %masked_sort3A_616, %masked_sort3A_617 = tpu.sort %min3A, %select_n3A_613 masked %masked_sort3A_614 : (vector<16xf32>, vector<16xi32>, vector<16xi1>) -> (vector<16xi1>, vector<16xf32>, vector<16xi32>)
          %rev3A_618 = arith.constant 15 : i32
          %rev3A_619 = vector.broadcast %rev3A_618 : i32 to vector<16xi32>
          %rev3A_620 = tpu.iota {dimensions = array<i32: 0>} : vector<16xi32>
          %rev3A_621 = arith.subi %rev3A_619, %rev3A_620 : vector<16xi32>
          %rev3A_622 = tpu.dynamic_gather %masked_sort3A_616[%rev3A_621] in [0] : vector<16xf32>, vector<16xi32> -> vector<16xf32>
          %rev3A_623 = arith.constant 15 : i32
          %rev3A_624 = vector.broadcast %rev3A_623 : i32 to vector<16xi32>
          %rev3A_625 = tpu.iota {dimensions = array<i32: 0>} : vector<16xi32>
          %rev3A_626 = arith.subi %rev3A_624, %rev3A_625 : vector<16xi32>
          %rev3A_627 = tpu.dynamic_gather %masked_sort3A_617[%rev3A_626] in [0] : vector<16xi32>, vector<16xi32> -> vector<16xi32>
          %le3A_628 = arith.cmpf ole, %while3A_582, %rev3A_622 : vector<16xf32>
          %min3A_629 = arith.minimumf %while3A_582, %rev3A_622 : vector<16xf32>
          %select_n3A_630 = arith.select %le3A_628, %while3A_583, %rev3A_627 : vector<16xi1>, vector<16xi32>
          %max3A = arith.maximumf %while3A_582, %rev3A_622 : vector<16xf32>
          %select_n3A_631 = arith.select %le3A_628, %rev3A_627, %while3A_583 : vector<16xi1>, vector<16xi32>
          %masked_sort3A_632 = arith.constant dense<true> : vector<16xi1>
          %masked_sort3A_633, %masked_sort3A_634, %masked_sort3A_635 = tpu.sort %min3A_629, %select_n3A_630 masked %masked_sort3A_632 : (vector<16xf32>, vector<16xi32>, vector<16xi1>) -> (vector<16xi1>, vector<16xf32>, vector<16xi32>)
          %masked_sort3A_636 = arith.constant dense<true> : vector<16xi1>
          %masked_sort3A_637, %masked_sort3A_638, %masked_sort3A_639 = tpu.sort %max3A, %select_n3A_631 masked %masked_sort3A_636 : (vector<16xf32>, vector<16xi32>, vector<16xi1>) -> (vector<16xi1>, vector<16xf32>, vector<16xi32>)
          %reduce_max3A_640 = arith.constant true
          %reduce_max3A_641 = vector.broadcast %reduce_max3A_640 : i1 to vector<16xi1>
          %reduce_max3A_642 = tpu.scan <max>, %masked_sort3A_638 masked %reduce_max3A_641 : vector<16xf32>, vector<16xi1> -> vector<16xf32>
          %reduce_max3A_643 = vector.extract %reduce_max3A_642[15] : f32 from vector<16xf32>
          scf.yield %masked_sort3A_634, %masked_sort3A_635, %masked_sort3A_638, %masked_sort3A_639, %reduce_max3A_643 : vector<16xf32>, vector<16xi32>, vector<16xf32>, vector<16xi32>, f32
        } else {
          scf.yield %while3A_582, %while3A_583, %while3A_584, %while3A_585, %while3A_586 : vector<16xf32>, vector<16xi32>, vector<16xf32>, vector<16xi32>, f32
        }
        scf.yield %cond3A_600#0, %cond3A_600#1, %cond3A_600#2, %cond3A_600#3, %cond3A_600#4 : vector<16xf32>, vector<16xi32>, vector<16xf32>, vector<16xi32>, f32
      }
      %mul3A_570 = arith.constant 32 : i32
      %mul3A_571 = arith.muli %add3A_492, %mul3A_570 : i32
      %swap3A_572 = arith.index_cast %mul3A_571 : i32 to index
      %swap3A_573 = tpu.vector_load %arg15[%swap3A_572] {strides = array<i32>} : memref<16384xi32, #tpu.memory_space<vmem>>, vector<16xi32>,
      tpu.vector_store %arg15[%swap3A_572], %while3A_569#1 {strides = array<i32>} : memref<16384xi32, #tpu.memory_space<vmem>>, vector<16xi32>,
      %mul3A_574 = arith.constant 32 : i32
      %mul3A_575 = arith.muli %add3A_492, %mul3A_574 : i32
      %add3A_576 = arith.constant 16 : i32
      %add3A_577 = arith.addi %mul3A_575, %add3A_576 : i32
      %swap3A_578 = arith.index_cast %add3A_577 : i32 to index
      %swap3A_579 = tpu.vector_load %arg15[%swap3A_578] {strides = array<i32>} : memref<16384xi32, #tpu.memory_space<vmem>>, vector<16xi32>,
      tpu.vector_store %arg15[%swap3A_578], %while3A_569#3 {strides = array<i32>} : memref<16384xi32, #tpu.memory_space<vmem>>, vector<16xi32>,
      %scan3A_580 = arith.constant 0 : i32
      scf.yield %scan3A_580 : i32
    }
    %scan3A_55 = arith.constant 128 : i32
    %mul3A_56 = arith.constant 8192 : i32
    %mul3A_57 = arith.muli %select_n3A_9, %mul3A_56 : i32
    %add3A_58 = arith.addi %mul3A_57, %mul3A_32 : i32
    %mul3A_59 = arith.constant 32 : i32
    %mul3A_60 = arith.muli %add3A_58, %mul3A_59 : i32
    "tpu.region"() ({
      %run_scoped3A = tpu.sem_alloc : memref<!tpu.dma_semaphore, #tpu.memory_space<semaphore_mem>>
      %dma_start3A = tpu.memref_slice %arg3[%mul3A_60] : memref<524288xi32, #tpu.memory_space<hbm>> -> memref<16384xi32, #tpu.memory_space<hbm>>
      %dma_start3A_61 = tpu.memref_slice %arg3[%mul3A_60] : memref<524288xi32, #tpu.memory_space<hbm>> -> memref<16384xi32, #tpu.memory_space<hbm>>
      tpu.enqueue_dma source(%arg15 : memref<16384xi32, #tpu.memory_space<vmem>>) target(%dma_start3A_61 : memref<16384xi32, #tpu.memory_space<hbm>>) target_semaphore(%run_scoped3A : memref<!tpu.dma_semaphore, #tpu.memory_space<semaphore_mem>>)
      %dma_wait3A = tpu.memref_slice %arg3[%mul3A_60] : memref<524288xi32, #tpu.memory_space<hbm>> -> memref<16384xi32, #tpu.memory_space<hbm>>
      %dma_wait3A_62 = tpu.memref_slice %arg3[%mul3A_60] : memref<524288xi32, #tpu.memory_space<hbm>> -> memref<16384xi32, #tpu.memory_space<hbm>>
      tpu.wait_dma2 semaphore(%run_scoped3A : memref<!tpu.dma_semaphore, #tpu.memory_space<semaphore_mem>>) src(%arg15 : memref<16384xi32, #tpu.memory_space<vmem>>) dst(%dma_wait3A_62 : memref<16384xi32, #tpu.memory_space<hbm>>)
      tpu.yield
    }) : () -> ()
    return
  }
}

</mosaic_0001>

<sc_bundles>
// kernel: kernel.3.cloned.1.call-start
scs
__scs_entry_jumppad:
0x0: {  	(pc) =	sbr.rel $0x88, $3  }
0x1: {  	(tag) =	ssettag $0x0;
	lr =	simm.s32 $0x1  }
0x2: {  	[smem:$0x3FA0] =	sst lr;
	_ =	strace $0xD0000000  }
0x3: {  	_ = 	snop  }
0x4: {  	_ = 	snop  }
0x5: {  	_ = 	snop  }
0x6: {  	_ = 	snop  }
0x7: {  	_ = 	snop  }
__scs_overlays_trampoline_lowered:
0x8: {  	[smem:$0x3FAF] =	sst s0  }
0x9: {  	[smem:$0x3FB0] =	sst s1  }
0xa: {  	[smem:$0x3FB1] =	sst s2  }
0xb: {  	[smem:$0x3FB2] =	sst s3  }
0xc: {  	[smem:$0x3FB3] =	sst s4  }
0xd: {  	[smem:$0x3FB4] =	sst s5  }
0xe: {  	[smem:$0x3FB5] =	sst s6  }
0xf: {  	[smem:$0x3FB6] =	sst s7  }
0x10: {  	[smem:$0x3FB7] =	sst s8  }
0x11: {  	[smem:$0x3FB8] =	sst s9;
	s0 =	simm.s32 @!p0 $0x0  }
0x12: {  	s1 =	sld [smem:$0x3F9E];
	s0 =	simm.s32 @p0 $0x1  }
0x13: {  	[smem:$0x3FB9] =	sst s0;
	s0 =	simm.s32 @!p1 $0x0  }
0x14: {  	s2 =	sld [smem:$0x3F9D];
	s0 =	simm.s32 @p1 $0x1  }
0x15: {  	[smem:$0x3FBA] =	sst s0;
	s0 =	simm.s32 @!p2 $0x0  }
0x16: {  	s3 =	sld [smem:$0x3FDB];
	s0 =	simm.s32 @p2 $0x1  }
0x17: {  	s4 =	simm.s32 $0x1BF5;
	[smem:$0x3FBC] =	sst s0  }
0x18: {  	s0 =	sld [smem:$0x3F9F];
	_ =	swait.ge [sflag:s4], $0x0  }
0x19: {  	s7 =	sld [smem:$0x3FA0]  }
0x1a: {  	s8 =	sadd.s32 $0xFFFFE003, lr  }
0x1b: {  	s9 =	sadd.s32 $0xFFFFFEF7, lr;
	s5 =	simm.s32 $0xFFFFFFFF;
	p2 =	slt.u32 s8, $0xFFFFF086  }
0x1c: {  	p1 =	slt.u32 s9, $0xF7A;
	s5 =	simm.s32 @!p2 $0x0  }
0x1d: {  	s5 =	simm.s32 @p1 $0x1;
	p0 =	seq.s32 s7, s2  }
0x1e: {  	s7 =	smul.u32 @!p0 $0xF7A, s2;
	p2 =	seq.s32 @!p0 s5, $0x0  }
0x1f: {  	s9 =	smul.u32 $0xF7A, s1;
	s8 =	simm.s32 @!p0 $0x1BF5;
	p2 =	por !p2, p0  }
0x20: {  	[sflag:s8] =	ssyncset.s32 @!p0 $0xFFFFF086;
	s6 =	sadd.s32 @!p0 s3, s7;
	s7 =	simm.s32 @!p0 $0x108  }
0x21: {  	s3 =	sadd.s32 s3, s9;
	s6 =	sadd.s32 @!p0 $0x88, s6;
	s7 =	simm.s32 @p2 $0x1082  }
0x22: {  	[simem:s7], [sflag:s8] =	dma.local @!p0 [hbm:s6], $0xF7A  }
0x23: {  	s9 =	sor.u32 $0xD0000000, s2;
	s6 =	simm.s32 $0x108;
	_ =	swait.ge @!p0 [sflag:s8], $0x0  }
0x24: {  	s3 =	sadd.s32 $0x88, s3;
	s6 =	simm.s32 @!p1 $0x1082;
	[sflag:s4] =	ssyncset.s32 $0xFFFFF086  }
0x25: {  	[simem:s6], [sflag:s4] =	dma.local [hbm:s3], $0xF7A  }
0x26: {  	[smem:$0x3FA0] =	sst s1;
	(tag) =	ssettag s2;
	_ =	strace s9  }
0x27: {  	s1 =	sld [smem:$0x3FB0]  }
0x28: {  	s2 =	sld [smem:$0x3FB1]  }
0x29: {  	s4 =	sld [smem:$0x3FB3]  }
0x2a: {  	p0 =	seq.s32 s5, $0x0;
	s5 =	sld [smem:$0x3FB4]  }
0x2b: {  	s6 =	sld [smem:$0x3FB5]  }
0x2c: {  	s7 =	sld [smem:$0x3FB6]  }
0x2d: {  	s3 =	simm.s32 $0x108;
	s8 =	sld [smem:$0x3FB7]  }
0x2e: {  	s3 =	simm.s32 @!p0 $0x1082;
	s9 =	sld [smem:$0x3FB8]  }
0x2f: {  	lr =	sadd.s32 s0, s3;
	s0 =	sld [smem:$0x3FAF]  }
0x30: {  	s3 =	sld [smem:$0x3FB2]  }
0x31: {  	[smem:$0x3FBB] =	sst s10  }
0x32: {  	s10 =	sld [smem:$0x3FB9];
	_ =	sdelay $0x3  }
0x33: {  	p0 =	seq.s32 s10, $0x1;
	s10 =	sld [smem:$0x3FBB];
	_ =	sdelay $0x3  }
0x34: {  	[smem:$0x3FBB] =	sst s10  }
0x35: {  	s10 =	sld [smem:$0x3FBA];
	_ =	sdelay $0x3  }
0x36: {  	p1 =	seq.s32 s10, $0x1;
	s10 =	sld [smem:$0x3FBB];
	_ =	sdelay $0x3  }
0x37: {  	[smem:$0x3FBB] =	sst s10  }
0x38: {  	s10 =	sld [smem:$0x3FBC]  }
0x39: {  	_ = 	snop;
	(pc) =	sbr.ind lr, $3  }
0x3a: {  	_ = 	snop  }
0x3b: {  	_ = 	snop  }
0x3c: {  	p2 =	seq.s32 s10, $0x1;
	s10 =	sld [smem:$0x3FBB]  }
0x3d: {  	_ =	shalt  }
0x3e: {  	_ =	shalt  }
0x3f: {  	_ =	shalt  }
0x40: {  	_ =	shalt  }
0x41: {  	_ =	shalt  }
0x42: {  	_ =	shalt  }
0x43: {  	_ =	shalt  }
0x44: {  	_ =	shalt  }
0x45: {  	_ =	shalt  }
0x46: {  	_ =	shalt  }
0x47: {  	_ =	shalt  }
0x48: {  	_ =	shalt  }
0x49: {  	_ =	shalt  }
0x4a: {  	_ =	shalt  }
0x4b: {  	_ =	shalt  }
0x4c: {  	_ =	shalt  }
0x4d: {  	_ =	shalt  }
0x4e: {  	_ =	shalt  }
0x4f: {  	_ =	shalt  }
0x50: {  	_ =	shalt  }
0x51: {  	_ =	shalt  }
0x52: {  	_ =	shalt  }
0x53: {  	_ =	shalt  }
0x54: {  	_ =	shalt  }
0x55: {  	_ =	shalt  }
0x56: {  	_ =	shalt  }
0x57: {  	_ =	shalt  }
0x58: {  	_ =	shalt  }
0x59: {  	_ =	shalt  }
0x5a: {  	_ =	shalt  }
0x5b: {  	_ =	shalt  }
0x5c: {  	_ =	shalt  }
0x5d: {  	_ =	shalt  }
0x5e: {  	_ =	shalt  }
0x5f: {  	_ =	shalt  }
0x60: {  	_ =	shalt  }
0x61: {  	_ =	shalt  }
0x62: {  	_ =	shalt  }
0x63: {  	_ =	shalt  }
0x64: {  	_ =	shalt  }
0x65: {  	_ =	shalt  }
0x66: {  	_ =	shalt  }
0x67: {  	_ =	shalt  }
0x68: {  	_ =	shalt  }
0x69: {  	_ =	shalt  }
0x6a: {  	_ =	shalt  }
0x6b: {  	_ =	shalt  }
0x6c: {  	_ =	shalt  }
0x6d: {  	_ =	shalt  }
0x6e: {  	_ =	shalt  }
0x6f: {  	_ =	shalt  }
0x70: {  	_ =	shalt  }
0x71: {  	_ =	shalt  }
0x72: {  	_ =	shalt  }
0x73: {  	_ =	shalt  }
0x74: {  	_ =	shalt  }
0x75: {  	_ =	shalt  }
0x76: {  	_ =	shalt  }
0x77: {  	_ =	shalt  }
0x78: {  	_ =	shalt  }
0x79: {  	_ =	shalt  }
0x7a: {  	_ =	shalt  }
0x7b: {  	_ =	shalt  }
0x7c: {  	_ =	shalt  }
0x7d: {  	_ =	shalt  }
0x7e: {  	_ =	shalt  }
0x7f: {  	_ =	shalt  }
0x80: {  	_ =	shalt  }
0x81: {  	_ =	shalt  }
0x82: {  	_ =	shalt  }
0x83: {  	_ =	shalt  }
0x84: {  	_ =	shalt  }
0x85: {  	_ =	shalt  }
0x86: {  	_ =	shalt  }
0x87: {  	_ =	shalt  }
.Lfunc_end0:
.L_simem_size_0:
called_computation_lowered:
.L_overlay_start_0:
0x88: {  	s2 =	sld [smem:$0x3FD9]  }
0x89: {  	s3 =	sld [smem:$0x3FFE];
	_ =	sdelay $0x1  }
0x8a: {  	s1 =	srdreg.scid  }
0x8b: {  	s0 =	sand.u32 $0x1, s1  }
0x8c: {  	s15 =	sshll.u32 s0, $0xA;
	s2 =	sadd.s32 s3, s2  }
0x8d: {  	s2 =	sadd.s32 s2, s15  }
0x8e: {  	[smem:$0x3FC7] =	sst s2  }
0x8f: {  	_ = 	snop  }
0x90: {  	s2 =	sld [smem:$0x3FD0];
	_ =	sdelay $0x2  }
0x91: {  	s16 =	simm.s32 $0xA;
	s4 =	simm.s32 $0x10  }
0x92: {  	[smem:s4], [sflag:s16] =	dma.local [hbm:s2], $0x1  }
0x93: {  	_ =	swait.eq [sflag:s16], $0x1  }
0x94: {  	[sflag:s16] =	ssyncset.done $0x0  }
0x95: {  	s17 =	sld [smem:$0x10];
	[sflag:s16] =	ssyncadd.s32 $0xFFFFFFFF  }
0x96: {  	s18 =	sld [smem:$0x11];
	(tm) =	ssettm $0x1  }
0x97: {  	s19 =	sld [smem:$0x3FFB];
	_ =	sdelay $0x3  }
0x98: {  	_ =	strace s19  }
0x99: {  	s4 =	sld [smem:$0x3FFC];
	_ =	sdelay $0x3  }
0x9a: {  	_ =	strace s4  }
0x9b: {  	s4 =	sld [smem:$0x3FFD];
	_ =	sdelay $0x3  }
0x9c: {  	_ =	strace s4  }
0x9d: {  	_ =	strace $0x8FFFFFFF  }
0x9e: {  	s20 =	sld [smem:$0x3FDB];
	_ =	sdelay $0x1  }
0x9f: {  	s5 =	simm.s32 $_scs_section_size  }
0xa0: {  	s6 =	simm.s32 $_size__tile_overlayer_lowered;
	s7 =	simm.s32 $_tile_overlayer_lowered  }
0xa1: {  	s23 =	simm.s32 $0x1BFF;
	s22 =	sshll.u32 s7, $0x1;
	s4 =	sadd.s32 s5, s20  }
0xa2: {  	s8 =	simm.s32 $0x0;
	s21 =	sshll.u32 s6, $0x1;
	s6 =	sadd.s32 s22, s4  }
0xa3: {  	[timem:s8], [sflag:s23] =	dma.local [hbm:s6], s21  }
0xa4: {  	_ =	swait.ge [sflag:s23], s21  }
0xa5: {  	s5 =	ssub.s32 $0x0, s21;
	[sflag:s23] =	ssyncset.done $0x0  }
0xa6: {  	[sflag:s23] =	ssyncadd.s32 s5;
	_ =	sdelay $0x1  }
0xa7: {  	s24 =	simm.s32 $0x1B8B  }
0xa8: {  	_ =	swait.ge [sflag:s24], $0x1  }
0xa9: {  	[sflag:s24] =	ssyncset.done $0x0  }
0xaa: {  	s25 =	simm.s32 $0x1B8E;
	[sflag:s24] =	ssyncadd.s32 $0xFFFFFFFF  }
0xab: {  	s26 =	simm.s32 $execute0_lowered;
	[smem:$0x3FD2] =	sst s25  }
0xac: {  	s5 =	sshll.u32 s26, $0x1;
	_ =	strace $0x80000046;
	[dreg:$0x1] =	wrdreg $0xFFFFFFFF  }
0xad: {  	s28 =	simm.s32 $_size_execute0_lowered;
	s4 =	sadd.s32 s4, s5;
	[dreg:$0x0] =	wrdreg $0x0  }
0xae: {  	s5 =	sshll.u32 s28, $0x1;
	[dreg:$0x2] =	wrdreg s4  }
0xaf: {  	[dreg:$0x3] =	wrdreg s5  }
0xb0: {  	[dreg:$0x4] =	wrdreg $0xC0  }
0xb1: {  	_ =	task [dreg:s8], $0x5FFFF  }
0xb2: {  	[dreg:$0x1] =	wrdreg $0xFFFFFFFF  }
0xb3: {  	[dreg:$0x0] =	wrdreg $0x60  }
0xb4: {  	[dreg:$0x2] =	wrdreg s17  }
0xb5: {  	[dreg:$0x3] =	wrdreg s18  }
0xb6: {  	[dreg:$0x4] =	wrdreg $0x9  }
0xb7: {  	_ =	task.clear_ibuf [dreg:s8], $0x5FFFF;
	_ =	strace $0x90000046  }
0xb8: {  	s29 =	simm.s32 $0x9;
	_ =	strace $0x80000048  }
0xb9: {  	_ =	swait.ge [sflag:s29], $0x1  }
0xba: {  	[sflag:s29] =	ssyncadd.s32 $0xFFFFFFFF  }
0xbb: {  	_ =	strace $0x90000048  }
0xbc: {  	_ =	sfence  }
0xbd: {  	s30 =	sld [smem:$0x0];
	_ =	sdelay $0x2  }
0xbe: {  	s31 =	sshll.u32 s1, $0xD;
	s1 =	sshrl.u32 s1, $0x2  }
0xbf: {  	s3 =	sand.u32 $0x4000, s31;
	s1 =	sadd.s32 s1, s30  }
0xc0: {  	s0 =	sor.u32 s3, s0;
	s1 =	sshll.u32 s1, $0x11  }
0xc1: {  	s0 =	sor.u32 s1, s0  }
0xc2: {  	s0 =	sadd.s32 $0x8F2B, s0  }
0xc3: {  	[sflag:s0] =	ssyncadd.remote.s32 $0x1  }
0xc4: {  	_ =	sfence.sel $0xFFFF  }
0xc5: {  	[dreg:$0x0] =	wrdreg $0xFFFFFFFF;
	(pc) =	sbr.abs _section_cstart, $3  }
0xc6: {  	[dreg:$0x1] =	wrdreg $0xFFFFFFFF  }
0xc7: {  	_ =	task.clear_ibuf [dreg:s8], $0x2FFFF;
	_ =	strace $0x9FFFFFFF  }
0xc8: {  	(tm) =	ssettm $0x7FFFFFFF  }
0xc9: {  	_ =	shalt  }
tec
execute0_lowered:
.L_overlay_start_1:
0x0: {  	(tag) =	ssettag $0x1  }
0x1: {  	s6 =	rddreg [dreg:$0x0];
	s0 =	srdreg.scid  }
0x2: {  	s8 =	rddreg [dreg:$0x1];
	s1 =	stileid.u32;
	s2 =	simm.s32 $0x0  }
0x3: {  	s7 =	simm.s32 $0x1;
	s4 =	sand.u32 $0x1, s0;
	s0 =	rddreg [dreg:$0x2]  }
0x4: {  	s13 =	simm.s32 $0x8000;
	s14 =	simm.s32 $0x0;
	[smem:$0x7FF] =	sst s2  }
0x5: {  	s3 =	sor.u32 s4, s1;
	p0 =	seq.s32 s4, $0x1;
	s28 =	ssub.s32 $0x2, s4  }
0x6: {  	_ =	strace $0x80000047;
	s30 =	smul.u32 $0x6000, s4;
	p1 =	seq.s32 s3, $0x0  }
0x7: {  	s10 =	smul.u32 $0xC00, s4;
	s11 =	sshll.u32 s4, $0x12;
	p0 =	por !p1, !p0  }
0x8: {  	s5 =	sshrl.u32 s28, $0x1;
	s3 =	simm.s32 $0x1;
	p0 =	por !p0, !p0  }
0x9: {  	s9 =	ssub.s32 s28, s5;
	s5 =	sadd.s32 s6, s10;
	s7 =	simm.s32 @!p0 $0x0  }
.Ltmp0:
0xa: {  	s10 =	simm.s32 $0x2000;
	s29 =	ssub.s32 s1, s7;
	(pc) =	sbr.rel .LBB2_1-.Ltmp0, $4  }
0xb: {  	s9 =	smax.u32 s9, $0x1;
	s7 =	sshrl.u32 s30, $0x3;
	s12 =	sshll.u32 s29, $0xE  }
0xc: {  	s4 =	sshll.u32 s29, $0x9;
	s7 =	sadd.s32 s6, s7;
	s11 =	sadd.s32 s11, s12  }
0xd: {  	s6 =	sadd.s32 $0x400, s7;
	s7 =	sadd.s32 $0x800, s7;
	s31 =	sshrl.u32 s11, $0x3  }
0xe: {  	s12 =	simm.s32 $0x15080;
	s11 =	simm.s32 $0x4000;
	s8 =	sadd.s32 s8, s31  }
.LBB2_95:
0xf: {  	s14 =	sadd.s32 $0x1, s14  }
0x10: {  	p0 =	sne.s32 s14, s9  }
.Ltmp1:
0x11: {  	_ = 	snop;
	(pc) =	sbr.rel @!p0 .LBB2_96-.Ltmp1, $4  }
0x12: {  	[hbm4b:s8+s2] =	stream.linear.scatter [tilespmem:s12], [sflag:$0x1], $0x4000, $0x38;
	[tilespmem:$0x19080] =	vst v63  }
0x13: {  	_ =	swait.ge [sflag:s3], $0x4000  }
0x14: {  	[sflag:s3] =	ssyncset.done $0x0  }
0x15: {  	[sflag:s3] =	ssyncadd.s32 $0xFFFFC000  }
.LBB2_1:
0x16: {  	[tilespmem:s2], [sflag:$0x1] =	stream.linear.gather [hbm4b:s5+s2], $0x2000, $0x38;
	[tilespmem:$0x19080] =	vst v63  }
0x17: {  	_ =	swait.ge [sflag:s3], $0x2000  }
0x18: {  	[sflag:s3] =	ssyncset.done $0x0  }
0x19: {  	[sflag:s3] =	ssyncadd.s32 $0xFFFFE000  }
0x1a: {  	[tilespmem:s10], [sflag:$0x1] =	stream.linear.gather [hbm4b:s6+s2], $0x2000, $0x38;
	[tilespmem:$0x19080] =	vst v63  }
0x1b: {  	_ =	swait.ge [sflag:s3], $0x2000  }
0x1c: {  	[sflag:s3] =	ssyncset.done $0x0  }
0x1d: {  	[sflag:s3] =	ssyncadd.s32 $0xFFFFE000  }
0x1e: {  	[tilespmem:s11], [sflag:$0x1] =	stream.linear.gather [hbm4b:s7+s2], $0x2000, $0x38;
	[tilespmem:$0x19080] =	vst v63  }
0x1f: {  	_ =	swait.ge [sflag:s3], $0x2000  }
0x20: {  	[sflag:s3] =	ssyncset.done $0x0  }
0x21: {  	s15 =	simm.s32 $0x0;
	[sflag:s3] =	ssyncadd.s32 $0xFFFFE000  }
0x22: {  	v2 =	vld [tilespmem:s15+$0x0];
	_ =	sdelay $0x1  }
0x23: {  	v3 =	vld [tilespmem:s15+$0x2000]  }
0x24: {  	v4 =	vld [tilespmem:s15+$0x4000];
	_ =	sdelay $0x1  }
0x25: {  	v5 =	vshrl.u32 v2, $0x10  }
0x26: {  	v5 =	vand.u32 $0x1, v5  }
0x27: {  	v6 =	vmul.f32 v2, v2;
	v7 =	vshrl.u32 v3, $0x10;
	v2 =	vadd.s32 v5, v2  }
0x28: {  	v5 =	vand.u32 $0x1, v7;
	v7 =	vshrl.u32 v4, $0x10;
	v2 =	vadd.s32 $0x7FFF, v2  }
0x29: {  	v5 =	vadd.s32 v5, v3;
	v7 =	vand.u32 $0x1, v7;
	v3 =	vmul.f32 v3, v3  }
0x2a: {  	v2 =	vand.u32 $0xFFFF0000, v2;
	v5 =	vadd.s32 $0x7FFF, v5;
	v7 =	vadd.s32 v7, v4  }
0x2b: {  	s16 =	simm.s32 $0x10;
	[tilespmem:s15+$0x0] =	vst v2;
	v5 =	vand.u32 $0xFFFF0000, v5;
	v7 =	vadd.s32 $0x7FFF, v7  }
0x2c: {  	s17 =	simm.s32 $0x80;
	v4 =	vmul.f32 v4, v4;
	v3 =	vadd.f32 v3, v6;
	v2 =	vld [tilespmem:s16+$0x0];
	[tilespmem:s15+$0x2000] =	vst v5;
	v5 =	vand.u32 $0xFFFF0000, v7  }
.LBB2_2:
0x2d: {  	p0 =	sne.s32 s17, $0x7FC0;
	v6 =	vld [tilespmem:s16+$0x2000];
	[tilespmem:s15+$0x4000] =	vst v5  }
0x2e: {  	v5 =	vld [tilespmem:s16+$0x4000];
	v3 =	vadd.f32 v4, v3;
	_ =	sdelay $0x1  }
0x2f: {  	[tilespmem:s15+$0x6000] =	vst v3;
	s15 =	smov.u32 s16  }
0x30: {  	v3 =	vmul.f32 v2, v2;
	v4 =	vshrl.u32 v2, $0x10  }
0x31: {  	v7 =	vmul.f32 v6, v6;
	v4 =	vand.u32 $0x1, v4;
	v8 =	vshrl.u32 v6, $0x10  }
.Ltmp2:
0x32: {  	v2 =	vadd.s32 v4, v2;
	v4 =	vand.u32 $0x1, v8;
	v8 =	vshrl.u32 v5, $0x10;
	(pc) =	sbr.rel @p0 .LBB2_2-.Ltmp2, $4  }
0x33: {  	v2 =	vadd.s32 $0x7FFF, v2;
	v4 =	vadd.s32 v4, v6;
	v6 =	vand.u32 $0x1, v8  }
0x34: {  	v2 =	vand.u32 $0xFFFF0000, v2;
	v4 =	vadd.s32 $0x7FFF, v4;
	v6 =	vadd.s32 v6, v5  }
0x35: {  	s16 =	sshra.s32 s17, $0x2;
	v3 =	vadd.f32 v7, v3;
	[tilespmem:s15+$0x0] =	vst v2;
	v7 =	vand.u32 $0xFFFF0000, v4;
	v6 =	vadd.s32 $0x7FFF, v6  }
0x36: {  	s17 =	sadd.s32 $0x40, s17;
	v4 =	vmul.f32 v5, v5;
	v2 =	vld [tilespmem:s16+$0x0];
	[tilespmem:s15+$0x2000] =	vst v7;
	v5 =	vand.u32 $0xFFFF0000, v6  }
0x37: {  	v6 =	vld [tilespmem:s16+$0x2000]  }
0x38: {  	[tilespmem:s15+$0x4000] =	vst v5  }
0x39: {  	v5 =	vld [tilespmem:s16+$0x4000];
	_ =	sdelay $0x1  }
0x3a: {  	v3 =	vadd.f32 v4, v3;
	v56 =	vshrl.u32 v2, $0x10  }
0x3b: {  	v7 =	vmul.f32 v2, v2;
	v4 =	vand.u32 $0x1, v56;
	v8 =	vshrl.u32 v6, $0x10  }
0x3c: {  	v58 =	vmul.f32 v6, v6;
	v57 =	vadd.s32 v4, v2;
	v8 =	vand.u32 $0x1, v8  }
0x3d: {  	v59 =	vshrl.u32 v5, $0x10;
	v6 =	vadd.s32 v8, v6;
	v2 =	vadd.s32 $0x7FFF, v57  }
0x3e: {  	v8 =	vand.u32 $0x1, v59;
	v4 =	vadd.f32 v58, v7;
	v2 =	vand.u32 $0xFFFF0000, v2  }
.Ltmp3:
0x3f: {  	[tilespmem:s15+$0x6000] =	vst v3;
	v6 =	vadd.s32 $0x7FFF, v6;
	v60 =	vadd.s32 v8, v5;
	v5 =	vmul.f32 v5, v5;
	(pc) =	sbr.rel .LBB2_4-.Ltmp3, $4  }
0x40: {  	[tilespmem:s16+$0x0] =	vst v2;
	v61 =	vand.u32 $0xFFFF0000, v6;
	v3 =	vadd.s32 $0x7FFF, v60  }
0x41: {  	[tilespmem:s16+$0x2000] =	vst v61;
	v62 =	vand.u32 $0xFFFF0000, v3;
	v63 =	vadd.f32 v5, v4  }
0x42: {  	[tilespmem:s16+$0x4000] =	vst v62  }
0x43: {  	s15 =	simm.s32 $0x0;
	[tilespmem:s16+$0x6000] =	vst v63  }
.LBB2_90:
0x44: {  	[tilespmem:$0x10F80] =	vst v9;
	v2 =	vimm.s32 $0x2000;
	v3 =	vimm.s32 $0x2000  }
.LBB2_94:
0x45: {  	s15 =	sadd.s32 $0x1, s15  }
0x46: {  	p0 =	sne.s32 s15, $0x80  }
.Ltmp4:
0x47: {  	_ = 	snop;
	(pc) =	sbr.rel @!p0 .LBB2_95-.Ltmp4, $4  }
0x48: {  	_ = 	snop  }
0x49: {  	s16 =	sshll.u32 s16, $0x5  }
0x4a: {  	[tilespmem:s16+$0x15080] =	vst v2;
	s16 =	sor.u32 $0x70, s16  }
0x4b: {  	[tilespmem:s16+$0x15080] =	vst v3  }
.LBB2_4:
0x4c: {  	s16 =	sshll.u32 s15, $0x2  }
0x4d: {  	s19 =	sand.u32 $0xC, s16;
	s17 =	sor.u32 s4, s16  }
0x4e: {  	s17 =	ssub.s32 s17, s19  }
0x4f: {  	s18 =	sor.u32 $0x1, s16;
	v2 =	vld [tilespmem:s17+$0x0]  }
0x50: {  	s20 =	sand.u32 $0xD, s18;
	s21 =	sor.u32 s4, s18;
	v3 =	vld [tilespmem:s17+$0x2000]  }
0x51: {  	v5 =	vld [tilespmem:s17+$0x6000];
	s21 =	ssub.s32 s21, s20  }
0x52: {  	v10 =	vld [tilespmem:s21+$0x6000]  }
0x53: {  	v4 =	vld [tilespmem:s17+$0x4000]  }
0x54: {  	s17 =	sor.u32 $0x2, s16;
	v6 =	vld [tilespmem:s21+$0x0]  }
0x55: {  	v8 =	vmov s19;
	v7 =	vld [tilespmem:s21+$0x2000];
	s28 =	sand.u32 $0xE, s17;
	s16 =	sor.u32 s4, s17  }
0x56: {  	v12 =	vmov s20;
	v9 =	vld [tilespmem:s21+$0x4000];
	s29 =	ssub.s32 s16, s28;
	v2 =	vperm.xlane v2, v8;
	v45 =	vperm.xlane v5, v8  }
0x57: {  	v11 =	vld [tilespmem:s29+$0x0];
	v3 =	vperm.xlane v3, v8;
	v50 =	vperm.xlane v10, v12  }
0x58: {  	s16 =	sshllo.u32 s15, $0x2;
	v13 =	vld [tilespmem:s29+$0x2000];
	v4 =	vperm.xlane v4, v8;
	v0 =	vmul.f32 $-2.000000000e+00, v2;
	[tilespmem:$0x1FF30] =	vst v45  }
0x59: {  	s30 =	sand.u32 $0xF, s16;
	s22 =	sor.u32 s4, s16;
	v15 =	vld [tilespmem:s29+$0x6000];
	v6 =	vperm.xlane v6, v12;
	v43 =	vmul.f32 $-2.000000000e+00, v3;
	[tilespmem:$0x1FF70] =	vst v50  }
0x5a: {  	v14 =	vld [tilespmem:s29+$0x4000];
	s31 =	ssub.s32 s22, s30;
	v7 =	vperm.xlane v7, v12;
	v44 =	vmul.f32 $-2.000000000e+00, v4;
	[tilespmem:$0x1FF00] =	vst v0  }
0x5b: {  	v16 =	vld [tilespmem:s31+$0x0];
	v48 =	vperm.xlane v9, v12;
	v46 =	vmul.f32 $-2.000000000e+00, v6;
	[tilespmem:$0x1FF10] =	vst v43  }
0x5c: {  	v17 =	vmov s28;
	v18 =	vld [tilespmem:s31+$0x2000];
	v47 =	vmul.f32 $-2.000000000e+00, v7;
	[tilespmem:$0x1FF20] =	vst v44  }
0x5d: {  	v20 =	vld [tilespmem:s31+$0x6000];
	v11 =	vperm.xlane v11, v17;
	v49 =	vmul.f32 $-2.000000000e+00, v48;
	[tilespmem:$0x1FF40] =	vst v46  }
0x5e: {  	v19 =	vld [tilespmem:s31+$0x4000];
	v13 =	vperm.xlane v13, v17;
	v54 =	vperm.xlane v15, v17;
	[tilespmem:$0x1FF50] =	vst v47  }
0x5f: {  	v53 =	vperm.xlane v14, v17;
	[tilespmem:$0x1FF60] =	vst v49;
	v51 =	vmul.f32 $-2.000000000e+00, v11  }
0x60: {  	v55 =	vmov s30;
	v52 =	vmul.f32 $-2.000000000e+00, v13;
	[tilespmem:$0x1FFA0] =	vst v54  }
0x61: {  	v56 =	vperm.xlane v16, v55;
	v58 =	vmul.f32 $-2.000000000e+00, v53;
	[tilespmem:$0x1FF80] =	vst v51  }
0x62: {  	v57 =	vperm.xlane v18, v55;
	v63 =	vperm.xlane v20, v55;
	[tilespmem:$0x1FF90] =	vst v52  }
0x63: {  	v59 =	vperm.xlane v19, v55;
	[tilespmem:$0x1FFB0] =	vst v58;
	v60 =	vmul.f32 $-2.000000000e+00, v56  }
0x64: {  	v61 =	vmul.f32 $-2.000000000e+00, v57;
	[tilespmem:$0x1FFF0] =	vst v63  }
0x65: {  	v62 =	vmul.f32 $-2.000000000e+00, v59;
	[tilespmem:$0x1FFC0] =	vst v60  }
0x66: {  	[tilespmem:$0x1FFD0] =	vst v61  }
0x67: {  	s19 =	simm.s32 $0x10000;
	s20 =	simm.s32 $0x0;
	s21 =	simm.s32 $0x0;
	[tilespmem:$0x1FFE0] =	vst v62  }
.LBB2_5:
0x68: {  	v11 =	vld [tilespmem:$0x1FF00]  }
0x69: {  	v10 =	vld [tilespmem:$0x1FF10]  }
0x6a: {  	v13 =	vld [tilespmem:$0x1FF40]  }
0x6b: {  	v5 =	vld [tilespmem:$0x1FF50]  }
0x6c: {  	v9 =	vld [tilespmem:$0x1FF20]  }
0x6d: {  	v12 =	vld [tilespmem:$0x1FF60]  }
0x6e: {  	v14 =	vld [tilespmem:$0x1FF80]  }
0x6f: {  	v15 =	vld [tilespmem:$0x1FF90]  }
0x70: {  	v4 =	vld [tilespmem:$0x1FFC0]  }
0x71: {  	s22 =	sshra.s32 s21, $0x2;
	v6 =	vld [tilespmem:$0x1FFD0]  }
0x72: {  	v18 =	vld [tilespmem:s22+$0x0]  }
0x73: {  	v19 =	vld [tilespmem:s22+$0x2000]  }
0x74: {  	v20 =	vld [tilespmem:s22+$0x4000]  }
0x75: {  	v17 =	vld [tilespmem:$0x1FFB0]  }
0x76: {  	v16 =	vld [tilespmem:$0x1FFE0]  }
0x77: {  	v37 =	vld [tilespmem:s22+$0x10];
	v21 =	vmul.f32 v18, v11  }
0x78: {  	v39 =	vld [tilespmem:s22+$0x2010];
	v22 =	vmul.f32 v19, v10;
	v23 =	vmul.f32 v18, v13  }
0x79: {  	v28 =	vld [tilespmem:s22+$0x4010];
	v24 =	vmul.f32 v19, v5;
	v35 =	vmul.f32 v20, v9  }
0x7a: {  	v25 =	vmul.f32 v20, v12;
	v36 =	vmul.f32 v18, v14  }
0x7b: {  	v27 =	vmul.f32 v19, v15;
	v18 =	vmul.f32 v18, v4  }
0x7c: {  	v19 =	vmul.f32 v19, v6;
	v38 =	vmul.f32 v20, v17  }
0x7d: {  	v50 =	vld [tilespmem:s22+$0x20];
	v40 =	vmul.f32 v20, v16;
	v44 =	vmul.f32 v37, v11  }
0x7e: {  	v52 =	vld [tilespmem:s22+$0x2020];
	v45 =	vmul.f32 v39, v10;
	v46 =	vmul.f32 v28, v9  }
0x7f: {  	v53 =	vld [tilespmem:s22+$0x4020];
	v29 =	vmul.f32 v37, v13;
	v47 =	vmul.f32 v39, v5  }
0x80: {  	v30 =	vmul.f32 v28, v12;
	v48 =	vmul.f32 v37, v14  }
0x81: {  	v31 =	vmul.f32 v39, v15;
	v49 =	vmul.f32 v28, v17  }
0x82: {  	v1 =	vld [tilespmem:$0x1FF30];
	v51 =	vmul.f32 v28, v16;
	v55 =	vmul.f32 v50, v11  }
0x83: {  	v2 =	vld [tilespmem:$0x1FF70];
	v56 =	vmul.f32 v52, v10;
	v57 =	vmul.f32 v50, v13  }
0x84: {  	v3 =	vld [tilespmem:$0x1FFA0];
	v58 =	vmul.f32 v52, v5;
	v59 =	vmul.f32 v53, v9  }
0x85: {  	v61 =	vld [tilespmem:s22+$0x30];
	v33 =	vmul.f32 v53, v12;
	v60 =	vmul.f32 v50, v14;
	v21 =	vadd.f32 v22, v21  }
0x86: {  	v63 =	vld [tilespmem:s22+$0x2030];
	v28 =	vmul.f32 v52, v6;
	v23 =	vadd.f32 v24, v23;
	v24 =	vadd.f32 v27, v36  }
0x87: {  	v0 =	vld [tilespmem:$0x1FFF0];
	v18 =	vadd.f32 v19, v18;
	v22 =	vmul.f32 v37, v4;
	v21 =	vadd.f32 v35, v21  }
0x88: {  	v27 =	vmul.f32 v39, v6;
	v23 =	vadd.f32 v25, v23;
	v42 =	vadd.f32 v38, v24  }
0x89: {  	v62 =	vmul.f32 v53, v17;
	v19 =	vadd.f32 v40, v18;
	v24 =	vadd.f32 v31, v48  }
0x8a: {  	v26 =	vld [tilespmem:s22+$0x6000];
	v37 =	vmul.f32 v61, v13;
	v22 =	vadd.f32 v27, v22;
	v31 =	vadd.f32 v58, v57  }
0x8b: {  	v39 =	vmul.f32 v63, v15;
	v21 =	vadd.f32 v21, v1;
	v41 =	vadd.f32 v23, v2  }
0x8c: {  	v36 =	vld [tilespmem:s22+$0x4030];
	v35 =	vmul.f32 v52, v15;
	v43 =	vadd.f32 v42, v3;
	v19 =	vadd.f32 v19, v0  }
0x8d: {  	v27 =	vmul.f32 v53, v16;
	v23 =	vadd.f32 v45, v44;
	v24 =	vadd.f32 v49, v24  }
0x8e: {  	v48 =	vmul.f32 v61, v14;
	v22 =	vadd.f32 v51, v22;
	v31 =	vadd.f32 v33, v31  }
0x8f: {  	v32 =	vld [tilespmem:s22+$0x6010];
	v44 =	vmul.f32 v61, v11;
	v21 =	vadd.f32 v21, v26;
	v18 =	vadd.f32 v41, v26  }
0x90: {  	v45 =	vmul.f32 v63, v10;
	v20 =	vadd.f32 v43, v26;
	v19 =	vadd.f32 v19, v26  }
0x91: {  	v34 =	vld [tilespmem:s22+$0x6020];
	v38 =	vmul.f32 v36, v12;
	v26 =	vadd.f32 v47, v29;
	v23 =	vadd.f32 v46, v23  }
0x92: {  	v52 =	vld [tilespmem:s22+$0x2040];
	v49 =	vmul.f32 v36, v17;
	v54 =	vadd.f32 v24, v3;
	v22 =	vadd.f32 v22, v0  }
0x93: {  	v53 =	vld [tilespmem:s22+$0x4040];
	v29 =	vmul.f32 v50, v4;
	v31 =	vadd.f32 v31, v2;
	v26 =	vadd.f32 v30, v26  }
0x94: {  	v51 =	vmul.f32 v36, v16;
	v23 =	vadd.f32 v23, v1;
	v22 =	vadd.f32 v22, v32  }
0x95: {  	v46 =	vmul.f32 v36, v9;
	v28 =	vadd.f32 v28, v29;
	v26 =	vadd.f32 v26, v2  }
0x96: {  	v47 =	vmul.f32 v63, v5;
	v50 =	vld [tilespmem:s22+$0x40];
	v25 =	vadd.f32 v23, v32;
	v23 =	vadd.f32 v54, v32  }
0x97: {  	v58 =	vmul.f32 v52, v5;
	v42 =	vadd.f32 v27, v28;
	v27 =	vadd.f32 v31, v34  }
0x98: {  	v41 =	vmul.f32 v53, v12;
	v31 =	vadd.f32 v45, v44;
	v24 =	vadd.f32 v26, v32  }
0x99: {  	v40 =	vld [tilespmem:s22+$0x6030];
	v36 =	vmul.f32 v52, v6;
	v26 =	vadd.f32 v56, v55;
	v32 =	vadd.f32 v35, v60  }
0x9a: {  	v30 =	vmul.f32 v61, v4;
	v61 =	vld [tilespmem:s22+$0x50];
	v35 =	vmul.f32 v63, v6;
	v31 =	vadd.f32 v46, v31  }
0x9b: {  	v57 =	vmul.f32 v50, v13;
	v26 =	vadd.f32 v59, v26;
	v32 =	vadd.f32 v62, v32  }
0x9c: {  	v55 =	vmul.f32 v50, v11;
	v30 =	vadd.f32 v35, v30;
	v31 =	vadd.f32 v31, v1  }
0x9d: {  	v56 =	vmul.f32 v52, v10;
	v26 =	vadd.f32 v26, v1;
	v43 =	vadd.f32 v32, v3  }
0x9e: {  	v60 =	vmul.f32 v50, v14;
	v32 =	vadd.f32 v39, v48;
	v30 =	vadd.f32 v51, v30  }
0x9f: {  	v45 =	vmul.f32 v61, v13;
	v29 =	vadd.f32 v31, v40;
	v39 =	vadd.f32 v58, v57  }
0xa0: {  	v63 =	vld [tilespmem:s22+$0x2050];
	v59 =	vmul.f32 v53, v9;
	v8 =	vadd.f32 v26, v34;
	v26 =	vadd.f32 v42, v0  }
0xa1: {  	v62 =	vmul.f32 v53, v17;
	v28 =	vadd.f32 v43, v34;
	v32 =	vadd.f32 v49, v32  }
0xa2: {  	v35 =	vmul.f32 v53, v16;
	v42 =	vld [tilespmem:s22+$0x6040];
	v26 =	vadd.f32 v26, v34;
	v34 =	vadd.f32 v47, v37  }
0xa3: {  	v58 =	vmul.f32 v61, v14;
	v30 =	vadd.f32 v30, v0;
	v39 =	vadd.f32 v41, v39  }
0xa4: {  	v54 =	vadd.f32 v32, v3;
	v37 =	vmul.f32 v50, v4;
	v34 =	vadd.f32 v38, v34  }
0xa5: {  	v44 =	vld [tilespmem:s22+$0x4050];
	v53 =	vmul.f32 v63, v10;
	v30 =	vadd.f32 v30, v40;
	v39 =	vadd.f32 v39, v2  }
0xa6: {  	v57 =	vmul.f32 v63, v5;
	v36 =	vadd.f32 v36, v37;
	v34 =	vadd.f32 v34, v2  }
0xa7: {  	v43 =	vmul.f32 v52, v15;
	v31 =	vadd.f32 v54, v40;
	v50 =	vadd.f32 v39, v42  }
0xa8: {  	v52 =	vmul.f32 v61, v11;
	v35 =	vadd.f32 v35, v36;
	v7 =	vadd.f32 v34, v40  }
0xa9: {  	v38 =	vmul.f32 v61, v4;
	v34 =	vadd.f32 v56, v55;
	v40 =	vadd.f32 v43, v60  }
0xaa: {  	v39 =	vadd.f32 v53, v52;
	v35 =	vadd.f32 v35, v0;
	v55 =	vmul.f32 v44, v9  }
0xab: {  	v43 =	vmul.f32 v63, v6;
	v60 =	vld [tilespmem:s22+$0x60];
	v34 =	vadd.f32 v59, v34;
	v40 =	vadd.f32 v62, v40  }
0xac: {  	v47 =	vmul.f32 v63, v15;
	v63 =	vld [tilespmem:s22+$0x4060];
	v56 =	vadd.f32 v35, v42;
	v39 =	vadd.f32 v55, v39  }
0xad: {  	v48 =	vld [tilespmem:s22+$0x6050];
	v61 =	vmul.f32 v44, v16;
	v38 =	vadd.f32 v43, v38;
	v34 =	vadd.f32 v34, v1  }
0xae: {  	v46 =	vmul.f32 v44, v12;
	v62 =	vld [tilespmem:s22+$0x2060];
	v51 =	vadd.f32 v40, v3;
	v40 =	vadd.f32 v47, v58  }
0xaf: {  	v59 =	vmul.f32 v44, v17;
	v39 =	vadd.f32 v39, v1;
	v38 =	vadd.f32 v61, v38  }
0xb0: {  	[tilespmem:$0x1FEB0] =	vst v30;
	v37 =	vmul.f32 v60, v11;
	v30 =	vadd.f32 v34, v42;
	v54 =	vadd.f32 v51, v42  }
0xb1: {  	[tilespmem:$0x1FEE0] =	vst v56;
	v56 =	vmul.f32 v63, v9;
	v42 =	vadd.f32 v57, v45;
	v40 =	vadd.f32 v59, v40  }
0xb2: {  	v32 =	vadd.f32 v39, v48;
	v38 =	vadd.f32 v38, v0;
	v57 =	vmul.f32 v60, v14  }
0xb3: {  	v45 =	vmul.f32 v60, v4;
	v52 =	vmul.f32 v62, v10;
	v42 =	vadd.f32 v46, v42  }
0xb4: {  	v55 =	vmul.f32 v62, v5;
	[tilespmem:$0x1FED0] =	vst v54;
	v35 =	vadd.f32 v40, v3;
	v54 =	vmul.f32 v60, v13  }
0xb5: {  	v51 =	vmul.f32 v62, v15;
	v53 =	vadd.f32 v38, v48;
	v46 =	vld [tilespmem:s22+$0x70];
	v42 =	vadd.f32 v42, v2  }
0xb6: {  	[tilespmem:$0x1FEC0] =	vst v50;
	v50 =	vld [tilespmem:s22+$0x6060];
	v44 =	vmul.f32 v62, v6;
	v39 =	vadd.f32 v35, v48;
	v47 =	vadd.f32 v55, v54  }
0xb7: {  	v49 =	vmul.f32 v63, v12;
	v40 =	vadd.f32 v42, v48;
	v48 =	vadd.f32 v51, v57;
	v51 =	vld [tilespmem:s22+$0x2070]  }
0xb8: {  	v43 =	vmul.f32 v63, v16;
	v44 =	vadd.f32 v44, v45;
	v42 =	vadd.f32 v52, v37;
	v52 =	vld [tilespmem:s22+$0x4070]  }
0xb9: {  	v58 =	vmul.f32 v63, v17;
	v47 =	vadd.f32 v49, v47  }
0xba: {  	v59 =	vadd.f32 v43, v44;
	v61 =	vmul.f32 v46, v11;
	v42 =	vadd.f32 v56, v42  }
0xbb: {  	[tilespmem:$0x1FEF0] =	vst v53;
	v53 =	vmul.f32 v46, v13;
	v36 =	vmul.f32 v46, v14;
	v47 =	vadd.f32 v47, v2  }
0xbc: {  	v46 =	vmul.f32 v46, v4;
	v48 =	vadd.f32 v58, v48;
	v42 =	vadd.f32 v42, v1  }
0xbd: {  	v37 =	vadd.f32 v47, v50;
	v62 =	vmul.f32 v51, v10;
	v63 =	vmul.f32 v52, v9  }
0xbe: {  	v60 =	vadd.f32 v48, v3;
	v35 =	vmul.f32 v51, v5;
	v54 =	vmul.f32 v52, v12  }
0xbf: {  	v55 =	vmul.f32 v51, v15;
	v51 =	vmul.f32 v51, v6;
	v33 =	vadd.f32 v42, v50  }
0xc0: {  	v56 =	vld [tilespmem:s22+$0x6070];
	v42 =	vadd.f32 v59, v0;
	v34 =	vadd.f32 v60, v50;
	v60 =	vmul.f32 v52, v17  }
0xc1: {  	v47 =	vadd.f32 v62, v61;
	v48 =	vadd.f32 v55, v36;
	v61 =	vmul.f32 v52, v16;
	v52 =	vld [tilespmem:s22+$0x2080]  }
0xc2: {  	v46 =	vadd.f32 v51, v46;
	v51 =	vld [tilespmem:s22+$0x4080];
	v38 =	vadd.f32 v42, v50  }
0xc3: {  	v50 =	vadd.f32 v35, v53;
	v53 =	vld [tilespmem:s22+$0x80];
	v47 =	vadd.f32 v63, v47  }
0xc4: {  	v48 =	vadd.f32 v60, v48;
	v46 =	vadd.f32 v61, v46  }
0xc5: {  	v50 =	vadd.f32 v54, v50;
	v47 =	vadd.f32 v47, v1  }
0xc6: {  	v62 =	vadd.f32 v48, v3;
	v46 =	vadd.f32 v46, v0  }
0xc7: {  	v50 =	vadd.f32 v50, v2;
	v61 =	vmul.f32 v52, v5;
	v57 =	vmul.f32 v51, v12  }
0xc8: {  	v49 =	vadd.f32 v47, v56;
	v63 =	vmul.f32 v53, v11;
	v47 =	vmul.f32 v52, v10  }
0xc9: {  	v59 =	vmul.f32 v52, v15;
	v35 =	vadd.f32 v62, v56;
	v60 =	vmul.f32 v53, v13  }
0xca: {  	v58 =	vld [tilespmem:s22+$0x6080];
	v62 =	vmul.f32 v51, v9;
	v48 =	vadd.f32 v50, v56;
	v50 =	vadd.f32 v47, v63  }
0xcb: {  	v54 =	vld [tilespmem:s22+$0x90];
	v36 =	vadd.f32 v46, v56;
	v55 =	vadd.f32 v61, v60;
	v63 =	vmul.f32 v53, v14  }
0xcc: {  	v52 =	vmul.f32 v52, v6;
	v53 =	vmul.f32 v53, v4;
	v60 =	vld [tilespmem:s22+$0x4090];
	v50 =	vadd.f32 v62, v50  }
0xcd: {  	v46 =	vmul.f32 v51, v17;
	v55 =	vadd.f32 v57, v55;
	v56 =	vadd.f32 v59, v63  }
0xce: {  	v51 =	vmul.f32 v51, v16;
	v59 =	vld [tilespmem:s22+$0x2090];
	v52 =	vadd.f32 v52, v53;
	v50 =	vadd.f32 v50, v1  }
0xcf: {  	v55 =	vadd.f32 v55, v2;
	v56 =	vadd.f32 v46, v56  }
0xd0: {  	v61 =	vmul.f32 v54, v13;
	v62 =	vadd.f32 v51, v52;
	v53 =	vadd.f32 v50, v58  }
0xd1: {  	v57 =	vmul.f32 v60, v9;
	v51 =	vadd.f32 v55, v58;
	v63 =	vadd.f32 v56, v3  }
0xd2: {  	v50 =	vadd.f32 v62, v0;
	v55 =	vmul.f32 v54, v11;
	v62 =	vmul.f32 v60, v12  }
0xd3: {  	v44 =	vmovc v1;
	v56 =	vmul.f32 v54, v14;
	v1 =	vmul.f32 v59, v10;
	v52 =	vadd.f32 v63, v58  }
0xd4: {  	v50 =	vadd.f32 v50, v58;
	v58 =	vmul.f32 v59, v5;
	v63 =	vmul.f32 v59, v15  }
0xd5: {  	v54 =	vmul.f32 v54, v4;
	v59 =	vmul.f32 v59, v6;
	v55 =	vadd.f32 v1, v55  }
0xd6: {  	v47 =	vmovc v4;
	v4 =	vmul.f32 v60, v16;
	v1 =	vld [tilespmem:s22+$0x6090];
	v58 =	vadd.f32 v58, v61;
	v56 =	vadd.f32 v63, v56  }
0xd7: {  	v61 =	vld [tilespmem:s22+$0xA0];
	v54 =	vadd.f32 v59, v54;
	v63 =	vmin.f32 v18, v24;
	v55 =	vadd.f32 v57, v55  }
0xd8: {  	v57 =	vmul.f32 v60, v17;
	v60 =	vld [tilespmem:s22+$0x20A0];
	v63 =	vmin.f32 v63, v27;
	v58 =	vadd.f32 v62, v58  }
0xd9: {  	v54 =	vadd.f32 v4, v54;
	v62 =	vmin.f32 v21, v25;
	v55 =	vadd.f32 v55, v44  }
0xda: {  	v59 =	vld [tilespmem:s22+$0x40A0];
	v56 =	vadd.f32 v57, v56;
	v62 =	vmin.f32 v62, v8;
	v58 =	vadd.f32 v58, v2  }
0xdb: {  	v54 =	vadd.f32 v54, v0;
	v62 =	vmin.f32 v62, v29;
	v57 =	vadd.f32 v55, v1  }
0xdc: {  	v43 =	vmovc v3;
	v3 =	vadd.f32 v56, v3;
	v56 =	vadd.f32 v58, v1;
	v58 =	vmul.f32 v61, v11  }
0xdd: {  	v45 =	vmovc v2;
	v4 =	vmul.f32 v60, v10;
	v54 =	vadd.f32 v54, v1;
	v2 =	vmul.f32 v60, v5  }
0xde: {  	v41 =	vmovc v5;
	v5 =	vmin.f32 v20, v23;
	v55 =	vadd.f32 v3, v1;
	v1 =	vmul.f32 v61, v13  }
0xdf: {  	v46 =	vmovc v0;
	v3 =	vmul.f32 v59, v12;
	v0 =	vadd.f32 v4, v58;
	v58 =	vmul.f32 v59, v9  }
0xe0: {  	[tilespmem:s22+$0xA020] =	vst v27;
	v27 =	vld [tilespmem:s22+$0x20C0];
	v4 =	vmul.f32 v60, v15;
	v1 =	vadd.f32 v2, v1;
	v2 =	vmul.f32 v61, v14  }
0xe1: {  	[tilespmem:s22+$0xC010] =	vst v23;
	v23 =	vmin.f32 v62, v30;
	v62 =	vld [tilespmem:$0x1FED0];
	v60 =	vmul.f32 v60, v6;
	v61 =	vmul.f32 v61, v47  }
0xe2: {  	v0 =	vadd.f32 v58, v0;
	v58 =	vld [tilespmem:s22+$0x60A0];
	v2 =	vadd.f32 v4, v2;
	v4 =	vmul.f32 v59, v17  }
0xe3: {  	[tilespmem:s22+$0x8000] =	vst v21;
	v1 =	vadd.f32 v3, v1;
	v3 =	vadd.f32 v60, v61;
	v60 =	vld [tilespmem:s22+$0xB0]  }
0xe4: {  	[tilespmem:s22+$0xA030] =	vst v7;
	v21 =	vmin.f32 v63, v7;
	v59 =	vmul.f32 v59, v16;
	v2 =	vadd.f32 v4, v2;
	v4 =	vld [tilespmem:s22+$0x20B0]  }
0xe5: {  	v42 =	vmovc v6;
	v7 =	vmul.f32 v27, v10;
	v5 =	vmin.f32 v5, v28;
	v23 =	vmin.f32 v23, v32  }
0xe6: {  	v6 =	vmovc v8;
	v5 =	vmin.f32 v5, v31;
	v3 =	vadd.f32 v59, v3;
	v1 =	vadd.f32 v1, v45  }
0xe7: {  	[tilespmem:s22+$0x8020] =	vst v6;
	v6 =	vld [tilespmem:$0x1FEC0];
	v61 =	vmin.f32 v19, v22;
	v5 =	vmin.f32 v5, v62;
	v2 =	vadd.f32 v2, v43  }
0xe8: {  	[tilespmem:s22+$0xA000] =	vst v18;
	v5 =	vmin.f32 v5, v39;
	v59 =	vld [tilespmem:s22+$0x40B0];
	v18 =	vadd.f32 v1, v58;
	v1 =	vadd.f32 v3, v46  }
0xe9: {  	[tilespmem:s22+$0xE000] =	vst v19;
	v3 =	vmul.f32 v60, v11;
	v19 =	vadd.f32 v2, v58;
	v2 =	vmul.f32 v4, v10  }
0xea: {  	[tilespmem:s22+$0xC040] =	vst v62;
	v62 =	vmul.f32 v27, v15;
	v0 =	vadd.f32 v0, v44;
	v5 =	vmin.f32 v5, v34  }
0xeb: {  	[tilespmem:s22+$0xA010] =	vst v24;
	v24 =	vmul.f32 v4, v15;
	v2 =	vadd.f32 v2, v3;
	v3 =	vmul.f32 v60, v14  }
0xec: {  	v61 =	vmin.f32 v61, v26;
	v21 =	vmin.f32 v21, v6;
	v5 =	vmin.f32 v5, v35  }
0xed: {  	[tilespmem:s22+$0xE010] =	vst v22;
	v8 =	vld [tilespmem:$0x1FEB0];
	v0 =	vadd.f32 v0, v58;
	v22 =	vmul.f32 v59, v17;
	v3 =	vadd.f32 v24, v3  }
0xee: {  	[tilespmem:s22+$0xC000] =	vst v20;
	v20 =	vadd.f32 v1, v58;
	v1 =	vmul.f32 v60, v13;
	v58 =	vmul.f32 v4, v41  }
0xef: {  	[tilespmem:s22+$0x8010] =	vst v25;
	v63 =	vmul.f32 v59, v9;
	v3 =	vadd.f32 v22, v3;
	v22 =	vmul.f32 v60, v47;
	v60 =	vld [tilespmem:$0x1FEE0]  }
0xf0: {  	[tilespmem:s22+$0xE020] =	vst v26;
	v26 =	vmin.f32 v21, v40;
	v5 =	vmin.f32 v5, v52;
	v1 =	vadd.f32 v58, v1;
	v58 =	vld [tilespmem:s22+$0x60B0]  }
0xf1: {  	[tilespmem:s22+$0xC020] =	vst v28;
	v28 =	vld [tilespmem:s22+$0x40C0];
	v26 =	vmin.f32 v26, v37;
	v25 =	vmul.f32 v59, v12;
	v2 =	vadd.f32 v63, v2  }
0xf2: {  	[tilespmem:s22+$0xC030] =	vst v31;
	v31 =	vld [tilespmem:s22+$0xD0];
	v61 =	vmin.f32 v61, v8;
	v5 =	vmin.f32 v5, v55;
	v26 =	vmin.f32 v26, v48  }
0xf3: {  	v4 =	vmul.f32 v4, v42;
	v1 =	vadd.f32 v25, v1;
	v25 =	vld [tilespmem:s22+$0xC0];
	v2 =	vadd.f32 v2, v44  }
0xf4: {  	[tilespmem:s22+$0x8030] =	vst v29;
	v5 =	vmin.f32 v5, v19;
	v63 =	vmin.f32 v61, v60;
	v61 =	vmul.f32 v59, v16;
	v59 =	vld [tilespmem:$0x1FEF0]  }
0xf5: {  	v1 =	vadd.f32 v1, v45;
	v21 =	vadd.f32 v2, v58;
	v2 =	vmin.f32 v23, v33;
	[tilespmem:s22+$0xE040] =	vst v60;
	v60 =	vld [tilespmem:s22+$0x20D0]  }
0xf6: {  	[tilespmem:s22+$0x8050] =	vst v32;
	v4 =	vadd.f32 v4, v22;
	v3 =	vadd.f32 v3, v43;
	v2 =	vmin.f32 v2, v49  }
0xf7: {  	[tilespmem:s22+$0x8070] =	vst v49;
	v24 =	vadd.f32 v1, v58;
	v49 =	vmul.f32 v31, v14;
	v2 =	vmin.f32 v2, v53  }
0xf8: {  	[tilespmem:s22+$0xA060] =	vst v37;
	v22 =	vadd.f32 v3, v58;
	v2 =	vmin.f32 v2, v57;
	v4 =	vadd.f32 v61, v4  }
0xf9: {  	[tilespmem:s22+$0xE030] =	vst v8;
	v2 =	vmin.f32 v2, v0;
	v29 =	vmin.f32 v63, v59;
	v63 =	vmul.f32 v25, v11  }
0xfa: {  	v8 =	vadd.f32 v4, v46;
	[tilespmem:s22+$0xE050] =	vst v59;
	v59 =	vmul.f32 v28, v16;
	v37 =	vmul.f32 v60, v10  }
0xfb: {  	[tilespmem:s22+$0xC050] =	vst v39;
	v5 =	vmin.f32 v5, v22;
	v39 =	vmul.f32 v60, v41;
	v32 =	vmul.f32 v60, v42  }
0xfc: {  	v23 =	vadd.f32 v8, v58;
	v61 =	vadd.f32 v7, v63;
	v63 =	vmul.f32 v28, v9  }
0xfd: {  	[tilespmem:s22+$0x8040] =	vst v30;
	v8 =	vmul.f32 v25, v13;
	v58 =	vmul.f32 v27, v41;
	v29 =	vmin.f32 v29, v38  }
0xfe: {  	[tilespmem:s22+$0xA050] =	vst v40;
	v27 =	vmul.f32 v27, v42;
	v3 =	vadd.f32 v63, v61;
	v61 =	vmul.f32 v25, v14  }
0xff: {  	[tilespmem:s22+$0x8060] =	vst v33;
	v1 =	vadd.f32 v58, v8;
	v58 =	vld [tilespmem:s22+$0x60C0];
	v63 =	vmul.f32 v28, v12;
	v25 =	vmul.f32 v25, v47  }
0x100: {  	[tilespmem:s22+$0xE060] =	vst v38;
	v38 =	vmul.f32 v31, v13;
	v8 =	vmul.f32 v28, v17;
	v4 =	vadd.f32 v62, v61  }
0x101: {  	[tilespmem:s22+$0xC060] =	vst v34;
	v1 =	vadd.f32 v63, v1;
	v25 =	vadd.f32 v27, v25;
	v61 =	vmin.f32 v29, v36  }
0x102: {  	[tilespmem:s22+$0xC070] =	vst v35;
	v3 =	vadd.f32 v3, v44;
	v29 =	vmin.f32 v26, v51;
	v62 =	vld [tilespmem:s22+$0x40D0];
	v4 =	vadd.f32 v8, v4  }
0x103: {  	[tilespmem:s22+$0xE070] =	vst v36;
	v29 =	vmin.f32 v29, v56;
	v1 =	vadd.f32 v1, v45;
	v27 =	vadd.f32 v59, v25  }
0x104: {  	[tilespmem:s22+$0xA070] =	vst v48;
	v25 =	vadd.f32 v3, v58;
	v8 =	vmul.f32 v31, v11;
	v31 =	vmul.f32 v31, v47  }
0x105: {  	[tilespmem:s22+$0xA0A0] =	vst v18;
	v18 =	vmin.f32 v29, v18;
	v63 =	vadd.f32 v4, v43;
	v26 =	vadd.f32 v1, v58  }
0x106: {  	[tilespmem:s22+$0xA090] =	vst v56;
	v56 =	vld [tilespmem:s22+$0xF0];
	v4 =	vmin.f32 v61, v50;
	v7 =	vadd.f32 v27, v46;
	v3 =	vadd.f32 v37, v8  }
0x107: {  	[tilespmem:s22+$0x8080] =	vst v53;
	v1 =	vadd.f32 v39, v38;
	v61 =	vld [tilespmem:s22+$0xE0];
	v40 =	vmul.f32 v62, v9;
	v48 =	vmul.f32 v62, v12  }
0x108: {  	[tilespmem:s22+$0xA080] =	vst v51;
	v8 =	vld [tilespmem:s22+$0x40E0];
	v27 =	vadd.f32 v63, v58;
	v28 =	vadd.f32 v7, v58;
	v58 =	vmul.f32 v60, v15  }
0x109: {  	[tilespmem:s22+$0xC080] =	vst v52;
	v59 =	vld [tilespmem:s22+$0x60D0];
	v31 =	vadd.f32 v32, v31;
	v60 =	vmul.f32 v62, v17;
	v62 =	vmul.f32 v62, v16  }
0x10a: {  	[tilespmem:s22+$0xE080] =	vst v50;
	v4 =	vmin.f32 v4, v54;
	v63 =	vld [tilespmem:s22+$0x20E0];
	v3 =	vadd.f32 v40, v3;
	v1 =	vadd.f32 v48, v1  }
0x10b: {  	[tilespmem:s22+$0x8090] =	vst v57;
	v37 =	vmul.f32 v56, v47;
	v30 =	vadd.f32 v58, v49;
	v31 =	vadd.f32 v62, v31  }
0x10c: {  	[tilespmem:s22+$0xE090] =	vst v54;
	v3 =	vadd.f32 v3, v44;
	v40 =	vmul.f32 v61, v11;
	v49 =	vmul.f32 v61, v13  }
0x10d: {  	[tilespmem:s22+$0xC090] =	vst v55;
	v1 =	vadd.f32 v1, v45;
	v51 =	vmul.f32 v8, v9;
	v52 =	vmul.f32 v8, v12  }
0x10e: {  	[tilespmem:s22+$0xA040] =	vst v6;
	v54 =	vmul.f32 v61, v14;
	v36 =	vmul.f32 v61, v47;
	v30 =	vadd.f32 v60, v30  }
0x10f: {  	[tilespmem:s22+$0x80A0] =	vst v0;
	v31 =	vadd.f32 v31, v46;
	v3 =	vadd.f32 v3, v59;
	v48 =	vmul.f32 v63, v10  }
0x110: {  	[tilespmem:s22+$0xC0A0] =	vst v19;
	v58 =	vld [tilespmem:s22+$0x20F0];
	v1 =	vadd.f32 v1, v59;
	v50 =	vmul.f32 v63, v41;
	v55 =	vmul.f32 v63, v15  }
0x111: {  	[tilespmem:s22+$0xE0A0] =	vst v20;
	v33 =	vmul.f32 v63, v42;
	v30 =	vadd.f32 v30, v43;
	v0 =	vadd.f32 v31, v59  }
0x112: {  	[tilespmem:s22+$0x80B0] =	vst v21;
	v57 =	vmul.f32 v8, v17;
	v35 =	vadd.f32 v48, v40;
	v31 =	vadd.f32 v50, v49  }
0x113: {  	[tilespmem:s22+$0xA0B0] =	vst v24;
	v32 =	vmul.f32 v8, v16;
	v34 =	vadd.f32 v55, v54;
	v33 =	vadd.f32 v33, v36  }
0x114: {  	v53 =	vld [tilespmem:s22+$0x60E0];
	[tilespmem:s22+$0xC0B0] =	vst v22;
	v8 =	vmul.f32 v56, v11;
	v30 =	vadd.f32 v30, v59;
	v35 =	vadd.f32 v51, v35  }
0x115: {  	[tilespmem:s22+$0xE0B0] =	vst v23;
	v11 =	vmul.f32 v58, v10;
	v59 =	vld [tilespmem:s22+$0x40F0];
	v31 =	vadd.f32 v52, v31;
	v61 =	vadd.f32 v57, v34  }
0x116: {  	[tilespmem:s22+$0x80C0] =	vst v25;
	v49 =	vmul.f32 v56, v13;
	v32 =	vadd.f32 v32, v33;
	v35 =	vadd.f32 v35, v44  }
0x117: {  	[tilespmem:s22+$0xA0C0] =	vst v26;
	v50 =	vmul.f32 v58, v41;
	v60 =	vadd.f32 v31, v45;
	v6 =	vadd.f32 v61, v43  }
0x118: {  	[tilespmem:s22+$0xC0C0] =	vst v27;
	v40 =	vmul.f32 v58, v42;
	v7 =	vadd.f32 v32, v46;
	v32 =	vadd.f32 v11, v8  }
0x119: {  	[tilespmem:s22+$0xE0C0] =	vst v28;
	v52 =	vmul.f32 v56, v14;
	v62 =	vadd.f32 v35, v53;
	v63 =	vadd.f32 v60, v53  }
0x11a: {  	[tilespmem:s22+$0x80D0] =	vst v3;
	v29 =	vadd.f32 v6, v53;
	v48 =	vmul.f32 v59, v9;
	v31 =	vadd.f32 v7, v53  }
0x11b: {  	[tilespmem:s22+$0xA0D0] =	vst v1;
	v54 =	vld [tilespmem:s22+$0x60F0];
	v51 =	vmul.f32 v59, v12;
	v53 =	vmul.f32 v58, v15;
	v35 =	vadd.f32 v50, v49  }
0x11c: {  	[tilespmem:s22+$0xE0D0] =	vst v0;
	v37 =	vadd.f32 v40, v37;
	v36 =	vmul.f32 v59, v16;
	v32 =	vadd.f32 v48, v32  }
0x11d: {  	[tilespmem:s22+$0xC0D0] =	vst v30;
	v55 =	vmul.f32 v59, v17;
	v33 =	vadd.f32 v53, v52;
	v35 =	vadd.f32 v51, v35  }
0x11e: {  	v2 =	vmin.f32 v2, v21;
	[tilespmem:s22+$0x80E0] =	vst v62;
	v57 =	vadd.f32 v36, v37;
	v32 =	vadd.f32 v32, v44  }
0x11f: {  	v18 =	vmin.f32 v18, v24;
	[tilespmem:s22+$0xA0E0] =	vst v63;
	v56 =	vadd.f32 v55, v33;
	v58 =	vadd.f32 v35, v45  }
0x120: {  	v2 =	vmin.f32 v2, v25;
	[tilespmem:s22+$0xC0E0] =	vst v29;
	v24 =	vadd.f32 v57, v46;
	v59 =	vadd.f32 v32, v54  }
0x121: {  	v4 =	vmin.f32 v4, v20;
	[tilespmem:s22+$0xE0E0] =	vst v31;
	v21 =	vadd.f32 v56, v43;
	v60 =	vadd.f32 v58, v54  }
0x122: {  	v18 =	vmin.f32 v18, v26;
	v4 =	vmin.f32 v4, v23;
	v61 =	vadd.f32 v24, v54;
	[tilespmem:s22+$0x80F0] =	vst v59  }
0x123: {  	v5 =	vmin.f32 v5, v27;
	v2 =	vmin.f32 v2, v3;
	v21 =	vadd.f32 v21, v54;
	[tilespmem:s22+$0xA0F0] =	vst v60  }
0x124: {  	p0 =	sne.s32 s21, $0x7C00;
	v4 =	vmin.f32 v4, v28;
	v1 =	vmin.f32 v18, v1;
	v2 =	vmin.f32 v2, v62;
	[tilespmem:s22+$0xE0F0] =	vst v61  }
.Ltmp5:
0x125: {  	v5 =	vmin.f32 v5, v30;
	v1 =	vmin.f32 v1, v63;
	v2 =	vmin.f32 v2, v59;
	[tilespmem:s22+$0xC0F0] =	vst v21;
	(pc) =	sbr.rel @p0 .LBB2_5-.Ltmp5, $4  }
0x126: {  	s31 =	sand.u32 $0x1F0, s20;
	v0 =	vmin.f32 v4, v0;
	v62 =	vmin.f32 v5, v29;
	v1 =	vmin.f32 v1, v60;
	[tilespmem:s19+$0x0] =	vst v2  }
0x127: {  	v0 =	vmin.f32 v0, v31;
	v63 =	vmin.f32 v62, v21;
	[tilespmem:s31+$0x10200] =	vst v1  }
0x128: {  	v0 =	vmin.f32 v0, v61;
	[tilespmem:s31+$0x10400] =	vst v63  }
0x129: {  	s20 =	sadd.s32 $0x10, s20;
	s21 =	sadd.s32 $0x400, s21;
	s19 =	sadd.s32 $0x10, s19;
	[tilespmem:s31+$0x10600] =	vst v0  }
0x12a: {  	s20 =	simm.s32 $0x0  }
0x12b: {  	v4 =	vld [tilespmem:s20+$0x10000];
	_ =	sdelay $0x3  }
0x12c: {  	v2 =	vimm.f32 $+Inf;
	s19 =	simm.s32 $0x40;
	v3 =	vimm.f32 $+Inf  }
.LBB2_7:
0x12d: {  	s20 =	sshra.s32 s19, $0x2;
	p0 =	sne.s32 s19, $0x7C0;
	s19 =	sadd.s32 $0x40, s19;
	v0 =	vmax.f32 v2, v4;
	v1 =	vmov v4  }
.Ltmp6:
0x12e: {  	v4 =	vld [tilespmem:s20+$0x10000];
	v3 =	vmin.f32 v3, v0;
	(pc) =	sbr.rel @p0 .LBB2_7-.Ltmp6, $2  }
0x12f: {  	_ =	sdelay $0x2  }
0x130: {  	v2 =	vmin.f32 v2, v1  }
0x131: {  	v0 =	vmax.f32 v2, v4  }
0x132: {  	v0 =	vmin.f32 v3, v0  }
0x133: {  	(xrf0) =	vmax.scan.msk.f32 $0xffff, v0;
	_ =	sdelay $0x2  }
0x134: {  	s19 =	simm.s32 $0x10000  }
0x135: {  	v0 =	vld [tilespmem:s19+$0x0];
	_ =	sdelay $0x1  }
0x136: {  	v1, _, _ =	vpop (xrf0)  }
0x137: {  	v2 =	vbroadcast v1, $0xF;
	_ =	sdelay $0x1  }
0x138: {  	vm0 =	vle.f32 v0, v2  }
0x139: {  	v1 =	vmpcnt.ones.xlane vm0;
	_ =	sdelay $0x1  }
0x13a: {  	(v2sf) =	vpush v1, $0x0;
	_ =	sdelay $0x4  }
0x13b: {  	v8 =	vlaneseq.u32;
	s19 =	simm.s32 $0x0  }
0x13c: {  	[tilespmem:s19+$0x10800] =	vst.msk vm0, v0;
	v0 =	vor.u32 s19, v8  }
0x13d: {  	s21 =	simm.s32 $0x10010;
	[tilespmem:s19+$0x10A80] =	vst.msk vm0, v0  }
0x13e: {  	s20 =	simm.s32 $0x10;
	s22 =	simm.s32 $0x20;
	v9 =	vimm.f32 $+Inf;
	v3 =	vld [tilespmem:s21+$0x0]  }
.LBB2_9:
0x13f: {  	p0 =	sne.s32 s22, $0x1F0;
	_ =	sdelay $0x3  }
0x140: {  	vm0 =	vle.f32 v3, v2  }
0x141: {  	v0 =	vmpcnt.ones.xlane vm0  }
0x142: {  	s23 =	spop (v2sf)  }
0x143: {  	(v2sf) =	vpush v0, $0x0;
	s19 =	sadd.s32 s19, s23  }
0x144: {  	v0 =	vor.u32 s20, v8;
	s20 =	smov.u32 s22;
	[tilespmem:s19+$0x10800] =	vst.msk vm0, v3  }
0x145: {  	[tilespmem:s19+$0x10A80] =	vst.msk vm0, v0;
	_ =	sdelay $0x1  }
.Ltmp7:
0x146: {  	(pc) =	sbr.rel @p0 .LBB2_9-.Ltmp7, $3  }
0x147: {  	_ =	sdelay $0x1  }
0x148: {  	s21 =	sadd.s32 $0x10, s21  }
0x149: {  	s22 =	sadd.s32 $0x10, s22;
	v3 =	vld [tilespmem:s21+$0x0]  }
0x14a: {  	_ =	sdelay $0x3  }
0x14b: {  	vm0 =	vle.f32 v3, v2  }
0x14c: {  	v0 =	vmpcnt.ones.xlane vm0;
	_ =	sdelay $0x1  }
0x14d: {  	(v2sf) =	vpush v0, $0x0;
	_ =	sdelay $0xd  }
0x14e: {  	s21 =	spop (v2sf)  }
0x14f: {  	s21 =	sadd.s32 s19, s21;
	s31 =	spop (v2sf)  }
0x150: {  	s22 =	sadd.s32 s21, s31  }
0x151: {  	s19 =	sadd.s32 $0xF, s22  }
0x152: {  	s19 =	sshrl.u32 s19, $0x4  }
0x153: {  	p0 =	seq.s32 s19, $0x0  }
.Ltmp8:
0x154: {  	_ = 	snop;
	(pc) =	sbr.rel @p0 .LBB2_24-.Ltmp8, $4  }
0x155: {  	_ = 	snop  }
0x156: {  	v0 =	vor.u32 s20, v8;
	[tilespmem:s21+$0x10800] =	vst.msk vm0, v3  }
0x157: {  	v2 =	vimm.f32 $+Inf;
	[tilespmem:s21+$0x10A80] =	vst.msk vm0, v0  }
0x158: {  	[tilespmem:s22+$0x10800] =	vst v2  }
0x159: {  	s22 =	simm.s32 $0x10800  }
0x15a: {  	v0 =	vld [tilespmem:s22+$0x0];
	_ =	sdelay $0x4  }
0x15b: {  	(xrf0) =	vmin.scan.msk.f32 $0xffff, v0;
	_ =	sdelay $0x5  }
0x15c: {  	v1, _, _ =	vpop (xrf0)  }
0x15d: {  	(v2sf) =	vpush v1, $0xF;
	_ =	sdelay $0xe  }
0x15e: {  	s20 =	simm.f32 $+Inf;
	s31 =	spop (v2sf)  }
0x15f: {  	p0 =	slt.f32 s31, s20  }
0x160: {  	s21 =	simm.s32 $0x10A80  }
0x161: {  	v1 =	vld @p0 [tilespmem:s21+$0x0];
	_ =	sdelay $0x4  }
0x162: {  	(xrf1) =	vsort.ascd.msk.f32 @p0 $0xffff, v0, v1;
	_ =	sdelay $0xa  }
0x163: {  	v0 =	vlaneseq.u32 @p0  }
0x164: {  	v0 =	vmul.u32 @p0 $0xFFFFFFFF, v0;
	_ =	sdelay $0x1  }
0x165: {  	v0 =	vadd.s32 @p0 $0xF, v0;
	v1, v4, _ =	vpop @p0 (xrf1)  }
0x166: {  	v1 =	vperm.xlane @p0 v1, v0  }
0x167: {  	v4 =	vperm.xlane @p0 v4, v0  }
0x168: {  	v3 =	vimm.s32 $0x2000;
	vm0 =	vle.f32 @p0 v2, v1  }
0x169: {  	v1 =	vmin.f32 @p0 v2, v1;
	v4 =	vsel @p0 vm0, v3, v4  }
0x16a: {  	(xrf1) =	vsort.ascd.msk.f32 @p0 $0xffff, v1, v4;
	_ =	sdelay $0xd  }
0x16b: {  	v1, v4, _ =	vpop @p0 (xrf1)  }
0x16c: {  	v1 =	vperm.xlane @p0 v1, v0  }
0x16d: {  	v0 =	vperm.xlane @p0 v4, v0  }
0x16e: {  	vm0 =	vle.f32 @p0 v2, v1  }
0x16f: {  	v4 =	vmax.f32 @p0 v2, v1;
	v5 =	vsel @p0 vm0, v0, v3  }
0x170: {  	v1 =	vmin.f32 @p0 v2, v1;
	v0 =	vsel @p0 vm0, v3, v0;
	(xrf1) =	vsort.ascd.msk.f32 @p0 $0xffff, v4, v5  }
0x171: {  	(xrf1) =	vsort.ascd.msk.f32 @p0 $0xffff, v1, v0;
	_ =	sdelay $0x2  }
0x172: {  	s22 =	sadd.s32 $0xFFFFFFFF, s19  }
0x173: {  	p1 =	seq.s32 s22, $0x0  }
.Ltmp9:
0x174: {  	_ = 	snop;
	(pc) =	sbr.rel @p1 .LBB2_13-.Ltmp9, $2  }
0x175: {  	_ =	sdelay $0x2  }
0x176: {  	s23 =	simm.s32 $0x10810;
	v4 =	vimm.f32 $+Inf;
	v5 =	vimm.s32 $0x2000  }
.LBB2_12:
0x177: {  	v0 =	vld [tilespmem:s23+$0x0];
	s22 =	sadd.s32 $0xFFFFFFFF, s22  }
0x178: {  	p1 =	seq.s32 s22, $0x0;
	_ =	sdelay $0x1  }
0x179: {  	v1, v6, _ =	vpop @p0 (xrf1)  }
0x17a: {  	v2 =	vpsel p0, v1, v2;
	v3 =	vpsel p0, v6, v3;
	v6, v7, _ =	vpop @p0 (xrf1);
	(xrf0) =	vmax.scan.msk.f32 @p0 $0xffff, v1  }
0x17b: {  	(xrf0) =	vmin.scan.msk.f32 $0xffff, v0;
	v4 =	vpsel p0, v6, v4;
	v5 =	vpsel p0, v7, v5;
	_ =	sdelay $0x4  }
0x17c: {  	v1, _, _ =	vpop @p0 (xrf0)  }
0x17d: {  	v6, _, _ =	vpop (xrf0);
	(v2sf) =	vpush @p0 v1, $0xF  }
0x17e: {  	(v2sf) =	vpush v6, $0xF;
	_ =	sdelay $0xd  }
0x17f: {  	s24 =	spop @p0 (v2sf)  }
0x180: {  	s25 =	spop (v2sf);
	s20 =	smov.u32 @p0 s24  }
0x181: {  	p0 =	slt.f32 s25, s20  }
0x182: {  	s21 =	sadd.s32 $0x10, s21  }
0x183: {  	v1 =	vld @p0 [tilespmem:s21+$0x0];
	_ =	sdelay $0x4  }
0x184: {  	(xrf1) =	vsort.ascd.msk.f32 @p0 $0xffff, v0, v1;
	_ =	sdelay $0xa  }
0x185: {  	v0 =	vlaneseq.u32 @p0  }
0x186: {  	v0 =	vmul.u32 @p0 $0xFFFFFFFF, v0;
	_ =	sdelay $0x1  }
0x187: {  	v0 =	vadd.s32 @p0 $0xF, v0;
	v1, v6, _ =	vpop @p0 (xrf1)  }
0x188: {  	v1 =	vperm.xlane @p0 v1, v0  }
0x189: {  	v6 =	vperm.xlane @p0 v6, v0  }
0x18a: {  	vm0 =	vle.f32 @p0 v2, v1  }
0x18b: {  	v1 =	vmin.f32 @p0 v2, v1;
	v6 =	vsel @p0 vm0, v3, v6  }
0x18c: {  	(xrf1) =	vsort.ascd.msk.f32 @p0 $0xffff, v1, v6;
	_ =	sdelay $0xd  }
0x18d: {  	v1, v6, _ =	vpop @p0 (xrf1)  }
0x18e: {  	v1 =	vperm.xlane @p0 v1, v0  }
0x18f: {  	v0 =	vperm.xlane @p0 v6, v0  }
0x190: {  	vm0 =	vle.f32 @p0 v4, v1;
	v6 =	vmin.f32 @p0 v4, v1;
	v1 =	vmax.f32 @p0 v4, v1  }
0x191: {  	v7 =	vsel @p0 vm0, v5, v0;
	v0 =	vsel @p0 vm0, v0, v5  }
0x192: {  	(xrf1) =	vsort.ascd.msk.f32 @p0 $0xffff, v1, v0  }
0x193: {  	(xrf1) =	vsort.ascd.msk.f32 @p0 $0xffff, v6, v7;
	_ =	sdelay $0x4  }
.Ltmp10:
0x194: {  	(pc) =	sbr.rel @!p1 .LBB2_12-.Ltmp10, $2  }
0x195: {  	_ =	sdelay $0x2  }
0x196: {  	s23 =	sadd.s32 $0x10, s23  }
.LBB2_13:
0x197: {  	_ =	sdelay $0x2  }
0x198: {  	v0, v1, _ =	vpop @p0 (xrf1)  }
0x199: {  	(xrf0) =	vmax.scan.msk.f32 @p0 $0xffff, v0;
	_ =	sdelay $0x5  }
0x19a: {  	v0, _, _ =	vpop @p0 (xrf0)  }
0x19b: {  	(v2sf) =	vpush @p0 v0, $0xF;
	_ =	sdelay $0xb  }
0x19c: {  	p1 =	seq.s32 s19, $0x1  }
.Ltmp11:
0x19d: {  	_ = 	snop;
	(pc) =	sbr.rel @p1 .LBB2_14-.Ltmp11, $4  }
0x19e: {  	_ = 	snop  }
0x19f: {  	s21 =	spop @p0 (v2sf)  }
0x1a0: {  	s22 =	simm.s32 $0x10800;
	s19 =	sadd.s32 $0xFFFFFFFF, s19;
	s20 =	smov.u32 @p0 s21  }
0x1a1: {  	v3 =	vld [tilespmem:s22+$0x0];
	v0, v1, _ =	vpop @p0 (xrf1);
	s21 =	simm.s32 $0x10A80;
	p0 =	por $0x0, $0x0;
	v2 =	vmov s20;
	s20 =	simm.s32 $0x0  }
0x1a2: {  	_ =	sdelay $0x3  }
0x1a3: {  	vm0 =	vle.f32 v3, v2  }
0x1a4: {  	v1 =	vmpcnt.ones.xlane vm0;
	_ =	sdelay $0x1  }
0x1a5: {  	(v2sf) =	vpush v1, $0x0;
	_ =	sdelay $0x1  }
0x1a6: {  	v0 =	vld [tilespmem:s21+$0x0]  }
0x1a7: {  	p1 =	seq.s32 s19, $0x1  }
.Ltmp12:
0x1a8: {  	_ = 	snop;
	(pc) =	sbr.rel @p1 .LBB2_21-.Ltmp12, $3  }
0x1a9: {  	_ =	sdelay $0x1  }
0x1aa: {  	s23 =	simm.s32 $0x10810;
	s24 =	sadd.s32 $0xFFFFFFFF, s19;
	[tilespmem:s20+$0x10D00] =	vst.msk vm0, v0  }
0x1ab: {  	p0 =	por $0x1, $0x1;
	s19 =	simm.s32 $0x10A80;
	s22 =	simm.s32 $0x0;
	v3 =	vld [tilespmem:s23+$0x0]  }
.LBB2_22:
0x1ac: {  	p1 =	seq.s32 s24, $0x1;
	_ =	sdelay $0x1  }
0x1ad: {  	s19 =	sadd.s32 $0x10, s19  }
0x1ae: {  	v0 =	vld [tilespmem:s19+$0x0]  }
0x1af: {  	vm0 =	vle.f32 v3, v2  }
0x1b0: {  	v1 =	vmpcnt.ones.xlane vm0  }
0x1b1: {  	s25 =	spop (v2sf)  }
0x1b2: {  	(v2sf) =	vpush v1, $0x0;
	s22 =	sadd.s32 s22, s25  }
0x1b3: {  	[tilespmem:s22+$0x10D00] =	vst.msk vm0, v0;
	_ =	sdelay $0x2  }
.Ltmp13:
0x1b4: {  	(pc) =	sbr.rel @!p1 .LBB2_22-.Ltmp13, $3  }
0x1b5: {  	_ =	sdelay $0x1  }
0x1b6: {  	s23 =	sadd.s32 $0x10, s23  }
0x1b7: {  	s24 =	sadd.s32 $0xFFFFFFFF, s24;
	v3 =	vld [tilespmem:s23+$0x0]  }
.LBB2_23:
0x1b8: {  	_ =	sdelay $0x3  }
0x1b9: {  	vm0 =	vle.f32 v3, v2  }
0x1ba: {  	v0 =	vmpcnt.ones.xlane vm0;
	_ =	sdelay $0x1  }
0x1bb: {  	(v2sf) =	vpush v0, $0x0;
	_ =	sdelay $0x8  }
0x1bc: {  	s19 =	sadd.s32 @p0 $0x10, s19  }
0x1bd: {  	s21 =	smov.u32 @p0 s19  }
0x1be: {  	v0 =	vld [tilespmem:s21+$0x0];
	_ =	sdelay $0x1  }
0x1bf: {  	s19 =	spop @p0 (v2sf)  }
0x1c0: {  	s19 =	sadd.s32 @p0 s22, s19  }
0x1c1: {  	s20 =	smov.u32 @p0 s19;
	s31 =	spop (v2sf)  }
0x1c2: {  	[tilespmem:s20+$0x10D00] =	vst.msk vm0, v0;
	s19 =	sadd.s32 s20, s31  }
0x1c3: {  	p0 =	slt.s32 s19, $0x1  }
.Ltmp14:
0x1c4: {  	_ = 	snop;
	(pc) =	sbr.rel @p0 .LBB2_24-.Ltmp14, $1  }
0x1c5: {  	_ =	sdelay $0x3  }
0x1c6: {  	s20 =	simm.s32 $0x0  }
0x1c7: {  	s21 =	sand.u32 $0x7FFFFFF0, s20  }
0x1c8: {  	v0 =	vld [tilespmem:s21+$0x10D00];
	_ =	sdelay $0x3  }
0x1c9: {  	v1 =	vmov s20  }
0x1ca: {  	v0 =	vperm.xlane v0, v1;
	_ =	sdelay $0x1  }
0x1cb: {  	v1 =	vshll.u32 v0, $0x4  }
0x1cc: {  	v3 =	vmul.u32 $0x10, v8;
	v0 =	vand.u32 $0xF, v0;
	v1 =	vand.u32 $0xFFFFFF00, v1  }
0x1cd: {  	v0 =	vor.u32 v1, v0  }
0x1ce: {  	v4 =	vor.u32 v3, v0;
	_ =	sdelay $0x4  }
0x1cf: {  	v0 =	vld.idx.msk [tilespmem:v4+s13+$0x0], $0xffff  }
0x1d0: {  	p0 =	seq.s32 s19, $0x1  }
.Ltmp15:
0x1d1: {  	_ = 	snop;
	(pc) =	sbr.rel @p0 .LBB2_18-.Ltmp15, $3  }
0x1d2: {  	_ =	sdelay $0x1  }
0x1d3: {  	vm0 =	vle.f32 v0, v2  }
0x1d4: {  	s21 =	simm.s32 $0x1;
	[tilespmem:s20+$0x10F80] =	vst.msk vm0, v0;
	v5 =	vmpcnt.ones.xlane vm0  }
.LBB2_17:
0x1d5: {  	s22 =	sand.u32 $0x7FFFFFF0, s21;
	[tilespmem:s20+$0x13000] =	vst.msk vm0, v4;
	s23 =	smov.u32 s21;
	s21 =	sadd.s32 $0x1, s21  }
0x1d6: {  	v0 =	vld [tilespmem:s22+$0x10D00];
	p0 =	seq.s32 s19, s21;
	(v2sf) =	vpush v5, $0x0;
	_ =	sdelay $0x3  }
0x1d7: {  	v1 =	vmov s23  }
0x1d8: {  	v0 =	vperm.xlane v0, v1;
	_ =	sdelay $0x1  }
0x1d9: {  	v1 =	vshll.u32 v0, $0x4  }
0x1da: {  	v0 =	vand.u32 $0xF, v0;
	v1 =	vand.u32 $0xFFFFFF00, v1  }
0x1db: {  	v0 =	vor.u32 v1, v0  }
0x1dc: {  	v4 =	vor.u32 v3, v0;
	_ =	sdelay $0x4  }
0x1dd: {  	v0 =	vld.idx.msk [tilespmem:v4+s13+$0x0], $0xffff;
	s22 =	spop (v2sf)  }
0x1de: {  	s20 =	sadd.s32 s20, s22;
	_ =	sdelay $0x1  }
.Ltmp16:
0x1df: {  	(pc) =	sbr.rel @!p0 .LBB2_17-.Ltmp16, $3  }
0x1e0: {  	_ =	sdelay $0x1  }
0x1e1: {  	vm0 =	vle.f32 v0, v2  }
0x1e2: {  	v5 =	vmpcnt.ones.xlane vm0;
	[tilespmem:s20+$0x10F80] =	vst.msk vm0, v0  }
.LBB2_18:
0x1e3: {  	_ = 	snop  }
0x1e4: {  	(v2sf) =	vpush v5, $0x0;
	_ =	sdelay $0xe  }
0x1e5: {  	s19 =	spop (v2sf)  }
0x1e6: {  	s19 =	sadd.s32 s20, s19  }
0x1e7: {  	[tilespmem:s20+$0x13000] =	vst.msk vm0, v4;
	s20 =	sadd.s32 $0xF, s19  }
0x1e8: {  	s21 =	sshrl.u32 s20, $0x4  }
0x1e9: {  	p0 =	seq.s32 s21, $0x0  }
.Ltmp17:
0x1ea: {  	_ = 	snop;
	(pc) =	sbr.rel @p0 .LBB2_19-.Ltmp17, $3  }
0x1eb: {  	_ =	sdelay $0x1  }
0x1ec: {  	v3 =	vimm.f32 $+Inf  }
0x1ed: {  	v2 =	vimm.s32 $0x2000;
	[tilespmem:s19+$0x10F80] =	vst v3  }
0x1ee: {  	s19 =	simm.s32 $0x10F80  }
0x1ef: {  	v0 =	vld [tilespmem:s19+$0x0];
	_ =	sdelay $0x4  }
0x1f0: {  	(xrf0) =	vmin.scan.msk.f32 $0xffff, v0;
	_ =	sdelay $0x5  }
0x1f1: {  	v1, _, _ =	vpop (xrf0)  }
0x1f2: {  	(v2sf) =	vpush v1, $0xF;
	_ =	sdelay $0xe  }
0x1f3: {  	s19 =	simm.f32 $+Inf;
	s20 =	spop (v2sf)  }
0x1f4: {  	p0 =	slt.f32 s20, s19  }
0x1f5: {  	s20 =	simm.s32 $0x13000  }
0x1f6: {  	v1 =	vld @p0 [tilespmem:s20+$0x0];
	_ =	sdelay $0x4  }
0x1f7: {  	(xrf1) =	vsort.ascd.msk.f32 @p0 $0xffff, v0, v1;
	_ =	sdelay $0xa  }
0x1f8: {  	v0 =	vlaneseq.u32 @p0  }
0x1f9: {  	v0 =	vmul.u32 @p0 $0xFFFFFFFF, v0;
	_ =	sdelay $0x1  }
0x1fa: {  	v0 =	vadd.s32 @p0 $0xF, v0;
	v1, v4, _ =	vpop @p0 (xrf1)  }
0x1fb: {  	v1 =	vperm.xlane @p0 v1, v0  }
0x1fc: {  	v4 =	vperm.xlane @p0 v4, v0  }
0x1fd: {  	vm0 =	vle.f32 @p0 v3, v1  }
0x1fe: {  	v1 =	vmin.f32 @p0 v3, v1;
	v4 =	vsel @p0 vm0, v2, v4  }
0x1ff: {  	(xrf1) =	vsort.ascd.msk.f32 @p0 $0xffff, v1, v4;
	_ =	sdelay $0xd  }
0x200: {  	v1, v4, _ =	vpop @p0 (xrf1)  }
0x201: {  	v1 =	vperm.xlane @p0 v1, v0  }
0x202: {  	v0 =	vperm.xlane @p0 v4, v0  }
0x203: {  	vm0 =	vle.f32 @p0 v3, v1  }
0x204: {  	v4 =	vmax.f32 @p0 v3, v1;
	v5 =	vsel @p0 vm0, v0, v2  }
0x205: {  	v1 =	vmin.f32 @p0 v3, v1;
	v0 =	vsel @p0 vm0, v2, v0;
	(xrf1) =	vsort.ascd.msk.f32 @p0 $0xffff, v4, v5  }
0x206: {  	(xrf1) =	vsort.ascd.msk.f32 @p0 $0xffff, v1, v0;
	_ =	sdelay $0x2  }
0x207: {  	s21 =	sadd.s32 $0xFFFFFFFF, s21  }
0x208: {  	p1 =	sne.s32 s21, $0x0  }
.Ltmp18:
0x209: {  	_ = 	snop;
	(pc) =	sbr.rel @!p1 .LBB2_27-.Ltmp18, $2  }
0x20a: {  	_ =	sdelay $0x2  }
0x20b: {  	s22 =	simm.s32 $0x10F90;
	v5 =	vimm.f32 $+Inf;
	v4 =	vimm.s32 $0x2000  }
.LBB2_26:
0x20c: {  	v0 =	vld [tilespmem:s22+$0x0];
	s21 =	sadd.s32 $0xFFFFFFFF, s21  }
0x20d: {  	p1 =	sne.s32 s21, $0x0;
	_ =	sdelay $0x1  }
0x20e: {  	v1, v6, _ =	vpop @p0 (xrf1)  }
0x20f: {  	v3 =	vpsel p0, v1, v3;
	v2 =	vpsel p0, v6, v2;
	v6, v7, _ =	vpop @p0 (xrf1);
	(xrf0) =	vmax.scan.msk.f32 @p0 $0xffff, v1  }
0x210: {  	(xrf0) =	vmin.scan.msk.f32 $0xffff, v0;
	v5 =	vpsel p0, v6, v5;
	v4 =	vpsel p0, v7, v4;
	_ =	sdelay $0x4  }
0x211: {  	v1, _, _ =	vpop @p0 (xrf0)  }
0x212: {  	v6, _, _ =	vpop (xrf0);
	(v2sf) =	vpush @p0 v1, $0xF  }
0x213: {  	(v2sf) =	vpush v6, $0xF;
	_ =	sdelay $0xd  }
0x214: {  	s23 =	spop @p0 (v2sf)  }
0x215: {  	s24 =	spop (v2sf);
	s19 =	smov.u32 @p0 s23  }
0x216: {  	p0 =	slt.f32 s24, s19  }
0x217: {  	s20 =	sadd.s32 $0x10, s20  }
0x218: {  	v1 =	vld @p0 [tilespmem:s20+$0x0];
	_ =	sdelay $0x4  }
0x219: {  	(xrf1) =	vsort.ascd.msk.f32 @p0 $0xffff, v0, v1;
	_ =	sdelay $0xa  }
0x21a: {  	v0 =	vlaneseq.u32 @p0  }
0x21b: {  	v0 =	vmul.u32 @p0 $0xFFFFFFFF, v0;
	_ =	sdelay $0x1  }
0x21c: {  	v0 =	vadd.s32 @p0 $0xF, v0;
	v1, v6, _ =	vpop @p0 (xrf1)  }
0x21d: {  	v1 =	vperm.xlane @p0 v1, v0  }
0x21e: {  	v6 =	vperm.xlane @p0 v6, v0  }
0x21f: {  	vm0 =	vle.f32 @p0 v3, v1  }
0x220: {  	v1 =	vmin.f32 @p0 v3, v1;
	v6 =	vsel @p0 vm0, v2, v6  }
0x221: {  	(xrf1) =	vsort.ascd.msk.f32 @p0 $0xffff, v1, v6;
	_ =	sdelay $0xd  }
0x222: {  	v1, v6, _ =	vpop @p0 (xrf1)  }
0x223: {  	v1 =	vperm.xlane @p0 v1, v0  }
0x224: {  	v0 =	vperm.xlane @p0 v6, v0  }
0x225: {  	vm0 =	vle.f32 @p0 v5, v1;
	v6 =	vmin.f32 @p0 v5, v1;
	v1 =	vmax.f32 @p0 v5, v1  }
0x226: {  	v7 =	vsel @p0 vm0, v4, v0;
	v0 =	vsel @p0 vm0, v0, v4  }
0x227: {  	(xrf1) =	vsort.ascd.msk.f32 @p0 $0xffff, v1, v0  }
0x228: {  	(xrf1) =	vsort.ascd.msk.f32 @p0 $0xffff, v6, v7;
	_ =	sdelay $0x4  }
.Ltmp19:
0x229: {  	(pc) =	sbr.rel @p1 .LBB2_26-.Ltmp19, $2  }
0x22a: {  	_ =	sdelay $0x2  }
0x22b: {  	s22 =	sadd.s32 $0x10, s22  }
.LBB2_27:
0x22c: {  	_ =	sdelay $0x2  }
0x22d: {  	v0, v1, _ =	vpop @p0 (xrf1)  }
0x22e: {  	(xrf0) =	vmax.scan.msk.f32 @p0 $0xffff, v0;
	_ =	sdelay $0x5  }
0x22f: {  	v0, _, _ =	vpop @p0 (xrf0)  }
0x230: {  	(v2sf) =	vpush @p0 v0, $0xF;
	_ =	sdelay $0xa  }
.Ltmp20:
0x231: {  	_ = 	snop;
	(pc) =	sbr.rel .LBB2_28-.Ltmp20, $3  }
0x232: {  	_ =	sdelay $0x1  }
0x233: {  	v3 =	vpsel p0, v1, v2;
	v0, v1, _ =	vpop @p0 (xrf1)  }
0x234: {  	v2 =	vpsel p0, v1, v4;
	s19 =	spop @p0 (v2sf)  }
.LBB2_24:
0x235: {  	[tilespmem:$0x10F80] =	vst v9;
	v2 =	vimm.s32 $0x2000;
	v3 =	vimm.s32 $0x2000  }
.LBB2_28:
0x236: {  	s19 =	sshll.u32 s15, $0x7  }
0x237: {  	s19 =	sand.u32 $0x3FFFFF80, s19  }
0x238: {  	s20 =	simm.s32 $0x0;
	[tilespmem:s19+$0x15080] =	vst v2  }
0x239: {  	s20 =	sand.u32 $0x1F0, s20;
	[tilespmem:s19+$0x15090] =	vst v3  }
0x23a: {  	v4 =	vld [tilespmem:s20+$0x10200];
	_ =	sdelay $0x3  }
0x23b: {  	v2 =	vimm.f32 $+Inf;
	s19 =	simm.s32 $0x10;
	v3 =	vimm.f32 $+Inf  }
.LBB2_29:
0x23c: {  	s20 =	sand.u32 $0x1F0, s19;
	p0 =	sne.s32 s19, $0x1F0;
	s19 =	sadd.s32 $0x10, s19;
	v0 =	vmax.f32 v2, v4;
	v1 =	vmov v4  }
.Ltmp21:
0x23d: {  	v4 =	vld [tilespmem:s20+$0x10200];
	v3 =	vmin.f32 v3, v0;
	(pc) =	sbr.rel @p0 .LBB2_29-.Ltmp21, $2  }
0x23e: {  	_ =	sdelay $0x2  }
0x23f: {  	v2 =	vmin.f32 v2, v1  }
0x240: {  	v0 =	vmax.f32 v2, v4  }
0x241: {  	v0 =	vmin.f32 v3, v0  }
0x242: {  	(xrf0) =	vmax.scan.msk.f32 $0xffff, v0;
	_ =	sdelay $0x1  }
0x243: {  	s19 =	simm.s32 $0x0  }
0x244: {  	s20 =	sand.u32 $0x1F0, s19  }
0x245: {  	v0 =	vld [tilespmem:s20+$0x10200];
	_ =	sdelay $0x1  }
0x246: {  	v1, _, _ =	vpop (xrf0)  }
0x247: {  	v2 =	vbroadcast v1, $0xF;
	_ =	sdelay $0x1  }
0x248: {  	vm0 =	vle.f32 v0, v2  }
0x249: {  	v1 =	vmpcnt.ones.xlane vm0;
	_ =	sdelay $0x1  }
0x24a: {  	(v2sf) =	vpush v1, $0x0;
	_ =	sdelay $0x5  }
0x24b: {  	s20 =	simm.s32 $0x10;
	[tilespmem:s19+$0x10800] =	vst.msk vm0, v0;
	v0 =	vor.u32 s19, v8  }
0x24c: {  	s21 =	simm.s32 $0x20;
	s22 =	sand.u32 $0x1F0, s20;
	[tilespmem:s19+$0x10A80] =	vst.msk vm0, v0  }
.LBB2_31:
0x24d: {  	p0 =	sne.s32 s21, $0x1F0;
	v0 =	vld [tilespmem:s22+$0x10200];
	_ =	sdelay $0x4  }
0x24e: {  	vm0 =	vle.f32 v0, v2  }
0x24f: {  	v1 =	vmpcnt.ones.xlane vm0  }
0x250: {  	s22 =	spop (v2sf)  }
0x251: {  	(v2sf) =	vpush v1, $0x0;
	s19 =	sadd.s32 s19, s22  }
0x252: {  	[tilespmem:s19+$0x10800] =	vst.msk vm0, v0;
	v0 =	vor.u32 s20, v8;
	s20 =	smov.u32 s21  }
0x253: {  	[tilespmem:s19+$0x10A80] =	vst.msk vm0, v0  }
.Ltmp22:
0x254: {  	(pc) =	sbr.rel @p0 .LBB2_31-.Ltmp22, $2  }
0x255: {  	_ =	sdelay $0x2  }
0x256: {  	s21 =	sadd.s32 $0x10, s21;
	s22 =	sand.u32 $0x1F0, s20  }
0x257: {  	v0 =	vld [tilespmem:s22+$0x10200];
	_ =	sdelay $0x4  }
0x258: {  	vm0 =	vle.f32 v0, v2  }
0x259: {  	v1 =	vmpcnt.ones.xlane vm0;
	_ =	sdelay $0x1  }
0x25a: {  	(v2sf) =	vpush v1, $0x0;
	_ =	sdelay $0xd  }
0x25b: {  	s21 =	spop (v2sf)  }
0x25c: {  	s21 =	sadd.s32 s19, s21;
	s30 =	spop (v2sf)  }
0x25d: {  	s31 =	sadd.s32 s21, s30  }
0x25e: {  	s19 =	sadd.s32 $0xF, s31  }
0x25f: {  	s19 =	sshrl.u32 s19, $0x4  }
0x260: {  	p0 =	seq.s32 s19, $0x0  }
.Ltmp23:
0x261: {  	_ = 	snop;
	(pc) =	sbr.rel @p0 .LBB2_46-.Ltmp23, $4  }
0x262: {  	_ = 	snop  }
0x263: {  	v1 =	vor.u32 s20, v8;
	[tilespmem:s21+$0x10800] =	vst.msk vm0, v0  }
0x264: {  	v2 =	vimm.f32 $+Inf;
	[tilespmem:s21+$0x10A80] =	vst.msk vm0, v1  }
0x265: {  	[tilespmem:s31+$0x10800] =	vst v2  }
0x266: {  	s22 =	simm.s32 $0x10800  }
0x267: {  	v0 =	vld [tilespmem:s22+$0x0];
	_ =	sdelay $0x4  }
0x268: {  	(xrf0) =	vmin.scan.msk.f32 $0xffff, v0;
	_ =	sdelay $0x5  }
0x269: {  	v1, _, _ =	vpop (xrf0)  }
0x26a: {  	(v2sf) =	vpush v1, $0xF;
	_ =	sdelay $0xe  }
0x26b: {  	s20 =	simm.f32 $+Inf;
	s31 =	spop (v2sf)  }
0x26c: {  	p0 =	slt.f32 s31, s20  }
0x26d: {  	s21 =	simm.s32 $0x10A80  }
0x26e: {  	v1 =	vld @p0 [tilespmem:s21+$0x0];
	_ =	sdelay $0x4  }
0x26f: {  	(xrf1) =	vsort.ascd.msk.f32 @p0 $0xffff, v0, v1;
	_ =	sdelay $0xa  }
0x270: {  	v0 =	vlaneseq.u32 @p0  }
0x271: {  	v0 =	vmul.u32 @p0 $0xFFFFFFFF, v0;
	_ =	sdelay $0x1  }
0x272: {  	v0 =	vadd.s32 @p0 $0xF, v0;
	v1, v4, _ =	vpop @p0 (xrf1)  }
0x273: {  	v1 =	vperm.xlane @p0 v1, v0  }
0x274: {  	v4 =	vperm.xlane @p0 v4, v0  }
0x275: {  	v3 =	vimm.s32 $0x2000;
	vm0 =	vle.f32 @p0 v2, v1  }
0x276: {  	v1 =	vmin.f32 @p0 v2, v1;
	v4 =	vsel @p0 vm0, v3, v4  }
0x277: {  	(xrf1) =	vsort.ascd.msk.f32 @p0 $0xffff, v1, v4;
	_ =	sdelay $0xd  }
0x278: {  	v1, v4, _ =	vpop @p0 (xrf1)  }
0x279: {  	v1 =	vperm.xlane @p0 v1, v0  }
0x27a: {  	v0 =	vperm.xlane @p0 v4, v0  }
0x27b: {  	vm0 =	vle.f32 @p0 v2, v1  }
0x27c: {  	v4 =	vmax.f32 @p0 v2, v1;
	v5 =	vsel @p0 vm0, v0, v3  }
0x27d: {  	v1 =	vmin.f32 @p0 v2, v1;
	v0 =	vsel @p0 vm0, v3, v0;
	(xrf1) =	vsort.ascd.msk.f32 @p0 $0xffff, v4, v5  }
0x27e: {  	(xrf1) =	vsort.ascd.msk.f32 @p0 $0xffff, v1, v0;
	_ =	sdelay $0x2  }
0x27f: {  	s22 =	sadd.s32 $0xFFFFFFFF, s19  }
0x280: {  	p1 =	seq.s32 s22, $0x0  }
.Ltmp24:
0x281: {  	_ = 	snop;
	(pc) =	sbr.rel @p1 .LBB2_35-.Ltmp24, $2  }
0x282: {  	_ =	sdelay $0x2  }
0x283: {  	s23 =	simm.s32 $0x10810;
	v4 =	vimm.f32 $+Inf;
	v5 =	vimm.s32 $0x2000  }
.LBB2_34:
0x284: {  	v0 =	vld [tilespmem:s23+$0x0];
	s22 =	sadd.s32 $0xFFFFFFFF, s22  }
0x285: {  	p1 =	seq.s32 s22, $0x0;
	_ =	sdelay $0x1  }
0x286: {  	v1, v6, _ =	vpop @p0 (xrf1)  }
0x287: {  	v2 =	vpsel p0, v1, v2;
	v3 =	vpsel p0, v6, v3;
	v6, v7, _ =	vpop @p0 (xrf1);
	(xrf0) =	vmax.scan.msk.f32 @p0 $0xffff, v1  }
0x288: {  	(xrf0) =	vmin.scan.msk.f32 $0xffff, v0;
	v4 =	vpsel p0, v6, v4;
	v5 =	vpsel p0, v7, v5;
	_ =	sdelay $0x4  }
0x289: {  	v1, _, _ =	vpop @p0 (xrf0)  }
0x28a: {  	v6, _, _ =	vpop (xrf0);
	(v2sf) =	vpush @p0 v1, $0xF  }
0x28b: {  	(v2sf) =	vpush v6, $0xF;
	_ =	sdelay $0xd  }
0x28c: {  	s24 =	spop @p0 (v2sf)  }
0x28d: {  	s25 =	spop (v2sf);
	s20 =	smov.u32 @p0 s24  }
0x28e: {  	p0 =	slt.f32 s25, s20  }
0x28f: {  	s21 =	sadd.s32 $0x10, s21  }
0x290: {  	v1 =	vld @p0 [tilespmem:s21+$0x0];
	_ =	sdelay $0x4  }
0x291: {  	(xrf1) =	vsort.ascd.msk.f32 @p0 $0xffff, v0, v1;
	_ =	sdelay $0xa  }
0x292: {  	v0 =	vlaneseq.u32 @p0  }
0x293: {  	v0 =	vmul.u32 @p0 $0xFFFFFFFF, v0;
	_ =	sdelay $0x1  }
0x294: {  	v0 =	vadd.s32 @p0 $0xF, v0;
	v1, v6, _ =	vpop @p0 (xrf1)  }
0x295: {  	v1 =	vperm.xlane @p0 v1, v0  }
0x296: {  	v6 =	vperm.xlane @p0 v6, v0  }
0x297: {  	vm0 =	vle.f32 @p0 v2, v1  }
0x298: {  	v1 =	vmin.f32 @p0 v2, v1;
	v6 =	vsel @p0 vm0, v3, v6  }
0x299: {  	(xrf1) =	vsort.ascd.msk.f32 @p0 $0xffff, v1, v6;
	_ =	sdelay $0xd  }
0x29a: {  	v1, v6, _ =	vpop @p0 (xrf1)  }
0x29b: {  	v1 =	vperm.xlane @p0 v1, v0  }
0x29c: {  	v0 =	vperm.xlane @p0 v6, v0  }
0x29d: {  	vm0 =	vle.f32 @p0 v4, v1;
	v6 =	vmin.f32 @p0 v4, v1;
	v1 =	vmax.f32 @p0 v4, v1  }
0x29e: {  	v7 =	vsel @p0 vm0, v5, v0;
	v0 =	vsel @p0 vm0, v0, v5  }
0x29f: {  	(xrf1) =	vsort.ascd.msk.f32 @p0 $0xffff, v1, v0  }
0x2a0: {  	(xrf1) =	vsort.ascd.msk.f32 @p0 $0xffff, v6, v7;
	_ =	sdelay $0x4  }
.Ltmp25:
0x2a1: {  	(pc) =	sbr.rel @!p1 .LBB2_34-.Ltmp25, $2  }
0x2a2: {  	_ =	sdelay $0x2  }
0x2a3: {  	s23 =	sadd.s32 $0x10, s23  }
.LBB2_35:
0x2a4: {  	_ =	sdelay $0x2  }
0x2a5: {  	v0, v1, _ =	vpop @p0 (xrf1)  }
0x2a6: {  	(xrf0) =	vmax.scan.msk.f32 @p0 $0xffff, v0;
	_ =	sdelay $0x5  }
0x2a7: {  	v0, _, _ =	vpop @p0 (xrf0)  }
0x2a8: {  	(v2sf) =	vpush @p0 v0, $0xF;
	_ =	sdelay $0xb  }
0x2a9: {  	p1 =	seq.s32 s19, $0x1  }
.Ltmp26:
0x2aa: {  	_ = 	snop;
	(pc) =	sbr.rel @p1 .LBB2_36-.Ltmp26, $4  }
0x2ab: {  	_ = 	snop  }
0x2ac: {  	s21 =	spop @p0 (v2sf)  }
0x2ad: {  	s22 =	simm.s32 $0x10800;
	s19 =	sadd.s32 $0xFFFFFFFF, s19;
	s20 =	smov.u32 @p0 s21  }
0x2ae: {  	v3 =	vld [tilespmem:s22+$0x0];
	v0, v1, _ =	vpop @p0 (xrf1);
	s21 =	simm.s32 $0x10A80;
	p0 =	por $0x0, $0x0;
	v2 =	vmov s20;
	s20 =	simm.s32 $0x0  }
0x2af: {  	_ =	sdelay $0x3  }
0x2b0: {  	vm0 =	vle.f32 v3, v2  }
0x2b1: {  	v1 =	vmpcnt.ones.xlane vm0;
	_ =	sdelay $0x1  }
0x2b2: {  	(v2sf) =	vpush v1, $0x0;
	_ =	sdelay $0x1  }
0x2b3: {  	v0 =	vld [tilespmem:s21+$0x0]  }
0x2b4: {  	p1 =	seq.s32 s19, $0x1  }
.Ltmp27:
0x2b5: {  	_ = 	snop;
	(pc) =	sbr.rel @p1 .LBB2_43-.Ltmp27, $3  }
0x2b6: {  	_ =	sdelay $0x1  }
0x2b7: {  	s23 =	simm.s32 $0x10810;
	s24 =	sadd.s32 $0xFFFFFFFF, s19;
	[tilespmem:s20+$0x10D00] =	vst.msk vm0, v0  }
0x2b8: {  	p0 =	por $0x1, $0x1;
	s19 =	simm.s32 $0x10A80;
	s22 =	simm.s32 $0x0;
	v3 =	vld [tilespmem:s23+$0x0]  }
.LBB2_44:
0x2b9: {  	p1 =	seq.s32 s24, $0x1;
	_ =	sdelay $0x1  }
0x2ba: {  	s19 =	sadd.s32 $0x10, s19  }
0x2bb: {  	v0 =	vld [tilespmem:s19+$0x0]  }
0x2bc: {  	vm0 =	vle.f32 v3, v2  }
0x2bd: {  	v1 =	vmpcnt.ones.xlane vm0  }
0x2be: {  	s25 =	spop (v2sf)  }
0x2bf: {  	(v2sf) =	vpush v1, $0x0;
	s22 =	sadd.s32 s22, s25  }
0x2c0: {  	[tilespmem:s22+$0x10D00] =	vst.msk vm0, v0;
	_ =	sdelay $0x2  }
.Ltmp28:
0x2c1: {  	(pc) =	sbr.rel @!p1 .LBB2_44-.Ltmp28, $3  }
0x2c2: {  	_ =	sdelay $0x1  }
0x2c3: {  	s23 =	sadd.s32 $0x10, s23  }
0x2c4: {  	s24 =	sadd.s32 $0xFFFFFFFF, s24;
	v3 =	vld [tilespmem:s23+$0x0]  }
.LBB2_45:
0x2c5: {  	_ =	sdelay $0x3  }
0x2c6: {  	vm0 =	vle.f32 v3, v2  }
0x2c7: {  	v0 =	vmpcnt.ones.xlane vm0;
	_ =	sdelay $0x1  }
0x2c8: {  	(v2sf) =	vpush v0, $0x0;
	_ =	sdelay $0x8  }
0x2c9: {  	s19 =	sadd.s32 @p0 $0x10, s19  }
0x2ca: {  	s21 =	smov.u32 @p0 s19  }
0x2cb: {  	v0 =	vld [tilespmem:s21+$0x0];
	_ =	sdelay $0x1  }
0x2cc: {  	s19 =	spop @p0 (v2sf)  }
0x2cd: {  	s19 =	sadd.s32 @p0 s22, s19  }
0x2ce: {  	s20 =	smov.u32 @p0 s19;
	s31 =	spop (v2sf)  }
0x2cf: {  	[tilespmem:s20+$0x10D00] =	vst.msk vm0, v0;
	s19 =	sadd.s32 s20, s31  }
0x2d0: {  	p0 =	slt.s32 s19, $0x1  }
.Ltmp29:
0x2d1: {  	_ = 	snop;
	(pc) =	sbr.rel @p0 .LBB2_46-.Ltmp29, $1  }
0x2d2: {  	_ =	sdelay $0x3  }
0x2d3: {  	s20 =	simm.s32 $0x0  }
0x2d4: {  	s21 =	sand.u32 $0x7FFFFFF0, s20  }
0x2d5: {  	v0 =	vld [tilespmem:s21+$0x10D00];
	_ =	sdelay $0x3  }
0x2d6: {  	v1 =	vmov s20  }
0x2d7: {  	v0 =	vperm.xlane v0, v1;
	_ =	sdelay $0x1  }
0x2d8: {  	v3 =	vmul.u32 $0x10, v8;
	v1 =	vshll.u32 v0, $0x4  }
0x2d9: {  	v0 =	vand.u32 $0xF, v0;
	v1 =	vand.u32 $0xFFFFFF00, v1  }
0x2da: {  	v4 =	vor.u32 $0x2000, v3;
	v0 =	vor.u32 v0, v1  }
0x2db: {  	v1 =	vadd.s32 v4, v0;
	_ =	sdelay $0x4  }
0x2dc: {  	v1 =	vld.idx.msk [tilespmem:v1+s13+$0x0], $0xffff  }
0x2dd: {  	p0 =	seq.s32 s19, $0x1  }
.Ltmp30:
0x2de: {  	_ = 	snop;
	(pc) =	sbr.rel @p0 .LBB2_40-.Ltmp30, $3  }
0x2df: {  	_ =	sdelay $0x1  }
0x2e0: {  	vm0 =	vle.f32 v1, v2  }
0x2e1: {  	s21 =	simm.s32 $0x1;
	v5 =	vor.u32 v3, v0;
	[tilespmem:s20+$0x10F80] =	vst.msk vm0, v1;
	v6 =	vmpcnt.ones.xlane vm0  }
.LBB2_39:
0x2e2: {  	s22 =	sand.u32 $0x7FFFFFF0, s21;
	[tilespmem:s20+$0x13000] =	vst.msk vm0, v5;
	s23 =	smov.u32 s21;
	s21 =	sadd.s32 $0x1, s21  }
0x2e3: {  	v0 =	vld [tilespmem:s22+$0x10D00];
	p0 =	seq.s32 s19, s21;
	(v2sf) =	vpush v6, $0x0;
	_ =	sdelay $0x3  }
0x2e4: {  	v1 =	vmov s23  }
0x2e5: {  	v0 =	vperm.xlane v0, v1;
	_ =	sdelay $0x1  }
0x2e6: {  	v1 =	vshll.u32 v0, $0x4  }
0x2e7: {  	v0 =	vand.u32 $0xF, v0;
	v1 =	vand.u32 $0xFFFFFF00, v1  }
0x2e8: {  	v0 =	vor.u32 v0, v1  }
0x2e9: {  	v5 =	vor.u32 v3, v0;
	v0 =	vadd.s32 v4, v0;
	_ =	sdelay $0x4  }
0x2ea: {  	v0 =	vld.idx.msk [tilespmem:v0+s13+$0x0], $0xffff;
	s22 =	spop (v2sf)  }
0x2eb: {  	s20 =	sadd.s32 s20, s22;
	_ =	sdelay $0x1  }
.Ltmp31:
0x2ec: {  	(pc) =	sbr.rel @!p0 .LBB2_39-.Ltmp31, $3  }
0x2ed: {  	_ =	sdelay $0x1  }
0x2ee: {  	vm0 =	vle.f32 v0, v2  }
0x2ef: {  	v6 =	vmpcnt.ones.xlane vm0;
	[tilespmem:s20+$0x10F80] =	vst.msk vm0, v0  }
.LBB2_40:
0x2f0: {  	_ = 	snop  }
0x2f1: {  	(v2sf) =	vpush v6, $0x0;
	_ =	sdelay $0xe  }
0x2f2: {  	s19 =	spop (v2sf)  }
0x2f3: {  	s19 =	sadd.s32 s20, s19  }
0x2f4: {  	[tilespmem:s20+$0x13000] =	vst.msk vm0, v5;
	s20 =	sadd.s32 $0xF, s19  }
0x2f5: {  	s21 =	sshrl.u32 s20, $0x4  }
0x2f6: {  	p0 =	seq.s32 s21, $0x0  }
.Ltmp32:
0x2f7: {  	_ = 	snop;
	(pc) =	sbr.rel @p0 .LBB2_41-.Ltmp32, $3  }
0x2f8: {  	_ =	sdelay $0x1  }
0x2f9: {  	v3 =	vimm.f32 $+Inf  }
0x2fa: {  	v2 =	vimm.s32 $0x2000;
	[tilespmem:s19+$0x10F80] =	vst v3  }
0x2fb: {  	s19 =	simm.s32 $0x10F80  }
0x2fc: {  	v0 =	vld [tilespmem:s19+$0x0];
	_ =	sdelay $0x4  }
0x2fd: {  	(xrf0) =	vmin.scan.msk.f32 $0xffff, v0;
	_ =	sdelay $0x5  }
0x2fe: {  	v1, _, _ =	vpop (xrf0)  }
0x2ff: {  	(v2sf) =	vpush v1, $0xF;
	_ =	sdelay $0xe  }
0x300: {  	s19 =	simm.f32 $+Inf;
	s20 =	spop (v2sf)  }
0x301: {  	p0 =	slt.f32 s20, s19  }
0x302: {  	s20 =	simm.s32 $0x13000  }
0x303: {  	v1 =	vld @p0 [tilespmem:s20+$0x0];
	_ =	sdelay $0x4  }
0x304: {  	(xrf1) =	vsort.ascd.msk.f32 @p0 $0xffff, v0, v1;
	_ =	sdelay $0xa  }
0x305: {  	v0 =	vlaneseq.u32 @p0  }
0x306: {  	v0 =	vmul.u32 @p0 $0xFFFFFFFF, v0;
	_ =	sdelay $0x1  }
0x307: {  	v0 =	vadd.s32 @p0 $0xF, v0;
	v1, v4, _ =	vpop @p0 (xrf1)  }
0x308: {  	v1 =	vperm.xlane @p0 v1, v0  }
0x309: {  	v4 =	vperm.xlane @p0 v4, v0  }
0x30a: {  	vm0 =	vle.f32 @p0 v3, v1  }
0x30b: {  	v1 =	vmin.f32 @p0 v3, v1;
	v4 =	vsel @p0 vm0, v2, v4  }
0x30c: {  	(xrf1) =	vsort.ascd.msk.f32 @p0 $0xffff, v1, v4;
	_ =	sdelay $0xd  }
0x30d: {  	v1, v4, _ =	vpop @p0 (xrf1)  }
0x30e: {  	v1 =	vperm.xlane @p0 v1, v0  }
0x30f: {  	v0 =	vperm.xlane @p0 v4, v0  }
0x310: {  	vm0 =	vle.f32 @p0 v3, v1  }
0x311: {  	v4 =	vmax.f32 @p0 v3, v1;
	v5 =	vsel @p0 vm0, v0, v2  }
0x312: {  	v1 =	vmin.f32 @p0 v3, v1;
	v0 =	vsel @p0 vm0, v2, v0;
	(xrf1) =	vsort.ascd.msk.f32 @p0 $0xffff, v4, v5  }
0x313: {  	(xrf1) =	vsort.ascd.msk.f32 @p0 $0xffff, v1, v0;
	_ =	sdelay $0x2  }
0x314: {  	s21 =	sadd.s32 $0xFFFFFFFF, s21  }
0x315: {  	p1 =	sne.s32 s21, $0x0  }
.Ltmp33:
0x316: {  	_ = 	snop;
	(pc) =	sbr.rel @!p1 .LBB2_49-.Ltmp33, $2  }
0x317: {  	_ =	sdelay $0x2  }
0x318: {  	s22 =	simm.s32 $0x10F90;
	v5 =	vimm.f32 $+Inf;
	v4 =	vimm.s32 $0x2000  }
.LBB2_48:
0x319: {  	v0 =	vld [tilespmem:s22+$0x0];
	s21 =	sadd.s32 $0xFFFFFFFF, s21  }
0x31a: {  	p1 =	sne.s32 s21, $0x0;
	_ =	sdelay $0x1  }
0x31b: {  	v1, v6, _ =	vpop @p0 (xrf1)  }
0x31c: {  	v3 =	vpsel p0, v1, v3;
	v2 =	vpsel p0, v6, v2;
	v6, v7, _ =	vpop @p0 (xrf1);
	(xrf0) =	vmax.scan.msk.f32 @p0 $0xffff, v1  }
0x31d: {  	(xrf0) =	vmin.scan.msk.f32 $0xffff, v0;
	v5 =	vpsel p0, v6, v5;
	v4 =	vpsel p0, v7, v4;
	_ =	sdelay $0x4  }
0x31e: {  	v1, _, _ =	vpop @p0 (xrf0)  }
0x31f: {  	v6, _, _ =	vpop (xrf0);
	(v2sf) =	vpush @p0 v1, $0xF  }
0x320: {  	(v2sf) =	vpush v6, $0xF;
	_ =	sdelay $0xd  }
0x321: {  	s23 =	spop @p0 (v2sf)  }
0x322: {  	s24 =	spop (v2sf);
	s19 =	smov.u32 @p0 s23  }
0x323: {  	p0 =	slt.f32 s24, s19  }
0x324: {  	s20 =	sadd.s32 $0x10, s20  }
0x325: {  	v1 =	vld @p0 [tilespmem:s20+$0x0];
	_ =	sdelay $0x4  }
0x326: {  	(xrf1) =	vsort.ascd.msk.f32 @p0 $0xffff, v0, v1;
	_ =	sdelay $0xa  }
0x327: {  	v0 =	vlaneseq.u32 @p0  }
0x328: {  	v0 =	vmul.u32 @p0 $0xFFFFFFFF, v0;
	_ =	sdelay $0x1  }
0x329: {  	v0 =	vadd.s32 @p0 $0xF, v0;
	v1, v6, _ =	vpop @p0 (xrf1)  }
0x32a: {  	v1 =	vperm.xlane @p0 v1, v0  }
0x32b: {  	v6 =	vperm.xlane @p0 v6, v0  }
0x32c: {  	vm0 =	vle.f32 @p0 v3, v1  }
0x32d: {  	v1 =	vmin.f32 @p0 v3, v1;
	v6 =	vsel @p0 vm0, v2, v6  }
0x32e: {  	(xrf1) =	vsort.ascd.msk.f32 @p0 $0xffff, v1, v6;
	_ =	sdelay $0xd  }
0x32f: {  	v1, v6, _ =	vpop @p0 (xrf1)  }
0x330: {  	v1 =	vperm.xlane @p0 v1, v0  }
0x331: {  	v0 =	vperm.xlane @p0 v6, v0  }
0x332: {  	vm0 =	vle.f32 @p0 v5, v1;
	v6 =	vmin.f32 @p0 v5, v1;
	v1 =	vmax.f32 @p0 v5, v1  }
0x333: {  	v7 =	vsel @p0 vm0, v4, v0;
	v0 =	vsel @p0 vm0, v0, v4  }
0x334: {  	(xrf1) =	vsort.ascd.msk.f32 @p0 $0xffff, v1, v0  }
0x335: {  	(xrf1) =	vsort.ascd.msk.f32 @p0 $0xffff, v6, v7;
	_ =	sdelay $0x4  }
.Ltmp34:
0x336: {  	(pc) =	sbr.rel @p1 .LBB2_48-.Ltmp34, $2  }
0x337: {  	_ =	sdelay $0x2  }
0x338: {  	s22 =	sadd.s32 $0x10, s22  }
.LBB2_49:
0x339: {  	_ =	sdelay $0x2  }
0x33a: {  	v0, v1, _ =	vpop @p0 (xrf1)  }
0x33b: {  	(xrf0) =	vmax.scan.msk.f32 @p0 $0xffff, v0;
	_ =	sdelay $0x5  }
0x33c: {  	v0, _, _ =	vpop @p0 (xrf0)  }
0x33d: {  	(v2sf) =	vpush @p0 v0, $0xF;
	_ =	sdelay $0xa  }
.Ltmp35:
0x33e: {  	_ = 	snop;
	(pc) =	sbr.rel .LBB2_50-.Ltmp35, $3  }
0x33f: {  	_ =	sdelay $0x1  }
0x340: {  	v3 =	vpsel p0, v1, v2;
	v0, v1, _ =	vpop @p0 (xrf1)  }
0x341: {  	v2 =	vpsel p0, v1, v4;
	s19 =	spop @p0 (v2sf)  }
.LBB2_46:
0x342: {  	[tilespmem:$0x10F80] =	vst v9;
	v2 =	vimm.s32 $0x2000;
	v3 =	vimm.s32 $0x2000  }
.LBB2_50:
0x343: {  	s18 =	sshll.u32 s18, $0x5  }
0x344: {  	s19 =	simm.s32 $0x0;
	[tilespmem:s18+$0x15080] =	vst v2;
	s18 =	sor.u32 $0x30, s18  }
0x345: {  	s19 =	sand.u32 $0x1F0, s19;
	[tilespmem:s18+$0x15080] =	vst v3  }
0x346: {  	v4 =	vld [tilespmem:s19+$0x10400];
	_ =	sdelay $0x3  }
0x347: {  	v2 =	vimm.f32 $+Inf;
	s18 =	simm.s32 $0x10;
	v3 =	vimm.f32 $+Inf  }
.LBB2_51:
0x348: {  	s19 =	sand.u32 $0x1F0, s18;
	p0 =	sne.s32 s18, $0x1F0;
	s18 =	sadd.s32 $0x10, s18;
	v0 =	vmax.f32 v2, v4;
	v1 =	vmov v4  }
.Ltmp36:
0x349: {  	v4 =	vld [tilespmem:s19+$0x10400];
	v3 =	vmin.f32 v3, v0;
	(pc) =	sbr.rel @p0 .LBB2_51-.Ltmp36, $2  }
0x34a: {  	_ =	sdelay $0x2  }
0x34b: {  	v2 =	vmin.f32 v2, v1  }
0x34c: {  	v0 =	vmax.f32 v2, v4  }
0x34d: {  	v0 =	vmin.f32 v3, v0  }
0x34e: {  	(xrf0) =	vmax.scan.msk.f32 $0xffff, v0;
	_ =	sdelay $0x1  }
0x34f: {  	s18 =	simm.s32 $0x0  }
0x350: {  	s19 =	sand.u32 $0x1F0, s18  }
0x351: {  	v0 =	vld [tilespmem:s19+$0x10400];
	_ =	sdelay $0x1  }
0x352: {  	v1, _, _ =	vpop (xrf0)  }
0x353: {  	v2 =	vbroadcast v1, $0xF;
	_ =	sdelay $0x1  }
0x354: {  	vm0 =	vle.f32 v0, v2  }
0x355: {  	v1 =	vmpcnt.ones.xlane vm0;
	_ =	sdelay $0x1  }
0x356: {  	(v2sf) =	vpush v1, $0x0;
	_ =	sdelay $0x5  }
0x357: {  	s19 =	simm.s32 $0x10;
	[tilespmem:s18+$0x10800] =	vst.msk vm0, v0;
	v0 =	vor.u32 s18, v8  }
0x358: {  	s20 =	simm.s32 $0x20;
	s21 =	sand.u32 $0x1F0, s19;
	[tilespmem:s18+$0x10A80] =	vst.msk vm0, v0  }
.LBB2_53:
0x359: {  	p0 =	sne.s32 s20, $0x1F0;
	v0 =	vld [tilespmem:s21+$0x10400];
	_ =	sdelay $0x4  }
0x35a: {  	vm0 =	vle.f32 v0, v2  }
0x35b: {  	v1 =	vmpcnt.ones.xlane vm0  }
0x35c: {  	s21 =	spop (v2sf)  }
0x35d: {  	(v2sf) =	vpush v1, $0x0;
	s18 =	sadd.s32 s18, s21  }
0x35e: {  	[tilespmem:s18+$0x10800] =	vst.msk vm0, v0;
	v0 =	vor.u32 s19, v8;
	s19 =	smov.u32 s20  }
0x35f: {  	[tilespmem:s18+$0x10A80] =	vst.msk vm0, v0  }
.Ltmp37:
0x360: {  	(pc) =	sbr.rel @p0 .LBB2_53-.Ltmp37, $2  }
0x361: {  	_ =	sdelay $0x2  }
0x362: {  	s20 =	sadd.s32 $0x10, s20;
	s21 =	sand.u32 $0x1F0, s19  }
0x363: {  	v0 =	vld [tilespmem:s21+$0x10400];
	_ =	sdelay $0x4  }
0x364: {  	vm0 =	vle.f32 v0, v2  }
0x365: {  	v1 =	vmpcnt.ones.xlane vm0;
	_ =	sdelay $0x1  }
0x366: {  	(v2sf) =	vpush v1, $0x0;
	_ =	sdelay $0xd  }
0x367: {  	s20 =	spop (v2sf)  }
0x368: {  	s20 =	sadd.s32 s18, s20;
	s30 =	spop (v2sf)  }
0x369: {  	s31 =	sadd.s32 s20, s30  }
0x36a: {  	s18 =	sadd.s32 $0xF, s31  }
0x36b: {  	s18 =	sshrl.u32 s18, $0x4  }
0x36c: {  	p0 =	seq.s32 s18, $0x0  }
.Ltmp38:
0x36d: {  	_ = 	snop;
	(pc) =	sbr.rel @p0 .LBB2_68-.Ltmp38, $4  }
0x36e: {  	_ = 	snop  }
0x36f: {  	v1 =	vor.u32 s19, v8;
	[tilespmem:s20+$0x10800] =	vst.msk vm0, v0  }
0x370: {  	v2 =	vimm.f32 $+Inf;
	[tilespmem:s20+$0x10A80] =	vst.msk vm0, v1  }
0x371: {  	[tilespmem:s31+$0x10800] =	vst v2  }
0x372: {  	s21 =	simm.s32 $0x10800  }
0x373: {  	v0 =	vld [tilespmem:s21+$0x0];
	_ =	sdelay $0x4  }
0x374: {  	(xrf0) =	vmin.scan.msk.f32 $0xffff, v0;
	_ =	sdelay $0x5  }
0x375: {  	v1, _, _ =	vpop (xrf0)  }
0x376: {  	(v2sf) =	vpush v1, $0xF;
	_ =	sdelay $0xe  }
0x377: {  	s19 =	simm.f32 $+Inf;
	s31 =	spop (v2sf)  }
0x378: {  	p0 =	slt.f32 s31, s19  }
0x379: {  	s20 =	simm.s32 $0x10A80  }
0x37a: {  	v1 =	vld @p0 [tilespmem:s20+$0x0];
	_ =	sdelay $0x4  }
0x37b: {  	(xrf1) =	vsort.ascd.msk.f32 @p0 $0xffff, v0, v1;
	_ =	sdelay $0xa  }
0x37c: {  	v0 =	vlaneseq.u32 @p0  }
0x37d: {  	v0 =	vmul.u32 @p0 $0xFFFFFFFF, v0;
	_ =	sdelay $0x1  }
0x37e: {  	v0 =	vadd.s32 @p0 $0xF, v0;
	v1, v4, _ =	vpop @p0 (xrf1)  }
0x37f: {  	v1 =	vperm.xlane @p0 v1, v0  }
0x380: {  	v4 =	vperm.xlane @p0 v4, v0  }
0x381: {  	v3 =	vimm.s32 $0x2000;
	vm0 =	vle.f32 @p0 v2, v1  }
0x382: {  	v1 =	vmin.f32 @p0 v2, v1;
	v4 =	vsel @p0 vm0, v3, v4  }
0x383: {  	(xrf1) =	vsort.ascd.msk.f32 @p0 $0xffff, v1, v4;
	_ =	sdelay $0xd  }
0x384: {  	v1, v4, _ =	vpop @p0 (xrf1)  }
0x385: {  	v1 =	vperm.xlane @p0 v1, v0  }
0x386: {  	v0 =	vperm.xlane @p0 v4, v0  }
0x387: {  	vm0 =	vle.f32 @p0 v2, v1  }
0x388: {  	v4 =	vmax.f32 @p0 v2, v1;
	v5 =	vsel @p0 vm0, v0, v3  }
0x389: {  	v1 =	vmin.f32 @p0 v2, v1;
	v0 =	vsel @p0 vm0, v3, v0;
	(xrf1) =	vsort.ascd.msk.f32 @p0 $0xffff, v4, v5  }
0x38a: {  	(xrf1) =	vsort.ascd.msk.f32 @p0 $0xffff, v1, v0;
	_ =	sdelay $0x2  }
0x38b: {  	s21 =	sadd.s32 $0xFFFFFFFF, s18  }
0x38c: {  	p1 =	seq.s32 s21, $0x0  }
.Ltmp39:
0x38d: {  	_ = 	snop;
	(pc) =	sbr.rel @p1 .LBB2_57-.Ltmp39, $2  }
0x38e: {  	_ =	sdelay $0x2  }
0x38f: {  	s22 =	simm.s32 $0x10810;
	v4 =	vimm.f32 $+Inf;
	v5 =	vimm.s32 $0x2000  }
.LBB2_56:
0x390: {  	v0 =	vld [tilespmem:s22+$0x0];
	s21 =	sadd.s32 $0xFFFFFFFF, s21  }
0x391: {  	p1 =	seq.s32 s21, $0x0;
	_ =	sdelay $0x1  }
0x392: {  	v1, v6, _ =	vpop @p0 (xrf1)  }
0x393: {  	v2 =	vpsel p0, v1, v2;
	v3 =	vpsel p0, v6, v3;
	v6, v7, _ =	vpop @p0 (xrf1);
	(xrf0) =	vmax.scan.msk.f32 @p0 $0xffff, v1  }
0x394: {  	(xrf0) =	vmin.scan.msk.f32 $0xffff, v0;
	v4 =	vpsel p0, v6, v4;
	v5 =	vpsel p0, v7, v5;
	_ =	sdelay $0x4  }
0x395: {  	v1, _, _ =	vpop @p0 (xrf0)  }
0x396: {  	v6, _, _ =	vpop (xrf0);
	(v2sf) =	vpush @p0 v1, $0xF  }
0x397: {  	(v2sf) =	vpush v6, $0xF;
	_ =	sdelay $0xd  }
0x398: {  	s23 =	spop @p0 (v2sf)  }
0x399: {  	s24 =	spop (v2sf);
	s19 =	smov.u32 @p0 s23  }
0x39a: {  	p0 =	slt.f32 s24, s19  }
0x39b: {  	s20 =	sadd.s32 $0x10, s20  }
0x39c: {  	v1 =	vld @p0 [tilespmem:s20+$0x0];
	_ =	sdelay $0x4  }
0x39d: {  	(xrf1) =	vsort.ascd.msk.f32 @p0 $0xffff, v0, v1;
	_ =	sdelay $0xa  }
0x39e: {  	v0 =	vlaneseq.u32 @p0  }
0x39f: {  	v0 =	vmul.u32 @p0 $0xFFFFFFFF, v0;
	_ =	sdelay $0x1  }
0x3a0: {  	v0 =	vadd.s32 @p0 $0xF, v0;
	v1, v6, _ =	vpop @p0 (xrf1)  }
0x3a1: {  	v1 =	vperm.xlane @p0 v1, v0  }
0x3a2: {  	v6 =	vperm.xlane @p0 v6, v0  }
0x3a3: {  	vm0 =	vle.f32 @p0 v2, v1  }
0x3a4: {  	v1 =	vmin.f32 @p0 v2, v1;
	v6 =	vsel @p0 vm0, v3, v6  }
0x3a5: {  	(xrf1) =	vsort.ascd.msk.f32 @p0 $0xffff, v1, v6;
	_ =	sdelay $0xd  }
0x3a6: {  	v1, v6, _ =	vpop @p0 (xrf1)  }
0x3a7: {  	v1 =	vperm.xlane @p0 v1, v0  }
0x3a8: {  	v0 =	vperm.xlane @p0 v6, v0  }
0x3a9: {  	vm0 =	vle.f32 @p0 v4, v1;
	v6 =	vmin.f32 @p0 v4, v1;
	v1 =	vmax.f32 @p0 v4, v1  }
0x3aa: {  	v7 =	vsel @p0 vm0, v5, v0;
	v0 =	vsel @p0 vm0, v0, v5  }
0x3ab: {  	(xrf1) =	vsort.ascd.msk.f32 @p0 $0xffff, v1, v0  }
0x3ac: {  	(xrf1) =	vsort.ascd.msk.f32 @p0 $0xffff, v6, v7;
	_ =	sdelay $0x4  }
.Ltmp40:
0x3ad: {  	(pc) =	sbr.rel @!p1 .LBB2_56-.Ltmp40, $2  }
0x3ae: {  	_ =	sdelay $0x2  }
0x3af: {  	s22 =	sadd.s32 $0x10, s22  }
.LBB2_57:
0x3b0: {  	_ =	sdelay $0x2  }
0x3b1: {  	v0, v1, _ =	vpop @p0 (xrf1)  }
0x3b2: {  	(xrf0) =	vmax.scan.msk.f32 @p0 $0xffff, v0;
	_ =	sdelay $0x5  }
0x3b3: {  	v0, _, _ =	vpop @p0 (xrf0)  }
0x3b4: {  	(v2sf) =	vpush @p0 v0, $0xF;
	_ =	sdelay $0xb  }
0x3b5: {  	p1 =	seq.s32 s18, $0x1  }
.Ltmp41:
0x3b6: {  	_ = 	snop;
	(pc) =	sbr.rel @p1 .LBB2_58-.Ltmp41, $4  }
0x3b7: {  	_ = 	snop  }
0x3b8: {  	s20 =	spop @p0 (v2sf)  }
0x3b9: {  	s21 =	simm.s32 $0x10800;
	s18 =	sadd.s32 $0xFFFFFFFF, s18;
	s19 =	smov.u32 @p0 s20  }
0x3ba: {  	v3 =	vld [tilespmem:s21+$0x0];
	v0, v1, _ =	vpop @p0 (xrf1);
	s20 =	simm.s32 $0x10A80;
	p0 =	por $0x0, $0x0;
	v2 =	vmov s19;
	s19 =	simm.s32 $0x0  }
0x3bb: {  	_ =	sdelay $0x3  }
0x3bc: {  	vm0 =	vle.f32 v3, v2  }
0x3bd: {  	v1 =	vmpcnt.ones.xlane vm0;
	_ =	sdelay $0x1  }
0x3be: {  	(v2sf) =	vpush v1, $0x0;
	_ =	sdelay $0x1  }
0x3bf: {  	v0 =	vld [tilespmem:s20+$0x0]  }
0x3c0: {  	p1 =	seq.s32 s18, $0x1  }
.Ltmp42:
0x3c1: {  	_ = 	snop;
	(pc) =	sbr.rel @p1 .LBB2_65-.Ltmp42, $3  }
0x3c2: {  	_ =	sdelay $0x1  }
0x3c3: {  	s22 =	simm.s32 $0x10810;
	s23 =	sadd.s32 $0xFFFFFFFF, s18;
	[tilespmem:s19+$0x10D00] =	vst.msk vm0, v0  }
0x3c4: {  	p0 =	por $0x1, $0x1;
	s18 =	simm.s32 $0x10A80;
	s21 =	simm.s32 $0x0;
	v3 =	vld [tilespmem:s22+$0x0]  }
.LBB2_66:
0x3c5: {  	p1 =	seq.s32 s23, $0x1;
	_ =	sdelay $0x1  }
0x3c6: {  	s18 =	sadd.s32 $0x10, s18  }
0x3c7: {  	v0 =	vld [tilespmem:s18+$0x0]  }
0x3c8: {  	vm0 =	vle.f32 v3, v2  }
0x3c9: {  	v1 =	vmpcnt.ones.xlane vm0  }
0x3ca: {  	s24 =	spop (v2sf)  }
0x3cb: {  	(v2sf) =	vpush v1, $0x0;
	s21 =	sadd.s32 s21, s24  }
0x3cc: {  	[tilespmem:s21+$0x10D00] =	vst.msk vm0, v0;
	_ =	sdelay $0x2  }
.Ltmp43:
0x3cd: {  	(pc) =	sbr.rel @!p1 .LBB2_66-.Ltmp43, $3  }
0x3ce: {  	_ =	sdelay $0x1  }
0x3cf: {  	s22 =	sadd.s32 $0x10, s22  }
0x3d0: {  	s23 =	sadd.s32 $0xFFFFFFFF, s23;
	v3 =	vld [tilespmem:s22+$0x0]  }
.LBB2_67:
0x3d1: {  	_ =	sdelay $0x3  }
0x3d2: {  	vm0 =	vle.f32 v3, v2  }
0x3d3: {  	v0 =	vmpcnt.ones.xlane vm0;
	_ =	sdelay $0x1  }
0x3d4: {  	(v2sf) =	vpush v0, $0x0;
	_ =	sdelay $0x8  }
0x3d5: {  	s18 =	sadd.s32 @p0 $0x10, s18  }
0x3d6: {  	s20 =	smov.u32 @p0 s18  }
0x3d7: {  	v0 =	vld [tilespmem:s20+$0x0];
	_ =	sdelay $0x1  }
0x3d8: {  	s18 =	spop @p0 (v2sf)  }
0x3d9: {  	s18 =	sadd.s32 @p0 s21, s18  }
0x3da: {  	s19 =	smov.u32 @p0 s18;
	s31 =	spop (v2sf)  }
0x3db: {  	[tilespmem:s19+$0x10D00] =	vst.msk vm0, v0;
	s18 =	sadd.s32 s19, s31  }
0x3dc: {  	p0 =	slt.s32 s18, $0x1  }
.Ltmp44:
0x3dd: {  	_ = 	snop;
	(pc) =	sbr.rel @p0 .LBB2_68-.Ltmp44, $1  }
0x3de: {  	_ =	sdelay $0x3  }
0x3df: {  	s19 =	simm.s32 $0x0  }
0x3e0: {  	s20 =	sand.u32 $0x7FFFFFF0, s19  }
0x3e1: {  	v0 =	vld [tilespmem:s20+$0x10D00];
	_ =	sdelay $0x3  }
0x3e2: {  	v1 =	vmov s19  }
0x3e3: {  	v0 =	vperm.xlane v0, v1;
	_ =	sdelay $0x1  }
0x3e4: {  	v3 =	vmul.u32 $0x10, v8;
	v1 =	vshll.u32 v0, $0x4  }
0x3e5: {  	v0 =	vand.u32 $0xF, v0;
	v1 =	vand.u32 $0xFFFFFF00, v1  }
0x3e6: {  	v4 =	vor.u32 $0x4000, v3;
	v0 =	vor.u32 v0, v1  }
0x3e7: {  	v1 =	vadd.s32 v4, v0;
	_ =	sdelay $0x4  }
0x3e8: {  	v1 =	vld.idx.msk [tilespmem:v1+s13+$0x0], $0xffff  }
0x3e9: {  	p0 =	seq.s32 s18, $0x1  }
.Ltmp45:
0x3ea: {  	_ = 	snop;
	(pc) =	sbr.rel @p0 .LBB2_62-.Ltmp45, $3  }
0x3eb: {  	_ =	sdelay $0x1  }
0x3ec: {  	vm0 =	vle.f32 v1, v2  }
0x3ed: {  	s20 =	simm.s32 $0x1;
	v5 =	vor.u32 v3, v0;
	[tilespmem:s19+$0x10F80] =	vst.msk vm0, v1;
	v6 =	vmpcnt.ones.xlane vm0  }
.LBB2_61:
0x3ee: {  	s21 =	sand.u32 $0x7FFFFFF0, s20;
	[tilespmem:s19+$0x13000] =	vst.msk vm0, v5;
	s22 =	smov.u32 s20;
	s20 =	sadd.s32 $0x1, s20  }
0x3ef: {  	v0 =	vld [tilespmem:s21+$0x10D00];
	p0 =	seq.s32 s18, s20;
	(v2sf) =	vpush v6, $0x0;
	_ =	sdelay $0x3  }
0x3f0: {  	v1 =	vmov s22  }
0x3f1: {  	v0 =	vperm.xlane v0, v1;
	_ =	sdelay $0x1  }
0x3f2: {  	v1 =	vshll.u32 v0, $0x4  }
0x3f3: {  	v0 =	vand.u32 $0xF, v0;
	v1 =	vand.u32 $0xFFFFFF00, v1  }
0x3f4: {  	v0 =	vor.u32 v0, v1  }
0x3f5: {  	v5 =	vor.u32 v3, v0;
	v0 =	vadd.s32 v4, v0;
	_ =	sdelay $0x4  }
0x3f6: {  	v0 =	vld.idx.msk [tilespmem:v0+s13+$0x0], $0xffff;
	s21 =	spop (v2sf)  }
0x3f7: {  	s19 =	sadd.s32 s19, s21;
	_ =	sdelay $0x1  }
.Ltmp46:
0x3f8: {  	(pc) =	sbr.rel @!p0 .LBB2_61-.Ltmp46, $3  }
0x3f9: {  	_ =	sdelay $0x1  }
0x3fa: {  	vm0 =	vle.f32 v0, v2  }
0x3fb: {  	v6 =	vmpcnt.ones.xlane vm0;
	[tilespmem:s19+$0x10F80] =	vst.msk vm0, v0  }
.LBB2_62:
0x3fc: {  	_ = 	snop  }
0x3fd: {  	(v2sf) =	vpush v6, $0x0;
	_ =	sdelay $0xe  }
0x3fe: {  	s18 =	spop (v2sf)  }
0x3ff: {  	s18 =	sadd.s32 s19, s18  }
0x400: {  	[tilespmem:s19+$0x13000] =	vst.msk vm0, v5;
	s19 =	sadd.s32 $0xF, s18  }
0x401: {  	s20 =	sshrl.u32 s19, $0x4  }
0x402: {  	p0 =	seq.s32 s20, $0x0  }
.Ltmp47:
0x403: {  	_ = 	snop;
	(pc) =	sbr.rel @p0 .LBB2_63-.Ltmp47, $3  }
0x404: {  	_ =	sdelay $0x1  }
0x405: {  	v3 =	vimm.f32 $+Inf  }
0x406: {  	v2 =	vimm.s32 $0x2000;
	[tilespmem:s18+$0x10F80] =	vst v3  }
0x407: {  	s18 =	simm.s32 $0x10F80  }
0x408: {  	v0 =	vld [tilespmem:s18+$0x0];
	_ =	sdelay $0x4  }
0x409: {  	(xrf0) =	vmin.scan.msk.f32 $0xffff, v0;
	_ =	sdelay $0x5  }
0x40a: {  	v1, _, _ =	vpop (xrf0)  }
0x40b: {  	(v2sf) =	vpush v1, $0xF;
	_ =	sdelay $0xe  }
0x40c: {  	s18 =	simm.f32 $+Inf;
	s19 =	spop (v2sf)  }
0x40d: {  	p0 =	slt.f32 s19, s18  }
0x40e: {  	s19 =	simm.s32 $0x13000  }
0x40f: {  	v1 =	vld @p0 [tilespmem:s19+$0x0];
	_ =	sdelay $0x4  }
0x410: {  	(xrf1) =	vsort.ascd.msk.f32 @p0 $0xffff, v0, v1;
	_ =	sdelay $0xa  }
0x411: {  	v0 =	vlaneseq.u32 @p0  }
0x412: {  	v0 =	vmul.u32 @p0 $0xFFFFFFFF, v0;
	_ =	sdelay $0x1  }
0x413: {  	v0 =	vadd.s32 @p0 $0xF, v0;
	v1, v4, _ =	vpop @p0 (xrf1)  }
0x414: {  	v1 =	vperm.xlane @p0 v1, v0  }
0x415: {  	v4 =	vperm.xlane @p0 v4, v0  }
0x416: {  	vm0 =	vle.f32 @p0 v3, v1  }
0x417: {  	v1 =	vmin.f32 @p0 v3, v1;
	v4 =	vsel @p0 vm0, v2, v4  }
0x418: {  	(xrf1) =	vsort.ascd.msk.f32 @p0 $0xffff, v1, v4;
	_ =	sdelay $0xd  }
0x419: {  	v1, v4, _ =	vpop @p0 (xrf1)  }
0x41a: {  	v1 =	vperm.xlane @p0 v1, v0  }
0x41b: {  	v0 =	vperm.xlane @p0 v4, v0  }
0x41c: {  	vm0 =	vle.f32 @p0 v3, v1  }
0x41d: {  	v4 =	vmax.f32 @p0 v3, v1;
	v5 =	vsel @p0 vm0, v0, v2  }
0x41e: {  	v1 =	vmin.f32 @p0 v3, v1;
	v0 =	vsel @p0 vm0, v2, v0;
	(xrf1) =	vsort.ascd.msk.f32 @p0 $0xffff, v4, v5  }
0x41f: {  	(xrf1) =	vsort.ascd.msk.f32 @p0 $0xffff, v1, v0;
	_ =	sdelay $0x2  }
0x420: {  	s20 =	sadd.s32 $0xFFFFFFFF, s20  }
0x421: {  	p1 =	sne.s32 s20, $0x0  }
.Ltmp48:
0x422: {  	_ = 	snop;
	(pc) =	sbr.rel @!p1 .LBB2_71-.Ltmp48, $2  }
0x423: {  	_ =	sdelay $0x2  }
0x424: {  	s21 =	simm.s32 $0x10F90;
	v5 =	vimm.f32 $+Inf;
	v4 =	vimm.s32 $0x2000  }
.LBB2_70:
0x425: {  	v0 =	vld [tilespmem:s21+$0x0];
	s20 =	sadd.s32 $0xFFFFFFFF, s20  }
0x426: {  	p1 =	sne.s32 s20, $0x0;
	_ =	sdelay $0x1  }
0x427: {  	v1, v6, _ =	vpop @p0 (xrf1)  }
0x428: {  	v3 =	vpsel p0, v1, v3;
	v2 =	vpsel p0, v6, v2;
	v6, v7, _ =	vpop @p0 (xrf1);
	(xrf0) =	vmax.scan.msk.f32 @p0 $0xffff, v1  }
0x429: {  	(xrf0) =	vmin.scan.msk.f32 $0xffff, v0;
	v5 =	vpsel p0, v6, v5;
	v4 =	vpsel p0, v7, v4;
	_ =	sdelay $0x4  }
0x42a: {  	v1, _, _ =	vpop @p0 (xrf0)  }
0x42b: {  	v6, _, _ =	vpop (xrf0);
	(v2sf) =	vpush @p0 v1, $0xF  }
0x42c: {  	(v2sf) =	vpush v6, $0xF;
	_ =	sdelay $0xd  }
0x42d: {  	s22 =	spop @p0 (v2sf)  }
0x42e: {  	s23 =	spop (v2sf);
	s18 =	smov.u32 @p0 s22  }
0x42f: {  	p0 =	slt.f32 s23, s18  }
0x430: {  	s19 =	sadd.s32 $0x10, s19  }
0x431: {  	v1 =	vld @p0 [tilespmem:s19+$0x0];
	_ =	sdelay $0x4  }
0x432: {  	(xrf1) =	vsort.ascd.msk.f32 @p0 $0xffff, v0, v1;
	_ =	sdelay $0xa  }
0x433: {  	v0 =	vlaneseq.u32 @p0  }
0x434: {  	v0 =	vmul.u32 @p0 $0xFFFFFFFF, v0;
	_ =	sdelay $0x1  }
0x435: {  	v0 =	vadd.s32 @p0 $0xF, v0;
	v1, v6, _ =	vpop @p0 (xrf1)  }
0x436: {  	v1 =	vperm.xlane @p0 v1, v0  }
0x437: {  	v6 =	vperm.xlane @p0 v6, v0  }
0x438: {  	vm0 =	vle.f32 @p0 v3, v1  }
0x439: {  	v1 =	vmin.f32 @p0 v3, v1;
	v6 =	vsel @p0 vm0, v2, v6  }
0x43a: {  	(xrf1) =	vsort.ascd.msk.f32 @p0 $0xffff, v1, v6;
	_ =	sdelay $0xd  }
0x43b: {  	v1, v6, _ =	vpop @p0 (xrf1)  }
0x43c: {  	v1 =	vperm.xlane @p0 v1, v0  }
0x43d: {  	v0 =	vperm.xlane @p0 v6, v0  }
0x43e: {  	vm0 =	vle.f32 @p0 v5, v1;
	v6 =	vmin.f32 @p0 v5, v1;
	v1 =	vmax.f32 @p0 v5, v1  }
0x43f: {  	v7 =	vsel @p0 vm0, v4, v0;
	v0 =	vsel @p0 vm0, v0, v4  }
0x440: {  	(xrf1) =	vsort.ascd.msk.f32 @p0 $0xffff, v1, v0  }
0x441: {  	(xrf1) =	vsort.ascd.msk.f32 @p0 $0xffff, v6, v7;
	_ =	sdelay $0x4  }
.Ltmp49:
0x442: {  	(pc) =	sbr.rel @p1 .LBB2_70-.Ltmp49, $2  }
0x443: {  	_ =	sdelay $0x2  }
0x444: {  	s21 =	sadd.s32 $0x10, s21  }
.LBB2_71:
0x445: {  	_ =	sdelay $0x2  }
0x446: {  	v0, v1, _ =	vpop @p0 (xrf1)  }
0x447: {  	(xrf0) =	vmax.scan.msk.f32 @p0 $0xffff, v0;
	_ =	sdelay $0x5  }
0x448: {  	v0, _, _ =	vpop @p0 (xrf0)  }
0x449: {  	(v2sf) =	vpush @p0 v0, $0xF;
	_ =	sdelay $0xa  }
.Ltmp50:
0x44a: {  	_ = 	snop;
	(pc) =	sbr.rel .LBB2_72-.Ltmp50, $3  }
0x44b: {  	_ =	sdelay $0x1  }
0x44c: {  	v3 =	vpsel p0, v1, v2;
	v0, v1, _ =	vpop @p0 (xrf1)  }
0x44d: {  	v2 =	vpsel p0, v1, v4;
	s18 =	spop @p0 (v2sf)  }
.LBB2_68:
0x44e: {  	[tilespmem:$0x10F80] =	vst v9;
	v2 =	vimm.s32 $0x2000;
	v3 =	vimm.s32 $0x2000  }
.LBB2_72:
0x44f: {  	s17 =	sshll.u32 s17, $0x5  }
0x450: {  	s18 =	simm.s32 $0x0;
	[tilespmem:s17+$0x15080] =	vst v2;
	s17 =	sor.u32 $0x50, s17  }
0x451: {  	s18 =	sand.u32 $0x1F0, s18;
	[tilespmem:s17+$0x15080] =	vst v3  }
0x452: {  	v4 =	vld [tilespmem:s18+$0x10600];
	_ =	sdelay $0x3  }
0x453: {  	v2 =	vimm.f32 $+Inf;
	s17 =	simm.s32 $0x10;
	v3 =	vimm.f32 $+Inf  }
.LBB2_73:
0x454: {  	s18 =	sand.u32 $0x1F0, s17;
	p0 =	sne.s32 s17, $0x1F0;
	s17 =	sadd.s32 $0x10, s17;
	v0 =	vmax.f32 v2, v4;
	v1 =	vmov v4  }
.Ltmp51:
0x455: {  	v4 =	vld [tilespmem:s18+$0x10600];
	v3 =	vmin.f32 v3, v0;
	(pc) =	sbr.rel @p0 .LBB2_73-.Ltmp51, $2  }
0x456: {  	_ =	sdelay $0x2  }
0x457: {  	v2 =	vmin.f32 v2, v1  }
0x458: {  	v0 =	vmax.f32 v2, v4  }
0x459: {  	v0 =	vmin.f32 v3, v0  }
0x45a: {  	(xrf0) =	vmax.scan.msk.f32 $0xffff, v0;
	_ =	sdelay $0x1  }
0x45b: {  	s17 =	simm.s32 $0x0  }
0x45c: {  	s18 =	sand.u32 $0x1F0, s17  }
0x45d: {  	v0 =	vld [tilespmem:s18+$0x10600];
	_ =	sdelay $0x1  }
0x45e: {  	v1, _, _ =	vpop (xrf0)  }
0x45f: {  	v2 =	vbroadcast v1, $0xF;
	_ =	sdelay $0x1  }
0x460: {  	vm0 =	vle.f32 v0, v2  }
0x461: {  	v1 =	vmpcnt.ones.xlane vm0;
	_ =	sdelay $0x1  }
0x462: {  	(v2sf) =	vpush v1, $0x0;
	_ =	sdelay $0x5  }
0x463: {  	s18 =	simm.s32 $0x10;
	[tilespmem:s17+$0x10800] =	vst.msk vm0, v0;
	v0 =	vor.u32 s17, v8  }
0x464: {  	s19 =	simm.s32 $0x20;
	s20 =	sand.u32 $0x1F0, s18;
	[tilespmem:s17+$0x10A80] =	vst.msk vm0, v0  }
.LBB2_75:
0x465: {  	p0 =	sne.s32 s19, $0x1F0;
	v0 =	vld [tilespmem:s20+$0x10600];
	_ =	sdelay $0x4  }
0x466: {  	vm0 =	vle.f32 v0, v2  }
0x467: {  	v1 =	vmpcnt.ones.xlane vm0  }
0x468: {  	s20 =	spop (v2sf)  }
0x469: {  	(v2sf) =	vpush v1, $0x0;
	s17 =	sadd.s32 s17, s20  }
0x46a: {  	[tilespmem:s17+$0x10800] =	vst.msk vm0, v0;
	v0 =	vor.u32 s18, v8;
	s18 =	smov.u32 s19  }
0x46b: {  	[tilespmem:s17+$0x10A80] =	vst.msk vm0, v0  }
.Ltmp52:
0x46c: {  	(pc) =	sbr.rel @p0 .LBB2_75-.Ltmp52, $2  }
0x46d: {  	_ =	sdelay $0x2  }
0x46e: {  	s19 =	sadd.s32 $0x10, s19;
	s20 =	sand.u32 $0x1F0, s18  }
0x46f: {  	v0 =	vld [tilespmem:s20+$0x10600];
	_ =	sdelay $0x4  }
0x470: {  	vm0 =	vle.f32 v0, v2  }
0x471: {  	v1 =	vmpcnt.ones.xlane vm0;
	_ =	sdelay $0x1  }
0x472: {  	(v2sf) =	vpush v1, $0x0;
	_ =	sdelay $0xd  }
0x473: {  	s19 =	spop (v2sf)  }
0x474: {  	s19 =	sadd.s32 s17, s19;
	s30 =	spop (v2sf)  }
0x475: {  	s31 =	sadd.s32 s19, s30  }
0x476: {  	s17 =	sadd.s32 $0xF, s31  }
0x477: {  	s17 =	sshrl.u32 s17, $0x4  }
0x478: {  	p0 =	seq.s32 s17, $0x0  }
.Ltmp53:
0x479: {  	_ = 	snop;
	(pc) =	sbr.rel @p0 .LBB2_90-.Ltmp53, $4  }
0x47a: {  	_ = 	snop  }
0x47b: {  	v1 =	vor.u32 s18, v8;
	[tilespmem:s19+$0x10800] =	vst.msk vm0, v0  }
0x47c: {  	v2 =	vimm.f32 $+Inf;
	[tilespmem:s19+$0x10A80] =	vst.msk vm0, v1  }
0x47d: {  	[tilespmem:s31+$0x10800] =	vst v2  }
0x47e: {  	s20 =	simm.s32 $0x10800  }
0x47f: {  	v0 =	vld [tilespmem:s20+$0x0];
	_ =	sdelay $0x4  }
0x480: {  	(xrf0) =	vmin.scan.msk.f32 $0xffff, v0;
	_ =	sdelay $0x5  }
0x481: {  	v1, _, _ =	vpop (xrf0)  }
0x482: {  	(v2sf) =	vpush v1, $0xF;
	_ =	sdelay $0xe  }
0x483: {  	s18 =	simm.f32 $+Inf;
	s31 =	spop (v2sf)  }
0x484: {  	p0 =	slt.f32 s31, s18  }
0x485: {  	s19 =	simm.s32 $0x10A80  }
0x486: {  	v1 =	vld @p0 [tilespmem:s19+$0x0];
	_ =	sdelay $0x4  }
0x487: {  	(xrf1) =	vsort.ascd.msk.f32 @p0 $0xffff, v0, v1;
	_ =	sdelay $0xa  }
0x488: {  	v0 =	vlaneseq.u32 @p0  }
0x489: {  	v0 =	vmul.u32 @p0 $0xFFFFFFFF, v0;
	_ =	sdelay $0x1  }
0x48a: {  	v0 =	vadd.s32 @p0 $0xF, v0;
	v1, v4, _ =	vpop @p0 (xrf1)  }
0x48b: {  	v1 =	vperm.xlane @p0 v1, v0  }
0x48c: {  	v4 =	vperm.xlane @p0 v4, v0  }
0x48d: {  	v3 =	vimm.s32 $0x2000;
	vm0 =	vle.f32 @p0 v2, v1  }
0x48e: {  	v1 =	vmin.f32 @p0 v2, v1;
	v4 =	vsel @p0 vm0, v3, v4  }
0x48f: {  	(xrf1) =	vsort.ascd.msk.f32 @p0 $0xffff, v1, v4;
	_ =	sdelay $0xd  }
0x490: {  	v1, v4, _ =	vpop @p0 (xrf1)  }
0x491: {  	v1 =	vperm.xlane @p0 v1, v0  }
0x492: {  	v0 =	vperm.xlane @p0 v4, v0  }
0x493: {  	vm0 =	vle.f32 @p0 v2, v1  }
0x494: {  	v4 =	vmax.f32 @p0 v2, v1;
	v5 =	vsel @p0 vm0, v0, v3  }
0x495: {  	v1 =	vmin.f32 @p0 v2, v1;
	v0 =	vsel @p0 vm0, v3, v0;
	(xrf1) =	vsort.ascd.msk.f32 @p0 $0xffff, v4, v5  }
0x496: {  	(xrf1) =	vsort.ascd.msk.f32 @p0 $0xffff, v1, v0;
	_ =	sdelay $0x2  }
0x497: {  	s20 =	sadd.s32 $0xFFFFFFFF, s17  }
0x498: {  	p1 =	seq.s32 s20, $0x0  }
.Ltmp54:
0x499: {  	_ = 	snop;
	(pc) =	sbr.rel @p1 .LBB2_79-.Ltmp54, $2  }
0x49a: {  	_ =	sdelay $0x2  }
0x49b: {  	s21 =	simm.s32 $0x10810;
	v4 =	vimm.f32 $+Inf;
	v5 =	vimm.s32 $0x2000  }
.LBB2_78:
0x49c: {  	v0 =	vld [tilespmem:s21+$0x0];
	s20 =	sadd.s32 $0xFFFFFFFF, s20  }
0x49d: {  	p1 =	seq.s32 s20, $0x0;
	_ =	sdelay $0x1  }
0x49e: {  	v1, v6, _ =	vpop @p0 (xrf1)  }
0x49f: {  	v2 =	vpsel p0, v1, v2;
	v3 =	vpsel p0, v6, v3;
	v6, v7, _ =	vpop @p0 (xrf1);
	(xrf0) =	vmax.scan.msk.f32 @p0 $0xffff, v1  }
0x4a0: {  	(xrf0) =	vmin.scan.msk.f32 $0xffff, v0;
	v4 =	vpsel p0, v6, v4;
	v5 =	vpsel p0, v7, v5;
	_ =	sdelay $0x4  }
0x4a1: {  	v1, _, _ =	vpop @p0 (xrf0)  }
0x4a2: {  	v6, _, _ =	vpop (xrf0);
	(v2sf) =	vpush @p0 v1, $0xF  }
0x4a3: {  	(v2sf) =	vpush v6, $0xF;
	_ =	sdelay $0xd  }
0x4a4: {  	s22 =	spop @p0 (v2sf)  }
0x4a5: {  	s23 =	spop (v2sf);
	s18 =	smov.u32 @p0 s22  }
0x4a6: {  	p0 =	slt.f32 s23, s18  }
0x4a7: {  	s19 =	sadd.s32 $0x10, s19  }
0x4a8: {  	v1 =	vld @p0 [tilespmem:s19+$0x0];
	_ =	sdelay $0x4  }
0x4a9: {  	(xrf1) =	vsort.ascd.msk.f32 @p0 $0xffff, v0, v1;
	_ =	sdelay $0xa  }
0x4aa: {  	v0 =	vlaneseq.u32 @p0  }
0x4ab: {  	v0 =	vmul.u32 @p0 $0xFFFFFFFF, v0;
	_ =	sdelay $0x1  }
0x4ac: {  	v0 =	vadd.s32 @p0 $0xF, v0;
	v1, v6, _ =	vpop @p0 (xrf1)  }
0x4ad: {  	v1 =	vperm.xlane @p0 v1, v0  }
0x4ae: {  	v6 =	vperm.xlane @p0 v6, v0  }
0x4af: {  	vm0 =	vle.f32 @p0 v2, v1  }
0x4b0: {  	v1 =	vmin.f32 @p0 v2, v1;
	v6 =	vsel @p0 vm0, v3, v6  }
0x4b1: {  	(xrf1) =	vsort.ascd.msk.f32 @p0 $0xffff, v1, v6;
	_ =	sdelay $0xd  }
0x4b2: {  	v1, v6, _ =	vpop @p0 (xrf1)  }
0x4b3: {  	v1 =	vperm.xlane @p0 v1, v0  }
0x4b4: {  	v0 =	vperm.xlane @p0 v6, v0  }
0x4b5: {  	vm0 =	vle.f32 @p0 v4, v1;
	v6 =	vmin.f32 @p0 v4, v1;
	v1 =	vmax.f32 @p0 v4, v1  }
0x4b6: {  	v7 =	vsel @p0 vm0, v5, v0;
	v0 =	vsel @p0 vm0, v0, v5  }
0x4b7: {  	(xrf1) =	vsort.ascd.msk.f32 @p0 $0xffff, v1, v0  }
0x4b8: {  	(xrf1) =	vsort.ascd.msk.f32 @p0 $0xffff, v6, v7;
	_ =	sdelay $0x4  }
.Ltmp55:
0x4b9: {  	(pc) =	sbr.rel @!p1 .LBB2_78-.Ltmp55, $2  }
0x4ba: {  	_ =	sdelay $0x2  }
0x4bb: {  	s21 =	sadd.s32 $0x10, s21  }
.LBB2_79:
0x4bc: {  	_ =	sdelay $0x2  }
0x4bd: {  	v0, v1, _ =	vpop @p0 (xrf1)  }
0x4be: {  	(xrf0) =	vmax.scan.msk.f32 @p0 $0xffff, v0;
	_ =	sdelay $0x5  }
0x4bf: {  	v0, _, _ =	vpop @p0 (xrf0)  }
0x4c0: {  	(v2sf) =	vpush @p0 v0, $0xF;
	_ =	sdelay $0xb  }
0x4c1: {  	p1 =	seq.s32 s17, $0x1  }
.Ltmp56:
0x4c2: {  	_ = 	snop;
	(pc) =	sbr.rel @p1 .LBB2_80-.Ltmp56, $4  }
0x4c3: {  	_ = 	snop  }
0x4c4: {  	s19 =	spop @p0 (v2sf)  }
0x4c5: {  	s20 =	simm.s32 $0x10800;
	s17 =	sadd.s32 $0xFFFFFFFF, s17;
	s18 =	smov.u32 @p0 s19  }
0x4c6: {  	v3 =	vld [tilespmem:s20+$0x0];
	v0, v1, _ =	vpop @p0 (xrf1);
	s19 =	simm.s32 $0x10A80;
	p0 =	por $0x0, $0x0;
	v2 =	vmov s18;
	s18 =	simm.s32 $0x0  }
0x4c7: {  	_ =	sdelay $0x3  }
0x4c8: {  	vm0 =	vle.f32 v3, v2  }
0x4c9: {  	v1 =	vmpcnt.ones.xlane vm0;
	_ =	sdelay $0x1  }
0x4ca: {  	(v2sf) =	vpush v1, $0x0;
	_ =	sdelay $0x1  }
0x4cb: {  	v0 =	vld [tilespmem:s19+$0x0]  }
0x4cc: {  	p1 =	seq.s32 s17, $0x1  }
.Ltmp57:
0x4cd: {  	_ = 	snop;
	(pc) =	sbr.rel @p1 .LBB2_87-.Ltmp57, $3  }
0x4ce: {  	_ =	sdelay $0x1  }
0x4cf: {  	s21 =	simm.s32 $0x10810;
	s22 =	sadd.s32 $0xFFFFFFFF, s17;
	[tilespmem:s18+$0x10D00] =	vst.msk vm0, v0  }
0x4d0: {  	p0 =	por $0x1, $0x1;
	s17 =	simm.s32 $0x10A80;
	s20 =	simm.s32 $0x0;
	v3 =	vld [tilespmem:s21+$0x0]  }
.LBB2_88:
0x4d1: {  	p1 =	seq.s32 s22, $0x1;
	_ =	sdelay $0x1  }
0x4d2: {  	s17 =	sadd.s32 $0x10, s17  }
0x4d3: {  	v0 =	vld [tilespmem:s17+$0x0]  }
0x4d4: {  	vm0 =	vle.f32 v3, v2  }
0x4d5: {  	v1 =	vmpcnt.ones.xlane vm0  }
0x4d6: {  	s23 =	spop (v2sf)  }
0x4d7: {  	(v2sf) =	vpush v1, $0x0;
	s20 =	sadd.s32 s20, s23  }
0x4d8: {  	[tilespmem:s20+$0x10D00] =	vst.msk vm0, v0;
	_ =	sdelay $0x2  }
.Ltmp58:
0x4d9: {  	(pc) =	sbr.rel @!p1 .LBB2_88-.Ltmp58, $3  }
0x4da: {  	_ =	sdelay $0x1  }
0x4db: {  	s21 =	sadd.s32 $0x10, s21  }
0x4dc: {  	s22 =	sadd.s32 $0xFFFFFFFF, s22;
	v3 =	vld [tilespmem:s21+$0x0]  }
.LBB2_89:
0x4dd: {  	_ =	sdelay $0x3  }
0x4de: {  	vm0 =	vle.f32 v3, v2  }
0x4df: {  	v0 =	vmpcnt.ones.xlane vm0;
	_ =	sdelay $0x1  }
0x4e0: {  	(v2sf) =	vpush v0, $0x0;
	_ =	sdelay $0x8  }
0x4e1: {  	s17 =	sadd.s32 @p0 $0x10, s17  }
0x4e2: {  	s19 =	smov.u32 @p0 s17  }
0x4e3: {  	v0 =	vld [tilespmem:s19+$0x0];
	_ =	sdelay $0x1  }
0x4e4: {  	s17 =	spop @p0 (v2sf)  }
0x4e5: {  	s17 =	sadd.s32 @p0 s20, s17  }
0x4e6: {  	s18 =	smov.u32 @p0 s17;
	s31 =	spop (v2sf)  }
0x4e7: {  	[tilespmem:s18+$0x10D00] =	vst.msk vm0, v0;
	s17 =	sadd.s32 s18, s31  }
0x4e8: {  	p0 =	slt.s32 s17, $0x1  }
.Ltmp59:
0x4e9: {  	_ = 	snop;
	(pc) =	sbr.rel @p0 .LBB2_90-.Ltmp59, $1  }
0x4ea: {  	_ =	sdelay $0x3  }
0x4eb: {  	s18 =	simm.s32 $0x0  }
0x4ec: {  	s19 =	sand.u32 $0x7FFFFFF0, s18  }
0x4ed: {  	v0 =	vld [tilespmem:s19+$0x10D00];
	_ =	sdelay $0x3  }
0x4ee: {  	v1 =	vmov s18  }
0x4ef: {  	v0 =	vperm.xlane v0, v1;
	_ =	sdelay $0x1  }
0x4f0: {  	v3 =	vmul.u32 $0x10, v8;
	v1 =	vshll.u32 v0, $0x4  }
0x4f1: {  	v0 =	vand.u32 $0xF, v0;
	v1 =	vand.u32 $0xFFFFFF00, v1  }
0x4f2: {  	v4 =	vor.u32 $0x6000, v3;
	v0 =	vor.u32 v0, v1  }
0x4f3: {  	v1 =	vadd.s32 v4, v0;
	_ =	sdelay $0x4  }
0x4f4: {  	v1 =	vld.idx.msk [tilespmem:v1+s13+$0x0], $0xffff  }
0x4f5: {  	p0 =	seq.s32 s17, $0x1  }
.Ltmp60:
0x4f6: {  	_ = 	snop;
	(pc) =	sbr.rel @p0 .LBB2_84-.Ltmp60, $3  }
0x4f7: {  	_ =	sdelay $0x1  }
0x4f8: {  	vm0 =	vle.f32 v1, v2  }
0x4f9: {  	s19 =	simm.s32 $0x1;
	v5 =	vor.u32 v3, v0;
	[tilespmem:s18+$0x10F80] =	vst.msk vm0, v1;
	v6 =	vmpcnt.ones.xlane vm0  }
.LBB2_83:
0x4fa: {  	s20 =	sand.u32 $0x7FFFFFF0, s19;
	[tilespmem:s18+$0x13000] =	vst.msk vm0, v5;
	s21 =	smov.u32 s19;
	s19 =	sadd.s32 $0x1, s19  }
0x4fb: {  	v0 =	vld [tilespmem:s20+$0x10D00];
	p0 =	seq.s32 s17, s19;
	(v2sf) =	vpush v6, $0x0;
	_ =	sdelay $0x3  }
0x4fc: {  	v1 =	vmov s21  }
0x4fd: {  	v0 =	vperm.xlane v0, v1;
	_ =	sdelay $0x1  }
0x4fe: {  	v1 =	vshll.u32 v0, $0x4  }
0x4ff: {  	v0 =	vand.u32 $0xF, v0;
	v1 =	vand.u32 $0xFFFFFF00, v1  }
0x500: {  	v0 =	vor.u32 v0, v1  }
0x501: {  	v5 =	vor.u32 v3, v0;
	v0 =	vadd.s32 v4, v0;
	_ =	sdelay $0x4  }
0x502: {  	v0 =	vld.idx.msk [tilespmem:v0+s13+$0x0], $0xffff;
	s20 =	spop (v2sf)  }
0x503: {  	s18 =	sadd.s32 s18, s20;
	_ =	sdelay $0x1  }
.Ltmp61:
0x504: {  	(pc) =	sbr.rel @!p0 .LBB2_83-.Ltmp61, $3  }
0x505: {  	_ =	sdelay $0x1  }
0x506: {  	vm0 =	vle.f32 v0, v2  }
0x507: {  	v6 =	vmpcnt.ones.xlane vm0;
	[tilespmem:s18+$0x10F80] =	vst.msk vm0, v0  }
.LBB2_84:
0x508: {  	_ = 	snop  }
0x509: {  	(v2sf) =	vpush v6, $0x0;
	_ =	sdelay $0xe  }
0x50a: {  	s17 =	spop (v2sf)  }
0x50b: {  	s17 =	sadd.s32 s18, s17  }
0x50c: {  	[tilespmem:s18+$0x13000] =	vst.msk vm0, v5;
	s18 =	sadd.s32 $0xF, s17  }
0x50d: {  	s19 =	sshrl.u32 s18, $0x4  }
0x50e: {  	p0 =	seq.s32 s19, $0x0  }
.Ltmp62:
0x50f: {  	_ = 	snop;
	(pc) =	sbr.rel @p0 .LBB2_85-.Ltmp62, $3  }
0x510: {  	_ =	sdelay $0x1  }
0x511: {  	v3 =	vimm.f32 $+Inf  }
0x512: {  	v2 =	vimm.s32 $0x2000;
	[tilespmem:s17+$0x10F80] =	vst v3  }
0x513: {  	s17 =	simm.s32 $0x10F80  }
0x514: {  	v0 =	vld [tilespmem:s17+$0x0];
	_ =	sdelay $0x4  }
0x515: {  	(xrf0) =	vmin.scan.msk.f32 $0xffff, v0;
	_ =	sdelay $0x5  }
0x516: {  	v1, _, _ =	vpop (xrf0)  }
0x517: {  	(v2sf) =	vpush v1, $0xF;
	_ =	sdelay $0xe  }
0x518: {  	s17 =	simm.f32 $+Inf;
	s18 =	spop (v2sf)  }
0x519: {  	p0 =	slt.f32 s18, s17  }
0x51a: {  	s18 =	simm.s32 $0x13000  }
0x51b: {  	v1 =	vld @p0 [tilespmem:s18+$0x0];
	_ =	sdelay $0x4  }
0x51c: {  	(xrf1) =	vsort.ascd.msk.f32 @p0 $0xffff, v0, v1;
	_ =	sdelay $0xa  }
0x51d: {  	v0 =	vlaneseq.u32 @p0  }
0x51e: {  	v0 =	vmul.u32 @p0 $0xFFFFFFFF, v0;
	_ =	sdelay $0x1  }
0x51f: {  	v0 =	vadd.s32 @p0 $0xF, v0;
	v1, v4, _ =	vpop @p0 (xrf1)  }
0x520: {  	v1 =	vperm.xlane @p0 v1, v0  }
0x521: {  	v4 =	vperm.xlane @p0 v4, v0  }
0x522: {  	vm0 =	vle.f32 @p0 v3, v1  }
0x523: {  	v1 =	vmin.f32 @p0 v3, v1;
	v4 =	vsel @p0 vm0, v2, v4  }
0x524: {  	(xrf1) =	vsort.ascd.msk.f32 @p0 $0xffff, v1, v4;
	_ =	sdelay $0xd  }
0x525: {  	v1, v4, _ =	vpop @p0 (xrf1)  }
0x526: {  	v1 =	vperm.xlane @p0 v1, v0  }
0x527: {  	v0 =	vperm.xlane @p0 v4, v0  }
0x528: {  	vm0 =	vle.f32 @p0 v3, v1  }
0x529: {  	v4 =	vmax.f32 @p0 v3, v1;
	v5 =	vsel @p0 vm0, v0, v2  }
0x52a: {  	v1 =	vmin.f32 @p0 v3, v1;
	v0 =	vsel @p0 vm0, v2, v0;
	(xrf1) =	vsort.ascd.msk.f32 @p0 $0xffff, v4, v5  }
0x52b: {  	(xrf1) =	vsort.ascd.msk.f32 @p0 $0xffff, v1, v0;
	_ =	sdelay $0x2  }
0x52c: {  	s19 =	sadd.s32 $0xFFFFFFFF, s19  }
0x52d: {  	p1 =	sne.s32 s19, $0x0  }
.Ltmp63:
0x52e: {  	_ = 	snop;
	(pc) =	sbr.rel @!p1 .LBB2_93-.Ltmp63, $2  }
0x52f: {  	_ =	sdelay $0x2  }
0x530: {  	s20 =	simm.s32 $0x10F90;
	v5 =	vimm.f32 $+Inf;
	v4 =	vimm.s32 $0x2000  }
.LBB2_92:
0x531: {  	v0 =	vld [tilespmem:s20+$0x0];
	s19 =	sadd.s32 $0xFFFFFFFF, s19  }
0x532: {  	p1 =	sne.s32 s19, $0x0;
	_ =	sdelay $0x1  }
0x533: {  	v1, v6, _ =	vpop @p0 (xrf1)  }
0x534: {  	v3 =	vpsel p0, v1, v3;
	v2 =	vpsel p0, v6, v2;
	v6, v7, _ =	vpop @p0 (xrf1);
	(xrf0) =	vmax.scan.msk.f32 @p0 $0xffff, v1  }
0x535: {  	(xrf0) =	vmin.scan.msk.f32 $0xffff, v0;
	v5 =	vpsel p0, v6, v5;
	v4 =	vpsel p0, v7, v4;
	_ =	sdelay $0x4  }
0x536: {  	v1, _, _ =	vpop @p0 (xrf0)  }
0x537: {  	v6, _, _ =	vpop (xrf0);
	(v2sf) =	vpush @p0 v1, $0xF  }
0x538: {  	(v2sf) =	vpush v6, $0xF;
	_ =	sdelay $0xd  }
0x539: {  	s21 =	spop @p0 (v2sf)  }
0x53a: {  	s22 =	spop (v2sf);
	s17 =	smov.u32 @p0 s21  }
0x53b: {  	p0 =	slt.f32 s22, s17  }
0x53c: {  	s18 =	sadd.s32 $0x10, s18  }
0x53d: {  	v1 =	vld @p0 [tilespmem:s18+$0x0];
	_ =	sdelay $0x4  }
0x53e: {  	(xrf1) =	vsort.ascd.msk.f32 @p0 $0xffff, v0, v1;
	_ =	sdelay $0xa  }
0x53f: {  	v0 =	vlaneseq.u32 @p0  }
0x540: {  	v0 =	vmul.u32 @p0 $0xFFFFFFFF, v0;
	_ =	sdelay $0x1  }
0x541: {  	v0 =	vadd.s32 @p0 $0xF, v0;
	v1, v6, _ =	vpop @p0 (xrf1)  }
0x542: {  	v1 =	vperm.xlane @p0 v1, v0  }
0x543: {  	v6 =	vperm.xlane @p0 v6, v0  }
0x544: {  	vm0 =	vle.f32 @p0 v3, v1  }
0x545: {  	v1 =	vmin.f32 @p0 v3, v1;
	v6 =	vsel @p0 vm0, v2, v6  }
0x546: {  	(xrf1) =	vsort.ascd.msk.f32 @p0 $0xffff, v1, v6;
	_ =	sdelay $0xd  }
0x547: {  	v1, v6, _ =	vpop @p0 (xrf1)  }
0x548: {  	v1 =	vperm.xlane @p0 v1, v0  }
0x549: {  	v0 =	vperm.xlane @p0 v6, v0  }
0x54a: {  	vm0 =	vle.f32 @p0 v5, v1;
	v6 =	vmin.f32 @p0 v5, v1;
	v1 =	vmax.f32 @p0 v5, v1  }
0x54b: {  	v7 =	vsel @p0 vm0, v4, v0;
	v0 =	vsel @p0 vm0, v0, v4  }
0x54c: {  	(xrf1) =	vsort.ascd.msk.f32 @p0 $0xffff, v1, v0  }
0x54d: {  	(xrf1) =	vsort.ascd.msk.f32 @p0 $0xffff, v6, v7;
	_ =	sdelay $0x4  }
.Ltmp64:
0x54e: {  	(pc) =	sbr.rel @p1 .LBB2_92-.Ltmp64, $2  }
0x54f: {  	_ =	sdelay $0x2  }
0x550: {  	s20 =	sadd.s32 $0x10, s20  }
.LBB2_93:
0x551: {  	_ =	sdelay $0x2  }
0x552: {  	v0, v1, _ =	vpop @p0 (xrf1)  }
0x553: {  	(xrf0) =	vmax.scan.msk.f32 @p0 $0xffff, v0;
	_ =	sdelay $0x5  }
0x554: {  	v0, _, _ =	vpop @p0 (xrf0)  }
0x555: {  	(v2sf) =	vpush @p0 v0, $0xF;
	_ =	sdelay $0xa  }
.Ltmp65:
0x556: {  	_ = 	snop;
	(pc) =	sbr.rel .LBB2_94-.Ltmp65, $3  }
0x557: {  	_ =	sdelay $0x1  }
0x558: {  	v3 =	vpsel p0, v1, v2;
	v0, v1, _ =	vpop @p0 (xrf1)  }
0x559: {  	v2 =	vpsel p0, v1, v4;
	s17 =	spop @p0 (v2sf)  }
.LBB2_19:
.Ltmp66:
0x55a: {  	(pc) =	sbr.rel .LBB2_28-.Ltmp66, $2  }
0x55b: {  	_ =	sdelay $0x2  }
0x55c: {  	v3 =	vimm.s32 $0x2000  }
.LBB2_41:
.Ltmp67:
0x55d: {  	(pc) =	sbr.rel .LBB2_50-.Ltmp67, $2  }
0x55e: {  	_ =	sdelay $0x2  }
0x55f: {  	v3 =	vimm.s32 $0x2000  }
.LBB2_63:
.Ltmp68:
0x560: {  	(pc) =	sbr.rel .LBB2_72-.Ltmp68, $2  }
0x561: {  	_ =	sdelay $0x2  }
0x562: {  	v3 =	vimm.s32 $0x2000  }
.LBB2_85:
.Ltmp69:
0x563: {  	(pc) =	sbr.rel .LBB2_94-.Ltmp69, $2  }
0x564: {  	_ =	sdelay $0x2  }
0x565: {  	v3 =	vimm.s32 $0x2000  }
.LBB2_14:
.Ltmp70:
0x566: {  	(pc) =	sbr.rel .LBB2_23-.Ltmp70, $2  }
0x567: {  	_ =	sdelay $0x2  }
0x568: {  	s19 =	simm.s32 $0x10A80;
	s22 =	simm.s32 $0x0  }
.LBB2_36:
.Ltmp71:
0x569: {  	(pc) =	sbr.rel .LBB2_45-.Ltmp71, $2  }
0x56a: {  	_ =	sdelay $0x2  }
0x56b: {  	s19 =	simm.s32 $0x10A80;
	s22 =	simm.s32 $0x0  }
.LBB2_58:
.Ltmp72:
0x56c: {  	(pc) =	sbr.rel .LBB2_67-.Ltmp72, $2  }
0x56d: {  	_ =	sdelay $0x2  }
0x56e: {  	s18 =	simm.s32 $0x10A80;
	s21 =	simm.s32 $0x0  }
.LBB2_80:
.Ltmp73:
0x56f: {  	(pc) =	sbr.rel .LBB2_89-.Ltmp73, $2  }
0x570: {  	_ =	sdelay $0x2  }
0x571: {  	s17 =	simm.s32 $0x10A80;
	s20 =	simm.s32 $0x0  }
.LBB2_21:
.Ltmp74:
0x572: {  	(pc) =	sbr.rel .LBB2_23-.Ltmp74, $2  }
0x573: {  	_ =	sdelay $0x2  }
0x574: {  	s19 =	simm.s32 $0x10A80;
	s22 =	simm.s32 $0x0  }
.LBB2_43:
.Ltmp75:
0x575: {  	(pc) =	sbr.rel .LBB2_45-.Ltmp75, $2  }
0x576: {  	_ =	sdelay $0x2  }
0x577: {  	s19 =	simm.s32 $0x10A80;
	s22 =	simm.s32 $0x0  }
.LBB2_65:
.Ltmp76:
0x578: {  	(pc) =	sbr.rel .LBB2_67-.Ltmp76, $2  }
0x579: {  	_ =	sdelay $0x2  }
0x57a: {  	s18 =	simm.s32 $0x10A80;
	s21 =	simm.s32 $0x0  }
.LBB2_87:
.Ltmp77:
0x57b: {  	(pc) =	sbr.rel .LBB2_89-.Ltmp77, $2  }
0x57c: {  	_ =	sdelay $0x2  }
0x57d: {  	s17 =	simm.s32 $0x10A80;
	s20 =	simm.s32 $0x0  }
.LBB2_96:
0x57e: {  	_ =	sfence.sel $0x180000  }
0x57f: {  	[bflag:$0x0] =	sbarrier.arrive $0xFFFF  }
0x580: {  	p0 =	sne.s32 s1, $0x0;
	_ =	strace $0x90000047  }
0x581: {  	s0 =	sadd.s32 @!p0 $0x100000, s0;
	[bflag:$0x2] =	sbarrier.arrive $0xFFFF  }
0x582: {  	[sflag:s0] =	ssyncadd.tile.s32 @!p0 $0x1;
	_ =	shalt  }
.Lfunc_end2:
_tile_overlayer_lowered:
.L_overlay_start_2:
0x583: {  	(tag) =	ssettag $0x2  }
0x584: {  	s0 =	rddreg [dreg:$0x0];
	s2 =	stileid.u32  }
0x585: {  	s1 =	rddreg [dreg:$0x1];
	p0 =	sne.s32 s2, $0x0  }
0x586: {  	s3 =	rddreg [dreg:$0x2];
	[bflag:$0x3] =	sbarrier.arrive $0xFFFF;
	s2 =	simm.s32 @!p0 $0x1C01  }
0x587: {  	[timem:s3], [sflag:s2] =	dma.local @!p0 [hbm:s0], s1  }
0x588: {  	s0 =	simm.s32 @!p0 $0x1  }
0x589: {  	_ =	swait.ge @!p0 [sflag:s0], s1  }
0x58a: {  	s1 =	ssub.s32 @!p0 $0x0, s1;
	[sflag:s0] =	ssyncset.done @!p0 $0x0  }
0x58b: {  	[sflag:s0] =	ssyncadd.s32 @!p0 s1  }
0x58c: {  	[bflag:$0x3] =	sbarrier.arrive $0xFFFF  }
0x58d: {  	_ =	shalt  }

</sc_bundles>
